<compile_context>
chip_gen: v7x
topology: tpu7x:2x2x1
jax: 0.10.2.dev20260603
libtpu: 0.0.44.dev20260713+nightly
codegen_flags: <defaults>
</compile_context>

<pallas_src>
import functools

import jax
import jax.numpy as jnp
from jax import lax
from jax.experimental import pallas as pl
from jax.experimental.pallas import tpu as pltpu
from jax.experimental.pallas import tpu_sc as plsc

CU = 10.0
ALPHA = 5.0 / CU
NC = 2
NS = 16
NW = NC * NS


def _round_up(x, m):
    return (x + m - 1) // m * m


def _group_pos_kernel(pos_ref, z_ref, lab_ref, gp_ref, acc_ref):
    i = pl.program_id(0)

    @pl.when(i == 0)
    def _():
        acc_ref[...] = jnp.zeros_like(acc_ref)

    zf = z_ref[0, 0, :].astype(jnp.float32)
    lab = lab_ref[0, 0, :]
    posb = pos_ref[0]
    w4 = jnp.concatenate([posb * zf[:, None], zf[:, None]], axis=1)
    oh_t = (lax.broadcasted_iota(jnp.int32, (512, lab.shape[0]), 0)
            == lab[None, :]).astype(jnp.float32)
    acc_ref[...] += jnp.dot(oh_t, w4, preferred_element_type=jnp.float32)

    @pl.when(i == pl.num_programs(0) - 1)
    def _():
        acc = acc_ref[...]
        den = acc[:, 3:4]
        gp = acc[:, :3] / jnp.where(den > 0, den, 1.0)
        gp_ref[...] = jnp.concatenate(
            [gp, jnp.zeros((512, 1), jnp.float32)], axis=1)


def _sc_gather_body(n_edges, n_bip, src_hbm, dst_hbm, nid_hbm, gid_hbm,
                    z_hbm, pos_hbm, gp_hbm,
                    ew2_out, bw2_out, zsrc_out,
                    pos_v, z_v, gp_v, src_v, dst_v, zsrc_v, ew2_v,
                    nid_v, gid_v, bw2_v):
    ept = src_v.shape[0]
    bpt = nid_v.shape[0]
    wid = lax.axis_index("c") * NS + lax.axis_index("s")
    base = wid * ept
    bbase = wid * bpt

    pltpu.sync_copy(pos_hbm, pos_v)
    pltpu.sync_copy(z_hbm, z_v)
    pltpu.sync_copy(gp_hbm, gp_v)
    pltpu.sync_copy(src_hbm.at[pl.ds(base, ept)], src_v)
    pltpu.sync_copy(dst_hbm.at[pl.ds(base, ept)], dst_v)
    pltpu.sync_copy(nid_hbm.at[pl.ds(bbase, bpt)], nid_v)
    pltpu.sync_copy(gid_hbm.at[pl.ds(bbase, bpt)], gid_v)

    lane = lax.iota(jnp.int32, 16)

    def edge_body(k, _):
        s4 = src_v[pl.ds(k * 16, 16)] * 4
        d4 = dst_v[pl.ds(k * 16, 16)] * 4
        dx = plsc.load_gather(pos_v, [s4]) - plsc.load_gather(pos_v, [d4])
        dy = (plsc.load_gather(pos_v, [s4 + 1])
              - plsc.load_gather(pos_v, [d4 + 1]))
        dz = (plsc.load_gather(pos_v, [s4 + 2])
              - plsc.load_gather(pos_v, [d4 + 2]))
        ew2 = dx * dx + dy * dy + dz * dz
        ge = base + k * 16 + lane
        ok = (ge < n_edges) & (s4 != d4)
        ew2_v[pl.ds(k * 16, 16)] = jnp.where(ok, ew2, -1.0)
        zsrc_v[pl.ds(k * 16, 16)] = plsc.load_gather(
            z_v, [src_v[pl.ds(k * 16, 16)]])
        return 0

    lax.fori_loop(0, ept // 16, edge_body, 0)

    def bip_body(k, _):
        n4 = nid_v[pl.ds(k * 16, 16)] * 4
        g4 = gid_v[pl.ds(k * 16, 16)] * 4
        dx = plsc.load_gather(pos_v, [n4]) - plsc.load_gather(gp_v, [g4])
        dy = (plsc.load_gather(pos_v, [n4 + 1])
              - plsc.load_gather(gp_v, [g4 + 1]))
        dz = (plsc.load_gather(pos_v, [n4 + 2])
              - plsc.load_gather(gp_v, [g4 + 2]))
        bw2 = dx * dx + dy * dy + dz * dz
        ge = bbase + k * 16 + lane
        bw2_v[pl.ds(k * 16, 16)] = jnp.where(ge < n_bip, bw2, 1e9)
        return 0

    lax.fori_loop(0, bpt // 16, bip_body, 0)

    pltpu.sync_copy(ew2_v, ew2_out.at[pl.ds(base, ept)])
    pltpu.sync_copy(bw2_v, bw2_out.at[pl.ds(bbase, bpt)])
    pltpu.sync_copy(zsrc_v, zsrc_out.at[pl.ds(base, ept)])


def _edge_kernel(ew2_ref, zsrc_ref, emb_ref, means_ref, betas_ref, wd_ref,
                 bd_ref, msg_ref, eaug_ref):
    ew2m = ew2_ref[0, 0, :]
    zsrc = zsrc_ref[0, 0, :]
    oh = (lax.broadcasted_iota(jnp.int32, (zsrc.shape[0], 128), 1)
          == zsrc[:, None]).astype(jnp.float32)
    xsrc = jnp.dot(oh, emb_ref[...], preferred_element_type=jnp.float32)
    kf = (ew2m >= 0).astype(jnp.float32)
    ew = jnp.sqrt(jnp.maximum(ew2m, 0.0))
    cc = jnp.where(ew < CU, 0.5 * (jnp.cos(jnp.pi * ew / CU) + 1.0), 0.0)
    u = jnp.exp(-ALPHA * ew)
    t = u[:, None] - means_ref[0, :][None, :]
    ea = cc[:, None] * jnp.exp(-betas_ref[0, :][None, :] * t * t)
    cvec = cc * kf
    wmsg = (jnp.dot(ea, wd_ref[...], preferred_element_type=jnp.float32)
            + bd_ref[0, :][None, :]) * cvec[:, None]
    msg_ref[...] = xsrc * wmsg
    col = lax.broadcasted_iota(jnp.int32, ea.shape, 1)
    part = jnp.where(col < 50, ea * kf[:, None],
                     jnp.where(col == 50, kf[:, None], 0.0))
    eaug_ref[...] = jnp.concatenate([part, jnp.zeros_like(part)], axis=1)


def _bip_kernel(bw2_ref, means_ref, betas_ref, out_ref):
    bw2 = bw2_ref[0, 0, :]
    bw = jnp.sqrt(bw2)
    bf = (bw <= CU).astype(jnp.float32)
    cc = jnp.where(bw < CU, 0.5 * (jnp.cos(jnp.pi * bw / CU) + 1.0), 0.0)
    u = jnp.exp(-ALPHA * bw)
    t = u[:, None] - means_ref[0, :][None, :]
    ea = cc[:, None] * jnp.exp(-betas_ref[0, :][None, :] * t * t)
    col = lax.broadcasted_iota(jnp.int32, ea.shape, 1)
    part = jnp.where(col < 50, ea * bf[:, None],
                     jnp.where(col == 50, bf[:, None], 0.0))
    out_ref[...] = jnp.concatenate([part, jnp.zeros_like(part)], axis=1)


def _sc_scatter_body(n_rows, rows_hbm, idx_hbm, out_hbm, acc, buf, idx_v,
                     sem_r, sem_s):
    ch = buf.shape[1]
    ept = idx_v.shape[0]
    c = lax.axis_index("c")
    s = lax.axis_index("s")
    wid = c * NS + s
    rows_per_tile = n_rows // NS
    lane = lax.iota(jnp.int32, 16)

    width = buf.shape[2]

    def bfill(i, _):
        r = i // (width // 16)
        cc = (i % (width // 16)) * 16
        buf[0, r, pl.ds(cc, 16)] = jnp.zeros((16,), jnp.float32)
        return 0

    lax.fori_loop(0, 128 * (width // 16), bfill, 0)

    def ifill(i, _):
        idx_v[pl.ds(i * 16, 16)] = s * rows_per_tile + i * 16 + lane
        return 0

    lax.fori_loop(0, rows_per_tile // 16, ifill, 0)

    def zcp(q, _):
        pltpu.sync_copy(buf.at[0],
                        acc.at[idx_v.at[pl.ds(q * 128, 128)]])
        return 0

    lax.fori_loop(0, rows_per_tile // 128, zcp, 0)
    plsc.subcore_barrier()
    pltpu.sync_copy(idx_hbm.at[pl.ds(wid * ept, ept)], idx_v)

    nk = ept // ch

    def r_desc(k, b):
        return pltpu.make_async_copy(
            rows_hbm.at[pl.ds(wid * ept + k * ch, ch)], buf.at[b], sem_r)

    def s_desc(k, b):
        return pltpu.make_async_copy(
            buf.at[b], acc.at[idx_v.at[pl.ds(k * ch, ch)]], sem_s)

    def s_start(k, b):
        pltpu.async_copy(buf.at[b], acc.at[idx_v.at[pl.ds(k * ch, ch)]],
                         sem_s, add=True)

    r_desc(0, 0).start()

    def pair_body(j, _):
        k0 = 2 * j

        @pl.when(j >= 1)
        def _():
            s_desc(k0 - 1, 1).wait()

        r_desc(k0 + 1, 1).start()
        r_desc(k0, 0).wait()
        s_start(k0, 0)

        @pl.when(k0 + 2 < nk)
        def _():
            s_desc(k0, 0).wait()
            r_desc(k0 + 2, 0).start()

        r_desc(k0 + 1, 1).wait()
        s_start(k0 + 1, 1)
        return 0

    lax.fori_loop(0, nk // 2, pair_body, 0)
    s_desc(nk - 2, 0).wait()
    s_desc(nk - 1, 1).wait()
    plsc.subcore_barrier()
    pltpu.sync_copy(acc.at[pl.ds(s * rows_per_tile, rows_per_tile)],
                    out_hbm.at[c, pl.ds(s * rows_per_tile, rows_per_tile)])


def _final_kernel(pma_ref, pmb_ref, psa_ref, psb_ref, pl_ref, z_ref,
                  emb_ref, wct_ref, wcb_ref, bc_ref, wm_ref, bm_ref,
                  wrs_ref, wrb_ref, out_ref):
    agg = (pma_ref[0] + pma_ref[1]) + (pmb_ref[0] + pmb_ref[1])
    sacc = (psa_ref[0] + psa_ref[1]) + (psb_ref[0] + psb_ref[1])
    acc2 = pl_ref[0] + pl_ref[1]
    zb = z_ref[0, 0, :]
    oh = (lax.broadcasted_iota(jnp.int32, (zb.shape[0], 128), 1)
          == zb[:, None]).astype(jnp.float32)
    nx = jnp.dot(oh, emb_ref[...], preferred_element_type=jnp.float32)
    h = (jnp.dot(nx, wct_ref[...], preferred_element_type=jnp.float32)
         + jnp.dot(agg, wcb_ref[...], preferred_element_type=jnp.float32)
         + bc_ref[0, :][None, :])
    node_cat = (jnp.dot(h, wm_ref[...], preferred_element_type=jnp.float32)
                + bm_ref[0, :][None, :])
    out_s = jnp.dot(sacc, wrs_ref[...], preferred_element_type=jnp.float32)
    out_l = jnp.dot(acc2, wrb_ref[...], preferred_element_type=jnp.float32)
    out_ref[...] = node_cat + jnp.concatenate([out_s, out_l], axis=1)


def kernel(z, pos, labels, edge_index, interaction_graph, emb, ne_emb,
           ne_Wd, ne_bd, ne_Wc, ne_bc, means_s, betas_s, Wr_s, br_s,
           means_b, betas_b, Wr_b, br_b, Wm, bm):
    n = z.shape[0]
    n_edges = edge_index.shape[1]
    n_bip = interaction_graph.shape[1]
    f32 = jnp.float32

    npad = _round_up(n, 2048)
    epad = _round_up(n_edges, 8192)
    bpad = _round_up(n_bip, 8192)
    ept = epad // NW
    bpt = bpad // NW
    nb = 2000
    eblk = 2048

    srcp = jnp.pad(edge_index[0], (0, epad - n_edges))
    dstp = jnp.pad(edge_index[1], (0, epad - n_edges))
    nidp = jnp.pad(interaction_graph[0], (0, bpad - n_bip))
    gidp = jnp.pad(interaction_graph[1], (0, bpad - n_bip))
    pos4 = jnp.pad(pos, ((0, 0), (0, 1)))
    z3d = z.reshape(n // nb, 1, nb)
    lab3d = labels.reshape(n // nb, 1, nb)
    pos3d = pos.reshape(n // nb, nb, 3)
    means_sp = jnp.pad(means_s, (0, 14)).reshape(1, 64)
    betas_sp = jnp.pad(betas_s, (0, 14)).reshape(1, 64)
    means_bp = jnp.pad(means_b, (0, 14)).reshape(1, 64)
    betas_bp = jnp.pad(betas_b, (0, 14)).reshape(1, 64)
    wdp = jnp.pad(ne_Wd, ((0, 14), (0, 0)))
    embp = jnp.pad(emb, ((0, 128 - emb.shape[0]), (0, 0)))
    ne_embp = jnp.pad(ne_emb, ((0, 128 - ne_emb.shape[0]), (0, 0)))
    wrs_aug = jnp.concatenate(
        [Wr_s, br_s[None, :], jnp.zeros((77, 128), f32)], axis=0)
    wrb_aug = jnp.concatenate(
        [Wr_b, br_b[None, :], jnp.zeros((77, 128), f32)], axis=0)

    gp512 = pl.pallas_call(
        _group_pos_kernel,
        grid=(n // nb,),
        in_specs=[
            pl.BlockSpec((1, nb, 3), lambda i: (i, 0, 0)),
            pl.BlockSpec((1, 1, nb), lambda i: (i, 0, 0)),
            pl.BlockSpec((1, 1, nb), lambda i: (i, 0, 0)),
        ],
        out_specs=pl.BlockSpec((512, 4), lambda i: (0, 0)),
        out_shape=jax.ShapeDtypeStruct((512, 4), f32),
        scratch_shapes=[pltpu.VMEM((512, 4), f32)],
        name="group_pos",
    )(pos3d, z3d, lab3d)

    mesh = plsc.VectorSubcoreMesh(core_axis_name="c", subcore_axis_name="s")
    ew2m, bw2m, zsrc = pl.kernel(
        functools.partial(_sc_gather_body, n_edges, n_bip),
        out_type=[
            jax.ShapeDtypeStruct((epad,), f32),
            jax.ShapeDtypeStruct((bpad,), f32),
            jax.ShapeDtypeStruct((epad,), jnp.int32),
        ],
        mesh=mesh,
        scratch_types=[
            pltpu.VMEM((n * 4,), f32),
            pltpu.VMEM((n,), jnp.int32),
            pltpu.VMEM((2048,), f32),
            pltpu.VMEM((ept,), jnp.int32),
            pltpu.VMEM((ept,), jnp.int32),
            pltpu.VMEM((ept,), jnp.int32),
            pltpu.VMEM((ept,), f32),
            pltpu.VMEM((bpt,), jnp.int32),
            pltpu.VMEM((bpt,), jnp.int32),
            pltpu.VMEM((bpt,), f32),
        ],
        compiler_params=pltpu.CompilerParams(needs_layout_passes=False),
        name="sc_gather",
    )(srcp, dstp, nidp, gidp, z, pos4.reshape(-1), gp512.reshape(-1))

    eh = epad // 2

    def edge_call(ew2_half, zsrc_half, tag):
        return pl.pallas_call(
            _edge_kernel,
            grid=(eh // eblk,),
            in_specs=[
                pl.BlockSpec((1, 1, eblk), lambda i: (i, 0, 0)),
                pl.BlockSpec((1, 1, eblk), lambda i: (i, 0, 0)),
                pl.BlockSpec((128, 128), lambda i: (0, 0)),
                pl.BlockSpec((1, 64), lambda i: (0, 0)),
                pl.BlockSpec((1, 64), lambda i: (0, 0)),
                pl.BlockSpec((64, 128), lambda i: (0, 0)),
                pl.BlockSpec((1, 128), lambda i: (0, 0)),
            ],
            out_specs=[
                pl.BlockSpec((eblk, 128), lambda i: (i, 0)),
                pl.BlockSpec((eblk, 128), lambda i: (i, 0)),
            ],
            out_shape=[
                jax.ShapeDtypeStruct((eh, 128), f32),
                jax.ShapeDtypeStruct((eh, 128), f32),
            ],
            name="edge_rows_" + tag,
        )(ew2_half.reshape(eh // eblk, 1, eblk),
          zsrc_half.reshape(eh // eblk, 1, eblk), ne_embp, means_sp,
          betas_sp, wdp, ne_bd.reshape(1, 128))

    msg_a, eaug_a = edge_call(ew2m[:eh], zsrc[:eh], "a")
    msg_b, eaug_b = edge_call(ew2m[eh:], zsrc[eh:], "b")

    baug = pl.pallas_call(
        _bip_kernel,
        grid=(bpad // eblk,),
        in_specs=[
            pl.BlockSpec((1, 1, eblk), lambda i: (i, 0, 0)),
            pl.BlockSpec((1, 64), lambda i: (0, 0)),
            pl.BlockSpec((1, 64), lambda i: (0, 0)),
        ],
        out_specs=pl.BlockSpec((eblk, 128), lambda i: (i, 0)),
        out_shape=jax.ShapeDtypeStruct((bpad, 128), f32),
        name="bip_rows",
    )(bw2m.reshape(bpad // eblk, 1, eblk), means_bp, betas_bp)

    def scatter_call(rows, idx, idx_len, width, tag):
        return pl.kernel(
            functools.partial(_sc_scatter_body, npad),
            out_type=jax.ShapeDtypeStruct((NC, npad, width), f32),
            mesh=mesh,
            scratch_types=[
                pltpu.VMEM_SHARED((npad, width), f32),
                pltpu.VMEM((2, 128, width), f32),
                pltpu.VMEM((idx_len,), jnp.int32),
                pltpu.SemaphoreType.DMA,
                pltpu.SemaphoreType.DMA,
            ],
            name="sc_scatter_" + tag,
        )(rows, idx)

    parts_ma = scatter_call(msg_a, dstp[:eh], eh // NW, 128, "ma")
    parts_sa = scatter_call(eaug_a, dstp[:eh], eh // NW, 128, "sa")
    parts_mb = scatter_call(msg_b, dstp[eh:], eh // NW, 128, "mb")
    parts_sb = scatter_call(eaug_b, dstp[eh:], eh // NW, 128, "sb")
    parts_l = scatter_call(baug, nidp, bpt, 128, "l")

    nbd = 2048
    z3d_d = jnp.pad(z, (0, npad - n)).reshape(npad // nbd, 1, nbd)
    out = pl.pallas_call(
        _final_kernel,
        grid=(npad // nbd,),
        in_specs=[
            pl.BlockSpec((NC, nbd, 128), lambda i: (0, i, 0)),
            pl.BlockSpec((NC, nbd, 128), lambda i: (0, i, 0)),
            pl.BlockSpec((NC, nbd, 128), lambda i: (0, i, 0)),
            pl.BlockSpec((NC, nbd, 128), lambda i: (0, i, 0)),
            pl.BlockSpec((NC, nbd, 128), lambda i: (0, i, 0)),
            pl.BlockSpec((1, 1, nbd), lambda i: (i, 0, 0)),
            pl.BlockSpec((128, 128), lambda i: (0, 0)),
            pl.BlockSpec((128, 128), lambda i: (0, 0)),
            pl.BlockSpec((128, 128), lambda i: (0, 0)),
            pl.BlockSpec((1, 128), lambda i: (0, 0)),
            pl.BlockSpec((128, 256), lambda i: (0, 0)),
            pl.BlockSpec((1, 256), lambda i: (0, 0)),
            pl.BlockSpec((128, 128), lambda i: (0, 0)),
            pl.BlockSpec((128, 128), lambda i: (0, 0)),
        ],
        out_specs=pl.BlockSpec((nbd, 256), lambda i: (i, 0)),
        out_shape=jax.ShapeDtypeStruct((npad, 256), f32),
        name="node_final",
    )(parts_ma, parts_mb, parts_sa, parts_sb, parts_l, z3d_d, embp,
      ne_Wc[:128], ne_Wc[128:], ne_bc.reshape(1, 128), Wm,
      bm.reshape(1, 256), wrs_aug, wrb_aug)

    return out[:n]

# --- scband reference (transcript-rebuilt; emitter-appended) ---
"""Pipeline reference for scband-visnorm-shared-lsrmnorm2-2branch-serial-34462817583427 (READ-ONLY COPY).

The authoritative reference and input builder live on the scoring server;
editing this copy changes nothing except your own understanding.
"""

import jax, jax.numpy as jnp
import numpy as np

N = 10000   # nodes
E = 160000  # short-range edges
G = 500     # groups (fragments)
EB = 50000  # bipartite node-group edges
H = 128     # hidden_channels
R = 50      # num_rbf
Z = 100     # max_z
CU = 10.0   # cutoff_upper (short and long)
ALPHA = 5.0 / CU


def _expnorm(d, means, betas):
    # ExpNormalSmearing with CosineCutoff (cutoff_lower=0)
    d = d[:, None]
    c = jnp.where(d < CU, 0.5 * (jnp.cos(jnp.pi * d / CU) + 1.0), 0.0)
    return c * jnp.exp(-betas * (jnp.exp(-ALPHA * d) - means) ** 2)


def setup_inputs(seed: int = 0) -> dict:
    key = jax.random.key(seed)
    ks = jax.random.split(key, 16)
    z = jax.random.randint(ks[0], (N,), 1, Z)
    pos = jax.random.uniform(ks[1], (N, 3), jnp.float32, 0.0, 10.0)
    labels = jax.random.randint(ks[2], (N,), 0, G)
    edge_index = jax.random.randint(ks[3], (2, E), 0, N)
    nid = jax.random.randint(ks[4], (EB,), 0, N)
    gid = jax.random.randint(ks[5], (EB,), 0, G)
    interaction_graph = jnp.stack([nid, gid])
    # trainable RBF params, torchmd-net style init
    start = float(np.exp(-CU))
    means = jnp.linspace(start, 1.0, R).astype(jnp.float32)
    betas = jnp.full((R,), (2.0 / R * (1.0 - start)) ** -2, dtype=jnp.float32)

    def w(k, shape):
        return jax.random.normal(k, shape, jnp.float32) * 0.05

    return dict(
        z=z, pos=pos, labels=labels, edge_index=edge_index,
        interaction_graph=interaction_graph,
        emb=w(ks[6], (Z, H)), ne_emb=w(ks[7], (Z, H)),
        ne_Wd=w(ks[8], (R, H)), ne_bd=jnp.zeros((H,), jnp.float32),
        ne_Wc=w(ks[9], (2 * H, H)), ne_bc=jnp.zeros((H,), jnp.float32),
        means_s=means, betas_s=betas, Wr_s=w(ks[10], (R, H)), br_s=jnp.zeros((H,), jnp.float32),
        means_b=means, betas_b=betas, Wr_b=w(ks[11], (R, H)), br_b=jnp.zeros((H,), jnp.float32),
        Wm=w(ks[12], (H, 2 * H)), bm=jnp.zeros((2 * H,), jnp.float32),
    )


def reference(z, pos, labels, edge_index, interaction_graph, emb, ne_emb,
              ne_Wd, ne_bd, ne_Wc, ne_bc, means_s, betas_s, Wr_s, br_s,
              means_b, betas_b, Wr_b, br_b, Wm, bm):
    # remove_self_loops (masked, fixed shape)
    keep = edge_index[0] != edge_index[1]
    kf = keep.astype(jnp.float32)[:, None]
    ei = edge_index
    zf = z.astype(jnp.float32)
    # group_pos = center_of_mass scatter
    num = jax.ops.segment_sum(pos * zf[:, None], labels, num_segments=G)
    den = jax.ops.segment_sum(zf, labels, num_segments=G)
    den = jnp.where(den > 0, den, 1.0)
    group_pos = num / den[:, None]
    # filter bipartite interaction graph by long cutoff (masked, fixed shape)
    nid0, gid0 = interaction_graph[0], interaction_graph[1]
    dis = jnp.sqrt(jnp.sum((pos[nid0] - group_pos[gid0]) ** 2, axis=1))
    bkeep = dis <= CU
    bf = bkeep.astype(jnp.float32)[:, None]
    nid = nid0
    gid = gid0
    # Node_Edge_Fea_Init
    nx = emb[z]
    evec = pos[ei[0]] - pos[ei[1]]
    ew = jnp.linalg.norm(evec, axis=-1)
    ea = _expnorm(ew, means_s, betas_s)
    evec = evec / ew[:, None]
    # NeighborEmbedding
    Cc = jnp.where(ew < CU, 0.5 * (jnp.cos(jnp.pi * ew / CU) + 1.0), 0.0)
    Wmsg = (ea @ ne_Wd + ne_bd) * Cc[:, None]
    xn = ne_emb[z]
    msg = xn[ei[0]] * Wmsg * kf
    agg = jax.ops.segment_sum(msg, ei[1], num_segments=N)
    nx = jnp.concatenate([nx, agg], axis=-1) @ ne_Wc + ne_bc
    ea = (ea @ Wr_s + br_s) * kf
    # Bipartite_Edge_Feat_Init
    bvec = pos[nid] - group_pos[gid]
    bw = jnp.linalg.norm(bvec, axis=-1)
    bvec = bvec / bw[:, None]
    bea = (_expnorm(bw, means_b, betas_b) @ Wr_b + br_b) * bf
    # mlp_node_fea split into short/long branches
    node_cat = nx @ Wm + bm  # [N, 2H] = [short | long]
    # aggregate both edge branches back to nodes (surrogate for the truncated
    # attention-layer loop) so the output covers all computed features
    out_s = jax.ops.segment_sum(ea, ei[1], num_segments=N)
    out_l = jax.ops.segment_sum(bea, nid, num_segments=N)
    return node_cat + jnp.concatenate([out_s, out_l], axis=-1)

if __name__ == "__main__":
    import jax
    _d = setup_inputs()
    print(jax.jit(kernel)(*tuple(_d.values())))

</pallas_src>

<mosaic_0001>
#map = affine_map<(d0, d1) -> (0, 0)>
#map1 = affine_map<(d0, d1) -> (0)>
#map2 = affine_map<(d0, d1) -> (0, 0, 0)>
module attributes {stable_mosaic.version = 14 : i64} {
  func.func @sc_scatter_sb(%arg0: i32, %arg1: i32, %arg2: memref<81920x128xf32, #tpu.memory_space<hbm>>, %arg3: memref<81920xi32, #tpu.memory_space<hbm>>, %arg4: memref<2x10240x128xf32, #tpu.memory_space<hbm>>, %arg5: memref<10240x128xf32, #tpu.memory_space<vmem_shared>>, %arg6: memref<2x128x128xf32, #tpu.memory_space<vmem>>, %arg7: memref<2560xi32, #tpu.memory_space<vmem>>, %arg8: memref<!tpu.dma_semaphore, #tpu.memory_space<semaphore_mem>>, %arg9: memref<!tpu.dma_semaphore, #tpu.memory_space<semaphore_mem>>) attributes {dimension_semantics = [#tpu.dimension_semantics<core_parallel>, #tpu.dimension_semantics<subcore_parallel>], iteration_bounds = array<i64: 2, 16>, scalar_prefetch = 0 : i64, scratch_operands = 5 : i64, tpu.core_type = #tpu.core_type<sc_vector_subcore>, window_params = [{transform_indices = #map}, {transform_indices = #map1}, {transform_indices = #map2}]} {
    %mul3A = arith.constant 16 : i32
    %mul3A_0 = arith.muli %arg0, %mul3A : i32
    %add3A = arith.addi %mul3A_0, %arg1 : i32
    %iota3A = tpu.iota {dimensions = array<i32: 0>} : vector<16xi32>
    %scan3A = arith.constant 0 : i32
    %scan3A_1 = arith.constant 0 : i32
    %scan3A_2 = arith.constant 1024 : i32
    %scan3A_3 = arith.addi %scan3A_1, %scan3A_2 : i32
    %scan3A_4 = arith.constant 1 : i32
    %scan3A_5 = scf.for %scan3A_70 = %scan3A_1 to %scan3A_3 step %scan3A_4 iter_args(%scan3A_71 = %scan3A) -> (i32)  : i32 {
      %jit3A = arith.constant 8 : i32
      %div3A = arith.divsi %scan3A_70, %jit3A : i32
      %sign3A = arith.constant 0 : i32
      %sign3A_72 = arith.cmpi sgt, %scan3A_70, %sign3A : i32
      %sign3A_73 = arith.extui %sign3A_72 : i1 to i32
      %sign3A_74 = arith.constant 0 : i32
      %sign3A_75 = arith.cmpi slt, %scan3A_70, %sign3A_74 : i32
      %sign3A_76 = arith.extui %sign3A_75 : i1 to i32
      %sign3A_77 = arith.subi %sign3A_73, %sign3A_76 : i32
      %sign3A_78 = arith.constant 0 : i32
      %sign3A_79 = arith.cmpi sgt, %jit3A, %sign3A_78 : i32
      %sign3A_80 = arith.extui %sign3A_79 : i1 to i32
      %sign3A_81 = arith.constant 0 : i32
      %sign3A_82 = arith.cmpi slt, %jit3A, %sign3A_81 : i32
      %sign3A_83 = arith.extui %sign3A_82 : i1 to i32
      %sign3A_84 = arith.subi %sign3A_80, %sign3A_83 : i32
      %ne3A = arith.cmpi ne, %sign3A_77, %sign3A_84 : i32
      %rem3A = arith.remsi %scan3A_70, %jit3A : i32
      %ne3A_85 = arith.constant 0 : i32
      %ne3A_86 = arith.cmpi ne, %rem3A, %ne3A_85 : i32
      %and3A = arith.andi %ne3A, %ne3A_86 : i1
      %sub3A = arith.constant 1 : i32
      %sub3A_87 = arith.subi %div3A, %sub3A : i32
      %select_n3A = arith.select %and3A, %sub3A_87, %div3A : i32
      %jit3A_88 = arith.constant 8 : i32
      %eq3A = arith.constant 0 : i32
      %eq3A_89 = arith.cmpi eq, %jit3A_88, %eq3A : i32
      %jit3A_90 = arith.constant 1 : i32
      %select_n3A_91 = arith.select %eq3A_89, %jit3A_90, %jit3A_88 : i32
      %rem3A_92 = arith.remsi %scan3A_70, %select_n3A_91 : i32
      %ne3A_93 = arith.constant 0 : i32
      %ne3A_94 = arith.cmpi ne, %rem3A_92, %ne3A_93 : i32
      %lt3A = arith.constant 0 : i32
      %lt3A_95 = arith.cmpi slt, %rem3A_92, %lt3A : i32
      %lt3A_96 = arith.constant 0 : i32
      %lt3A_97 = arith.cmpi slt, %select_n3A_91, %lt3A_96 : i32
      %ne3A_98 = arith.xori %lt3A_95, %lt3A_97 : i1
      %and3A_99 = arith.andi %ne3A_98, %ne3A_94 : i1
      %add3A_100 = arith.addi %rem3A_92, %select_n3A_91 : i32
      %select_n3A_101 = arith.select %and3A_99, %add3A_100, %rem3A_92 : i32
      %mul3A_102 = arith.constant 16 : i32
      %mul3A_103 = arith.muli %select_n3A_101, %mul3A_102 : i32
      %broadcast_in_dim3A = arith.constant 0.000000e+00 : f32
      %broadcast_in_dim3A_104 = vector.broadcast %broadcast_in_dim3A : f32 to vector<16xf32>
      %swap3A = arith.constant 0 : i32
      %swap3A_105 = arith.index_cast %swap3A : i32 to index
      %swap3A_106 = arith.index_cast %select_n3A : i32 to index
      %swap3A_107 = arith.index_cast %mul3A_103 : i32 to index
      %swap3A_108 = tpu.vector_load %arg6[%swap3A_105, %swap3A_106, %swap3A_107] {strides = array<i32>} : memref<2x128x128xf32, #tpu.memory_space<vmem>>, vector<1x1x16xf32>,
      %swap3A_109 = vector.shape_cast %swap3A_108 : vector<1x1x16xf32> to vector<16xf32>
      %swap3A_110 = vector.shape_cast %broadcast_in_dim3A_104 : vector<16xf32> to vector<1x1x16xf32>
      tpu.vector_store %arg6[%swap3A_105, %swap3A_106, %swap3A_107], %swap3A_110 {strides = array<i32>} : memref<2x128x128xf32, #tpu.memory_space<vmem>>, vector<1x1x16xf32>,
      %scan3A_111 = arith.constant 0 : i32
      scf.yield %scan3A_111 : i32
    }
    %scan3A_6 = arith.constant 1024 : i32
    %scan3A_7 = arith.constant 0 : i32
    %scan3A_8 = arith.constant 0 : i32
    %scan3A_9 = arith.constant 40 : i32
    %scan3A_10 = arith.addi %scan3A_8, %scan3A_9 : i32
    %scan3A_11 = arith.constant 1 : i32
    %scan3A_12 = scf.for %scan3A_70 = %scan3A_8 to %scan3A_10 step %scan3A_11 iter_args(%scan3A_71 = %scan3A_7) -> (i32)  : i32 {
      %mul3A_72 = arith.constant 640 : i32
      %mul3A_73 = arith.muli %arg1, %mul3A_72 : i32
      %mul3A_74 = arith.constant 16 : i32
      %mul3A_75 = arith.muli %scan3A_70, %mul3A_74 : i32
      %add3A_76 = arith.addi %mul3A_73, %mul3A_75 : i32
      %add3A_77 = vector.broadcast %add3A_76 : i32 to vector<16xi32>
      %add3A_78 = arith.addi %add3A_77, %iota3A : vector<16xi32>
      %mul3A_79 = arith.constant 16 : i32
      %mul3A_80 = arith.muli %scan3A_70, %mul3A_79 : i32
      %swap3A = arith.index_cast %mul3A_80 : i32 to index
      %swap3A_81 = tpu.vector_load %arg7[%swap3A] {strides = array<i32>} : memref<2560xi32, #tpu.memory_space<vmem>>, vector<16xi32>,
      %swap3A_82 = vector.shape_cast %swap3A_81 : vector<16xi32> to vector<16xi32>
      %swap3A_83 = vector.shape_cast %add3A_78 : vector<16xi32> to vector<16xi32>
      tpu.vector_store %arg7[%swap3A], %swap3A_83 {strides = array<i32>} : memref<2560xi32, #tpu.memory_space<vmem>>, vector<16xi32>,
      %scan3A_84 = arith.constant 0 : i32
      scf.yield %scan3A_84 : i32
    }
    %scan3A_13 = arith.constant 40 : i32
    %scan3A_14 = arith.constant 0 : i32
    %scan3A_15 = arith.constant 0 : i32
    %scan3A_16 = arith.constant 5 : i32
    %scan3A_17 = arith.addi %scan3A_15, %scan3A_16 : i32
    %scan3A_18 = arith.constant 1 : i32
    %scan3A_19 = scf.for %scan3A_70 = %scan3A_15 to %scan3A_17 step %scan3A_18 iter_args(%scan3A_71 = %scan3A_14) -> (i32)  : i32 {
      %mul3A_72 = arith.constant 128 : i32
      %mul3A_73 = arith.muli %scan3A_70, %mul3A_72 : i32
      %run_scoped3A = arith.constant 0 : i32
      "tpu.region"() ({
        %run_scoped3A_75 = tpu.sem_alloc : memref<!tpu.dma_semaphore, #tpu.memory_space<semaphore_mem>>
        %dma_start3A_76 = arith.constant 0 : i32
        %dma_start3A_77 = arith.constant 0 : i32
        %dma_start3A_78 = tpu.memref_slice %arg6[%run_scoped3A, %dma_start3A_76, %dma_start3A_77] : memref<2x128x128xf32, #tpu.memory_space<vmem>> -> memref<1x128x128xf32, #tpu.memory_space<vmem>>
        %dma_start3A_79 = tpu.memref_squeeze %dma_start3A_78 : memref<1x128x128xf32, #tpu.memory_space<vmem>> -> memref<128x128xf32, #tpu.memory_space<vmem>>
        %dma_start3A_80 = tpu.memref_slice %arg7[%mul3A_73] : memref<2560xi32, #tpu.memory_space<vmem>> -> memref<128xi32, #tpu.memory_space<vmem>>
        %dma_start3A_81 = arith.constant 0 : i32
        %dma_start3A_82 = arith.constant 0 : i32
        %dma_start3A_83 = tpu.memref_slice %arg5[%dma_start3A_81, %dma_start3A_82] : memref<10240x128xf32, #tpu.memory_space<vmem_shared>> -> memref<10240x128xf32, #tpu.memory_space<vmem_shared>>
        tpu.enqueue_indirect_dma source(%dma_start3A_79 : memref<128x128xf32, #tpu.memory_space<vmem>>) target(%dma_start3A_83 : memref<10240x128xf32, #tpu.memory_space<vmem_shared>>) offsets(%dma_start3A_80 : memref<128xi32, #tpu.memory_space<vmem>>) semaphore(%run_scoped3A_75 : memref<!tpu.dma_semaphore, #tpu.memory_space<semaphore_mem>>)
        %dma_wait3A_84 = arith.constant 0 : i32
        %dma_wait3A_85 = arith.constant 0 : i32
        %dma_wait3A_86 = tpu.memref_slice %arg6[%run_scoped3A, %dma_wait3A_84, %dma_wait3A_85] : memref<2x128x128xf32, #tpu.memory_space<vmem>> -> memref<1x128x128xf32, #tpu.memory_space<vmem>>
        %dma_wait3A_87 = tpu.memref_squeeze %dma_wait3A_86 : memref<1x128x128xf32, #tpu.memory_space<vmem>> -> memref<128x128xf32, #tpu.memory_space<vmem>>
        %dma_wait3A_88 = tpu.memref_slice %arg7[%mul3A_73] : memref<2560xi32, #tpu.memory_space<vmem>> -> memref<128xi32, #tpu.memory_space<vmem>>
        %dma_wait3A_89 = arith.constant 0 : i32
        %dma_wait3A_90 = arith.constant 0 : i32
        %dma_wait3A_91 = tpu.memref_slice %arg5[%dma_wait3A_89, %dma_wait3A_90] : memref<10240x128xf32, #tpu.memory_space<vmem_shared>> -> memref<10240x128xf32, #tpu.memory_space<vmem_shared>>
        tpu.wait_indirect_dma semaphore(%run_scoped3A_75 : memref<!tpu.dma_semaphore, #tpu.memory_space<semaphore_mem>>) src(%dma_wait3A_87 : memref<128x128xf32, #tpu.memory_space<vmem>>) dst(%dma_wait3A_91 : memref<10240x128xf32, #tpu.memory_space<vmem_shared>>)
        tpu.yield
      }) : () -> ()
      %scan3A_74 = arith.constant 0 : i32
      scf.yield %scan3A_74 : i32
    }
    %scan3A_20 = arith.constant 5 : i32
    %barrier3A = arith.constant 0 : index
    tpu.barrier barrier_id(%barrier3A)
    %mul3A_21 = arith.constant 2560 : i32
    %mul3A_22 = arith.muli %add3A, %mul3A_21 : i32
    "tpu.region"() ({
      %run_scoped3A = tpu.sem_alloc : memref<!tpu.dma_semaphore, #tpu.memory_space<semaphore_mem>>
      %dma_start3A_70 = tpu.memref_slice %arg3[%mul3A_22] : memref<81920xi32, #tpu.memory_space<hbm>> -> memref<2560xi32, #tpu.memory_space<hbm>>
      %dma_start3A_71 = tpu.memref_slice %arg3[%mul3A_22] : memref<81920xi32, #tpu.memory_space<hbm>> -> memref<2560xi32, #tpu.memory_space<hbm>>
      tpu.enqueue_dma source(%dma_start3A_71 : memref<2560xi32, #tpu.memory_space<hbm>>) target(%arg7 : memref<2560xi32, #tpu.memory_space<vmem>>) target_semaphore(%run_scoped3A : memref<!tpu.dma_semaphore, #tpu.memory_space<semaphore_mem>>)
      %dma_wait3A_72 = tpu.memref_slice %arg3[%mul3A_22] : memref<81920xi32, #tpu.memory_space<hbm>> -> memref<2560xi32, #tpu.memory_space<hbm>>
      %dma_wait3A_73 = tpu.memref_slice %arg3[%mul3A_22] : memref<81920xi32, #tpu.memory_space<hbm>> -> memref<2560xi32, #tpu.memory_space<hbm>>
      tpu.wait_dma2 semaphore(%run_scoped3A : memref<!tpu.dma_semaphore, #tpu.memory_space<semaphore_mem>>) src(%dma_wait3A_73 : memref<2560xi32, #tpu.memory_space<hbm>>) dst(%arg7 : memref<2560xi32, #tpu.memory_space<vmem>>)
      tpu.yield
    }) : () -> ()
    %mul3A_23 = arith.constant 2560 : i32
    %mul3A_24 = arith.muli %add3A, %mul3A_23 : i32
    %add3A_25 = arith.constant 0 : i32
    %add3A_26 = arith.addi %mul3A_24, %add3A_25 : i32
    %dma_start3A = arith.constant 0 : i32
    %dma_start3A_27 = arith.constant 0 : i32
    %dma_start3A_28 = arith.constant 0 : i32
    %dma_start3A_29 = tpu.memref_slice %arg6[%dma_start3A, %dma_start3A_27, %dma_start3A_28] : memref<2x128x128xf32, #tpu.memory_space<vmem>> -> memref<1x128x128xf32, #tpu.memory_space<vmem>>
    %dma_start3A_30 = tpu.memref_squeeze %dma_start3A_29 : memref<1x128x128xf32, #tpu.memory_space<vmem>> -> memref<128x128xf32, #tpu.memory_space<vmem>>
    %dma_start3A_31 = arith.constant 0 : i32
    %dma_start3A_32 = tpu.memref_slice %arg2[%add3A_26, %dma_start3A_31] : memref<81920x128xf32, #tpu.memory_space<hbm>> -> memref<128x128xf32, #tpu.memory_space<hbm>>
    %dma_start3A_33 = arith.constant 0 : i32
    %dma_start3A_34 = arith.constant 0 : i32
    %dma_start3A_35 = tpu.memref_slice %arg6[%dma_start3A, %dma_start3A_33, %dma_start3A_34] : memref<2x128x128xf32, #tpu.memory_space<vmem>> -> memref<1x128x128xf32, #tpu.memory_space<vmem>>
    %dma_start3A_36 = tpu.memref_squeeze %dma_start3A_35 : memref<1x128x128xf32, #tpu.memory_space<vmem>> -> memref<128x128xf32, #tpu.memory_space<vmem>>
    %dma_start3A_37 = arith.constant 0 : i32
    %dma_start3A_38 = tpu.memref_slice %arg2[%add3A_26, %dma_start3A_37] : memref<81920x128xf32, #tpu.memory_space<hbm>> -> memref<128x128xf32, #tpu.memory_space<hbm>>
    tpu.enqueue_dma source(%dma_start3A_38 : memref<128x128xf32, #tpu.memory_space<hbm>>) target(%dma_start3A_36 : memref<128x128xf32, #tpu.memory_space<vmem>>) target_semaphore(%arg8 : memref<!tpu.dma_semaphore, #tpu.memory_space<semaphore_mem>>)
    %scan3A_39 = arith.constant 0 : i32
    %scan3A_40 = arith.constant 0 : i32
    %scan3A_41 = arith.constant 10 : i32
    %scan3A_42 = arith.addi %scan3A_40, %scan3A_41 : i32
    %scan3A_43 = arith.constant 1 : i32
    %scan3A_44 = scf.for %scan3A_70 = %scan3A_40 to %scan3A_42 step %scan3A_43 iter_args(%scan3A_71 = %scan3A_39) -> (i32)  : i32 {
      %mul3A_72 = arith.constant 2 : i32
      %mul3A_73 = arith.muli %mul3A_72, %scan3A_70 : i32
      %ge3A = arith.constant 1 : i32
      %ge3A_74 = arith.cmpi sge, %scan3A_70, %ge3A : i32
      %convert_element_type3A = arith.extui %ge3A_74 : i1 to i32
      %cond3A = arith.constant 0 : i32
      %cond3A_75 = arith.cmpi ne, %convert_element_type3A, %cond3A : i32
      scf.if %cond3A_75 {
        %sub3A = arith.constant 1 : i32
        %sub3A_165 = arith.subi %mul3A_73, %sub3A : i32
        %mul3A_166 = arith.constant 128 : i32
        %mul3A_167 = arith.muli %sub3A_165, %mul3A_166 : i32
        %dma_wait3A_168 = arith.constant 1 : i32
        %dma_wait3A_169 = arith.constant 0 : i32
        %dma_wait3A_170 = arith.constant 0 : i32
        %dma_wait3A_171 = tpu.memref_slice %arg6[%dma_wait3A_168, %dma_wait3A_169, %dma_wait3A_170] : memref<2x128x128xf32, #tpu.memory_space<vmem>> -> memref<1x128x128xf32, #tpu.memory_space<vmem>>
        %dma_wait3A_172 = tpu.memref_squeeze %dma_wait3A_171 : memref<1x128x128xf32, #tpu.memory_space<vmem>> -> memref<128x128xf32, #tpu.memory_space<vmem>>
        %dma_wait3A_173 = tpu.memref_slice %arg7[%mul3A_167] : memref<2560xi32, #tpu.memory_space<vmem>> -> memref<128xi32, #tpu.memory_space<vmem>>
        %dma_wait3A_174 = arith.constant 0 : i32
        %dma_wait3A_175 = arith.constant 0 : i32
        %dma_wait3A_176 = tpu.memref_slice %arg5[%dma_wait3A_174, %dma_wait3A_175] : memref<10240x128xf32, #tpu.memory_space<vmem_shared>> -> memref<10240x128xf32, #tpu.memory_space<vmem_shared>>
        tpu.wait_indirect_dma semaphore(%arg9 : memref<!tpu.dma_semaphore, #tpu.memory_space<semaphore_mem>>) src(%dma_wait3A_172 : memref<128x128xf32, #tpu.memory_space<vmem>>) dst(%dma_wait3A_176 : memref<10240x128xf32, #tpu.memory_space<vmem_shared>>)
      } else {
      }
      %add3A_76 = arith.constant 1 : i32
      %add3A_77 = arith.addi %mul3A_73, %add3A_76 : i32
      %mul3A_78 = arith.constant 2560 : i32
      %mul3A_79 = arith.muli %add3A, %mul3A_78 : i32
      %mul3A_80 = arith.constant 128 : i32
      %mul3A_81 = arith.muli %add3A_77, %mul3A_80 : i32
      %add3A_82 = arith.addi %mul3A_79, %mul3A_81 : i32
      %dma_start3A_83 = arith.constant 1 : i32
      %dma_start3A_84 = arith.constant 0 : i32
      %dma_start3A_85 = arith.constant 0 : i32
      %dma_start3A_86 = tpu.memref_slice %arg6[%dma_start3A_83, %dma_start3A_84, %dma_start3A_85] : memref<2x128x128xf32, #tpu.memory_space<vmem>> -> memref<1x128x128xf32, #tpu.memory_space<vmem>>
      %dma_start3A_87 = tpu.memref_squeeze %dma_start3A_86 : memref<1x128x128xf32, #tpu.memory_space<vmem>> -> memref<128x128xf32, #tpu.memory_space<vmem>>
      %dma_start3A_88 = arith.constant 0 : i32
      %dma_start3A_89 = tpu.memref_slice %arg2[%add3A_82, %dma_start3A_88] : memref<81920x128xf32, #tpu.memory_space<hbm>> -> memref<128x128xf32, #tpu.memory_space<hbm>>
      %dma_start3A_90 = arith.constant 0 : i32
      %dma_start3A_91 = arith.constant 0 : i32
      %dma_start3A_92 = tpu.memref_slice %arg6[%dma_start3A_83, %dma_start3A_90, %dma_start3A_91] : memref<2x128x128xf32, #tpu.memory_space<vmem>> -> memref<1x128x128xf32, #tpu.memory_space<vmem>>
      %dma_start3A_93 = tpu.memref_squeeze %dma_start3A_92 : memref<1x128x128xf32, #tpu.memory_space<vmem>> -> memref<128x128xf32, #tpu.memory_space<vmem>>
      %dma_start3A_94 = arith.constant 0 : i32
      %dma_start3A_95 = tpu.memref_slice %arg2[%add3A_82, %dma_start3A_94] : memref<81920x128xf32, #tpu.memory_space<hbm>> -> memref<128x128xf32, #tpu.memory_space<hbm>>
      tpu.enqueue_dma source(%dma_start3A_95 : memref<128x128xf32, #tpu.memory_space<hbm>>) target(%dma_start3A_93 : memref<128x128xf32, #tpu.memory_space<vmem>>) target_semaphore(%arg8 : memref<!tpu.dma_semaphore, #tpu.memory_space<semaphore_mem>>)
      %mul3A_96 = arith.constant 2560 : i32
      %mul3A_97 = arith.muli %add3A, %mul3A_96 : i32
      %mul3A_98 = arith.constant 128 : i32
      %mul3A_99 = arith.muli %mul3A_73, %mul3A_98 : i32
      %add3A_100 = arith.addi %mul3A_97, %mul3A_99 : i32
      %dma_wait3A_101 = arith.constant 0 : i32
      %dma_wait3A_102 = arith.constant 0 : i32
      %dma_wait3A_103 = arith.constant 0 : i32
      %dma_wait3A_104 = tpu.memref_slice %arg6[%dma_wait3A_101, %dma_wait3A_102, %dma_wait3A_103] : memref<2x128x128xf32, #tpu.memory_space<vmem>> -> memref<1x128x128xf32, #tpu.memory_space<vmem>>
      %dma_wait3A_105 = tpu.memref_squeeze %dma_wait3A_104 : memref<1x128x128xf32, #tpu.memory_space<vmem>> -> memref<128x128xf32, #tpu.memory_space<vmem>>
      %dma_wait3A_106 = arith.constant 0 : i32
      %dma_wait3A_107 = tpu.memref_slice %arg2[%add3A_100, %dma_wait3A_106] : memref<81920x128xf32, #tpu.memory_space<hbm>> -> memref<128x128xf32, #tpu.memory_space<hbm>>
      %dma_wait3A_108 = arith.constant 0 : i32
      %dma_wait3A_109 = arith.constant 0 : i32
      %dma_wait3A_110 = tpu.memref_slice %arg6[%dma_wait3A_101, %dma_wait3A_108, %dma_wait3A_109] : memref<2x128x128xf32, #tpu.memory_space<vmem>> -> memref<1x128x128xf32, #tpu.memory_space<vmem>>
      %dma_wait3A_111 = tpu.memref_squeeze %dma_wait3A_110 : memref<1x128x128xf32, #tpu.memory_space<vmem>> -> memref<128x128xf32, #tpu.memory_space<vmem>>
      %dma_wait3A_112 = arith.constant 0 : i32
      %dma_wait3A_113 = tpu.memref_slice %arg2[%add3A_100, %dma_wait3A_112] : memref<81920x128xf32, #tpu.memory_space<hbm>> -> memref<128x128xf32, #tpu.memory_space<hbm>>
      tpu.wait_dma2 semaphore(%arg8 : memref<!tpu.dma_semaphore, #tpu.memory_space<semaphore_mem>>) src(%dma_wait3A_113 : memref<128x128xf32, #tpu.memory_space<hbm>>) dst(%dma_wait3A_111 : memref<128x128xf32, #tpu.memory_space<vmem>>)
      %mul3A_114 = arith.constant 128 : i32
      %mul3A_115 = arith.muli %mul3A_73, %mul3A_114 : i32
      %dma_start3A_116 = arith.constant 0 : i32
      %dma_start3A_117 = arith.constant 0 : i32
      %dma_start3A_118 = arith.constant 0 : i32
      %dma_start3A_119 = tpu.memref_slice %arg6[%dma_start3A_116, %dma_start3A_117, %dma_start3A_118] : memref<2x128x128xf32, #tpu.memory_space<vmem>> -> memref<1x128x128xf32, #tpu.memory_space<vmem>>
      %dma_start3A_120 = tpu.memref_squeeze %dma_start3A_119 : memref<1x128x128xf32, #tpu.memory_space<vmem>> -> memref<128x128xf32, #tpu.memory_space<vmem>>
      %dma_start3A_121 = tpu.memref_slice %arg7[%mul3A_115] : memref<2560xi32, #tpu.memory_space<vmem>> -> memref<128xi32, #tpu.memory_space<vmem>>
      %dma_start3A_122 = arith.constant 0 : i32
      %dma_start3A_123 = arith.constant 0 : i32
      %dma_start3A_124 = tpu.memref_slice %arg5[%dma_start3A_122, %dma_start3A_123] : memref<10240x128xf32, #tpu.memory_space<vmem_shared>> -> memref<10240x128xf32, #tpu.memory_space<vmem_shared>>
      tpu.enqueue_indirect_dma source(%dma_start3A_120 : memref<128x128xf32, #tpu.memory_space<vmem>>) target(%dma_start3A_124 : memref<10240x128xf32, #tpu.memory_space<vmem_shared>>) offsets(%dma_start3A_121 : memref<128xi32, #tpu.memory_space<vmem>>) semaphore(%arg9 : memref<!tpu.dma_semaphore, #tpu.memory_space<semaphore_mem>>) {add = true}
      %add3A_125 = arith.constant 2 : i32
      %add3A_126 = arith.addi %mul3A_73, %add3A_125 : i32
      %lt3A = arith.constant 20 : i32
      %lt3A_127 = arith.cmpi slt, %add3A_126, %lt3A : i32
      %convert_element_type3A_128 = arith.extui %lt3A_127 : i1 to i32
      %cond3A_129 = arith.constant 0 : i32
      %cond3A_130 = arith.cmpi ne, %convert_element_type3A_128, %cond3A_129 : i32
      scf.if %cond3A_130 {
        %mul3A_165 = arith.constant 128 : i32
        %mul3A_166 = arith.muli %mul3A_73, %mul3A_165 : i32
        %dma_wait3A_167 = arith.constant 0 : i32
        %dma_wait3A_168 = arith.constant 0 : i32
        %dma_wait3A_169 = arith.constant 0 : i32
        %dma_wait3A_170 = tpu.memref_slice %arg6[%dma_wait3A_167, %dma_wait3A_168, %dma_wait3A_169] : memref<2x128x128xf32, #tpu.memory_space<vmem>> -> memref<1x128x128xf32, #tpu.memory_space<vmem>>
        %dma_wait3A_171 = tpu.memref_squeeze %dma_wait3A_170 : memref<1x128x128xf32, #tpu.memory_space<vmem>> -> memref<128x128xf32, #tpu.memory_space<vmem>>
        %dma_wait3A_172 = tpu.memref_slice %arg7[%mul3A_166] : memref<2560xi32, #tpu.memory_space<vmem>> -> memref<128xi32, #tpu.memory_space<vmem>>
        %dma_wait3A_173 = arith.constant 0 : i32
        %dma_wait3A_174 = arith.constant 0 : i32
        %dma_wait3A_175 = tpu.memref_slice %arg5[%dma_wait3A_173, %dma_wait3A_174] : memref<10240x128xf32, #tpu.memory_space<vmem_shared>> -> memref<10240x128xf32, #tpu.memory_space<vmem_shared>>
        tpu.wait_indirect_dma semaphore(%arg9 : memref<!tpu.dma_semaphore, #tpu.memory_space<semaphore_mem>>) src(%dma_wait3A_171 : memref<128x128xf32, #tpu.memory_space<vmem>>) dst(%dma_wait3A_175 : memref<10240x128xf32, #tpu.memory_space<vmem_shared>>)
        %add3A_176 = arith.constant 2 : i32
        %add3A_177 = arith.addi %mul3A_73, %add3A_176 : i32
        %mul3A_178 = arith.constant 2560 : i32
        %mul3A_179 = arith.muli %add3A, %mul3A_178 : i32
        %mul3A_180 = arith.constant 128 : i32
        %mul3A_181 = arith.muli %add3A_177, %mul3A_180 : i32
        %add3A_182 = arith.addi %mul3A_179, %mul3A_181 : i32
        %dma_start3A_183 = arith.constant 0 : i32
        %dma_start3A_184 = arith.constant 0 : i32
        %dma_start3A_185 = arith.constant 0 : i32
        %dma_start3A_186 = tpu.memref_slice %arg6[%dma_start3A_183, %dma_start3A_184, %dma_start3A_185] : memref<2x128x128xf32, #tpu.memory_space<vmem>> -> memref<1x128x128xf32, #tpu.memory_space<vmem>>
        %dma_start3A_187 = tpu.memref_squeeze %dma_start3A_186 : memref<1x128x128xf32, #tpu.memory_space<vmem>> -> memref<128x128xf32, #tpu.memory_space<vmem>>
        %dma_start3A_188 = arith.constant 0 : i32
        %dma_start3A_189 = tpu.memref_slice %arg2[%add3A_182, %dma_start3A_188] : memref<81920x128xf32, #tpu.memory_space<hbm>> -> memref<128x128xf32, #tpu.memory_space<hbm>>
        %dma_start3A_190 = arith.constant 0 : i32
        %dma_start3A_191 = arith.constant 0 : i32
        %dma_start3A_192 = tpu.memref_slice %arg6[%dma_start3A_183, %dma_start3A_190, %dma_start3A_191] : memref<2x128x128xf32, #tpu.memory_space<vmem>> -> memref<1x128x128xf32, #tpu.memory_space<vmem>>
        %dma_start3A_193 = tpu.memref_squeeze %dma_start3A_192 : memref<1x128x128xf32, #tpu.memory_space<vmem>> -> memref<128x128xf32, #tpu.memory_space<vmem>>
        %dma_start3A_194 = arith.constant 0 : i32
        %dma_start3A_195 = tpu.memref_slice %arg2[%add3A_182, %dma_start3A_194] : memref<81920x128xf32, #tpu.memory_space<hbm>> -> memref<128x128xf32, #tpu.memory_space<hbm>>
        tpu.enqueue_dma source(%dma_start3A_195 : memref<128x128xf32, #tpu.memory_space<hbm>>) target(%dma_start3A_193 : memref<128x128xf32, #tpu.memory_space<vmem>>) target_semaphore(%arg8 : memref<!tpu.dma_semaphore, #tpu.memory_space<semaphore_mem>>)
      } else {
      }
      %add3A_131 = arith.constant 1 : i32
      %add3A_132 = arith.addi %mul3A_73, %add3A_131 : i32
      %mul3A_133 = arith.constant 2560 : i32
      %mul3A_134 = arith.muli %add3A, %mul3A_133 : i32
      %mul3A_135 = arith.constant 128 : i32
      %mul3A_136 = arith.muli %add3A_132, %mul3A_135 : i32
      %add3A_137 = arith.addi %mul3A_134, %mul3A_136 : i32
      %dma_wait3A_138 = arith.constant 1 : i32
      %dma_wait3A_139 = arith.constant 0 : i32
      %dma_wait3A_140 = arith.constant 0 : i32
      %dma_wait3A_141 = tpu.memref_slice %arg6[%dma_wait3A_138, %dma_wait3A_139, %dma_wait3A_140] : memref<2x128x128xf32, #tpu.memory_space<vmem>> -> memref<1x128x128xf32, #tpu.memory_space<vmem>>
      %dma_wait3A_142 = tpu.memref_squeeze %dma_wait3A_141 : memref<1x128x128xf32, #tpu.memory_space<vmem>> -> memref<128x128xf32, #tpu.memory_space<vmem>>
      %dma_wait3A_143 = arith.constant 0 : i32
      %dma_wait3A_144 = tpu.memref_slice %arg2[%add3A_137, %dma_wait3A_143] : memref<81920x128xf32, #tpu.memory_space<hbm>> -> memref<128x128xf32, #tpu.memory_space<hbm>>
      %dma_wait3A_145 = arith.constant 0 : i32
      %dma_wait3A_146 = arith.constant 0 : i32
      %dma_wait3A_147 = tpu.memref_slice %arg6[%dma_wait3A_138, %dma_wait3A_145, %dma_wait3A_146] : memref<2x128x128xf32, #tpu.memory_space<vmem>> -> memref<1x128x128xf32, #tpu.memory_space<vmem>>
      %dma_wait3A_148 = tpu.memref_squeeze %dma_wait3A_147 : memref<1x128x128xf32, #tpu.memory_space<vmem>> -> memref<128x128xf32, #tpu.memory_space<vmem>>
      %dma_wait3A_149 = arith.constant 0 : i32
      %dma_wait3A_150 = tpu.memref_slice %arg2[%add3A_137, %dma_wait3A_149] : memref<81920x128xf32, #tpu.memory_space<hbm>> -> memref<128x128xf32, #tpu.memory_space<hbm>>
      tpu.wait_dma2 semaphore(%arg8 : memref<!tpu.dma_semaphore, #tpu.memory_space<semaphore_mem>>) src(%dma_wait3A_150 : memref<128x128xf32, #tpu.memory_space<hbm>>) dst(%dma_wait3A_148 : memref<128x128xf32, #tpu.memory_space<vmem>>)
      %add3A_151 = arith.constant 1 : i32
      %add3A_152 = arith.addi %mul3A_73, %add3A_151 : i32
      %mul3A_153 = arith.constant 128 : i32
      %mul3A_154 = arith.muli %add3A_152, %mul3A_153 : i32
      %dma_start3A_155 = arith.constant 1 : i32
      %dma_start3A_156 = arith.constant 0 : i32
      %dma_start3A_157 = arith.constant 0 : i32
      %dma_start3A_158 = tpu.memref_slice %arg6[%dma_start3A_155, %dma_start3A_156, %dma_start3A_157] : memref<2x128x128xf32, #tpu.memory_space<vmem>> -> memref<1x128x128xf32, #tpu.memory_space<vmem>>
      %dma_start3A_159 = tpu.memref_squeeze %dma_start3A_158 : memref<1x128x128xf32, #tpu.memory_space<vmem>> -> memref<128x128xf32, #tpu.memory_space<vmem>>
      %dma_start3A_160 = tpu.memref_slice %arg7[%mul3A_154] : memref<2560xi32, #tpu.memory_space<vmem>> -> memref<128xi32, #tpu.memory_space<vmem>>
      %dma_start3A_161 = arith.constant 0 : i32
      %dma_start3A_162 = arith.constant 0 : i32
      %dma_start3A_163 = tpu.memref_slice %arg5[%dma_start3A_161, %dma_start3A_162] : memref<10240x128xf32, #tpu.memory_space<vmem_shared>> -> memref<10240x128xf32, #tpu.memory_space<vmem_shared>>
      tpu.enqueue_indirect_dma source(%dma_start3A_159 : memref<128x128xf32, #tpu.memory_space<vmem>>) target(%dma_start3A_163 : memref<10240x128xf32, #tpu.memory_space<vmem_shared>>) offsets(%dma_start3A_160 : memref<128xi32, #tpu.memory_space<vmem>>) semaphore(%arg9 : memref<!tpu.dma_semaphore, #tpu.memory_space<semaphore_mem>>) {add = true}
      %scan3A_164 = arith.constant 0 : i32
      scf.yield %scan3A_164 : i32
    }
    %scan3A_45 = arith.constant 10 : i32
    %dma_wait3A = arith.constant 0 : i32
    %dma_wait3A_46 = arith.constant 0 : i32
    %dma_wait3A_47 = arith.constant 0 : i32
    %dma_wait3A_48 = tpu.memref_slice %arg6[%dma_wait3A, %dma_wait3A_46, %dma_wait3A_47] : memref<2x128x128xf32, #tpu.memory_space<vmem>> -> memref<1x128x128xf32, #tpu.memory_space<vmem>>
    %dma_wait3A_49 = tpu.memref_squeeze %dma_wait3A_48 : memref<1x128x128xf32, #tpu.memory_space<vmem>> -> memref<128x128xf32, #tpu.memory_space<vmem>>
    %dma_wait3A_50 = arith.constant 2304 : i32
    %dma_wait3A_51 = tpu.memref_slice %arg7[%dma_wait3A_50] : memref<2560xi32, #tpu.memory_space<vmem>> -> memref<128xi32, #tpu.memory_space<vmem>>
    %dma_wait3A_52 = arith.constant 0 : i32
    %dma_wait3A_53 = arith.constant 0 : i32
    %dma_wait3A_54 = tpu.memref_slice %arg5[%dma_wait3A_52, %dma_wait3A_53] : memref<10240x128xf32, #tpu.memory_space<vmem_shared>> -> memref<10240x128xf32, #tpu.memory_space<vmem_shared>>
    tpu.wait_indirect_dma semaphore(%arg9 : memref<!tpu.dma_semaphore, #tpu.memory_space<semaphore_mem>>) src(%dma_wait3A_49 : memref<128x128xf32, #tpu.memory_space<vmem>>) dst(%dma_wait3A_54 : memref<10240x128xf32, #tpu.memory_space<vmem_shared>>)
    %dma_wait3A_55 = arith.constant 1 : i32
    %dma_wait3A_56 = arith.constant 0 : i32
    %dma_wait3A_57 = arith.constant 0 : i32
    %dma_wait3A_58 = tpu.memref_slice %arg6[%dma_wait3A_55, %dma_wait3A_56, %dma_wait3A_57] : memref<2x128x128xf32, #tpu.memory_space<vmem>> -> memref<1x128x128xf32, #tpu.memory_space<vmem>>
    %dma_wait3A_59 = tpu.memref_squeeze %dma_wait3A_58 : memref<1x128x128xf32, #tpu.memory_space<vmem>> -> memref<128x128xf32, #tpu.memory_space<vmem>>
    %dma_wait3A_60 = arith.constant 2432 : i32
    %dma_wait3A_61 = tpu.memref_slice %arg7[%dma_wait3A_60] : memref<2560xi32, #tpu.memory_space<vmem>> -> memref<128xi32, #tpu.memory_space<vmem>>
    %dma_wait3A_62 = arith.constant 0 : i32
    %dma_wait3A_63 = arith.constant 0 : i32
    %dma_wait3A_64 = tpu.memref_slice %arg5[%dma_wait3A_62, %dma_wait3A_63] : memref<10240x128xf32, #tpu.memory_space<vmem_shared>> -> memref<10240x128xf32, #tpu.memory_space<vmem_shared>>
    tpu.wait_indirect_dma semaphore(%arg9 : memref<!tpu.dma_semaphore, #tpu.memory_space<semaphore_mem>>) src(%dma_wait3A_59 : memref<128x128xf32, #tpu.memory_space<vmem>>) dst(%dma_wait3A_64 : memref<10240x128xf32, #tpu.memory_space<vmem_shared>>)
    %barrier3A_65 = arith.constant 0 : index
    tpu.barrier barrier_id(%barrier3A_65)
    %mul3A_66 = arith.constant 640 : i32
    %mul3A_67 = arith.muli %arg1, %mul3A_66 : i32
    %mul3A_68 = arith.constant 640 : i32
    %mul3A_69 = arith.muli %arg1, %mul3A_68 : i32
    "tpu.region"() ({
      %run_scoped3A = tpu.sem_alloc : memref<!tpu.dma_semaphore, #tpu.memory_space<semaphore_mem>>
      %dma_start3A_70 = arith.constant 0 : i32
      %dma_start3A_71 = tpu.memref_slice %arg4[%arg0, %mul3A_69, %dma_start3A_70] : memref<2x10240x128xf32, #tpu.memory_space<hbm>> -> memref<1x640x128xf32, #tpu.memory_space<hbm>>
      %dma_start3A_72 = tpu.memref_squeeze %dma_start3A_71 : memref<1x640x128xf32, #tpu.memory_space<hbm>> -> memref<640x128xf32, #tpu.memory_space<hbm>>
      %dma_start3A_73 = arith.constant 0 : i32
      %dma_start3A_74 = tpu.memref_slice %arg5[%mul3A_67, %dma_start3A_73] : memref<10240x128xf32, #tpu.memory_space<vmem_shared>> -> memref<640x128xf32, #tpu.memory_space<vmem_shared>>
      tpu.enqueue_dma source(%dma_start3A_74 : memref<640x128xf32, #tpu.memory_space<vmem_shared>>) target(%dma_start3A_72 : memref<640x128xf32, #tpu.memory_space<hbm>>) target_semaphore(%run_scoped3A : memref<!tpu.dma_semaphore, #tpu.memory_space<semaphore_mem>>)
      %dma_wait3A_75 = arith.constant 0 : i32
      %dma_wait3A_76 = tpu.memref_slice %arg4[%arg0, %mul3A_69, %dma_wait3A_75] : memref<2x10240x128xf32, #tpu.memory_space<hbm>> -> memref<1x640x128xf32, #tpu.memory_space<hbm>>
      %dma_wait3A_77 = tpu.memref_squeeze %dma_wait3A_76 : memref<1x640x128xf32, #tpu.memory_space<hbm>> -> memref<640x128xf32, #tpu.memory_space<hbm>>
      %dma_wait3A_78 = arith.constant 0 : i32
      %dma_wait3A_79 = tpu.memref_slice %arg5[%mul3A_67, %dma_wait3A_78] : memref<10240x128xf32, #tpu.memory_space<vmem_shared>> -> memref<640x128xf32, #tpu.memory_space<vmem_shared>>
      tpu.wait_dma2 semaphore(%run_scoped3A : memref<!tpu.dma_semaphore, #tpu.memory_space<semaphore_mem>>) src(%dma_wait3A_79 : memref<640x128xf32, #tpu.memory_space<vmem_shared>>) dst(%dma_wait3A_77 : memref<640x128xf32, #tpu.memory_space<hbm>>)
      tpu.yield
    }) : () -> ()
    return
  }
}

#map = affine_map<(d0, d1) -> (0)>
module attributes {stable_mosaic.version = 14 : i64} {
  func.func @sc_gather(%arg0: i32, %arg1: i32, %arg2: memref<163840xi32, #tpu.memory_space<hbm>>, %arg3: memref<163840xi32, #tpu.memory_space<hbm>>, %arg4: memref<57344xi32, #tpu.memory_space<hbm>>, %arg5: memref<57344xi32, #tpu.memory_space<hbm>>, %arg6: memref<10000xi32, #tpu.memory_space<hbm>>, %arg7: memref<40000xf32, #tpu.memory_space<hbm>>, %arg8: memref<2048xf32, #tpu.memory_space<hbm>>, %arg9: memref<163840xf32, #tpu.memory_space<hbm>>, %arg10: memref<57344xf32, #tpu.memory_space<hbm>>, %arg11: memref<163840xi32, #tpu.memory_space<hbm>>, %arg12: memref<40000xf32, #tpu.memory_space<vmem>>, %arg13: memref<10000xi32, #tpu.memory_space<vmem>>, %arg14: memref<2048xf32, #tpu.memory_space<vmem>>, %arg15: memref<5120xi32, #tpu.memory_space<vmem>>, %arg16: memref<5120xi32, #tpu.memory_space<vmem>>, %arg17: memref<5120xi32, #tpu.memory_space<vmem>>, %arg18: memref<5120xf32, #tpu.memory_space<vmem>>, %arg19: memref<1792xi32, #tpu.memory_space<vmem>>, %arg20: memref<1792xi32, #tpu.memory_space<vmem>>, %arg21: memref<1792xf32, #tpu.memory_space<vmem>>) attributes {dimension_semantics = [#tpu.dimension_semantics<core_parallel>, #tpu.dimension_semantics<subcore_parallel>], iteration_bounds = array<i64: 2, 16>, scalar_prefetch = 0 : i64, scratch_operands = 10 : i64, tpu.core_type = #tpu.core_type<sc_vector_subcore>, window_params = [{transform_indices = #map}, {transform_indices = #map}, {transform_indices = #map}, {transform_indices = #map}, {transform_indices = #map}, {transform_indices = #map}, {transform_indices = #map}, {transform_indices = #map}, {transform_indices = #map}, {transform_indices = #map}]} {
    %mul3A = arith.constant 16 : i32
    %mul3A_0 = arith.muli %arg0, %mul3A : i32
    %add3A = arith.addi %mul3A_0, %arg1 : i32
    %mul3A_1 = arith.constant 5120 : i32
    %mul3A_2 = arith.muli %add3A, %mul3A_1 : i32
    %mul3A_3 = arith.constant 1792 : i32
    %mul3A_4 = arith.muli %add3A, %mul3A_3 : i32
    "tpu.region"() ({
      %run_scoped3A = tpu.sem_alloc : memref<!tpu.dma_semaphore, #tpu.memory_space<semaphore_mem>>
      tpu.enqueue_dma source(%arg7 : memref<40000xf32, #tpu.memory_space<hbm>>) target(%arg12 : memref<40000xf32, #tpu.memory_space<vmem>>) target_semaphore(%run_scoped3A : memref<!tpu.dma_semaphore, #tpu.memory_space<semaphore_mem>>)
      tpu.wait_dma2 semaphore(%run_scoped3A : memref<!tpu.dma_semaphore, #tpu.memory_space<semaphore_mem>>) src(%arg7 : memref<40000xf32, #tpu.memory_space<hbm>>) dst(%arg12 : memref<40000xf32, #tpu.memory_space<vmem>>)
      tpu.yield
    }) : () -> ()
    "tpu.region"() ({
      %run_scoped3A = tpu.sem_alloc : memref<!tpu.dma_semaphore, #tpu.memory_space<semaphore_mem>>
      tpu.enqueue_dma source(%arg6 : memref<10000xi32, #tpu.memory_space<hbm>>) target(%arg13 : memref<10000xi32, #tpu.memory_space<vmem>>) target_semaphore(%run_scoped3A : memref<!tpu.dma_semaphore, #tpu.memory_space<semaphore_mem>>)
      tpu.wait_dma2 semaphore(%run_scoped3A : memref<!tpu.dma_semaphore, #tpu.memory_space<semaphore_mem>>) src(%arg6 : memref<10000xi32, #tpu.memory_space<hbm>>) dst(%arg13 : memref<10000xi32, #tpu.memory_space<vmem>>)
      tpu.yield
    }) : () -> ()
    "tpu.region"() ({
      %run_scoped3A = tpu.sem_alloc : memref<!tpu.dma_semaphore, #tpu.memory_space<semaphore_mem>>
      tpu.enqueue_dma source(%arg8 : memref<2048xf32, #tpu.memory_space<hbm>>) target(%arg14 : memref<2048xf32, #tpu.memory_space<vmem>>) target_semaphore(%run_scoped3A : memref<!tpu.dma_semaphore, #tpu.memory_space<semaphore_mem>>)
      tpu.wait_dma2 semaphore(%run_scoped3A : memref<!tpu.dma_semaphore, #tpu.memory_space<semaphore_mem>>) src(%arg8 : memref<2048xf32, #tpu.memory_space<hbm>>) dst(%arg14 : memref<2048xf32, #tpu.memory_space<vmem>>)
      tpu.yield
    }) : () -> ()
    "tpu.region"() ({
      %run_scoped3A = tpu.sem_alloc : memref<!tpu.dma_semaphore, #tpu.memory_space<semaphore_mem>>
      %dma_start3A = tpu.memref_slice %arg2[%mul3A_2] : memref<163840xi32, #tpu.memory_space<hbm>> -> memref<5120xi32, #tpu.memory_space<hbm>>
      %dma_start3A_18 = tpu.memref_slice %arg2[%mul3A_2] : memref<163840xi32, #tpu.memory_space<hbm>> -> memref<5120xi32, #tpu.memory_space<hbm>>
      tpu.enqueue_dma source(%dma_start3A_18 : memref<5120xi32, #tpu.memory_space<hbm>>) target(%arg15 : memref<5120xi32, #tpu.memory_space<vmem>>) target_semaphore(%run_scoped3A : memref<!tpu.dma_semaphore, #tpu.memory_space<semaphore_mem>>)
      %dma_wait3A = tpu.memref_slice %arg2[%mul3A_2] : memref<163840xi32, #tpu.memory_space<hbm>> -> memref<5120xi32, #tpu.memory_space<hbm>>
      %dma_wait3A_19 = tpu.memref_slice %arg2[%mul3A_2] : memref<163840xi32, #tpu.memory_space<hbm>> -> memref<5120xi32, #tpu.memory_space<hbm>>
      tpu.wait_dma2 semaphore(%run_scoped3A : memref<!tpu.dma_semaphore, #tpu.memory_space<semaphore_mem>>) src(%dma_wait3A_19 : memref<5120xi32, #tpu.memory_space<hbm>>) dst(%arg15 : memref<5120xi32, #tpu.memory_space<vmem>>)
      tpu.yield
    }) : () -> ()
    "tpu.region"() ({
      %run_scoped3A = tpu.sem_alloc : memref<!tpu.dma_semaphore, #tpu.memory_space<semaphore_mem>>
      %dma_start3A = tpu.memref_slice %arg3[%mul3A_2] : memref<163840xi32, #tpu.memory_space<hbm>> -> memref<5120xi32, #tpu.memory_space<hbm>>
      %dma_start3A_18 = tpu.memref_slice %arg3[%mul3A_2] : memref<163840xi32, #tpu.memory_space<hbm>> -> memref<5120xi32, #tpu.memory_space<hbm>>
      tpu.enqueue_dma source(%dma_start3A_18 : memref<5120xi32, #tpu.memory_space<hbm>>) target(%arg16 : memref<5120xi32, #tpu.memory_space<vmem>>) target_semaphore(%run_scoped3A : memref<!tpu.dma_semaphore, #tpu.memory_space<semaphore_mem>>)
      %dma_wait3A = tpu.memref_slice %arg3[%mul3A_2] : memref<163840xi32, #tpu.memory_space<hbm>> -> memref<5120xi32, #tpu.memory_space<hbm>>
      %dma_wait3A_19 = tpu.memref_slice %arg3[%mul3A_2] : memref<163840xi32, #tpu.memory_space<hbm>> -> memref<5120xi32, #tpu.memory_space<hbm>>
      tpu.wait_dma2 semaphore(%run_scoped3A : memref<!tpu.dma_semaphore, #tpu.memory_space<semaphore_mem>>) src(%dma_wait3A_19 : memref<5120xi32, #tpu.memory_space<hbm>>) dst(%arg16 : memref<5120xi32, #tpu.memory_space<vmem>>)
      tpu.yield
    }) : () -> ()
    "tpu.region"() ({
      %run_scoped3A = tpu.sem_alloc : memref<!tpu.dma_semaphore, #tpu.memory_space<semaphore_mem>>
      %dma_start3A = tpu.memref_slice %arg4[%mul3A_4] : memref<57344xi32, #tpu.memory_space<hbm>> -> memref<1792xi32, #tpu.memory_space<hbm>>
      %dma_start3A_18 = tpu.memref_slice %arg4[%mul3A_4] : memref<57344xi32, #tpu.memory_space<hbm>> -> memref<1792xi32, #tpu.memory_space<hbm>>
      tpu.enqueue_dma source(%dma_start3A_18 : memref<1792xi32, #tpu.memory_space<hbm>>) target(%arg19 : memref<1792xi32, #tpu.memory_space<vmem>>) target_semaphore(%run_scoped3A : memref<!tpu.dma_semaphore, #tpu.memory_space<semaphore_mem>>)
      %dma_wait3A = tpu.memref_slice %arg4[%mul3A_4] : memref<57344xi32, #tpu.memory_space<hbm>> -> memref<1792xi32, #tpu.memory_space<hbm>>
      %dma_wait3A_19 = tpu.memref_slice %arg4[%mul3A_4] : memref<57344xi32, #tpu.memory_space<hbm>> -> memref<1792xi32, #tpu.memory_space<hbm>>
      tpu.wait_dma2 semaphore(%run_scoped3A : memref<!tpu.dma_semaphore, #tpu.memory_space<semaphore_mem>>) src(%dma_wait3A_19 : memref<1792xi32, #tpu.memory_space<hbm>>) dst(%arg19 : memref<1792xi32, #tpu.memory_space<vmem>>)
      tpu.yield
    }) : () -> ()
    "tpu.region"() ({
      %run_scoped3A = tpu.sem_alloc : memref<!tpu.dma_semaphore, #tpu.memory_space<semaphore_mem>>
      %dma_start3A = tpu.memref_slice %arg5[%mul3A_4] : memref<57344xi32, #tpu.memory_space<hbm>> -> memref<1792xi32, #tpu.memory_space<hbm>>
      %dma_start3A_18 = tpu.memref_slice %arg5[%mul3A_4] : memref<57344xi32, #tpu.memory_space<hbm>> -> memref<1792xi32, #tpu.memory_space<hbm>>
      tpu.enqueue_dma source(%dma_start3A_18 : memref<1792xi32, #tpu.memory_space<hbm>>) target(%arg20 : memref<1792xi32, #tpu.memory_space<vmem>>) target_semaphore(%run_scoped3A : memref<!tpu.dma_semaphore, #tpu.memory_space<semaphore_mem>>)
      %dma_wait3A = tpu.memref_slice %arg5[%mul3A_4] : memref<57344xi32, #tpu.memory_space<hbm>> -> memref<1792xi32, #tpu.memory_space<hbm>>
      %dma_wait3A_19 = tpu.memref_slice %arg5[%mul3A_4] : memref<57344xi32, #tpu.memory_space<hbm>> -> memref<1792xi32, #tpu.memory_space<hbm>>
      tpu.wait_dma2 semaphore(%run_scoped3A : memref<!tpu.dma_semaphore, #tpu.memory_space<semaphore_mem>>) src(%dma_wait3A_19 : memref<1792xi32, #tpu.memory_space<hbm>>) dst(%arg20 : memref<1792xi32, #tpu.memory_space<vmem>>)
      tpu.yield
    }) : () -> ()
    %iota3A = tpu.iota {dimensions = array<i32: 0>} : vector<16xi32>
    %scan3A = arith.constant 0 : i32
    %scan3A_5 = arith.constant 0 : i32
    %scan3A_6 = arith.constant 320 : i32
    %scan3A_7 = arith.addi %scan3A_5, %scan3A_6 : i32
    %scan3A_8 = arith.constant 1 : i32
    %scan3A_9 = scf.for %scan3A_18 = %scan3A_5 to %scan3A_7 step %scan3A_8 iter_args(%scan3A_19 = %scan3A) -> (i32)  : i32 {
      %mul3A_20 = arith.constant 16 : i32
      %mul3A_21 = arith.muli %scan3A_18, %mul3A_20 : i32
      %get3A = arith.index_cast %mul3A_21 : i32 to index
      %get3A_22 = tpu.vector_load %arg15[%get3A] {strides = array<i32>} : memref<5120xi32, #tpu.memory_space<vmem>>, vector<16xi32>,
      %mul3A_23 = arith.constant 4 : i32
      %mul3A_24 = vector.broadcast %mul3A_23 : i32 to vector<16xi32>
      %mul3A_25 = arith.muli %get3A_22, %mul3A_24 : vector<16xi32>
      %mul3A_26 = arith.constant 16 : i32
      %mul3A_27 = arith.muli %scan3A_18, %mul3A_26 : i32
      %get3A_28 = arith.index_cast %mul3A_27 : i32 to index
      %get3A_29 = tpu.vector_load %arg16[%get3A_28] {strides = array<i32>} : memref<5120xi32, #tpu.memory_space<vmem>>, vector<16xi32>,
      %mul3A_30 = arith.constant 4 : i32
      %mul3A_31 = vector.broadcast %mul3A_30 : i32 to vector<16xi32>
      %mul3A_32 = arith.muli %get3A_29, %mul3A_31 : vector<16xi32>
      %gather3A = tpu.vector_load_idx %arg12[%mul3A_25] : memref<40000xf32, #tpu.memory_space<vmem>>[vector<16xi32>], vector<16xf32>,
      %gather3A_33 = tpu.vector_load_idx %arg12[%mul3A_32] : memref<40000xf32, #tpu.memory_space<vmem>>[vector<16xi32>], vector<16xf32>,
      %sub3A = arith.subf %gather3A, %gather3A_33 : vector<16xf32>
      %add3A_34 = arith.constant 1 : i32
      %add3A_35 = vector.broadcast %add3A_34 : i32 to vector<16xi32>
      %add3A_36 = arith.addi %mul3A_25, %add3A_35 : vector<16xi32>
      %gather3A_37 = tpu.vector_load_idx %arg12[%add3A_36] : memref<40000xf32, #tpu.memory_space<vmem>>[vector<16xi32>], vector<16xf32>,
      %add3A_38 = arith.constant 1 : i32
      %add3A_39 = vector.broadcast %add3A_38 : i32 to vector<16xi32>
      %add3A_40 = arith.addi %mul3A_32, %add3A_39 : vector<16xi32>
      %gather3A_41 = tpu.vector_load_idx %arg12[%add3A_40] : memref<40000xf32, #tpu.memory_space<vmem>>[vector<16xi32>], vector<16xf32>,
      %sub3A_42 = arith.subf %gather3A_37, %gather3A_41 : vector<16xf32>
      %add3A_43 = arith.constant 2 : i32
      %add3A_44 = vector.broadcast %add3A_43 : i32 to vector<16xi32>
      %add3A_45 = arith.addi %mul3A_25, %add3A_44 : vector<16xi32>
      %gather3A_46 = tpu.vector_load_idx %arg12[%add3A_45] : memref<40000xf32, #tpu.memory_space<vmem>>[vector<16xi32>], vector<16xf32>,
      %add3A_47 = arith.constant 2 : i32
      %add3A_48 = vector.broadcast %add3A_47 : i32 to vector<16xi32>
      %add3A_49 = arith.addi %mul3A_32, %add3A_48 : vector<16xi32>
      %gather3A_50 = tpu.vector_load_idx %arg12[%add3A_49] : memref<40000xf32, #tpu.memory_space<vmem>>[vector<16xi32>], vector<16xf32>,
      %sub3A_51 = arith.subf %gather3A_46, %gather3A_50 : vector<16xf32>
      %mul3A_52 = arith.mulf %sub3A, %sub3A : vector<16xf32>
      %mul3A_53 = arith.mulf %sub3A_42, %sub3A_42 : vector<16xf32>
      %add3A_54 = arith.addf %mul3A_52, %mul3A_53 : vector<16xf32>
      %mul3A_55 = arith.mulf %sub3A_51, %sub3A_51 : vector<16xf32>
      %add3A_56 = arith.addf %add3A_54, %mul3A_55 : vector<16xf32>
      %mul3A_57 = arith.constant 16 : i32
      %mul3A_58 = arith.muli %scan3A_18, %mul3A_57 : i32
      %add3A_59 = arith.addi %mul3A_2, %mul3A_58 : i32
      %add3A_60 = vector.broadcast %add3A_59 : i32 to vector<16xi32>
      %add3A_61 = arith.addi %add3A_60, %iota3A : vector<16xi32>
      %lt3A = arith.constant 160000 : i32
      %lt3A_62 = vector.broadcast %lt3A : i32 to vector<16xi32>
      %lt3A_63 = arith.cmpi slt, %add3A_61, %lt3A_62 : vector<16xi32>
      %ne3A = arith.cmpi ne, %mul3A_25, %mul3A_32 : vector<16xi32>
      %and3A = arith.andi %lt3A_63, %ne3A : vector<16xi1>
      %jit3A = arith.constant -1.000000e+00 : f32
      %broadcast_in_dim3A = vector.broadcast %jit3A : f32 to vector<16xf32>
      %select_n3A = arith.select %and3A, %add3A_56, %broadcast_in_dim3A : vector<16xi1>, vector<16xf32>
      %mul3A_64 = arith.constant 16 : i32
      %mul3A_65 = arith.muli %scan3A_18, %mul3A_64 : i32
      %swap3A = arith.index_cast %mul3A_65 : i32 to index
      %swap3A_66 = tpu.vector_load %arg18[%swap3A] {strides = array<i32>} : memref<5120xf32, #tpu.memory_space<vmem>>, vector<16xf32>,
      tpu.vector_store %arg18[%swap3A], %select_n3A {strides = array<i32>} : memref<5120xf32, #tpu.memory_space<vmem>>, vector<16xf32>,
      %mul3A_67 = arith.constant 16 : i32
      %mul3A_68 = arith.muli %scan3A_18, %mul3A_67 : i32
      %get3A_69 = arith.index_cast %mul3A_68 : i32 to index
      %get3A_70 = tpu.vector_load %arg15[%get3A_69] {strides = array<i32>} : memref<5120xi32, #tpu.memory_space<vmem>>, vector<16xi32>,
      %gather3A_71 = tpu.vector_load_idx %arg13[%get3A_70] : memref<10000xi32, #tpu.memory_space<vmem>>[vector<16xi32>], vector<16xi32>,
      %mul3A_72 = arith.constant 16 : i32
      %mul3A_73 = arith.muli %scan3A_18, %mul3A_72 : i32
      %swap3A_74 = arith.index_cast %mul3A_73 : i32 to index
      %swap3A_75 = tpu.vector_load %arg17[%swap3A_74] {strides = array<i32>} : memref<5120xi32, #tpu.memory_space<vmem>>, vector<16xi32>,
      tpu.vector_store %arg17[%swap3A_74], %gather3A_71 {strides = array<i32>} : memref<5120xi32, #tpu.memory_space<vmem>>, vector<16xi32>,
      %scan3A_76 = arith.constant 0 : i32
      scf.yield %scan3A_76 : i32
    }
    %scan3A_10 = arith.constant 320 : i32
    %scan3A_11 = arith.constant 0 : i32
    %scan3A_12 = arith.constant 0 : i32
    %scan3A_13 = arith.constant 112 : i32
    %scan3A_14 = arith.addi %scan3A_12, %scan3A_13 : i32
    %scan3A_15 = arith.constant 1 : i32
    %scan3A_16 = scf.for %scan3A_18 = %scan3A_12 to %scan3A_14 step %scan3A_15 iter_args(%scan3A_19 = %scan3A_11) -> (i32)  : i32 {
      %mul3A_20 = arith.constant 16 : i32
      %mul3A_21 = arith.muli %scan3A_18, %mul3A_20 : i32
      %get3A = arith.index_cast %mul3A_21 : i32 to index
      %get3A_22 = tpu.vector_load %arg19[%get3A] {strides = array<i32>} : memref<1792xi32, #tpu.memory_space<vmem>>, vector<16xi32>,
      %mul3A_23 = arith.constant 4 : i32
      %mul3A_24 = vector.broadcast %mul3A_23 : i32 to vector<16xi32>
      %mul3A_25 = arith.muli %get3A_22, %mul3A_24 : vector<16xi32>
      %mul3A_26 = arith.constant 16 : i32
      %mul3A_27 = arith.muli %scan3A_18, %mul3A_26 : i32
      %get3A_28 = arith.index_cast %mul3A_27 : i32 to index
      %get3A_29 = tpu.vector_load %arg20[%get3A_28] {strides = array<i32>} : memref<1792xi32, #tpu.memory_space<vmem>>, vector<16xi32>,
      %mul3A_30 = arith.constant 4 : i32
      %mul3A_31 = vector.broadcast %mul3A_30 : i32 to vector<16xi32>
      %mul3A_32 = arith.muli %get3A_29, %mul3A_31 : vector<16xi32>
      %gather3A = tpu.vector_load_idx %arg12[%mul3A_25] : memref<40000xf32, #tpu.memory_space<vmem>>[vector<16xi32>], vector<16xf32>,
      %gather3A_33 = tpu.vector_load_idx %arg14[%mul3A_32] : memref<2048xf32, #tpu.memory_space<vmem>>[vector<16xi32>], vector<16xf32>,
      %sub3A = arith.subf %gather3A, %gather3A_33 : vector<16xf32>
      %add3A_34 = arith.constant 1 : i32
      %add3A_35 = vector.broadcast %add3A_34 : i32 to vector<16xi32>
      %add3A_36 = arith.addi %mul3A_25, %add3A_35 : vector<16xi32>
      %gather3A_37 = tpu.vector_load_idx %arg12[%add3A_36] : memref<40000xf32, #tpu.memory_space<vmem>>[vector<16xi32>], vector<16xf32>,
      %add3A_38 = arith.constant 1 : i32
      %add3A_39 = vector.broadcast %add3A_38 : i32 to vector<16xi32>
      %add3A_40 = arith.addi %mul3A_32, %add3A_39 : vector<16xi32>
      %gather3A_41 = tpu.vector_load_idx %arg14[%add3A_40] : memref<2048xf32, #tpu.memory_space<vmem>>[vector<16xi32>], vector<16xf32>,
      %sub3A_42 = arith.subf %gather3A_37, %gather3A_41 : vector<16xf32>
      %add3A_43 = arith.constant 2 : i32
      %add3A_44 = vector.broadcast %add3A_43 : i32 to vector<16xi32>
      %add3A_45 = arith.addi %mul3A_25, %add3A_44 : vector<16xi32>
      %gather3A_46 = tpu.vector_load_idx %arg12[%add3A_45] : memref<40000xf32, #tpu.memory_space<vmem>>[vector<16xi32>], vector<16xf32>,
      %add3A_47 = arith.constant 2 : i32
      %add3A_48 = vector.broadcast %add3A_47 : i32 to vector<16xi32>
      %add3A_49 = arith.addi %mul3A_32, %add3A_48 : vector<16xi32>
      %gather3A_50 = tpu.vector_load_idx %arg14[%add3A_49] : memref<2048xf32, #tpu.memory_space<vmem>>[vector<16xi32>], vector<16xf32>,
      %sub3A_51 = arith.subf %gather3A_46, %gather3A_50 : vector<16xf32>
      %mul3A_52 = arith.mulf %sub3A, %sub3A : vector<16xf32>
      %mul3A_53 = arith.mulf %sub3A_42, %sub3A_42 : vector<16xf32>
      %add3A_54 = arith.addf %mul3A_52, %mul3A_53 : vector<16xf32>
      %mul3A_55 = arith.mulf %sub3A_51, %sub3A_51 : vector<16xf32>
      %add3A_56 = arith.addf %add3A_54, %mul3A_55 : vector<16xf32>
      %mul3A_57 = arith.constant 16 : i32
      %mul3A_58 = arith.muli %scan3A_18, %mul3A_57 : i32
      %add3A_59 = arith.addi %mul3A_4, %mul3A_58 : i32
      %add3A_60 = vector.broadcast %add3A_59 : i32 to vector<16xi32>
      %add3A_61 = arith.addi %add3A_60, %iota3A : vector<16xi32>
      %lt3A = arith.constant 50000 : i32
      %lt3A_62 = vector.broadcast %lt3A : i32 to vector<16xi32>
      %lt3A_63 = arith.cmpi slt, %add3A_61, %lt3A_62 : vector<16xi32>
      %jit3A = arith.constant 1.000000e+09 : f32
      %broadcast_in_dim3A = vector.broadcast %jit3A : f32 to vector<16xf32>
      %select_n3A = arith.select %lt3A_63, %add3A_56, %broadcast_in_dim3A : vector<16xi1>, vector<16xf32>
      %mul3A_64 = arith.constant 16 : i32
      %mul3A_65 = arith.muli %scan3A_18, %mul3A_64 : i32
      %swap3A = arith.index_cast %mul3A_65 : i32 to index
      %swap3A_66 = tpu.vector_load %arg21[%swap3A] {strides = array<i32>} : memref<1792xf32, #tpu.memory_space<vmem>>, vector<16xf32>,
      tpu.vector_store %arg21[%swap3A], %select_n3A {strides = array<i32>} : memref<1792xf32, #tpu.memory_space<vmem>>, vector<16xf32>,
      %scan3A_67 = arith.constant 0 : i32
      scf.yield %scan3A_67 : i32
    }
    %scan3A_17 = arith.constant 112 : i32
    "tpu.region"() ({
      %run_scoped3A = tpu.sem_alloc : memref<!tpu.dma_semaphore, #tpu.memory_space<semaphore_mem>>
      %dma_start3A = tpu.memref_slice %arg9[%mul3A_2] : memref<163840xf32, #tpu.memory_space<hbm>> -> memref<5120xf32, #tpu.memory_space<hbm>>
      %dma_start3A_18 = tpu.memref_slice %arg9[%mul3A_2] : memref<163840xf32, #tpu.memory_space<hbm>> -> memref<5120xf32, #tpu.memory_space<hbm>>
      tpu.enqueue_dma source(%arg18 : memref<5120xf32, #tpu.memory_space<vmem>>) target(%dma_start3A_18 : memref<5120xf32, #tpu.memory_space<hbm>>) target_semaphore(%run_scoped3A : memref<!tpu.dma_semaphore, #tpu.memory_space<semaphore_mem>>)
      %dma_wait3A = tpu.memref_slice %arg9[%mul3A_2] : memref<163840xf32, #tpu.memory_space<hbm>> -> memref<5120xf32, #tpu.memory_space<hbm>>
      %dma_wait3A_19 = tpu.memref_slice %arg9[%mul3A_2] : memref<163840xf32, #tpu.memory_space<hbm>> -> memref<5120xf32, #tpu.memory_space<hbm>>
      tpu.wait_dma2 semaphore(%run_scoped3A : memref<!tpu.dma_semaphore, #tpu.memory_space<semaphore_mem>>) src(%arg18 : memref<5120xf32, #tpu.memory_space<vmem>>) dst(%dma_wait3A_19 : memref<5120xf32, #tpu.memory_space<hbm>>)
      tpu.yield
    }) : () -> ()
    "tpu.region"() ({
      %run_scoped3A = tpu.sem_alloc : memref<!tpu.dma_semaphore, #tpu.memory_space<semaphore_mem>>
      %dma_start3A = tpu.memref_slice %arg10[%mul3A_4] : memref<57344xf32, #tpu.memory_space<hbm>> -> memref<1792xf32, #tpu.memory_space<hbm>>
      %dma_start3A_18 = tpu.memref_slice %arg10[%mul3A_4] : memref<57344xf32, #tpu.memory_space<hbm>> -> memref<1792xf32, #tpu.memory_space<hbm>>
      tpu.enqueue_dma source(%arg21 : memref<1792xf32, #tpu.memory_space<vmem>>) target(%dma_start3A_18 : memref<1792xf32, #tpu.memory_space<hbm>>) target_semaphore(%run_scoped3A : memref<!tpu.dma_semaphore, #tpu.memory_space<semaphore_mem>>)
      %dma_wait3A = tpu.memref_slice %arg10[%mul3A_4] : memref<57344xf32, #tpu.memory_space<hbm>> -> memref<1792xf32, #tpu.memory_space<hbm>>
      %dma_wait3A_19 = tpu.memref_slice %arg10[%mul3A_4] : memref<57344xf32, #tpu.memory_space<hbm>> -> memref<1792xf32, #tpu.memory_space<hbm>>
      tpu.wait_dma2 semaphore(%run_scoped3A : memref<!tpu.dma_semaphore, #tpu.memory_space<semaphore_mem>>) src(%arg21 : memref<1792xf32, #tpu.memory_space<vmem>>) dst(%dma_wait3A_19 : memref<1792xf32, #tpu.memory_space<hbm>>)
      tpu.yield
    }) : () -> ()
    "tpu.region"() ({
      %run_scoped3A = tpu.sem_alloc : memref<!tpu.dma_semaphore, #tpu.memory_space<semaphore_mem>>
      %dma_start3A = tpu.memref_slice %arg11[%mul3A_2] : memref<163840xi32, #tpu.memory_space<hbm>> -> memref<5120xi32, #tpu.memory_space<hbm>>
      %dma_start3A_18 = tpu.memref_slice %arg11[%mul3A_2] : memref<163840xi32, #tpu.memory_space<hbm>> -> memref<5120xi32, #tpu.memory_space<hbm>>
      tpu.enqueue_dma source(%arg17 : memref<5120xi32, #tpu.memory_space<vmem>>) target(%dma_start3A_18 : memref<5120xi32, #tpu.memory_space<hbm>>) target_semaphore(%run_scoped3A : memref<!tpu.dma_semaphore, #tpu.memory_space<semaphore_mem>>)
      %dma_wait3A = tpu.memref_slice %arg11[%mul3A_2] : memref<163840xi32, #tpu.memory_space<hbm>> -> memref<5120xi32, #tpu.memory_space<hbm>>
      %dma_wait3A_19 = tpu.memref_slice %arg11[%mul3A_2] : memref<163840xi32, #tpu.memory_space<hbm>> -> memref<5120xi32, #tpu.memory_space<hbm>>
      tpu.wait_dma2 semaphore(%run_scoped3A : memref<!tpu.dma_semaphore, #tpu.memory_space<semaphore_mem>>) src(%arg17 : memref<5120xi32, #tpu.memory_space<vmem>>) dst(%dma_wait3A_19 : memref<5120xi32, #tpu.memory_space<hbm>>)
      tpu.yield
    }) : () -> ()
    return
  }
}

#map = affine_map<(d0, d1) -> (0, 0)>
#map1 = affine_map<(d0, d1) -> (0)>
#map2 = affine_map<(d0, d1) -> (0, 0, 0)>
module attributes {stable_mosaic.version = 14 : i64} {
  func.func @sc_scatter_mb(%arg0: i32, %arg1: i32, %arg2: memref<81920x128xf32, #tpu.memory_space<hbm>>, %arg3: memref<81920xi32, #tpu.memory_space<hbm>>, %arg4: memref<2x10240x128xf32, #tpu.memory_space<hbm>>, %arg5: memref<10240x128xf32, #tpu.memory_space<vmem_shared>>, %arg6: memref<2x128x128xf32, #tpu.memory_space<vmem>>, %arg7: memref<2560xi32, #tpu.memory_space<vmem>>, %arg8: memref<!tpu.dma_semaphore, #tpu.memory_space<semaphore_mem>>, %arg9: memref<!tpu.dma_semaphore, #tpu.memory_space<semaphore_mem>>) attributes {dimension_semantics = [#tpu.dimension_semantics<core_parallel>, #tpu.dimension_semantics<subcore_parallel>], iteration_bounds = array<i64: 2, 16>, scalar_prefetch = 0 : i64, scratch_operands = 5 : i64, tpu.core_type = #tpu.core_type<sc_vector_subcore>, window_params = [{transform_indices = #map}, {transform_indices = #map1}, {transform_indices = #map2}]} {
    %mul3A = arith.constant 16 : i32
    %mul3A_0 = arith.muli %arg0, %mul3A : i32
    %add3A = arith.addi %mul3A_0, %arg1 : i32
    %iota3A = tpu.iota {dimensions = array<i32: 0>} : vector<16xi32>
    %scan3A = arith.constant 0 : i32
    %scan3A_1 = arith.constant 0 : i32
    %scan3A_2 = arith.constant 1024 : i32
    %scan3A_3 = arith.addi %scan3A_1, %scan3A_2 : i32
    %scan3A_4 = arith.constant 1 : i32
    %scan3A_5 = scf.for %scan3A_70 = %scan3A_1 to %scan3A_3 step %scan3A_4 iter_args(%scan3A_71 = %scan3A) -> (i32)  : i32 {
      %jit3A = arith.constant 8 : i32
      %div3A = arith.divsi %scan3A_70, %jit3A : i32
      %sign3A = arith.constant 0 : i32
      %sign3A_72 = arith.cmpi sgt, %scan3A_70, %sign3A : i32
      %sign3A_73 = arith.extui %sign3A_72 : i1 to i32
      %sign3A_74 = arith.constant 0 : i32
      %sign3A_75 = arith.cmpi slt, %scan3A_70, %sign3A_74 : i32
      %sign3A_76 = arith.extui %sign3A_75 : i1 to i32
      %sign3A_77 = arith.subi %sign3A_73, %sign3A_76 : i32
      %sign3A_78 = arith.constant 0 : i32
      %sign3A_79 = arith.cmpi sgt, %jit3A, %sign3A_78 : i32
      %sign3A_80 = arith.extui %sign3A_79 : i1 to i32
      %sign3A_81 = arith.constant 0 : i32
      %sign3A_82 = arith.cmpi slt, %jit3A, %sign3A_81 : i32
      %sign3A_83 = arith.extui %sign3A_82 : i1 to i32
      %sign3A_84 = arith.subi %sign3A_80, %sign3A_83 : i32
      %ne3A = arith.cmpi ne, %sign3A_77, %sign3A_84 : i32
      %rem3A = arith.remsi %scan3A_70, %jit3A : i32
      %ne3A_85 = arith.constant 0 : i32
      %ne3A_86 = arith.cmpi ne, %rem3A, %ne3A_85 : i32
      %and3A = arith.andi %ne3A, %ne3A_86 : i1
      %sub3A = arith.constant 1 : i32
      %sub3A_87 = arith.subi %div3A, %sub3A : i32
      %select_n3A = arith.select %and3A, %sub3A_87, %div3A : i32
      %jit3A_88 = arith.constant 8 : i32
      %eq3A = arith.constant 0 : i32
      %eq3A_89 = arith.cmpi eq, %jit3A_88, %eq3A : i32
      %jit3A_90 = arith.constant 1 : i32
      %select_n3A_91 = arith.select %eq3A_89, %jit3A_90, %jit3A_88 : i32
      %rem3A_92 = arith.remsi %scan3A_70, %select_n3A_91 : i32
      %ne3A_93 = arith.constant 0 : i32
      %ne3A_94 = arith.cmpi ne, %rem3A_92, %ne3A_93 : i32
      %lt3A = arith.constant 0 : i32
      %lt3A_95 = arith.cmpi slt, %rem3A_92, %lt3A : i32
      %lt3A_96 = arith.constant 0 : i32
      %lt3A_97 = arith.cmpi slt, %select_n3A_91, %lt3A_96 : i32
      %ne3A_98 = arith.xori %lt3A_95, %lt3A_97 : i1
      %and3A_99 = arith.andi %ne3A_98, %ne3A_94 : i1
      %add3A_100 = arith.addi %rem3A_92, %select_n3A_91 : i32
      %select_n3A_101 = arith.select %and3A_99, %add3A_100, %rem3A_92 : i32
      %mul3A_102 = arith.constant 16 : i32
      %mul3A_103 = arith.muli %select_n3A_101, %mul3A_102 : i32
      %broadcast_in_dim3A = arith.constant 0.000000e+00 : f32
      %broadcast_in_dim3A_104 = vector.broadcast %broadcast_in_dim3A : f32 to vector<16xf32>
      %swap3A = arith.constant 0 : i32
      %swap3A_105 = arith.index_cast %swap3A : i32 to index
      %swap3A_106 = arith.index_cast %select_n3A : i32 to index
      %swap3A_107 = arith.index_cast %mul3A_103 : i32 to index
      %swap3A_108 = tpu.vector_load %arg6[%swap3A_105, %swap3A_106, %swap3A_107] {strides = array<i32>} : memref<2x128x128xf32, #tpu.memory_space<vmem>>, vector<1x1x16xf32>,
      %swap3A_109 = vector.shape_cast %swap3A_108 : vector<1x1x16xf32> to vector<16xf32>
      %swap3A_110 = vector.shape_cast %broadcast_in_dim3A_104 : vector<16xf32> to vector<1x1x16xf32>
      tpu.vector_store %arg6[%swap3A_105, %swap3A_106, %swap3A_107], %swap3A_110 {strides = array<i32>} : memref<2x128x128xf32, #tpu.memory_space<vmem>>, vector<1x1x16xf32>,
      %scan3A_111 = arith.constant 0 : i32
      scf.yield %scan3A_111 : i32
    }
    %scan3A_6 = arith.constant 1024 : i32
    %scan3A_7 = arith.constant 0 : i32
    %scan3A_8 = arith.constant 0 : i32
    %scan3A_9 = arith.constant 40 : i32
    %scan3A_10 = arith.addi %scan3A_8, %scan3A_9 : i32
    %scan3A_11 = arith.constant 1 : i32
    %scan3A_12 = scf.for %scan3A_70 = %scan3A_8 to %scan3A_10 step %scan3A_11 iter_args(%scan3A_71 = %scan3A_7) -> (i32)  : i32 {
      %mul3A_72 = arith.constant 640 : i32
      %mul3A_73 = arith.muli %arg1, %mul3A_72 : i32
      %mul3A_74 = arith.constant 16 : i32
      %mul3A_75 = arith.muli %scan3A_70, %mul3A_74 : i32
      %add3A_76 = arith.addi %mul3A_73, %mul3A_75 : i32
      %add3A_77 = vector.broadcast %add3A_76 : i32 to vector<16xi32>
      %add3A_78 = arith.addi %add3A_77, %iota3A : vector<16xi32>
      %mul3A_79 = arith.constant 16 : i32
      %mul3A_80 = arith.muli %scan3A_70, %mul3A_79 : i32
      %swap3A = arith.index_cast %mul3A_80 : i32 to index
      %swap3A_81 = tpu.vector_load %arg7[%swap3A] {strides = array<i32>} : memref<2560xi32, #tpu.memory_space<vmem>>, vector<16xi32>,
      %swap3A_82 = vector.shape_cast %swap3A_81 : vector<16xi32> to vector<16xi32>
      %swap3A_83 = vector.shape_cast %add3A_78 : vector<16xi32> to vector<16xi32>
      tpu.vector_store %arg7[%swap3A], %swap3A_83 {strides = array<i32>} : memref<2560xi32, #tpu.memory_space<vmem>>, vector<16xi32>,
      %scan3A_84 = arith.constant 0 : i32
      scf.yield %scan3A_84 : i32
    }
    %scan3A_13 = arith.constant 40 : i32
    %scan3A_14 = arith.constant 0 : i32
    %scan3A_15 = arith.constant 0 : i32
    %scan3A_16 = arith.constant 5 : i32
    %scan3A_17 = arith.addi %scan3A_15, %scan3A_16 : i32
    %scan3A_18 = arith.constant 1 : i32
    %scan3A_19 = scf.for %scan3A_70 = %scan3A_15 to %scan3A_17 step %scan3A_18 iter_args(%scan3A_71 = %scan3A_14) -> (i32)  : i32 {
      %mul3A_72 = arith.constant 128 : i32
      %mul3A_73 = arith.muli %scan3A_70, %mul3A_72 : i32
      %run_scoped3A = arith.constant 0 : i32
      "tpu.region"() ({
        %run_scoped3A_75 = tpu.sem_alloc : memref<!tpu.dma_semaphore, #tpu.memory_space<semaphore_mem>>
        %dma_start3A_76 = arith.constant 0 : i32
        %dma_start3A_77 = arith.constant 0 : i32
        %dma_start3A_78 = tpu.memref_slice %arg6[%run_scoped3A, %dma_start3A_76, %dma_start3A_77] : memref<2x128x128xf32, #tpu.memory_space<vmem>> -> memref<1x128x128xf32, #tpu.memory_space<vmem>>
        %dma_start3A_79 = tpu.memref_squeeze %dma_start3A_78 : memref<1x128x128xf32, #tpu.memory_space<vmem>> -> memref<128x128xf32, #tpu.memory_space<vmem>>
        %dma_start3A_80 = tpu.memref_slice %arg7[%mul3A_73] : memref<2560xi32, #tpu.memory_space<vmem>> -> memref<128xi32, #tpu.memory_space<vmem>>
        %dma_start3A_81 = arith.constant 0 : i32
        %dma_start3A_82 = arith.constant 0 : i32
        %dma_start3A_83 = tpu.memref_slice %arg5[%dma_start3A_81, %dma_start3A_82] : memref<10240x128xf32, #tpu.memory_space<vmem_shared>> -> memref<10240x128xf32, #tpu.memory_space<vmem_shared>>
        tpu.enqueue_indirect_dma source(%dma_start3A_79 : memref<128x128xf32, #tpu.memory_space<vmem>>) target(%dma_start3A_83 : memref<10240x128xf32, #tpu.memory_space<vmem_shared>>) offsets(%dma_start3A_80 : memref<128xi32, #tpu.memory_space<vmem>>) semaphore(%run_scoped3A_75 : memref<!tpu.dma_semaphore, #tpu.memory_space<semaphore_mem>>)
        %dma_wait3A_84 = arith.constant 0 : i32
        %dma_wait3A_85 = arith.constant 0 : i32
        %dma_wait3A_86 = tpu.memref_slice %arg6[%run_scoped3A, %dma_wait3A_84, %dma_wait3A_85] : memref<2x128x128xf32, #tpu.memory_space<vmem>> -> memref<1x128x128xf32, #tpu.memory_space<vmem>>
        %dma_wait3A_87 = tpu.memref_squeeze %dma_wait3A_86 : memref<1x128x128xf32, #tpu.memory_space<vmem>> -> memref<128x128xf32, #tpu.memory_space<vmem>>
        %dma_wait3A_88 = tpu.memref_slice %arg7[%mul3A_73] : memref<2560xi32, #tpu.memory_space<vmem>> -> memref<128xi32, #tpu.memory_space<vmem>>
        %dma_wait3A_89 = arith.constant 0 : i32
        %dma_wait3A_90 = arith.constant 0 : i32
        %dma_wait3A_91 = tpu.memref_slice %arg5[%dma_wait3A_89, %dma_wait3A_90] : memref<10240x128xf32, #tpu.memory_space<vmem_shared>> -> memref<10240x128xf32, #tpu.memory_space<vmem_shared>>
        tpu.wait_indirect_dma semaphore(%run_scoped3A_75 : memref<!tpu.dma_semaphore, #tpu.memory_space<semaphore_mem>>) src(%dma_wait3A_87 : memref<128x128xf32, #tpu.memory_space<vmem>>) dst(%dma_wait3A_91 : memref<10240x128xf32, #tpu.memory_space<vmem_shared>>)
        tpu.yield
      }) : () -> ()
      %scan3A_74 = arith.constant 0 : i32
      scf.yield %scan3A_74 : i32
    }
    %scan3A_20 = arith.constant 5 : i32
    %barrier3A = arith.constant 0 : index
    tpu.barrier barrier_id(%barrier3A)
    %mul3A_21 = arith.constant 2560 : i32
    %mul3A_22 = arith.muli %add3A, %mul3A_21 : i32
    "tpu.region"() ({
      %run_scoped3A = tpu.sem_alloc : memref<!tpu.dma_semaphore, #tpu.memory_space<semaphore_mem>>
      %dma_start3A_70 = tpu.memref_slice %arg3[%mul3A_22] : memref<81920xi32, #tpu.memory_space<hbm>> -> memref<2560xi32, #tpu.memory_space<hbm>>
      %dma_start3A_71 = tpu.memref_slice %arg3[%mul3A_22] : memref<81920xi32, #tpu.memory_space<hbm>> -> memref<2560xi32, #tpu.memory_space<hbm>>
      tpu.enqueue_dma source(%dma_start3A_71 : memref<2560xi32, #tpu.memory_space<hbm>>) target(%arg7 : memref<2560xi32, #tpu.memory_space<vmem>>) target_semaphore(%run_scoped3A : memref<!tpu.dma_semaphore, #tpu.memory_space<semaphore_mem>>)
      %dma_wait3A_72 = tpu.memref_slice %arg3[%mul3A_22] : memref<81920xi32, #tpu.memory_space<hbm>> -> memref<2560xi32, #tpu.memory_space<hbm>>
      %dma_wait3A_73 = tpu.memref_slice %arg3[%mul3A_22] : memref<81920xi32, #tpu.memory_space<hbm>> -> memref<2560xi32, #tpu.memory_space<hbm>>
      tpu.wait_dma2 semaphore(%run_scoped3A : memref<!tpu.dma_semaphore, #tpu.memory_space<semaphore_mem>>) src(%dma_wait3A_73 : memref<2560xi32, #tpu.memory_space<hbm>>) dst(%arg7 : memref<2560xi32, #tpu.memory_space<vmem>>)
      tpu.yield
    }) : () -> ()
    %mul3A_23 = arith.constant 2560 : i32
    %mul3A_24 = arith.muli %add3A, %mul3A_23 : i32
    %add3A_25 = arith.constant 0 : i32
    %add3A_26 = arith.addi %mul3A_24, %add3A_25 : i32
    %dma_start3A = arith.constant 0 : i32
    %dma_start3A_27 = arith.constant 0 : i32
    %dma_start3A_28 = arith.constant 0 : i32
    %dma_start3A_29 = tpu.memref_slice %arg6[%dma_start3A, %dma_start3A_27, %dma_start3A_28] : memref<2x128x128xf32, #tpu.memory_space<vmem>> -> memref<1x128x128xf32, #tpu.memory_space<vmem>>
    %dma_start3A_30 = tpu.memref_squeeze %dma_start3A_29 : memref<1x128x128xf32, #tpu.memory_space<vmem>> -> memref<128x128xf32, #tpu.memory_space<vmem>>
    %dma_start3A_31 = arith.constant 0 : i32
    %dma_start3A_32 = tpu.memref_slice %arg2[%add3A_26, %dma_start3A_31] : memref<81920x128xf32, #tpu.memory_space<hbm>> -> memref<128x128xf32, #tpu.memory_space<hbm>>
    %dma_start3A_33 = arith.constant 0 : i32
    %dma_start3A_34 = arith.constant 0 : i32
    %dma_start3A_35 = tpu.memref_slice %arg6[%dma_start3A, %dma_start3A_33, %dma_start3A_34] : memref<2x128x128xf32, #tpu.memory_space<vmem>> -> memref<1x128x128xf32, #tpu.memory_space<vmem>>
    %dma_start3A_36 = tpu.memref_squeeze %dma_start3A_35 : memref<1x128x128xf32, #tpu.memory_space<vmem>> -> memref<128x128xf32, #tpu.memory_space<vmem>>
    %dma_start3A_37 = arith.constant 0 : i32
    %dma_start3A_38 = tpu.memref_slice %arg2[%add3A_26, %dma_start3A_37] : memref<81920x128xf32, #tpu.memory_space<hbm>> -> memref<128x128xf32, #tpu.memory_space<hbm>>
    tpu.enqueue_dma source(%dma_start3A_38 : memref<128x128xf32, #tpu.memory_space<hbm>>) target(%dma_start3A_36 : memref<128x128xf32, #tpu.memory_space<vmem>>) target_semaphore(%arg8 : memref<!tpu.dma_semaphore, #tpu.memory_space<semaphore_mem>>)
    %scan3A_39 = arith.constant 0 : i32
    %scan3A_40 = arith.constant 0 : i32
    %scan3A_41 = arith.constant 10 : i32
    %scan3A_42 = arith.addi %scan3A_40, %scan3A_41 : i32
    %scan3A_43 = arith.constant 1 : i32
    %scan3A_44 = scf.for %scan3A_70 = %scan3A_40 to %scan3A_42 step %scan3A_43 iter_args(%scan3A_71 = %scan3A_39) -> (i32)  : i32 {
      %mul3A_72 = arith.constant 2 : i32
      %mul3A_73 = arith.muli %mul3A_72, %scan3A_70 : i32
      %ge3A = arith.constant 1 : i32
      %ge3A_74 = arith.cmpi sge, %scan3A_70, %ge3A : i32
      %convert_element_type3A = arith.extui %ge3A_74 : i1 to i32
      %cond3A = arith.constant 0 : i32
      %cond3A_75 = arith.cmpi ne, %convert_element_type3A, %cond3A : i32
      scf.if %cond3A_75 {
        %sub3A = arith.constant 1 : i32
        %sub3A_165 = arith.subi %mul3A_73, %sub3A : i32
        %mul3A_166 = arith.constant 128 : i32
        %mul3A_167 = arith.muli %sub3A_165, %mul3A_166 : i32
        %dma_wait3A_168 = arith.constant 1 : i32
        %dma_wait3A_169 = arith.constant 0 : i32
        %dma_wait3A_170 = arith.constant 0 : i32
        %dma_wait3A_171 = tpu.memref_slice %arg6[%dma_wait3A_168, %dma_wait3A_169, %dma_wait3A_170] : memref<2x128x128xf32, #tpu.memory_space<vmem>> -> memref<1x128x128xf32, #tpu.memory_space<vmem>>
        %dma_wait3A_172 = tpu.memref_squeeze %dma_wait3A_171 : memref<1x128x128xf32, #tpu.memory_space<vmem>> -> memref<128x128xf32, #tpu.memory_space<vmem>>
        %dma_wait3A_173 = tpu.memref_slice %arg7[%mul3A_167] : memref<2560xi32, #tpu.memory_space<vmem>> -> memref<128xi32, #tpu.memory_space<vmem>>
        %dma_wait3A_174 = arith.constant 0 : i32
        %dma_wait3A_175 = arith.constant 0 : i32
        %dma_wait3A_176 = tpu.memref_slice %arg5[%dma_wait3A_174, %dma_wait3A_175] : memref<10240x128xf32, #tpu.memory_space<vmem_shared>> -> memref<10240x128xf32, #tpu.memory_space<vmem_shared>>
        tpu.wait_indirect_dma semaphore(%arg9 : memref<!tpu.dma_semaphore, #tpu.memory_space<semaphore_mem>>) src(%dma_wait3A_172 : memref<128x128xf32, #tpu.memory_space<vmem>>) dst(%dma_wait3A_176 : memref<10240x128xf32, #tpu.memory_space<vmem_shared>>)
      } else {
      }
      %add3A_76 = arith.constant 1 : i32
      %add3A_77 = arith.addi %mul3A_73, %add3A_76 : i32
      %mul3A_78 = arith.constant 2560 : i32
      %mul3A_79 = arith.muli %add3A, %mul3A_78 : i32
      %mul3A_80 = arith.constant 128 : i32
      %mul3A_81 = arith.muli %add3A_77, %mul3A_80 : i32
      %add3A_82 = arith.addi %mul3A_79, %mul3A_81 : i32
      %dma_start3A_83 = arith.constant 1 : i32
      %dma_start3A_84 = arith.constant 0 : i32
      %dma_start3A_85 = arith.constant 0 : i32
      %dma_start3A_86 = tpu.memref_slice %arg6[%dma_start3A_83, %dma_start3A_84, %dma_start3A_85] : memref<2x128x128xf32, #tpu.memory_space<vmem>> -> memref<1x128x128xf32, #tpu.memory_space<vmem>>
      %dma_start3A_87 = tpu.memref_squeeze %dma_start3A_86 : memref<1x128x128xf32, #tpu.memory_space<vmem>> -> memref<128x128xf32, #tpu.memory_space<vmem>>
      %dma_start3A_88 = arith.constant 0 : i32
      %dma_start3A_89 = tpu.memref_slice %arg2[%add3A_82, %dma_start3A_88] : memref<81920x128xf32, #tpu.memory_space<hbm>> -> memref<128x128xf32, #tpu.memory_space<hbm>>
      %dma_start3A_90 = arith.constant 0 : i32
      %dma_start3A_91 = arith.constant 0 : i32
      %dma_start3A_92 = tpu.memref_slice %arg6[%dma_start3A_83, %dma_start3A_90, %dma_start3A_91] : memref<2x128x128xf32, #tpu.memory_space<vmem>> -> memref<1x128x128xf32, #tpu.memory_space<vmem>>
      %dma_start3A_93 = tpu.memref_squeeze %dma_start3A_92 : memref<1x128x128xf32, #tpu.memory_space<vmem>> -> memref<128x128xf32, #tpu.memory_space<vmem>>
      %dma_start3A_94 = arith.constant 0 : i32
      %dma_start3A_95 = tpu.memref_slice %arg2[%add3A_82, %dma_start3A_94] : memref<81920x128xf32, #tpu.memory_space<hbm>> -> memref<128x128xf32, #tpu.memory_space<hbm>>
      tpu.enqueue_dma source(%dma_start3A_95 : memref<128x128xf32, #tpu.memory_space<hbm>>) target(%dma_start3A_93 : memref<128x128xf32, #tpu.memory_space<vmem>>) target_semaphore(%arg8 : memref<!tpu.dma_semaphore, #tpu.memory_space<semaphore_mem>>)
      %mul3A_96 = arith.constant 2560 : i32
      %mul3A_97 = arith.muli %add3A, %mul3A_96 : i32
      %mul3A_98 = arith.constant 128 : i32
      %mul3A_99 = arith.muli %mul3A_73, %mul3A_98 : i32
      %add3A_100 = arith.addi %mul3A_97, %mul3A_99 : i32
      %dma_wait3A_101 = arith.constant 0 : i32
      %dma_wait3A_102 = arith.constant 0 : i32
      %dma_wait3A_103 = arith.constant 0 : i32
      %dma_wait3A_104 = tpu.memref_slice %arg6[%dma_wait3A_101, %dma_wait3A_102, %dma_wait3A_103] : memref<2x128x128xf32, #tpu.memory_space<vmem>> -> memref<1x128x128xf32, #tpu.memory_space<vmem>>
      %dma_wait3A_105 = tpu.memref_squeeze %dma_wait3A_104 : memref<1x128x128xf32, #tpu.memory_space<vmem>> -> memref<128x128xf32, #tpu.memory_space<vmem>>
      %dma_wait3A_106 = arith.constant 0 : i32
      %dma_wait3A_107 = tpu.memref_slice %arg2[%add3A_100, %dma_wait3A_106] : memref<81920x128xf32, #tpu.memory_space<hbm>> -> memref<128x128xf32, #tpu.memory_space<hbm>>
      %dma_wait3A_108 = arith.constant 0 : i32
      %dma_wait3A_109 = arith.constant 0 : i32
      %dma_wait3A_110 = tpu.memref_slice %arg6[%dma_wait3A_101, %dma_wait3A_108, %dma_wait3A_109] : memref<2x128x128xf32, #tpu.memory_space<vmem>> -> memref<1x128x128xf32, #tpu.memory_space<vmem>>
      %dma_wait3A_111 = tpu.memref_squeeze %dma_wait3A_110 : memref<1x128x128xf32, #tpu.memory_space<vmem>> -> memref<128x128xf32, #tpu.memory_space<vmem>>
      %dma_wait3A_112 = arith.constant 0 : i32
      %dma_wait3A_113 = tpu.memref_slice %arg2[%add3A_100, %dma_wait3A_112] : memref<81920x128xf32, #tpu.memory_space<hbm>> -> memref<128x128xf32, #tpu.memory_space<hbm>>
      tpu.wait_dma2 semaphore(%arg8 : memref<!tpu.dma_semaphore, #tpu.memory_space<semaphore_mem>>) src(%dma_wait3A_113 : memref<128x128xf32, #tpu.memory_space<hbm>>) dst(%dma_wait3A_111 : memref<128x128xf32, #tpu.memory_space<vmem>>)
      %mul3A_114 = arith.constant 128 : i32
      %mul3A_115 = arith.muli %mul3A_73, %mul3A_114 : i32
      %dma_start3A_116 = arith.constant 0 : i32
      %dma_start3A_117 = arith.constant 0 : i32
      %dma_start3A_118 = arith.constant 0 : i32
      %dma_start3A_119 = tpu.memref_slice %arg6[%dma_start3A_116, %dma_start3A_117, %dma_start3A_118] : memref<2x128x128xf32, #tpu.memory_space<vmem>> -> memref<1x128x128xf32, #tpu.memory_space<vmem>>
      %dma_start3A_120 = tpu.memref_squeeze %dma_start3A_119 : memref<1x128x128xf32, #tpu.memory_space<vmem>> -> memref<128x128xf32, #tpu.memory_space<vmem>>
      %dma_start3A_121 = tpu.memref_slice %arg7[%mul3A_115] : memref<2560xi32, #tpu.memory_space<vmem>> -> memref<128xi32, #tpu.memory_space<vmem>>
      %dma_start3A_122 = arith.constant 0 : i32
      %dma_start3A_123 = arith.constant 0 : i32
      %dma_start3A_124 = tpu.memref_slice %arg5[%dma_start3A_122, %dma_start3A_123] : memref<10240x128xf32, #tpu.memory_space<vmem_shared>> -> memref<10240x128xf32, #tpu.memory_space<vmem_shared>>
      tpu.enqueue_indirect_dma source(%dma_start3A_120 : memref<128x128xf32, #tpu.memory_space<vmem>>) target(%dma_start3A_124 : memref<10240x128xf32, #tpu.memory_space<vmem_shared>>) offsets(%dma_start3A_121 : memref<128xi32, #tpu.memory_space<vmem>>) semaphore(%arg9 : memref<!tpu.dma_semaphore, #tpu.memory_space<semaphore_mem>>) {add = true}
      %add3A_125 = arith.constant 2 : i32
      %add3A_126 = arith.addi %mul3A_73, %add3A_125 : i32
      %lt3A = arith.constant 20 : i32
      %lt3A_127 = arith.cmpi slt, %add3A_126, %lt3A : i32
      %convert_element_type3A_128 = arith.extui %lt3A_127 : i1 to i32
      %cond3A_129 = arith.constant 0 : i32
      %cond3A_130 = arith.cmpi ne, %convert_element_type3A_128, %cond3A_129 : i32
      scf.if %cond3A_130 {
        %mul3A_165 = arith.constant 128 : i32
        %mul3A_166 = arith.muli %mul3A_73, %mul3A_165 : i32
        %dma_wait3A_167 = arith.constant 0 : i32
        %dma_wait3A_168 = arith.constant 0 : i32
        %dma_wait3A_169 = arith.constant 0 : i32
        %dma_wait3A_170 = tpu.memref_slice %arg6[%dma_wait3A_167, %dma_wait3A_168, %dma_wait3A_169] : memref<2x128x128xf32, #tpu.memory_space<vmem>> -> memref<1x128x128xf32, #tpu.memory_space<vmem>>
        %dma_wait3A_171 = tpu.memref_squeeze %dma_wait3A_170 : memref<1x128x128xf32, #tpu.memory_space<vmem>> -> memref<128x128xf32, #tpu.memory_space<vmem>>
        %dma_wait3A_172 = tpu.memref_slice %arg7[%mul3A_166] : memref<2560xi32, #tpu.memory_space<vmem>> -> memref<128xi32, #tpu.memory_space<vmem>>
        %dma_wait3A_173 = arith.constant 0 : i32
        %dma_wait3A_174 = arith.constant 0 : i32
        %dma_wait3A_175 = tpu.memref_slice %arg5[%dma_wait3A_173, %dma_wait3A_174] : memref<10240x128xf32, #tpu.memory_space<vmem_shared>> -> memref<10240x128xf32, #tpu.memory_space<vmem_shared>>
        tpu.wait_indirect_dma semaphore(%arg9 : memref<!tpu.dma_semaphore, #tpu.memory_space<semaphore_mem>>) src(%dma_wait3A_171 : memref<128x128xf32, #tpu.memory_space<vmem>>) dst(%dma_wait3A_175 : memref<10240x128xf32, #tpu.memory_space<vmem_shared>>)
        %add3A_176 = arith.constant 2 : i32
        %add3A_177 = arith.addi %mul3A_73, %add3A_176 : i32
        %mul3A_178 = arith.constant 2560 : i32
        %mul3A_179 = arith.muli %add3A, %mul3A_178 : i32
        %mul3A_180 = arith.constant 128 : i32
        %mul3A_181 = arith.muli %add3A_177, %mul3A_180 : i32
        %add3A_182 = arith.addi %mul3A_179, %mul3A_181 : i32
        %dma_start3A_183 = arith.constant 0 : i32
        %dma_start3A_184 = arith.constant 0 : i32
        %dma_start3A_185 = arith.constant 0 : i32
        %dma_start3A_186 = tpu.memref_slice %arg6[%dma_start3A_183, %dma_start3A_184, %dma_start3A_185] : memref<2x128x128xf32, #tpu.memory_space<vmem>> -> memref<1x128x128xf32, #tpu.memory_space<vmem>>
        %dma_start3A_187 = tpu.memref_squeeze %dma_start3A_186 : memref<1x128x128xf32, #tpu.memory_space<vmem>> -> memref<128x128xf32, #tpu.memory_space<vmem>>
        %dma_start3A_188 = arith.constant 0 : i32
        %dma_start3A_189 = tpu.memref_slice %arg2[%add3A_182, %dma_start3A_188] : memref<81920x128xf32, #tpu.memory_space<hbm>> -> memref<128x128xf32, #tpu.memory_space<hbm>>
        %dma_start3A_190 = arith.constant 0 : i32
        %dma_start3A_191 = arith.constant 0 : i32
        %dma_start3A_192 = tpu.memref_slice %arg6[%dma_start3A_183, %dma_start3A_190, %dma_start3A_191] : memref<2x128x128xf32, #tpu.memory_space<vmem>> -> memref<1x128x128xf32, #tpu.memory_space<vmem>>
        %dma_start3A_193 = tpu.memref_squeeze %dma_start3A_192 : memref<1x128x128xf32, #tpu.memory_space<vmem>> -> memref<128x128xf32, #tpu.memory_space<vmem>>
        %dma_start3A_194 = arith.constant 0 : i32
        %dma_start3A_195 = tpu.memref_slice %arg2[%add3A_182, %dma_start3A_194] : memref<81920x128xf32, #tpu.memory_space<hbm>> -> memref<128x128xf32, #tpu.memory_space<hbm>>
        tpu.enqueue_dma source(%dma_start3A_195 : memref<128x128xf32, #tpu.memory_space<hbm>>) target(%dma_start3A_193 : memref<128x128xf32, #tpu.memory_space<vmem>>) target_semaphore(%arg8 : memref<!tpu.dma_semaphore, #tpu.memory_space<semaphore_mem>>)
      } else {
      }
      %add3A_131 = arith.constant 1 : i32
      %add3A_132 = arith.addi %mul3A_73, %add3A_131 : i32
      %mul3A_133 = arith.constant 2560 : i32
      %mul3A_134 = arith.muli %add3A, %mul3A_133 : i32
      %mul3A_135 = arith.constant 128 : i32
      %mul3A_136 = arith.muli %add3A_132, %mul3A_135 : i32
      %add3A_137 = arith.addi %mul3A_134, %mul3A_136 : i32
      %dma_wait3A_138 = arith.constant 1 : i32
      %dma_wait3A_139 = arith.constant 0 : i32
      %dma_wait3A_140 = arith.constant 0 : i32
      %dma_wait3A_141 = tpu.memref_slice %arg6[%dma_wait3A_138, %dma_wait3A_139, %dma_wait3A_140] : memref<2x128x128xf32, #tpu.memory_space<vmem>> -> memref<1x128x128xf32, #tpu.memory_space<vmem>>
      %dma_wait3A_142 = tpu.memref_squeeze %dma_wait3A_141 : memref<1x128x128xf32, #tpu.memory_space<vmem>> -> memref<128x128xf32, #tpu.memory_space<vmem>>
      %dma_wait3A_143 = arith.constant 0 : i32
      %dma_wait3A_144 = tpu.memref_slice %arg2[%add3A_137, %dma_wait3A_143] : memref<81920x128xf32, #tpu.memory_space<hbm>> -> memref<128x128xf32, #tpu.memory_space<hbm>>
      %dma_wait3A_145 = arith.constant 0 : i32
      %dma_wait3A_146 = arith.constant 0 : i32
      %dma_wait3A_147 = tpu.memref_slice %arg6[%dma_wait3A_138, %dma_wait3A_145, %dma_wait3A_146] : memref<2x128x128xf32, #tpu.memory_space<vmem>> -> memref<1x128x128xf32, #tpu.memory_space<vmem>>
      %dma_wait3A_148 = tpu.memref_squeeze %dma_wait3A_147 : memref<1x128x128xf32, #tpu.memory_space<vmem>> -> memref<128x128xf32, #tpu.memory_space<vmem>>
      %dma_wait3A_149 = arith.constant 0 : i32
      %dma_wait3A_150 = tpu.memref_slice %arg2[%add3A_137, %dma_wait3A_149] : memref<81920x128xf32, #tpu.memory_space<hbm>> -> memref<128x128xf32, #tpu.memory_space<hbm>>
      tpu.wait_dma2 semaphore(%arg8 : memref<!tpu.dma_semaphore, #tpu.memory_space<semaphore_mem>>) src(%dma_wait3A_150 : memref<128x128xf32, #tpu.memory_space<hbm>>) dst(%dma_wait3A_148 : memref<128x128xf32, #tpu.memory_space<vmem>>)
      %add3A_151 = arith.constant 1 : i32
      %add3A_152 = arith.addi %mul3A_73, %add3A_151 : i32
      %mul3A_153 = arith.constant 128 : i32
      %mul3A_154 = arith.muli %add3A_152, %mul3A_153 : i32
      %dma_start3A_155 = arith.constant 1 : i32
      %dma_start3A_156 = arith.constant 0 : i32
      %dma_start3A_157 = arith.constant 0 : i32
      %dma_start3A_158 = tpu.memref_slice %arg6[%dma_start3A_155, %dma_start3A_156, %dma_start3A_157] : memref<2x128x128xf32, #tpu.memory_space<vmem>> -> memref<1x128x128xf32, #tpu.memory_space<vmem>>
      %dma_start3A_159 = tpu.memref_squeeze %dma_start3A_158 : memref<1x128x128xf32, #tpu.memory_space<vmem>> -> memref<128x128xf32, #tpu.memory_space<vmem>>
      %dma_start3A_160 = tpu.memref_slice %arg7[%mul3A_154] : memref<2560xi32, #tpu.memory_space<vmem>> -> memref<128xi32, #tpu.memory_space<vmem>>
      %dma_start3A_161 = arith.constant 0 : i32
      %dma_start3A_162 = arith.constant 0 : i32
      %dma_start3A_163 = tpu.memref_slice %arg5[%dma_start3A_161, %dma_start3A_162] : memref<10240x128xf32, #tpu.memory_space<vmem_shared>> -> memref<10240x128xf32, #tpu.memory_space<vmem_shared>>
      tpu.enqueue_indirect_dma source(%dma_start3A_159 : memref<128x128xf32, #tpu.memory_space<vmem>>) target(%dma_start3A_163 : memref<10240x128xf32, #tpu.memory_space<vmem_shared>>) offsets(%dma_start3A_160 : memref<128xi32, #tpu.memory_space<vmem>>) semaphore(%arg9 : memref<!tpu.dma_semaphore, #tpu.memory_space<semaphore_mem>>) {add = true}
      %scan3A_164 = arith.constant 0 : i32
      scf.yield %scan3A_164 : i32
    }
    %scan3A_45 = arith.constant 10 : i32
    %dma_wait3A = arith.constant 0 : i32
    %dma_wait3A_46 = arith.constant 0 : i32
    %dma_wait3A_47 = arith.constant 0 : i32
    %dma_wait3A_48 = tpu.memref_slice %arg6[%dma_wait3A, %dma_wait3A_46, %dma_wait3A_47] : memref<2x128x128xf32, #tpu.memory_space<vmem>> -> memref<1x128x128xf32, #tpu.memory_space<vmem>>
    %dma_wait3A_49 = tpu.memref_squeeze %dma_wait3A_48 : memref<1x128x128xf32, #tpu.memory_space<vmem>> -> memref<128x128xf32, #tpu.memory_space<vmem>>
    %dma_wait3A_50 = arith.constant 2304 : i32
    %dma_wait3A_51 = tpu.memref_slice %arg7[%dma_wait3A_50] : memref<2560xi32, #tpu.memory_space<vmem>> -> memref<128xi32, #tpu.memory_space<vmem>>
    %dma_wait3A_52 = arith.constant 0 : i32
    %dma_wait3A_53 = arith.constant 0 : i32
    %dma_wait3A_54 = tpu.memref_slice %arg5[%dma_wait3A_52, %dma_wait3A_53] : memref<10240x128xf32, #tpu.memory_space<vmem_shared>> -> memref<10240x128xf32, #tpu.memory_space<vmem_shared>>
    tpu.wait_indirect_dma semaphore(%arg9 : memref<!tpu.dma_semaphore, #tpu.memory_space<semaphore_mem>>) src(%dma_wait3A_49 : memref<128x128xf32, #tpu.memory_space<vmem>>) dst(%dma_wait3A_54 : memref<10240x128xf32, #tpu.memory_space<vmem_shared>>)
    %dma_wait3A_55 = arith.constant 1 : i32
    %dma_wait3A_56 = arith.constant 0 : i32
    %dma_wait3A_57 = arith.constant 0 : i32
    %dma_wait3A_58 = tpu.memref_slice %arg6[%dma_wait3A_55, %dma_wait3A_56, %dma_wait3A_57] : memref<2x128x128xf32, #tpu.memory_space<vmem>> -> memref<1x128x128xf32, #tpu.memory_space<vmem>>
    %dma_wait3A_59 = tpu.memref_squeeze %dma_wait3A_58 : memref<1x128x128xf32, #tpu.memory_space<vmem>> -> memref<128x128xf32, #tpu.memory_space<vmem>>
    %dma_wait3A_60 = arith.constant 2432 : i32
    %dma_wait3A_61 = tpu.memref_slice %arg7[%dma_wait3A_60] : memref<2560xi32, #tpu.memory_space<vmem>> -> memref<128xi32, #tpu.memory_space<vmem>>
    %dma_wait3A_62 = arith.constant 0 : i32
    %dma_wait3A_63 = arith.constant 0 : i32
    %dma_wait3A_64 = tpu.memref_slice %arg5[%dma_wait3A_62, %dma_wait3A_63] : memref<10240x128xf32, #tpu.memory_space<vmem_shared>> -> memref<10240x128xf32, #tpu.memory_space<vmem_shared>>
    tpu.wait_indirect_dma semaphore(%arg9 : memref<!tpu.dma_semaphore, #tpu.memory_space<semaphore_mem>>) src(%dma_wait3A_59 : memref<128x128xf32, #tpu.memory_space<vmem>>) dst(%dma_wait3A_64 : memref<10240x128xf32, #tpu.memory_space<vmem_shared>>)
    %barrier3A_65 = arith.constant 0 : index
    tpu.barrier barrier_id(%barrier3A_65)
    %mul3A_66 = arith.constant 640 : i32
    %mul3A_67 = arith.muli %arg1, %mul3A_66 : i32
    %mul3A_68 = arith.constant 640 : i32
    %mul3A_69 = arith.muli %arg1, %mul3A_68 : i32
    "tpu.region"() ({
      %run_scoped3A = tpu.sem_alloc : memref<!tpu.dma_semaphore, #tpu.memory_space<semaphore_mem>>
      %dma_start3A_70 = arith.constant 0 : i32
      %dma_start3A_71 = tpu.memref_slice %arg4[%arg0, %mul3A_69, %dma_start3A_70] : memref<2x10240x128xf32, #tpu.memory_space<hbm>> -> memref<1x640x128xf32, #tpu.memory_space<hbm>>
      %dma_start3A_72 = tpu.memref_squeeze %dma_start3A_71 : memref<1x640x128xf32, #tpu.memory_space<hbm>> -> memref<640x128xf32, #tpu.memory_space<hbm>>
      %dma_start3A_73 = arith.constant 0 : i32
      %dma_start3A_74 = tpu.memref_slice %arg5[%mul3A_67, %dma_start3A_73] : memref<10240x128xf32, #tpu.memory_space<vmem_shared>> -> memref<640x128xf32, #tpu.memory_space<vmem_shared>>
      tpu.enqueue_dma source(%dma_start3A_74 : memref<640x128xf32, #tpu.memory_space<vmem_shared>>) target(%dma_start3A_72 : memref<640x128xf32, #tpu.memory_space<hbm>>) target_semaphore(%run_scoped3A : memref<!tpu.dma_semaphore, #tpu.memory_space<semaphore_mem>>)
      %dma_wait3A_75 = arith.constant 0 : i32
      %dma_wait3A_76 = tpu.memref_slice %arg4[%arg0, %mul3A_69, %dma_wait3A_75] : memref<2x10240x128xf32, #tpu.memory_space<hbm>> -> memref<1x640x128xf32, #tpu.memory_space<hbm>>
      %dma_wait3A_77 = tpu.memref_squeeze %dma_wait3A_76 : memref<1x640x128xf32, #tpu.memory_space<hbm>> -> memref<640x128xf32, #tpu.memory_space<hbm>>
      %dma_wait3A_78 = arith.constant 0 : i32
      %dma_wait3A_79 = tpu.memref_slice %arg5[%mul3A_67, %dma_wait3A_78] : memref<10240x128xf32, #tpu.memory_space<vmem_shared>> -> memref<640x128xf32, #tpu.memory_space<vmem_shared>>
      tpu.wait_dma2 semaphore(%run_scoped3A : memref<!tpu.dma_semaphore, #tpu.memory_space<semaphore_mem>>) src(%dma_wait3A_79 : memref<640x128xf32, #tpu.memory_space<vmem_shared>>) dst(%dma_wait3A_77 : memref<640x128xf32, #tpu.memory_space<hbm>>)
      tpu.yield
    }) : () -> ()
    return
  }
}

#map = affine_map<(d0, d1) -> (0, 0)>
#map1 = affine_map<(d0, d1) -> (0)>
#map2 = affine_map<(d0, d1) -> (0, 0, 0)>
module attributes {stable_mosaic.version = 14 : i64} {
  func.func @sc_scatter_ma(%arg0: i32, %arg1: i32, %arg2: memref<81920x128xf32, #tpu.memory_space<hbm>>, %arg3: memref<81920xi32, #tpu.memory_space<hbm>>, %arg4: memref<2x10240x128xf32, #tpu.memory_space<hbm>>, %arg5: memref<10240x128xf32, #tpu.memory_space<vmem_shared>>, %arg6: memref<2x128x128xf32, #tpu.memory_space<vmem>>, %arg7: memref<2560xi32, #tpu.memory_space<vmem>>, %arg8: memref<!tpu.dma_semaphore, #tpu.memory_space<semaphore_mem>>, %arg9: memref<!tpu.dma_semaphore, #tpu.memory_space<semaphore_mem>>) attributes {dimension_semantics = [#tpu.dimension_semantics<core_parallel>, #tpu.dimension_semantics<subcore_parallel>], iteration_bounds = array<i64: 2, 16>, scalar_prefetch = 0 : i64, scratch_operands = 5 : i64, tpu.core_type = #tpu.core_type<sc_vector_subcore>, window_params = [{transform_indices = #map}, {transform_indices = #map1}, {transform_indices = #map2}]} {
    %mul3A = arith.constant 16 : i32
    %mul3A_0 = arith.muli %arg0, %mul3A : i32
    %add3A = arith.addi %mul3A_0, %arg1 : i32
    %iota3A = tpu.iota {dimensions = array<i32: 0>} : vector<16xi32>
    %scan3A = arith.constant 0 : i32
    %scan3A_1 = arith.constant 0 : i32
    %scan3A_2 = arith.constant 1024 : i32
    %scan3A_3 = arith.addi %scan3A_1, %scan3A_2 : i32
    %scan3A_4 = arith.constant 1 : i32
    %scan3A_5 = scf.for %scan3A_70 = %scan3A_1 to %scan3A_3 step %scan3A_4 iter_args(%scan3A_71 = %scan3A) -> (i32)  : i32 {
      %jit3A = arith.constant 8 : i32
      %div3A = arith.divsi %scan3A_70, %jit3A : i32
      %sign3A = arith.constant 0 : i32
      %sign3A_72 = arith.cmpi sgt, %scan3A_70, %sign3A : i32
      %sign3A_73 = arith.extui %sign3A_72 : i1 to i32
      %sign3A_74 = arith.constant 0 : i32
      %sign3A_75 = arith.cmpi slt, %scan3A_70, %sign3A_74 : i32
      %sign3A_76 = arith.extui %sign3A_75 : i1 to i32
      %sign3A_77 = arith.subi %sign3A_73, %sign3A_76 : i32
      %sign3A_78 = arith.constant 0 : i32
      %sign3A_79 = arith.cmpi sgt, %jit3A, %sign3A_78 : i32
      %sign3A_80 = arith.extui %sign3A_79 : i1 to i32
      %sign3A_81 = arith.constant 0 : i32
      %sign3A_82 = arith.cmpi slt, %jit3A, %sign3A_81 : i32
      %sign3A_83 = arith.extui %sign3A_82 : i1 to i32
      %sign3A_84 = arith.subi %sign3A_80, %sign3A_83 : i32
      %ne3A = arith.cmpi ne, %sign3A_77, %sign3A_84 : i32
      %rem3A = arith.remsi %scan3A_70, %jit3A : i32
      %ne3A_85 = arith.constant 0 : i32
      %ne3A_86 = arith.cmpi ne, %rem3A, %ne3A_85 : i32
      %and3A = arith.andi %ne3A, %ne3A_86 : i1
      %sub3A = arith.constant 1 : i32
      %sub3A_87 = arith.subi %div3A, %sub3A : i32
      %select_n3A = arith.select %and3A, %sub3A_87, %div3A : i32
      %jit3A_88 = arith.constant 8 : i32
      %eq3A = arith.constant 0 : i32
      %eq3A_89 = arith.cmpi eq, %jit3A_88, %eq3A : i32
      %jit3A_90 = arith.constant 1 : i32
      %select_n3A_91 = arith.select %eq3A_89, %jit3A_90, %jit3A_88 : i32
      %rem3A_92 = arith.remsi %scan3A_70, %select_n3A_91 : i32
      %ne3A_93 = arith.constant 0 : i32
      %ne3A_94 = arith.cmpi ne, %rem3A_92, %ne3A_93 : i32
      %lt3A = arith.constant 0 : i32
      %lt3A_95 = arith.cmpi slt, %rem3A_92, %lt3A : i32
      %lt3A_96 = arith.constant 0 : i32
      %lt3A_97 = arith.cmpi slt, %select_n3A_91, %lt3A_96 : i32
      %ne3A_98 = arith.xori %lt3A_95, %lt3A_97 : i1
      %and3A_99 = arith.andi %ne3A_98, %ne3A_94 : i1
      %add3A_100 = arith.addi %rem3A_92, %select_n3A_91 : i32
      %select_n3A_101 = arith.select %and3A_99, %add3A_100, %rem3A_92 : i32
      %mul3A_102 = arith.constant 16 : i32
      %mul3A_103 = arith.muli %select_n3A_101, %mul3A_102 : i32
      %broadcast_in_dim3A = arith.constant 0.000000e+00 : f32
      %broadcast_in_dim3A_104 = vector.broadcast %broadcast_in_dim3A : f32 to vector<16xf32>
      %swap3A = arith.constant 0 : i32
      %swap3A_105 = arith.index_cast %swap3A : i32 to index
      %swap3A_106 = arith.index_cast %select_n3A : i32 to index
      %swap3A_107 = arith.index_cast %mul3A_103 : i32 to index
      %swap3A_108 = tpu.vector_load %arg6[%swap3A_105, %swap3A_106, %swap3A_107] {strides = array<i32>} : memref<2x128x128xf32, #tpu.memory_space<vmem>>, vector<1x1x16xf32>,
      %swap3A_109 = vector.shape_cast %swap3A_108 : vector<1x1x16xf32> to vector<16xf32>
      %swap3A_110 = vector.shape_cast %broadcast_in_dim3A_104 : vector<16xf32> to vector<1x1x16xf32>
      tpu.vector_store %arg6[%swap3A_105, %swap3A_106, %swap3A_107], %swap3A_110 {strides = array<i32>} : memref<2x128x128xf32, #tpu.memory_space<vmem>>, vector<1x1x16xf32>,
      %scan3A_111 = arith.constant 0 : i32
      scf.yield %scan3A_111 : i32
    }
    %scan3A_6 = arith.constant 1024 : i32
    %scan3A_7 = arith.constant 0 : i32
    %scan3A_8 = arith.constant 0 : i32
    %scan3A_9 = arith.constant 40 : i32
    %scan3A_10 = arith.addi %scan3A_8, %scan3A_9 : i32
    %scan3A_11 = arith.constant 1 : i32
    %scan3A_12 = scf.for %scan3A_70 = %scan3A_8 to %scan3A_10 step %scan3A_11 iter_args(%scan3A_71 = %scan3A_7) -> (i32)  : i32 {
      %mul3A_72 = arith.constant 640 : i32
      %mul3A_73 = arith.muli %arg1, %mul3A_72 : i32
      %mul3A_74 = arith.constant 16 : i32
      %mul3A_75 = arith.muli %scan3A_70, %mul3A_74 : i32
      %add3A_76 = arith.addi %mul3A_73, %mul3A_75 : i32
      %add3A_77 = vector.broadcast %add3A_76 : i32 to vector<16xi32>
      %add3A_78 = arith.addi %add3A_77, %iota3A : vector<16xi32>
      %mul3A_79 = arith.constant 16 : i32
      %mul3A_80 = arith.muli %scan3A_70, %mul3A_79 : i32
      %swap3A = arith.index_cast %mul3A_80 : i32 to index
      %swap3A_81 = tpu.vector_load %arg7[%swap3A] {strides = array<i32>} : memref<2560xi32, #tpu.memory_space<vmem>>, vector<16xi32>,
      %swap3A_82 = vector.shape_cast %swap3A_81 : vector<16xi32> to vector<16xi32>
      %swap3A_83 = vector.shape_cast %add3A_78 : vector<16xi32> to vector<16xi32>
      tpu.vector_store %arg7[%swap3A], %swap3A_83 {strides = array<i32>} : memref<2560xi32, #tpu.memory_space<vmem>>, vector<16xi32>,
      %scan3A_84 = arith.constant 0 : i32
      scf.yield %scan3A_84 : i32
    }
    %scan3A_13 = arith.constant 40 : i32
    %scan3A_14 = arith.constant 0 : i32
    %scan3A_15 = arith.constant 0 : i32
    %scan3A_16 = arith.constant 5 : i32
    %scan3A_17 = arith.addi %scan3A_15, %scan3A_16 : i32
    %scan3A_18 = arith.constant 1 : i32
    %scan3A_19 = scf.for %scan3A_70 = %scan3A_15 to %scan3A_17 step %scan3A_18 iter_args(%scan3A_71 = %scan3A_14) -> (i32)  : i32 {
      %mul3A_72 = arith.constant 128 : i32
      %mul3A_73 = arith.muli %scan3A_70, %mul3A_72 : i32
      %run_scoped3A = arith.constant 0 : i32
      "tpu.region"() ({
        %run_scoped3A_75 = tpu.sem_alloc : memref<!tpu.dma_semaphore, #tpu.memory_space<semaphore_mem>>
        %dma_start3A_76 = arith.constant 0 : i32
        %dma_start3A_77 = arith.constant 0 : i32
        %dma_start3A_78 = tpu.memref_slice %arg6[%run_scoped3A, %dma_start3A_76, %dma_start3A_77] : memref<2x128x128xf32, #tpu.memory_space<vmem>> -> memref<1x128x128xf32, #tpu.memory_space<vmem>>
        %dma_start3A_79 = tpu.memref_squeeze %dma_start3A_78 : memref<1x128x128xf32, #tpu.memory_space<vmem>> -> memref<128x128xf32, #tpu.memory_space<vmem>>
        %dma_start3A_80 = tpu.memref_slice %arg7[%mul3A_73] : memref<2560xi32, #tpu.memory_space<vmem>> -> memref<128xi32, #tpu.memory_space<vmem>>
        %dma_start3A_81 = arith.constant 0 : i32
        %dma_start3A_82 = arith.constant 0 : i32
        %dma_start3A_83 = tpu.memref_slice %arg5[%dma_start3A_81, %dma_start3A_82] : memref<10240x128xf32, #tpu.memory_space<vmem_shared>> -> memref<10240x128xf32, #tpu.memory_space<vmem_shared>>
        tpu.enqueue_indirect_dma source(%dma_start3A_79 : memref<128x128xf32, #tpu.memory_space<vmem>>) target(%dma_start3A_83 : memref<10240x128xf32, #tpu.memory_space<vmem_shared>>) offsets(%dma_start3A_80 : memref<128xi32, #tpu.memory_space<vmem>>) semaphore(%run_scoped3A_75 : memref<!tpu.dma_semaphore, #tpu.memory_space<semaphore_mem>>)
        %dma_wait3A_84 = arith.constant 0 : i32
        %dma_wait3A_85 = arith.constant 0 : i32
        %dma_wait3A_86 = tpu.memref_slice %arg6[%run_scoped3A, %dma_wait3A_84, %dma_wait3A_85] : memref<2x128x128xf32, #tpu.memory_space<vmem>> -> memref<1x128x128xf32, #tpu.memory_space<vmem>>
        %dma_wait3A_87 = tpu.memref_squeeze %dma_wait3A_86 : memref<1x128x128xf32, #tpu.memory_space<vmem>> -> memref<128x128xf32, #tpu.memory_space<vmem>>
        %dma_wait3A_88 = tpu.memref_slice %arg7[%mul3A_73] : memref<2560xi32, #tpu.memory_space<vmem>> -> memref<128xi32, #tpu.memory_space<vmem>>
        %dma_wait3A_89 = arith.constant 0 : i32
        %dma_wait3A_90 = arith.constant 0 : i32
        %dma_wait3A_91 = tpu.memref_slice %arg5[%dma_wait3A_89, %dma_wait3A_90] : memref<10240x128xf32, #tpu.memory_space<vmem_shared>> -> memref<10240x128xf32, #tpu.memory_space<vmem_shared>>
        tpu.wait_indirect_dma semaphore(%run_scoped3A_75 : memref<!tpu.dma_semaphore, #tpu.memory_space<semaphore_mem>>) src(%dma_wait3A_87 : memref<128x128xf32, #tpu.memory_space<vmem>>) dst(%dma_wait3A_91 : memref<10240x128xf32, #tpu.memory_space<vmem_shared>>)
        tpu.yield
      }) : () -> ()
      %scan3A_74 = arith.constant 0 : i32
      scf.yield %scan3A_74 : i32
    }
    %scan3A_20 = arith.constant 5 : i32
    %barrier3A = arith.constant 0 : index
    tpu.barrier barrier_id(%barrier3A)
    %mul3A_21 = arith.constant 2560 : i32
    %mul3A_22 = arith.muli %add3A, %mul3A_21 : i32
    "tpu.region"() ({
      %run_scoped3A = tpu.sem_alloc : memref<!tpu.dma_semaphore, #tpu.memory_space<semaphore_mem>>
      %dma_start3A_70 = tpu.memref_slice %arg3[%mul3A_22] : memref<81920xi32, #tpu.memory_space<hbm>> -> memref<2560xi32, #tpu.memory_space<hbm>>
      %dma_start3A_71 = tpu.memref_slice %arg3[%mul3A_22] : memref<81920xi32, #tpu.memory_space<hbm>> -> memref<2560xi32, #tpu.memory_space<hbm>>
      tpu.enqueue_dma source(%dma_start3A_71 : memref<2560xi32, #tpu.memory_space<hbm>>) target(%arg7 : memref<2560xi32, #tpu.memory_space<vmem>>) target_semaphore(%run_scoped3A : memref<!tpu.dma_semaphore, #tpu.memory_space<semaphore_mem>>)
      %dma_wait3A_72 = tpu.memref_slice %arg3[%mul3A_22] : memref<81920xi32, #tpu.memory_space<hbm>> -> memref<2560xi32, #tpu.memory_space<hbm>>
      %dma_wait3A_73 = tpu.memref_slice %arg3[%mul3A_22] : memref<81920xi32, #tpu.memory_space<hbm>> -> memref<2560xi32, #tpu.memory_space<hbm>>
      tpu.wait_dma2 semaphore(%run_scoped3A : memref<!tpu.dma_semaphore, #tpu.memory_space<semaphore_mem>>) src(%dma_wait3A_73 : memref<2560xi32, #tpu.memory_space<hbm>>) dst(%arg7 : memref<2560xi32, #tpu.memory_space<vmem>>)
      tpu.yield
    }) : () -> ()
    %mul3A_23 = arith.constant 2560 : i32
    %mul3A_24 = arith.muli %add3A, %mul3A_23 : i32
    %add3A_25 = arith.constant 0 : i32
    %add3A_26 = arith.addi %mul3A_24, %add3A_25 : i32
    %dma_start3A = arith.constant 0 : i32
    %dma_start3A_27 = arith.constant 0 : i32
    %dma_start3A_28 = arith.constant 0 : i32
    %dma_start3A_29 = tpu.memref_slice %arg6[%dma_start3A, %dma_start3A_27, %dma_start3A_28] : memref<2x128x128xf32, #tpu.memory_space<vmem>> -> memref<1x128x128xf32, #tpu.memory_space<vmem>>
    %dma_start3A_30 = tpu.memref_squeeze %dma_start3A_29 : memref<1x128x128xf32, #tpu.memory_space<vmem>> -> memref<128x128xf32, #tpu.memory_space<vmem>>
    %dma_start3A_31 = arith.constant 0 : i32
    %dma_start3A_32 = tpu.memref_slice %arg2[%add3A_26, %dma_start3A_31] : memref<81920x128xf32, #tpu.memory_space<hbm>> -> memref<128x128xf32, #tpu.memory_space<hbm>>
    %dma_start3A_33 = arith.constant 0 : i32
    %dma_start3A_34 = arith.constant 0 : i32
    %dma_start3A_35 = tpu.memref_slice %arg6[%dma_start3A, %dma_start3A_33, %dma_start3A_34] : memref<2x128x128xf32, #tpu.memory_space<vmem>> -> memref<1x128x128xf32, #tpu.memory_space<vmem>>
    %dma_start3A_36 = tpu.memref_squeeze %dma_start3A_35 : memref<1x128x128xf32, #tpu.memory_space<vmem>> -> memref<128x128xf32, #tpu.memory_space<vmem>>
    %dma_start3A_37 = arith.constant 0 : i32
    %dma_start3A_38 = tpu.memref_slice %arg2[%add3A_26, %dma_start3A_37] : memref<81920x128xf32, #tpu.memory_space<hbm>> -> memref<128x128xf32, #tpu.memory_space<hbm>>
    tpu.enqueue_dma source(%dma_start3A_38 : memref<128x128xf32, #tpu.memory_space<hbm>>) target(%dma_start3A_36 : memref<128x128xf32, #tpu.memory_space<vmem>>) target_semaphore(%arg8 : memref<!tpu.dma_semaphore, #tpu.memory_space<semaphore_mem>>)
    %scan3A_39 = arith.constant 0 : i32
    %scan3A_40 = arith.constant 0 : i32
    %scan3A_41 = arith.constant 10 : i32
    %scan3A_42 = arith.addi %scan3A_40, %scan3A_41 : i32
    %scan3A_43 = arith.constant 1 : i32
    %scan3A_44 = scf.for %scan3A_70 = %scan3A_40 to %scan3A_42 step %scan3A_43 iter_args(%scan3A_71 = %scan3A_39) -> (i32)  : i32 {
      %mul3A_72 = arith.constant 2 : i32
      %mul3A_73 = arith.muli %mul3A_72, %scan3A_70 : i32
      %ge3A = arith.constant 1 : i32
      %ge3A_74 = arith.cmpi sge, %scan3A_70, %ge3A : i32
      %convert_element_type3A = arith.extui %ge3A_74 : i1 to i32
      %cond3A = arith.constant 0 : i32
      %cond3A_75 = arith.cmpi ne, %convert_element_type3A, %cond3A : i32
      scf.if %cond3A_75 {
        %sub3A = arith.constant 1 : i32
        %sub3A_165 = arith.subi %mul3A_73, %sub3A : i32
        %mul3A_166 = arith.constant 128 : i32
        %mul3A_167 = arith.muli %sub3A_165, %mul3A_166 : i32
        %dma_wait3A_168 = arith.constant 1 : i32
        %dma_wait3A_169 = arith.constant 0 : i32
        %dma_wait3A_170 = arith.constant 0 : i32
        %dma_wait3A_171 = tpu.memref_slice %arg6[%dma_wait3A_168, %dma_wait3A_169, %dma_wait3A_170] : memref<2x128x128xf32, #tpu.memory_space<vmem>> -> memref<1x128x128xf32, #tpu.memory_space<vmem>>
        %dma_wait3A_172 = tpu.memref_squeeze %dma_wait3A_171 : memref<1x128x128xf32, #tpu.memory_space<vmem>> -> memref<128x128xf32, #tpu.memory_space<vmem>>
        %dma_wait3A_173 = tpu.memref_slice %arg7[%mul3A_167] : memref<2560xi32, #tpu.memory_space<vmem>> -> memref<128xi32, #tpu.memory_space<vmem>>
        %dma_wait3A_174 = arith.constant 0 : i32
        %dma_wait3A_175 = arith.constant 0 : i32
        %dma_wait3A_176 = tpu.memref_slice %arg5[%dma_wait3A_174, %dma_wait3A_175] : memref<10240x128xf32, #tpu.memory_space<vmem_shared>> -> memref<10240x128xf32, #tpu.memory_space<vmem_shared>>
        tpu.wait_indirect_dma semaphore(%arg9 : memref<!tpu.dma_semaphore, #tpu.memory_space<semaphore_mem>>) src(%dma_wait3A_172 : memref<128x128xf32, #tpu.memory_space<vmem>>) dst(%dma_wait3A_176 : memref<10240x128xf32, #tpu.memory_space<vmem_shared>>)
      } else {
      }
      %add3A_76 = arith.constant 1 : i32
      %add3A_77 = arith.addi %mul3A_73, %add3A_76 : i32
      %mul3A_78 = arith.constant 2560 : i32
      %mul3A_79 = arith.muli %add3A, %mul3A_78 : i32
      %mul3A_80 = arith.constant 128 : i32
      %mul3A_81 = arith.muli %add3A_77, %mul3A_80 : i32
      %add3A_82 = arith.addi %mul3A_79, %mul3A_81 : i32
      %dma_start3A_83 = arith.constant 1 : i32
      %dma_start3A_84 = arith.constant 0 : i32
      %dma_start3A_85 = arith.constant 0 : i32
      %dma_start3A_86 = tpu.memref_slice %arg6[%dma_start3A_83, %dma_start3A_84, %dma_start3A_85] : memref<2x128x128xf32, #tpu.memory_space<vmem>> -> memref<1x128x128xf32, #tpu.memory_space<vmem>>
      %dma_start3A_87 = tpu.memref_squeeze %dma_start3A_86 : memref<1x128x128xf32, #tpu.memory_space<vmem>> -> memref<128x128xf32, #tpu.memory_space<vmem>>
      %dma_start3A_88 = arith.constant 0 : i32
      %dma_start3A_89 = tpu.memref_slice %arg2[%add3A_82, %dma_start3A_88] : memref<81920x128xf32, #tpu.memory_space<hbm>> -> memref<128x128xf32, #tpu.memory_space<hbm>>
      %dma_start3A_90 = arith.constant 0 : i32
      %dma_start3A_91 = arith.constant 0 : i32
      %dma_start3A_92 = tpu.memref_slice %arg6[%dma_start3A_83, %dma_start3A_90, %dma_start3A_91] : memref<2x128x128xf32, #tpu.memory_space<vmem>> -> memref<1x128x128xf32, #tpu.memory_space<vmem>>
      %dma_start3A_93 = tpu.memref_squeeze %dma_start3A_92 : memref<1x128x128xf32, #tpu.memory_space<vmem>> -> memref<128x128xf32, #tpu.memory_space<vmem>>
      %dma_start3A_94 = arith.constant 0 : i32
      %dma_start3A_95 = tpu.memref_slice %arg2[%add3A_82, %dma_start3A_94] : memref<81920x128xf32, #tpu.memory_space<hbm>> -> memref<128x128xf32, #tpu.memory_space<hbm>>
      tpu.enqueue_dma source(%dma_start3A_95 : memref<128x128xf32, #tpu.memory_space<hbm>>) target(%dma_start3A_93 : memref<128x128xf32, #tpu.memory_space<vmem>>) target_semaphore(%arg8 : memref<!tpu.dma_semaphore, #tpu.memory_space<semaphore_mem>>)
      %mul3A_96 = arith.constant 2560 : i32
      %mul3A_97 = arith.muli %add3A, %mul3A_96 : i32
      %mul3A_98 = arith.constant 128 : i32
      %mul3A_99 = arith.muli %mul3A_73, %mul3A_98 : i32
      %add3A_100 = arith.addi %mul3A_97, %mul3A_99 : i32
      %dma_wait3A_101 = arith.constant 0 : i32
      %dma_wait3A_102 = arith.constant 0 : i32
      %dma_wait3A_103 = arith.constant 0 : i32
      %dma_wait3A_104 = tpu.memref_slice %arg6[%dma_wait3A_101, %dma_wait3A_102, %dma_wait3A_103] : memref<2x128x128xf32, #tpu.memory_space<vmem>> -> memref<1x128x128xf32, #tpu.memory_space<vmem>>
      %dma_wait3A_105 = tpu.memref_squeeze %dma_wait3A_104 : memref<1x128x128xf32, #tpu.memory_space<vmem>> -> memref<128x128xf32, #tpu.memory_space<vmem>>
      %dma_wait3A_106 = arith.constant 0 : i32
      %dma_wait3A_107 = tpu.memref_slice %arg2[%add3A_100, %dma_wait3A_106] : memref<81920x128xf32, #tpu.memory_space<hbm>> -> memref<128x128xf32, #tpu.memory_space<hbm>>
      %dma_wait3A_108 = arith.constant 0 : i32
      %dma_wait3A_109 = arith.constant 0 : i32
      %dma_wait3A_110 = tpu.memref_slice %arg6[%dma_wait3A_101, %dma_wait3A_108, %dma_wait3A_109] : memref<2x128x128xf32, #tpu.memory_space<vmem>> -> memref<1x128x128xf32, #tpu.memory_space<vmem>>
      %dma_wait3A_111 = tpu.memref_squeeze %dma_wait3A_110 : memref<1x128x128xf32, #tpu.memory_space<vmem>> -> memref<128x128xf32, #tpu.memory_space<vmem>>
      %dma_wait3A_112 = arith.constant 0 : i32
      %dma_wait3A_113 = tpu.memref_slice %arg2[%add3A_100, %dma_wait3A_112] : memref<81920x128xf32, #tpu.memory_space<hbm>> -> memref<128x128xf32, #tpu.memory_space<hbm>>
      tpu.wait_dma2 semaphore(%arg8 : memref<!tpu.dma_semaphore, #tpu.memory_space<semaphore_mem>>) src(%dma_wait3A_113 : memref<128x128xf32, #tpu.memory_space<hbm>>) dst(%dma_wait3A_111 : memref<128x128xf32, #tpu.memory_space<vmem>>)
      %mul3A_114 = arith.constant 128 : i32
      %mul3A_115 = arith.muli %mul3A_73, %mul3A_114 : i32
      %dma_start3A_116 = arith.constant 0 : i32
      %dma_start3A_117 = arith.constant 0 : i32
      %dma_start3A_118 = arith.constant 0 : i32
      %dma_start3A_119 = tpu.memref_slice %arg6[%dma_start3A_116, %dma_start3A_117, %dma_start3A_118] : memref<2x128x128xf32, #tpu.memory_space<vmem>> -> memref<1x128x128xf32, #tpu.memory_space<vmem>>
      %dma_start3A_120 = tpu.memref_squeeze %dma_start3A_119 : memref<1x128x128xf32, #tpu.memory_space<vmem>> -> memref<128x128xf32, #tpu.memory_space<vmem>>
      %dma_start3A_121 = tpu.memref_slice %arg7[%mul3A_115] : memref<2560xi32, #tpu.memory_space<vmem>> -> memref<128xi32, #tpu.memory_space<vmem>>
      %dma_start3A_122 = arith.constant 0 : i32
      %dma_start3A_123 = arith.constant 0 : i32
      %dma_start3A_124 = tpu.memref_slice %arg5[%dma_start3A_122, %dma_start3A_123] : memref<10240x128xf32, #tpu.memory_space<vmem_shared>> -> memref<10240x128xf32, #tpu.memory_space<vmem_shared>>
      tpu.enqueue_indirect_dma source(%dma_start3A_120 : memref<128x128xf32, #tpu.memory_space<vmem>>) target(%dma_start3A_124 : memref<10240x128xf32, #tpu.memory_space<vmem_shared>>) offsets(%dma_start3A_121 : memref<128xi32, #tpu.memory_space<vmem>>) semaphore(%arg9 : memref<!tpu.dma_semaphore, #tpu.memory_space<semaphore_mem>>) {add = true}
      %add3A_125 = arith.constant 2 : i32
      %add3A_126 = arith.addi %mul3A_73, %add3A_125 : i32
      %lt3A = arith.constant 20 : i32
      %lt3A_127 = arith.cmpi slt, %add3A_126, %lt3A : i32
      %convert_element_type3A_128 = arith.extui %lt3A_127 : i1 to i32
      %cond3A_129 = arith.constant 0 : i32
      %cond3A_130 = arith.cmpi ne, %convert_element_type3A_128, %cond3A_129 : i32
      scf.if %cond3A_130 {
        %mul3A_165 = arith.constant 128 : i32
        %mul3A_166 = arith.muli %mul3A_73, %mul3A_165 : i32
        %dma_wait3A_167 = arith.constant 0 : i32
        %dma_wait3A_168 = arith.constant 0 : i32
        %dma_wait3A_169 = arith.constant 0 : i32
        %dma_wait3A_170 = tpu.memref_slice %arg6[%dma_wait3A_167, %dma_wait3A_168, %dma_wait3A_169] : memref<2x128x128xf32, #tpu.memory_space<vmem>> -> memref<1x128x128xf32, #tpu.memory_space<vmem>>
        %dma_wait3A_171 = tpu.memref_squeeze %dma_wait3A_170 : memref<1x128x128xf32, #tpu.memory_space<vmem>> -> memref<128x128xf32, #tpu.memory_space<vmem>>
        %dma_wait3A_172 = tpu.memref_slice %arg7[%mul3A_166] : memref<2560xi32, #tpu.memory_space<vmem>> -> memref<128xi32, #tpu.memory_space<vmem>>
        %dma_wait3A_173 = arith.constant 0 : i32
        %dma_wait3A_174 = arith.constant 0 : i32
        %dma_wait3A_175 = tpu.memref_slice %arg5[%dma_wait3A_173, %dma_wait3A_174] : memref<10240x128xf32, #tpu.memory_space<vmem_shared>> -> memref<10240x128xf32, #tpu.memory_space<vmem_shared>>
        tpu.wait_indirect_dma semaphore(%arg9 : memref<!tpu.dma_semaphore, #tpu.memory_space<semaphore_mem>>) src(%dma_wait3A_171 : memref<128x128xf32, #tpu.memory_space<vmem>>) dst(%dma_wait3A_175 : memref<10240x128xf32, #tpu.memory_space<vmem_shared>>)
        %add3A_176 = arith.constant 2 : i32
        %add3A_177 = arith.addi %mul3A_73, %add3A_176 : i32
        %mul3A_178 = arith.constant 2560 : i32
        %mul3A_179 = arith.muli %add3A, %mul3A_178 : i32
        %mul3A_180 = arith.constant 128 : i32
        %mul3A_181 = arith.muli %add3A_177, %mul3A_180 : i32
        %add3A_182 = arith.addi %mul3A_179, %mul3A_181 : i32
        %dma_start3A_183 = arith.constant 0 : i32
        %dma_start3A_184 = arith.constant 0 : i32
        %dma_start3A_185 = arith.constant 0 : i32
        %dma_start3A_186 = tpu.memref_slice %arg6[%dma_start3A_183, %dma_start3A_184, %dma_start3A_185] : memref<2x128x128xf32, #tpu.memory_space<vmem>> -> memref<1x128x128xf32, #tpu.memory_space<vmem>>
        %dma_start3A_187 = tpu.memref_squeeze %dma_start3A_186 : memref<1x128x128xf32, #tpu.memory_space<vmem>> -> memref<128x128xf32, #tpu.memory_space<vmem>>
        %dma_start3A_188 = arith.constant 0 : i32
        %dma_start3A_189 = tpu.memref_slice %arg2[%add3A_182, %dma_start3A_188] : memref<81920x128xf32, #tpu.memory_space<hbm>> -> memref<128x128xf32, #tpu.memory_space<hbm>>
        %dma_start3A_190 = arith.constant 0 : i32
        %dma_start3A_191 = arith.constant 0 : i32
        %dma_start3A_192 = tpu.memref_slice %arg6[%dma_start3A_183, %dma_start3A_190, %dma_start3A_191] : memref<2x128x128xf32, #tpu.memory_space<vmem>> -> memref<1x128x128xf32, #tpu.memory_space<vmem>>
        %dma_start3A_193 = tpu.memref_squeeze %dma_start3A_192 : memref<1x128x128xf32, #tpu.memory_space<vmem>> -> memref<128x128xf32, #tpu.memory_space<vmem>>
        %dma_start3A_194 = arith.constant 0 : i32
        %dma_start3A_195 = tpu.memref_slice %arg2[%add3A_182, %dma_start3A_194] : memref<81920x128xf32, #tpu.memory_space<hbm>> -> memref<128x128xf32, #tpu.memory_space<hbm>>
        tpu.enqueue_dma source(%dma_start3A_195 : memref<128x128xf32, #tpu.memory_space<hbm>>) target(%dma_start3A_193 : memref<128x128xf32, #tpu.memory_space<vmem>>) target_semaphore(%arg8 : memref<!tpu.dma_semaphore, #tpu.memory_space<semaphore_mem>>)
      } else {
      }
      %add3A_131 = arith.constant 1 : i32
      %add3A_132 = arith.addi %mul3A_73, %add3A_131 : i32
      %mul3A_133 = arith.constant 2560 : i32
      %mul3A_134 = arith.muli %add3A, %mul3A_133 : i32
      %mul3A_135 = arith.constant 128 : i32
      %mul3A_136 = arith.muli %add3A_132, %mul3A_135 : i32
      %add3A_137 = arith.addi %mul3A_134, %mul3A_136 : i32
      %dma_wait3A_138 = arith.constant 1 : i32
      %dma_wait3A_139 = arith.constant 0 : i32
      %dma_wait3A_140 = arith.constant 0 : i32
      %dma_wait3A_141 = tpu.memref_slice %arg6[%dma_wait3A_138, %dma_wait3A_139, %dma_wait3A_140] : memref<2x128x128xf32, #tpu.memory_space<vmem>> -> memref<1x128x128xf32, #tpu.memory_space<vmem>>
      %dma_wait3A_142 = tpu.memref_squeeze %dma_wait3A_141 : memref<1x128x128xf32, #tpu.memory_space<vmem>> -> memref<128x128xf32, #tpu.memory_space<vmem>>
      %dma_wait3A_143 = arith.constant 0 : i32
      %dma_wait3A_144 = tpu.memref_slice %arg2[%add3A_137, %dma_wait3A_143] : memref<81920x128xf32, #tpu.memory_space<hbm>> -> memref<128x128xf32, #tpu.memory_space<hbm>>
      %dma_wait3A_145 = arith.constant 0 : i32
      %dma_wait3A_146 = arith.constant 0 : i32
      %dma_wait3A_147 = tpu.memref_slice %arg6[%dma_wait3A_138, %dma_wait3A_145, %dma_wait3A_146] : memref<2x128x128xf32, #tpu.memory_space<vmem>> -> memref<1x128x128xf32, #tpu.memory_space<vmem>>
      %dma_wait3A_148 = tpu.memref_squeeze %dma_wait3A_147 : memref<1x128x128xf32, #tpu.memory_space<vmem>> -> memref<128x128xf32, #tpu.memory_space<vmem>>
      %dma_wait3A_149 = arith.constant 0 : i32
      %dma_wait3A_150 = tpu.memref_slice %arg2[%add3A_137, %dma_wait3A_149] : memref<81920x128xf32, #tpu.memory_space<hbm>> -> memref<128x128xf32, #tpu.memory_space<hbm>>
      tpu.wait_dma2 semaphore(%arg8 : memref<!tpu.dma_semaphore, #tpu.memory_space<semaphore_mem>>) src(%dma_wait3A_150 : memref<128x128xf32, #tpu.memory_space<hbm>>) dst(%dma_wait3A_148 : memref<128x128xf32, #tpu.memory_space<vmem>>)
      %add3A_151 = arith.constant 1 : i32
      %add3A_152 = arith.addi %mul3A_73, %add3A_151 : i32
      %mul3A_153 = arith.constant 128 : i32
      %mul3A_154 = arith.muli %add3A_152, %mul3A_153 : i32
      %dma_start3A_155 = arith.constant 1 : i32
      %dma_start3A_156 = arith.constant 0 : i32
      %dma_start3A_157 = arith.constant 0 : i32
      %dma_start3A_158 = tpu.memref_slice %arg6[%dma_start3A_155, %dma_start3A_156, %dma_start3A_157] : memref<2x128x128xf32, #tpu.memory_space<vmem>> -> memref<1x128x128xf32, #tpu.memory_space<vmem>>
      %dma_start3A_159 = tpu.memref_squeeze %dma_start3A_158 : memref<1x128x128xf32, #tpu.memory_space<vmem>> -> memref<128x128xf32, #tpu.memory_space<vmem>>
      %dma_start3A_160 = tpu.memref_slice %arg7[%mul3A_154] : memref<2560xi32, #tpu.memory_space<vmem>> -> memref<128xi32, #tpu.memory_space<vmem>>
      %dma_start3A_161 = arith.constant 0 : i32
      %dma_start3A_162 = arith.constant 0 : i32
      %dma_start3A_163 = tpu.memref_slice %arg5[%dma_start3A_161, %dma_start3A_162] : memref<10240x128xf32, #tpu.memory_space<vmem_shared>> -> memref<10240x128xf32, #tpu.memory_space<vmem_shared>>
      tpu.enqueue_indirect_dma source(%dma_start3A_159 : memref<128x128xf32, #tpu.memory_space<vmem>>) target(%dma_start3A_163 : memref<10240x128xf32, #tpu.memory_space<vmem_shared>>) offsets(%dma_start3A_160 : memref<128xi32, #tpu.memory_space<vmem>>) semaphore(%arg9 : memref<!tpu.dma_semaphore, #tpu.memory_space<semaphore_mem>>) {add = true}
      %scan3A_164 = arith.constant 0 : i32
      scf.yield %scan3A_164 : i32
    }
    %scan3A_45 = arith.constant 10 : i32
    %dma_wait3A = arith.constant 0 : i32
    %dma_wait3A_46 = arith.constant 0 : i32
    %dma_wait3A_47 = arith.constant 0 : i32
    %dma_wait3A_48 = tpu.memref_slice %arg6[%dma_wait3A, %dma_wait3A_46, %dma_wait3A_47] : memref<2x128x128xf32, #tpu.memory_space<vmem>> -> memref<1x128x128xf32, #tpu.memory_space<vmem>>
    %dma_wait3A_49 = tpu.memref_squeeze %dma_wait3A_48 : memref<1x128x128xf32, #tpu.memory_space<vmem>> -> memref<128x128xf32, #tpu.memory_space<vmem>>
    %dma_wait3A_50 = arith.constant 2304 : i32
    %dma_wait3A_51 = tpu.memref_slice %arg7[%dma_wait3A_50] : memref<2560xi32, #tpu.memory_space<vmem>> -> memref<128xi32, #tpu.memory_space<vmem>>
    %dma_wait3A_52 = arith.constant 0 : i32
    %dma_wait3A_53 = arith.constant 0 : i32
    %dma_wait3A_54 = tpu.memref_slice %arg5[%dma_wait3A_52, %dma_wait3A_53] : memref<10240x128xf32, #tpu.memory_space<vmem_shared>> -> memref<10240x128xf32, #tpu.memory_space<vmem_shared>>
    tpu.wait_indirect_dma semaphore(%arg9 : memref<!tpu.dma_semaphore, #tpu.memory_space<semaphore_mem>>) src(%dma_wait3A_49 : memref<128x128xf32, #tpu.memory_space<vmem>>) dst(%dma_wait3A_54 : memref<10240x128xf32, #tpu.memory_space<vmem_shared>>)
    %dma_wait3A_55 = arith.constant 1 : i32
    %dma_wait3A_56 = arith.constant 0 : i32
    %dma_wait3A_57 = arith.constant 0 : i32
    %dma_wait3A_58 = tpu.memref_slice %arg6[%dma_wait3A_55, %dma_wait3A_56, %dma_wait3A_57] : memref<2x128x128xf32, #tpu.memory_space<vmem>> -> memref<1x128x128xf32, #tpu.memory_space<vmem>>
    %dma_wait3A_59 = tpu.memref_squeeze %dma_wait3A_58 : memref<1x128x128xf32, #tpu.memory_space<vmem>> -> memref<128x128xf32, #tpu.memory_space<vmem>>
    %dma_wait3A_60 = arith.constant 2432 : i32
    %dma_wait3A_61 = tpu.memref_slice %arg7[%dma_wait3A_60] : memref<2560xi32, #tpu.memory_space<vmem>> -> memref<128xi32, #tpu.memory_space<vmem>>
    %dma_wait3A_62 = arith.constant 0 : i32
    %dma_wait3A_63 = arith.constant 0 : i32
    %dma_wait3A_64 = tpu.memref_slice %arg5[%dma_wait3A_62, %dma_wait3A_63] : memref<10240x128xf32, #tpu.memory_space<vmem_shared>> -> memref<10240x128xf32, #tpu.memory_space<vmem_shared>>
    tpu.wait_indirect_dma semaphore(%arg9 : memref<!tpu.dma_semaphore, #tpu.memory_space<semaphore_mem>>) src(%dma_wait3A_59 : memref<128x128xf32, #tpu.memory_space<vmem>>) dst(%dma_wait3A_64 : memref<10240x128xf32, #tpu.memory_space<vmem_shared>>)
    %barrier3A_65 = arith.constant 0 : index
    tpu.barrier barrier_id(%barrier3A_65)
    %mul3A_66 = arith.constant 640 : i32
    %mul3A_67 = arith.muli %arg1, %mul3A_66 : i32
    %mul3A_68 = arith.constant 640 : i32
    %mul3A_69 = arith.muli %arg1, %mul3A_68 : i32
    "tpu.region"() ({
      %run_scoped3A = tpu.sem_alloc : memref<!tpu.dma_semaphore, #tpu.memory_space<semaphore_mem>>
      %dma_start3A_70 = arith.constant 0 : i32
      %dma_start3A_71 = tpu.memref_slice %arg4[%arg0, %mul3A_69, %dma_start3A_70] : memref<2x10240x128xf32, #tpu.memory_space<hbm>> -> memref<1x640x128xf32, #tpu.memory_space<hbm>>
      %dma_start3A_72 = tpu.memref_squeeze %dma_start3A_71 : memref<1x640x128xf32, #tpu.memory_space<hbm>> -> memref<640x128xf32, #tpu.memory_space<hbm>>
      %dma_start3A_73 = arith.constant 0 : i32
      %dma_start3A_74 = tpu.memref_slice %arg5[%mul3A_67, %dma_start3A_73] : memref<10240x128xf32, #tpu.memory_space<vmem_shared>> -> memref<640x128xf32, #tpu.memory_space<vmem_shared>>
      tpu.enqueue_dma source(%dma_start3A_74 : memref<640x128xf32, #tpu.memory_space<vmem_shared>>) target(%dma_start3A_72 : memref<640x128xf32, #tpu.memory_space<hbm>>) target_semaphore(%run_scoped3A : memref<!tpu.dma_semaphore, #tpu.memory_space<semaphore_mem>>)
      %dma_wait3A_75 = arith.constant 0 : i32
      %dma_wait3A_76 = tpu.memref_slice %arg4[%arg0, %mul3A_69, %dma_wait3A_75] : memref<2x10240x128xf32, #tpu.memory_space<hbm>> -> memref<1x640x128xf32, #tpu.memory_space<hbm>>
      %dma_wait3A_77 = tpu.memref_squeeze %dma_wait3A_76 : memref<1x640x128xf32, #tpu.memory_space<hbm>> -> memref<640x128xf32, #tpu.memory_space<hbm>>
      %dma_wait3A_78 = arith.constant 0 : i32
      %dma_wait3A_79 = tpu.memref_slice %arg5[%mul3A_67, %dma_wait3A_78] : memref<10240x128xf32, #tpu.memory_space<vmem_shared>> -> memref<640x128xf32, #tpu.memory_space<vmem_shared>>
      tpu.wait_dma2 semaphore(%run_scoped3A : memref<!tpu.dma_semaphore, #tpu.memory_space<semaphore_mem>>) src(%dma_wait3A_79 : memref<640x128xf32, #tpu.memory_space<vmem_shared>>) dst(%dma_wait3A_77 : memref<640x128xf32, #tpu.memory_space<hbm>>)
      tpu.yield
    }) : () -> ()
    return
  }
}

#map = affine_map<(d0, d1) -> (0, 0)>
#map1 = affine_map<(d0, d1) -> (0)>
#map2 = affine_map<(d0, d1) -> (0, 0, 0)>
module attributes {stable_mosaic.version = 14 : i64} {
  func.func @sc_scatter_sa(%arg0: i32, %arg1: i32, %arg2: memref<81920x128xf32, #tpu.memory_space<hbm>>, %arg3: memref<81920xi32, #tpu.memory_space<hbm>>, %arg4: memref<2x10240x128xf32, #tpu.memory_space<hbm>>, %arg5: memref<10240x128xf32, #tpu.memory_space<vmem_shared>>, %arg6: memref<2x128x128xf32, #tpu.memory_space<vmem>>, %arg7: memref<2560xi32, #tpu.memory_space<vmem>>, %arg8: memref<!tpu.dma_semaphore, #tpu.memory_space<semaphore_mem>>, %arg9: memref<!tpu.dma_semaphore, #tpu.memory_space<semaphore_mem>>) attributes {dimension_semantics = [#tpu.dimension_semantics<core_parallel>, #tpu.dimension_semantics<subcore_parallel>], iteration_bounds = array<i64: 2, 16>, scalar_prefetch = 0 : i64, scratch_operands = 5 : i64, tpu.core_type = #tpu.core_type<sc_vector_subcore>, window_params = [{transform_indices = #map}, {transform_indices = #map1}, {transform_indices = #map2}]} {
    %mul3A = arith.constant 16 : i32
    %mul3A_0 = arith.muli %arg0, %mul3A : i32
    %add3A = arith.addi %mul3A_0, %arg1 : i32
    %iota3A = tpu.iota {dimensions = array<i32: 0>} : vector<16xi32>
    %scan3A = arith.constant 0 : i32
    %scan3A_1 = arith.constant 0 : i32
    %scan3A_2 = arith.constant 1024 : i32
    %scan3A_3 = arith.addi %scan3A_1, %scan3A_2 : i32
    %scan3A_4 = arith.constant 1 : i32
    %scan3A_5 = scf.for %scan3A_70 = %scan3A_1 to %scan3A_3 step %scan3A_4 iter_args(%scan3A_71 = %scan3A) -> (i32)  : i32 {
      %jit3A = arith.constant 8 : i32
      %div3A = arith.divsi %scan3A_70, %jit3A : i32
      %sign3A = arith.constant 0 : i32
      %sign3A_72 = arith.cmpi sgt, %scan3A_70, %sign3A : i32
      %sign3A_73 = arith.extui %sign3A_72 : i1 to i32
      %sign3A_74 = arith.constant 0 : i32
      %sign3A_75 = arith.cmpi slt, %scan3A_70, %sign3A_74 : i32
      %sign3A_76 = arith.extui %sign3A_75 : i1 to i32
      %sign3A_77 = arith.subi %sign3A_73, %sign3A_76 : i32
      %sign3A_78 = arith.constant 0 : i32
      %sign3A_79 = arith.cmpi sgt, %jit3A, %sign3A_78 : i32
      %sign3A_80 = arith.extui %sign3A_79 : i1 to i32
      %sign3A_81 = arith.constant 0 : i32
      %sign3A_82 = arith.cmpi slt, %jit3A, %sign3A_81 : i32
      %sign3A_83 = arith.extui %sign3A_82 : i1 to i32
      %sign3A_84 = arith.subi %sign3A_80, %sign3A_83 : i32
      %ne3A = arith.cmpi ne, %sign3A_77, %sign3A_84 : i32
      %rem3A = arith.remsi %scan3A_70, %jit3A : i32
      %ne3A_85 = arith.constant 0 : i32
      %ne3A_86 = arith.cmpi ne, %rem3A, %ne3A_85 : i32
      %and3A = arith.andi %ne3A, %ne3A_86 : i1
      %sub3A = arith.constant 1 : i32
      %sub3A_87 = arith.subi %div3A, %sub3A : i32
      %select_n3A = arith.select %and3A, %sub3A_87, %div3A : i32
      %jit3A_88 = arith.constant 8 : i32
      %eq3A = arith.constant 0 : i32
      %eq3A_89 = arith.cmpi eq, %jit3A_88, %eq3A : i32
      %jit3A_90 = arith.constant 1 : i32
      %select_n3A_91 = arith.select %eq3A_89, %jit3A_90, %jit3A_88 : i32
      %rem3A_92 = arith.remsi %scan3A_70, %select_n3A_91 : i32
      %ne3A_93 = arith.constant 0 : i32
      %ne3A_94 = arith.cmpi ne, %rem3A_92, %ne3A_93 : i32
      %lt3A = arith.constant 0 : i32
      %lt3A_95 = arith.cmpi slt, %rem3A_92, %lt3A : i32
      %lt3A_96 = arith.constant 0 : i32
      %lt3A_97 = arith.cmpi slt, %select_n3A_91, %lt3A_96 : i32
      %ne3A_98 = arith.xori %lt3A_95, %lt3A_97 : i1
      %and3A_99 = arith.andi %ne3A_98, %ne3A_94 : i1
      %add3A_100 = arith.addi %rem3A_92, %select_n3A_91 : i32
      %select_n3A_101 = arith.select %and3A_99, %add3A_100, %rem3A_92 : i32
      %mul3A_102 = arith.constant 16 : i32
      %mul3A_103 = arith.muli %select_n3A_101, %mul3A_102 : i32
      %broadcast_in_dim3A = arith.constant 0.000000e+00 : f32
      %broadcast_in_dim3A_104 = vector.broadcast %broadcast_in_dim3A : f32 to vector<16xf32>
      %swap3A = arith.constant 0 : i32
      %swap3A_105 = arith.index_cast %swap3A : i32 to index
      %swap3A_106 = arith.index_cast %select_n3A : i32 to index
      %swap3A_107 = arith.index_cast %mul3A_103 : i32 to index
      %swap3A_108 = tpu.vector_load %arg6[%swap3A_105, %swap3A_106, %swap3A_107] {strides = array<i32>} : memref<2x128x128xf32, #tpu.memory_space<vmem>>, vector<1x1x16xf32>,
      %swap3A_109 = vector.shape_cast %swap3A_108 : vector<1x1x16xf32> to vector<16xf32>
      %swap3A_110 = vector.shape_cast %broadcast_in_dim3A_104 : vector<16xf32> to vector<1x1x16xf32>
      tpu.vector_store %arg6[%swap3A_105, %swap3A_106, %swap3A_107], %swap3A_110 {strides = array<i32>} : memref<2x128x128xf32, #tpu.memory_space<vmem>>, vector<1x1x16xf32>,
      %scan3A_111 = arith.constant 0 : i32
      scf.yield %scan3A_111 : i32
    }
    %scan3A_6 = arith.constant 1024 : i32
    %scan3A_7 = arith.constant 0 : i32
    %scan3A_8 = arith.constant 0 : i32
    %scan3A_9 = arith.constant 40 : i32
    %scan3A_10 = arith.addi %scan3A_8, %scan3A_9 : i32
    %scan3A_11 = arith.constant 1 : i32
    %scan3A_12 = scf.for %scan3A_70 = %scan3A_8 to %scan3A_10 step %scan3A_11 iter_args(%scan3A_71 = %scan3A_7) -> (i32)  : i32 {
      %mul3A_72 = arith.constant 640 : i32
      %mul3A_73 = arith.muli %arg1, %mul3A_72 : i32
      %mul3A_74 = arith.constant 16 : i32
      %mul3A_75 = arith.muli %scan3A_70, %mul3A_74 : i32
      %add3A_76 = arith.addi %mul3A_73, %mul3A_75 : i32
      %add3A_77 = vector.broadcast %add3A_76 : i32 to vector<16xi32>
      %add3A_78 = arith.addi %add3A_77, %iota3A : vector<16xi32>
      %mul3A_79 = arith.constant 16 : i32
      %mul3A_80 = arith.muli %scan3A_70, %mul3A_79 : i32
      %swap3A = arith.index_cast %mul3A_80 : i32 to index
      %swap3A_81 = tpu.vector_load %arg7[%swap3A] {strides = array<i32>} : memref<2560xi32, #tpu.memory_space<vmem>>, vector<16xi32>,
      %swap3A_82 = vector.shape_cast %swap3A_81 : vector<16xi32> to vector<16xi32>
      %swap3A_83 = vector.shape_cast %add3A_78 : vector<16xi32> to vector<16xi32>
      tpu.vector_store %arg7[%swap3A], %swap3A_83 {strides = array<i32>} : memref<2560xi32, #tpu.memory_space<vmem>>, vector<16xi32>,
      %scan3A_84 = arith.constant 0 : i32
      scf.yield %scan3A_84 : i32
    }
    %scan3A_13 = arith.constant 40 : i32
    %scan3A_14 = arith.constant 0 : i32
    %scan3A_15 = arith.constant 0 : i32
    %scan3A_16 = arith.constant 5 : i32
    %scan3A_17 = arith.addi %scan3A_15, %scan3A_16 : i32
    %scan3A_18 = arith.constant 1 : i32
    %scan3A_19 = scf.for %scan3A_70 = %scan3A_15 to %scan3A_17 step %scan3A_18 iter_args(%scan3A_71 = %scan3A_14) -> (i32)  : i32 {
      %mul3A_72 = arith.constant 128 : i32
      %mul3A_73 = arith.muli %scan3A_70, %mul3A_72 : i32
      %run_scoped3A = arith.constant 0 : i32
      "tpu.region"() ({
        %run_scoped3A_75 = tpu.sem_alloc : memref<!tpu.dma_semaphore, #tpu.memory_space<semaphore_mem>>
        %dma_start3A_76 = arith.constant 0 : i32
        %dma_start3A_77 = arith.constant 0 : i32
        %dma_start3A_78 = tpu.memref_slice %arg6[%run_scoped3A, %dma_start3A_76, %dma_start3A_77] : memref<2x128x128xf32, #tpu.memory_space<vmem>> -> memref<1x128x128xf32, #tpu.memory_space<vmem>>
        %dma_start3A_79 = tpu.memref_squeeze %dma_start3A_78 : memref<1x128x128xf32, #tpu.memory_space<vmem>> -> memref<128x128xf32, #tpu.memory_space<vmem>>
        %dma_start3A_80 = tpu.memref_slice %arg7[%mul3A_73] : memref<2560xi32, #tpu.memory_space<vmem>> -> memref<128xi32, #tpu.memory_space<vmem>>
        %dma_start3A_81 = arith.constant 0 : i32
        %dma_start3A_82 = arith.constant 0 : i32
        %dma_start3A_83 = tpu.memref_slice %arg5[%dma_start3A_81, %dma_start3A_82] : memref<10240x128xf32, #tpu.memory_space<vmem_shared>> -> memref<10240x128xf32, #tpu.memory_space<vmem_shared>>
        tpu.enqueue_indirect_dma source(%dma_start3A_79 : memref<128x128xf32, #tpu.memory_space<vmem>>) target(%dma_start3A_83 : memref<10240x128xf32, #tpu.memory_space<vmem_shared>>) offsets(%dma_start3A_80 : memref<128xi32, #tpu.memory_space<vmem>>) semaphore(%run_scoped3A_75 : memref<!tpu.dma_semaphore, #tpu.memory_space<semaphore_mem>>)
        %dma_wait3A_84 = arith.constant 0 : i32
        %dma_wait3A_85 = arith.constant 0 : i32
        %dma_wait3A_86 = tpu.memref_slice %arg6[%run_scoped3A, %dma_wait3A_84, %dma_wait3A_85] : memref<2x128x128xf32, #tpu.memory_space<vmem>> -> memref<1x128x128xf32, #tpu.memory_space<vmem>>
        %dma_wait3A_87 = tpu.memref_squeeze %dma_wait3A_86 : memref<1x128x128xf32, #tpu.memory_space<vmem>> -> memref<128x128xf32, #tpu.memory_space<vmem>>
        %dma_wait3A_88 = tpu.memref_slice %arg7[%mul3A_73] : memref<2560xi32, #tpu.memory_space<vmem>> -> memref<128xi32, #tpu.memory_space<vmem>>
        %dma_wait3A_89 = arith.constant 0 : i32
        %dma_wait3A_90 = arith.constant 0 : i32
        %dma_wait3A_91 = tpu.memref_slice %arg5[%dma_wait3A_89, %dma_wait3A_90] : memref<10240x128xf32, #tpu.memory_space<vmem_shared>> -> memref<10240x128xf32, #tpu.memory_space<vmem_shared>>
        tpu.wait_indirect_dma semaphore(%run_scoped3A_75 : memref<!tpu.dma_semaphore, #tpu.memory_space<semaphore_mem>>) src(%dma_wait3A_87 : memref<128x128xf32, #tpu.memory_space<vmem>>) dst(%dma_wait3A_91 : memref<10240x128xf32, #tpu.memory_space<vmem_shared>>)
        tpu.yield
      }) : () -> ()
      %scan3A_74 = arith.constant 0 : i32
      scf.yield %scan3A_74 : i32
    }
    %scan3A_20 = arith.constant 5 : i32
    %barrier3A = arith.constant 0 : index
    tpu.barrier barrier_id(%barrier3A)
    %mul3A_21 = arith.constant 2560 : i32
    %mul3A_22 = arith.muli %add3A, %mul3A_21 : i32
    "tpu.region"() ({
      %run_scoped3A = tpu.sem_alloc : memref<!tpu.dma_semaphore, #tpu.memory_space<semaphore_mem>>
      %dma_start3A_70 = tpu.memref_slice %arg3[%mul3A_22] : memref<81920xi32, #tpu.memory_space<hbm>> -> memref<2560xi32, #tpu.memory_space<hbm>>
      %dma_start3A_71 = tpu.memref_slice %arg3[%mul3A_22] : memref<81920xi32, #tpu.memory_space<hbm>> -> memref<2560xi32, #tpu.memory_space<hbm>>
      tpu.enqueue_dma source(%dma_start3A_71 : memref<2560xi32, #tpu.memory_space<hbm>>) target(%arg7 : memref<2560xi32, #tpu.memory_space<vmem>>) target_semaphore(%run_scoped3A : memref<!tpu.dma_semaphore, #tpu.memory_space<semaphore_mem>>)
      %dma_wait3A_72 = tpu.memref_slice %arg3[%mul3A_22] : memref<81920xi32, #tpu.memory_space<hbm>> -> memref<2560xi32, #tpu.memory_space<hbm>>
      %dma_wait3A_73 = tpu.memref_slice %arg3[%mul3A_22] : memref<81920xi32, #tpu.memory_space<hbm>> -> memref<2560xi32, #tpu.memory_space<hbm>>
      tpu.wait_dma2 semaphore(%run_scoped3A : memref<!tpu.dma_semaphore, #tpu.memory_space<semaphore_mem>>) src(%dma_wait3A_73 : memref<2560xi32, #tpu.memory_space<hbm>>) dst(%arg7 : memref<2560xi32, #tpu.memory_space<vmem>>)
      tpu.yield
    }) : () -> ()
    %mul3A_23 = arith.constant 2560 : i32
    %mul3A_24 = arith.muli %add3A, %mul3A_23 : i32
    %add3A_25 = arith.constant 0 : i32
    %add3A_26 = arith.addi %mul3A_24, %add3A_25 : i32
    %dma_start3A = arith.constant 0 : i32
    %dma_start3A_27 = arith.constant 0 : i32
    %dma_start3A_28 = arith.constant 0 : i32
    %dma_start3A_29 = tpu.memref_slice %arg6[%dma_start3A, %dma_start3A_27, %dma_start3A_28] : memref<2x128x128xf32, #tpu.memory_space<vmem>> -> memref<1x128x128xf32, #tpu.memory_space<vmem>>
    %dma_start3A_30 = tpu.memref_squeeze %dma_start3A_29 : memref<1x128x128xf32, #tpu.memory_space<vmem>> -> memref<128x128xf32, #tpu.memory_space<vmem>>
    %dma_start3A_31 = arith.constant 0 : i32
    %dma_start3A_32 = tpu.memref_slice %arg2[%add3A_26, %dma_start3A_31] : memref<81920x128xf32, #tpu.memory_space<hbm>> -> memref<128x128xf32, #tpu.memory_space<hbm>>
    %dma_start3A_33 = arith.constant 0 : i32
    %dma_start3A_34 = arith.constant 0 : i32
    %dma_start3A_35 = tpu.memref_slice %arg6[%dma_start3A, %dma_start3A_33, %dma_start3A_34] : memref<2x128x128xf32, #tpu.memory_space<vmem>> -> memref<1x128x128xf32, #tpu.memory_space<vmem>>
    %dma_start3A_36 = tpu.memref_squeeze %dma_start3A_35 : memref<1x128x128xf32, #tpu.memory_space<vmem>> -> memref<128x128xf32, #tpu.memory_space<vmem>>
    %dma_start3A_37 = arith.constant 0 : i32
    %dma_start3A_38 = tpu.memref_slice %arg2[%add3A_26, %dma_start3A_37] : memref<81920x128xf32, #tpu.memory_space<hbm>> -> memref<128x128xf32, #tpu.memory_space<hbm>>
    tpu.enqueue_dma source(%dma_start3A_38 : memref<128x128xf32, #tpu.memory_space<hbm>>) target(%dma_start3A_36 : memref<128x128xf32, #tpu.memory_space<vmem>>) target_semaphore(%arg8 : memref<!tpu.dma_semaphore, #tpu.memory_space<semaphore_mem>>)
    %scan3A_39 = arith.constant 0 : i32
    %scan3A_40 = arith.constant 0 : i32
    %scan3A_41 = arith.constant 10 : i32
    %scan3A_42 = arith.addi %scan3A_40, %scan3A_41 : i32
    %scan3A_43 = arith.constant 1 : i32
    %scan3A_44 = scf.for %scan3A_70 = %scan3A_40 to %scan3A_42 step %scan3A_43 iter_args(%scan3A_71 = %scan3A_39) -> (i32)  : i32 {
      %mul3A_72 = arith.constant 2 : i32
      %mul3A_73 = arith.muli %mul3A_72, %scan3A_70 : i32
      %ge3A = arith.constant 1 : i32
      %ge3A_74 = arith.cmpi sge, %scan3A_70, %ge3A : i32
      %convert_element_type3A = arith.extui %ge3A_74 : i1 to i32
      %cond3A = arith.constant 0 : i32
      %cond3A_75 = arith.cmpi ne, %convert_element_type3A, %cond3A : i32
      scf.if %cond3A_75 {
        %sub3A = arith.constant 1 : i32
        %sub3A_165 = arith.subi %mul3A_73, %sub3A : i32
        %mul3A_166 = arith.constant 128 : i32
        %mul3A_167 = arith.muli %sub3A_165, %mul3A_166 : i32
        %dma_wait3A_168 = arith.constant 1 : i32
        %dma_wait3A_169 = arith.constant 0 : i32
        %dma_wait3A_170 = arith.constant 0 : i32
        %dma_wait3A_171 = tpu.memref_slice %arg6[%dma_wait3A_168, %dma_wait3A_169, %dma_wait3A_170] : memref<2x128x128xf32, #tpu.memory_space<vmem>> -> memref<1x128x128xf32, #tpu.memory_space<vmem>>
        %dma_wait3A_172 = tpu.memref_squeeze %dma_wait3A_171 : memref<1x128x128xf32, #tpu.memory_space<vmem>> -> memref<128x128xf32, #tpu.memory_space<vmem>>
        %dma_wait3A_173 = tpu.memref_slice %arg7[%mul3A_167] : memref<2560xi32, #tpu.memory_space<vmem>> -> memref<128xi32, #tpu.memory_space<vmem>>
        %dma_wait3A_174 = arith.constant 0 : i32
        %dma_wait3A_175 = arith.constant 0 : i32
        %dma_wait3A_176 = tpu.memref_slice %arg5[%dma_wait3A_174, %dma_wait3A_175] : memref<10240x128xf32, #tpu.memory_space<vmem_shared>> -> memref<10240x128xf32, #tpu.memory_space<vmem_shared>>
        tpu.wait_indirect_dma semaphore(%arg9 : memref<!tpu.dma_semaphore, #tpu.memory_space<semaphore_mem>>) src(%dma_wait3A_172 : memref<128x128xf32, #tpu.memory_space<vmem>>) dst(%dma_wait3A_176 : memref<10240x128xf32, #tpu.memory_space<vmem_shared>>)
      } else {
      }
      %add3A_76 = arith.constant 1 : i32
      %add3A_77 = arith.addi %mul3A_73, %add3A_76 : i32
      %mul3A_78 = arith.constant 2560 : i32
      %mul3A_79 = arith.muli %add3A, %mul3A_78 : i32
      %mul3A_80 = arith.constant 128 : i32
      %mul3A_81 = arith.muli %add3A_77, %mul3A_80 : i32
      %add3A_82 = arith.addi %mul3A_79, %mul3A_81 : i32
      %dma_start3A_83 = arith.constant 1 : i32
      %dma_start3A_84 = arith.constant 0 : i32
      %dma_start3A_85 = arith.constant 0 : i32
      %dma_start3A_86 = tpu.memref_slice %arg6[%dma_start3A_83, %dma_start3A_84, %dma_start3A_85] : memref<2x128x128xf32, #tpu.memory_space<vmem>> -> memref<1x128x128xf32, #tpu.memory_space<vmem>>
      %dma_start3A_87 = tpu.memref_squeeze %dma_start3A_86 : memref<1x128x128xf32, #tpu.memory_space<vmem>> -> memref<128x128xf32, #tpu.memory_space<vmem>>
      %dma_start3A_88 = arith.constant 0 : i32
      %dma_start3A_89 = tpu.memref_slice %arg2[%add3A_82, %dma_start3A_88] : memref<81920x128xf32, #tpu.memory_space<hbm>> -> memref<128x128xf32, #tpu.memory_space<hbm>>
      %dma_start3A_90 = arith.constant 0 : i32
      %dma_start3A_91 = arith.constant 0 : i32
      %dma_start3A_92 = tpu.memref_slice %arg6[%dma_start3A_83, %dma_start3A_90, %dma_start3A_91] : memref<2x128x128xf32, #tpu.memory_space<vmem>> -> memref<1x128x128xf32, #tpu.memory_space<vmem>>
      %dma_start3A_93 = tpu.memref_squeeze %dma_start3A_92 : memref<1x128x128xf32, #tpu.memory_space<vmem>> -> memref<128x128xf32, #tpu.memory_space<vmem>>
      %dma_start3A_94 = arith.constant 0 : i32
      %dma_start3A_95 = tpu.memref_slice %arg2[%add3A_82, %dma_start3A_94] : memref<81920x128xf32, #tpu.memory_space<hbm>> -> memref<128x128xf32, #tpu.memory_space<hbm>>
      tpu.enqueue_dma source(%dma_start3A_95 : memref<128x128xf32, #tpu.memory_space<hbm>>) target(%dma_start3A_93 : memref<128x128xf32, #tpu.memory_space<vmem>>) target_semaphore(%arg8 : memref<!tpu.dma_semaphore, #tpu.memory_space<semaphore_mem>>)
      %mul3A_96 = arith.constant 2560 : i32
      %mul3A_97 = arith.muli %add3A, %mul3A_96 : i32
      %mul3A_98 = arith.constant 128 : i32
      %mul3A_99 = arith.muli %mul3A_73, %mul3A_98 : i32
      %add3A_100 = arith.addi %mul3A_97, %mul3A_99 : i32
      %dma_wait3A_101 = arith.constant 0 : i32
      %dma_wait3A_102 = arith.constant 0 : i32
      %dma_wait3A_103 = arith.constant 0 : i32
      %dma_wait3A_104 = tpu.memref_slice %arg6[%dma_wait3A_101, %dma_wait3A_102, %dma_wait3A_103] : memref<2x128x128xf32, #tpu.memory_space<vmem>> -> memref<1x128x128xf32, #tpu.memory_space<vmem>>
      %dma_wait3A_105 = tpu.memref_squeeze %dma_wait3A_104 : memref<1x128x128xf32, #tpu.memory_space<vmem>> -> memref<128x128xf32, #tpu.memory_space<vmem>>
      %dma_wait3A_106 = arith.constant 0 : i32
      %dma_wait3A_107 = tpu.memref_slice %arg2[%add3A_100, %dma_wait3A_106] : memref<81920x128xf32, #tpu.memory_space<hbm>> -> memref<128x128xf32, #tpu.memory_space<hbm>>
      %dma_wait3A_108 = arith.constant 0 : i32
      %dma_wait3A_109 = arith.constant 0 : i32
      %dma_wait3A_110 = tpu.memref_slice %arg6[%dma_wait3A_101, %dma_wait3A_108, %dma_wait3A_109] : memref<2x128x128xf32, #tpu.memory_space<vmem>> -> memref<1x128x128xf32, #tpu.memory_space<vmem>>
      %dma_wait3A_111 = tpu.memref_squeeze %dma_wait3A_110 : memref<1x128x128xf32, #tpu.memory_space<vmem>> -> memref<128x128xf32, #tpu.memory_space<vmem>>
      %dma_wait3A_112 = arith.constant 0 : i32
      %dma_wait3A_113 = tpu.memref_slice %arg2[%add3A_100, %dma_wait3A_112] : memref<81920x128xf32, #tpu.memory_space<hbm>> -> memref<128x128xf32, #tpu.memory_space<hbm>>
      tpu.wait_dma2 semaphore(%arg8 : memref<!tpu.dma_semaphore, #tpu.memory_space<semaphore_mem>>) src(%dma_wait3A_113 : memref<128x128xf32, #tpu.memory_space<hbm>>) dst(%dma_wait3A_111 : memref<128x128xf32, #tpu.memory_space<vmem>>)
      %mul3A_114 = arith.constant 128 : i32
      %mul3A_115 = arith.muli %mul3A_73, %mul3A_114 : i32
      %dma_start3A_116 = arith.constant 0 : i32
      %dma_start3A_117 = arith.constant 0 : i32
      %dma_start3A_118 = arith.constant 0 : i32
      %dma_start3A_119 = tpu.memref_slice %arg6[%dma_start3A_116, %dma_start3A_117, %dma_start3A_118] : memref<2x128x128xf32, #tpu.memory_space<vmem>> -> memref<1x128x128xf32, #tpu.memory_space<vmem>>
      %dma_start3A_120 = tpu.memref_squeeze %dma_start3A_119 : memref<1x128x128xf32, #tpu.memory_space<vmem>> -> memref<128x128xf32, #tpu.memory_space<vmem>>
      %dma_start3A_121 = tpu.memref_slice %arg7[%mul3A_115] : memref<2560xi32, #tpu.memory_space<vmem>> -> memref<128xi32, #tpu.memory_space<vmem>>
      %dma_start3A_122 = arith.constant 0 : i32
      %dma_start3A_123 = arith.constant 0 : i32
      %dma_start3A_124 = tpu.memref_slice %arg5[%dma_start3A_122, %dma_start3A_123] : memref<10240x128xf32, #tpu.memory_space<vmem_shared>> -> memref<10240x128xf32, #tpu.memory_space<vmem_shared>>
      tpu.enqueue_indirect_dma source(%dma_start3A_120 : memref<128x128xf32, #tpu.memory_space<vmem>>) target(%dma_start3A_124 : memref<10240x128xf32, #tpu.memory_space<vmem_shared>>) offsets(%dma_start3A_121 : memref<128xi32, #tpu.memory_space<vmem>>) semaphore(%arg9 : memref<!tpu.dma_semaphore, #tpu.memory_space<semaphore_mem>>) {add = true}
      %add3A_125 = arith.constant 2 : i32
      %add3A_126 = arith.addi %mul3A_73, %add3A_125 : i32
      %lt3A = arith.constant 20 : i32
      %lt3A_127 = arith.cmpi slt, %add3A_126, %lt3A : i32
      %convert_element_type3A_128 = arith.extui %lt3A_127 : i1 to i32
      %cond3A_129 = arith.constant 0 : i32
      %cond3A_130 = arith.cmpi ne, %convert_element_type3A_128, %cond3A_129 : i32
      scf.if %cond3A_130 {
        %mul3A_165 = arith.constant 128 : i32
        %mul3A_166 = arith.muli %mul3A_73, %mul3A_165 : i32
        %dma_wait3A_167 = arith.constant 0 : i32
        %dma_wait3A_168 = arith.constant 0 : i32
        %dma_wait3A_169 = arith.constant 0 : i32
        %dma_wait3A_170 = tpu.memref_slice %arg6[%dma_wait3A_167, %dma_wait3A_168, %dma_wait3A_169] : memref<2x128x128xf32, #tpu.memory_space<vmem>> -> memref<1x128x128xf32, #tpu.memory_space<vmem>>
        %dma_wait3A_171 = tpu.memref_squeeze %dma_wait3A_170 : memref<1x128x128xf32, #tpu.memory_space<vmem>> -> memref<128x128xf32, #tpu.memory_space<vmem>>
        %dma_wait3A_172 = tpu.memref_slice %arg7[%mul3A_166] : memref<2560xi32, #tpu.memory_space<vmem>> -> memref<128xi32, #tpu.memory_space<vmem>>
        %dma_wait3A_173 = arith.constant 0 : i32
        %dma_wait3A_174 = arith.constant 0 : i32
        %dma_wait3A_175 = tpu.memref_slice %arg5[%dma_wait3A_173, %dma_wait3A_174] : memref<10240x128xf32, #tpu.memory_space<vmem_shared>> -> memref<10240x128xf32, #tpu.memory_space<vmem_shared>>
        tpu.wait_indirect_dma semaphore(%arg9 : memref<!tpu.dma_semaphore, #tpu.memory_space<semaphore_mem>>) src(%dma_wait3A_171 : memref<128x128xf32, #tpu.memory_space<vmem>>) dst(%dma_wait3A_175 : memref<10240x128xf32, #tpu.memory_space<vmem_shared>>)
        %add3A_176 = arith.constant 2 : i32
        %add3A_177 = arith.addi %mul3A_73, %add3A_176 : i32
        %mul3A_178 = arith.constant 2560 : i32
        %mul3A_179 = arith.muli %add3A, %mul3A_178 : i32
        %mul3A_180 = arith.constant 128 : i32
        %mul3A_181 = arith.muli %add3A_177, %mul3A_180 : i32
        %add3A_182 = arith.addi %mul3A_179, %mul3A_181 : i32
        %dma_start3A_183 = arith.constant 0 : i32
        %dma_start3A_184 = arith.constant 0 : i32
        %dma_start3A_185 = arith.constant 0 : i32
        %dma_start3A_186 = tpu.memref_slice %arg6[%dma_start3A_183, %dma_start3A_184, %dma_start3A_185] : memref<2x128x128xf32, #tpu.memory_space<vmem>> -> memref<1x128x128xf32, #tpu.memory_space<vmem>>
        %dma_start3A_187 = tpu.memref_squeeze %dma_start3A_186 : memref<1x128x128xf32, #tpu.memory_space<vmem>> -> memref<128x128xf32, #tpu.memory_space<vmem>>
        %dma_start3A_188 = arith.constant 0 : i32
        %dma_start3A_189 = tpu.memref_slice %arg2[%add3A_182, %dma_start3A_188] : memref<81920x128xf32, #tpu.memory_space<hbm>> -> memref<128x128xf32, #tpu.memory_space<hbm>>
        %dma_start3A_190 = arith.constant 0 : i32
        %dma_start3A_191 = arith.constant 0 : i32
        %dma_start3A_192 = tpu.memref_slice %arg6[%dma_start3A_183, %dma_start3A_190, %dma_start3A_191] : memref<2x128x128xf32, #tpu.memory_space<vmem>> -> memref<1x128x128xf32, #tpu.memory_space<vmem>>
        %dma_start3A_193 = tpu.memref_squeeze %dma_start3A_192 : memref<1x128x128xf32, #tpu.memory_space<vmem>> -> memref<128x128xf32, #tpu.memory_space<vmem>>
        %dma_start3A_194 = arith.constant 0 : i32
        %dma_start3A_195 = tpu.memref_slice %arg2[%add3A_182, %dma_start3A_194] : memref<81920x128xf32, #tpu.memory_space<hbm>> -> memref<128x128xf32, #tpu.memory_space<hbm>>
        tpu.enqueue_dma source(%dma_start3A_195 : memref<128x128xf32, #tpu.memory_space<hbm>>) target(%dma_start3A_193 : memref<128x128xf32, #tpu.memory_space<vmem>>) target_semaphore(%arg8 : memref<!tpu.dma_semaphore, #tpu.memory_space<semaphore_mem>>)
      } else {
      }
      %add3A_131 = arith.constant 1 : i32
      %add3A_132 = arith.addi %mul3A_73, %add3A_131 : i32
      %mul3A_133 = arith.constant 2560 : i32
      %mul3A_134 = arith.muli %add3A, %mul3A_133 : i32
      %mul3A_135 = arith.constant 128 : i32
      %mul3A_136 = arith.muli %add3A_132, %mul3A_135 : i32
      %add3A_137 = arith.addi %mul3A_134, %mul3A_136 : i32
      %dma_wait3A_138 = arith.constant 1 : i32
      %dma_wait3A_139 = arith.constant 0 : i32
      %dma_wait3A_140 = arith.constant 0 : i32
      %dma_wait3A_141 = tpu.memref_slice %arg6[%dma_wait3A_138, %dma_wait3A_139, %dma_wait3A_140] : memref<2x128x128xf32, #tpu.memory_space<vmem>> -> memref<1x128x128xf32, #tpu.memory_space<vmem>>
      %dma_wait3A_142 = tpu.memref_squeeze %dma_wait3A_141 : memref<1x128x128xf32, #tpu.memory_space<vmem>> -> memref<128x128xf32, #tpu.memory_space<vmem>>
      %dma_wait3A_143 = arith.constant 0 : i32
      %dma_wait3A_144 = tpu.memref_slice %arg2[%add3A_137, %dma_wait3A_143] : memref<81920x128xf32, #tpu.memory_space<hbm>> -> memref<128x128xf32, #tpu.memory_space<hbm>>
      %dma_wait3A_145 = arith.constant 0 : i32
      %dma_wait3A_146 = arith.constant 0 : i32
      %dma_wait3A_147 = tpu.memref_slice %arg6[%dma_wait3A_138, %dma_wait3A_145, %dma_wait3A_146] : memref<2x128x128xf32, #tpu.memory_space<vmem>> -> memref<1x128x128xf32, #tpu.memory_space<vmem>>
      %dma_wait3A_148 = tpu.memref_squeeze %dma_wait3A_147 : memref<1x128x128xf32, #tpu.memory_space<vmem>> -> memref<128x128xf32, #tpu.memory_space<vmem>>
      %dma_wait3A_149 = arith.constant 0 : i32
      %dma_wait3A_150 = tpu.memref_slice %arg2[%add3A_137, %dma_wait3A_149] : memref<81920x128xf32, #tpu.memory_space<hbm>> -> memref<128x128xf32, #tpu.memory_space<hbm>>
      tpu.wait_dma2 semaphore(%arg8 : memref<!tpu.dma_semaphore, #tpu.memory_space<semaphore_mem>>) src(%dma_wait3A_150 : memref<128x128xf32, #tpu.memory_space<hbm>>) dst(%dma_wait3A_148 : memref<128x128xf32, #tpu.memory_space<vmem>>)
      %add3A_151 = arith.constant 1 : i32
      %add3A_152 = arith.addi %mul3A_73, %add3A_151 : i32
      %mul3A_153 = arith.constant 128 : i32
      %mul3A_154 = arith.muli %add3A_152, %mul3A_153 : i32
      %dma_start3A_155 = arith.constant 1 : i32
      %dma_start3A_156 = arith.constant 0 : i32
      %dma_start3A_157 = arith.constant 0 : i32
      %dma_start3A_158 = tpu.memref_slice %arg6[%dma_start3A_155, %dma_start3A_156, %dma_start3A_157] : memref<2x128x128xf32, #tpu.memory_space<vmem>> -> memref<1x128x128xf32, #tpu.memory_space<vmem>>
      %dma_start3A_159 = tpu.memref_squeeze %dma_start3A_158 : memref<1x128x128xf32, #tpu.memory_space<vmem>> -> memref<128x128xf32, #tpu.memory_space<vmem>>
      %dma_start3A_160 = tpu.memref_slice %arg7[%mul3A_154] : memref<2560xi32, #tpu.memory_space<vmem>> -> memref<128xi32, #tpu.memory_space<vmem>>
      %dma_start3A_161 = arith.constant 0 : i32
      %dma_start3A_162 = arith.constant 0 : i32
      %dma_start3A_163 = tpu.memref_slice %arg5[%dma_start3A_161, %dma_start3A_162] : memref<10240x128xf32, #tpu.memory_space<vmem_shared>> -> memref<10240x128xf32, #tpu.memory_space<vmem_shared>>
      tpu.enqueue_indirect_dma source(%dma_start3A_159 : memref<128x128xf32, #tpu.memory_space<vmem>>) target(%dma_start3A_163 : memref<10240x128xf32, #tpu.memory_space<vmem_shared>>) offsets(%dma_start3A_160 : memref<128xi32, #tpu.memory_space<vmem>>) semaphore(%arg9 : memref<!tpu.dma_semaphore, #tpu.memory_space<semaphore_mem>>) {add = true}
      %scan3A_164 = arith.constant 0 : i32
      scf.yield %scan3A_164 : i32
    }
    %scan3A_45 = arith.constant 10 : i32
    %dma_wait3A = arith.constant 0 : i32
    %dma_wait3A_46 = arith.constant 0 : i32
    %dma_wait3A_47 = arith.constant 0 : i32
    %dma_wait3A_48 = tpu.memref_slice %arg6[%dma_wait3A, %dma_wait3A_46, %dma_wait3A_47] : memref<2x128x128xf32, #tpu.memory_space<vmem>> -> memref<1x128x128xf32, #tpu.memory_space<vmem>>
    %dma_wait3A_49 = tpu.memref_squeeze %dma_wait3A_48 : memref<1x128x128xf32, #tpu.memory_space<vmem>> -> memref<128x128xf32, #tpu.memory_space<vmem>>
    %dma_wait3A_50 = arith.constant 2304 : i32
    %dma_wait3A_51 = tpu.memref_slice %arg7[%dma_wait3A_50] : memref<2560xi32, #tpu.memory_space<vmem>> -> memref<128xi32, #tpu.memory_space<vmem>>
    %dma_wait3A_52 = arith.constant 0 : i32
    %dma_wait3A_53 = arith.constant 0 : i32
    %dma_wait3A_54 = tpu.memref_slice %arg5[%dma_wait3A_52, %dma_wait3A_53] : memref<10240x128xf32, #tpu.memory_space<vmem_shared>> -> memref<10240x128xf32, #tpu.memory_space<vmem_shared>>
    tpu.wait_indirect_dma semaphore(%arg9 : memref<!tpu.dma_semaphore, #tpu.memory_space<semaphore_mem>>) src(%dma_wait3A_49 : memref<128x128xf32, #tpu.memory_space<vmem>>) dst(%dma_wait3A_54 : memref<10240x128xf32, #tpu.memory_space<vmem_shared>>)
    %dma_wait3A_55 = arith.constant 1 : i32
    %dma_wait3A_56 = arith.constant 0 : i32
    %dma_wait3A_57 = arith.constant 0 : i32
    %dma_wait3A_58 = tpu.memref_slice %arg6[%dma_wait3A_55, %dma_wait3A_56, %dma_wait3A_57] : memref<2x128x128xf32, #tpu.memory_space<vmem>> -> memref<1x128x128xf32, #tpu.memory_space<vmem>>
    %dma_wait3A_59 = tpu.memref_squeeze %dma_wait3A_58 : memref<1x128x128xf32, #tpu.memory_space<vmem>> -> memref<128x128xf32, #tpu.memory_space<vmem>>
    %dma_wait3A_60 = arith.constant 2432 : i32
    %dma_wait3A_61 = tpu.memref_slice %arg7[%dma_wait3A_60] : memref<2560xi32, #tpu.memory_space<vmem>> -> memref<128xi32, #tpu.memory_space<vmem>>
    %dma_wait3A_62 = arith.constant 0 : i32
    %dma_wait3A_63 = arith.constant 0 : i32
    %dma_wait3A_64 = tpu.memref_slice %arg5[%dma_wait3A_62, %dma_wait3A_63] : memref<10240x128xf32, #tpu.memory_space<vmem_shared>> -> memref<10240x128xf32, #tpu.memory_space<vmem_shared>>
    tpu.wait_indirect_dma semaphore(%arg9 : memref<!tpu.dma_semaphore, #tpu.memory_space<semaphore_mem>>) src(%dma_wait3A_59 : memref<128x128xf32, #tpu.memory_space<vmem>>) dst(%dma_wait3A_64 : memref<10240x128xf32, #tpu.memory_space<vmem_shared>>)
    %barrier3A_65 = arith.constant 0 : index
    tpu.barrier barrier_id(%barrier3A_65)
    %mul3A_66 = arith.constant 640 : i32
    %mul3A_67 = arith.muli %arg1, %mul3A_66 : i32
    %mul3A_68 = arith.constant 640 : i32
    %mul3A_69 = arith.muli %arg1, %mul3A_68 : i32
    "tpu.region"() ({
      %run_scoped3A = tpu.sem_alloc : memref<!tpu.dma_semaphore, #tpu.memory_space<semaphore_mem>>
      %dma_start3A_70 = arith.constant 0 : i32
      %dma_start3A_71 = tpu.memref_slice %arg4[%arg0, %mul3A_69, %dma_start3A_70] : memref<2x10240x128xf32, #tpu.memory_space<hbm>> -> memref<1x640x128xf32, #tpu.memory_space<hbm>>
      %dma_start3A_72 = tpu.memref_squeeze %dma_start3A_71 : memref<1x640x128xf32, #tpu.memory_space<hbm>> -> memref<640x128xf32, #tpu.memory_space<hbm>>
      %dma_start3A_73 = arith.constant 0 : i32
      %dma_start3A_74 = tpu.memref_slice %arg5[%mul3A_67, %dma_start3A_73] : memref<10240x128xf32, #tpu.memory_space<vmem_shared>> -> memref<640x128xf32, #tpu.memory_space<vmem_shared>>
      tpu.enqueue_dma source(%dma_start3A_74 : memref<640x128xf32, #tpu.memory_space<vmem_shared>>) target(%dma_start3A_72 : memref<640x128xf32, #tpu.memory_space<hbm>>) target_semaphore(%run_scoped3A : memref<!tpu.dma_semaphore, #tpu.memory_space<semaphore_mem>>)
      %dma_wait3A_75 = arith.constant 0 : i32
      %dma_wait3A_76 = tpu.memref_slice %arg4[%arg0, %mul3A_69, %dma_wait3A_75] : memref<2x10240x128xf32, #tpu.memory_space<hbm>> -> memref<1x640x128xf32, #tpu.memory_space<hbm>>
      %dma_wait3A_77 = tpu.memref_squeeze %dma_wait3A_76 : memref<1x640x128xf32, #tpu.memory_space<hbm>> -> memref<640x128xf32, #tpu.memory_space<hbm>>
      %dma_wait3A_78 = arith.constant 0 : i32
      %dma_wait3A_79 = tpu.memref_slice %arg5[%mul3A_67, %dma_wait3A_78] : memref<10240x128xf32, #tpu.memory_space<vmem_shared>> -> memref<640x128xf32, #tpu.memory_space<vmem_shared>>
      tpu.wait_dma2 semaphore(%run_scoped3A : memref<!tpu.dma_semaphore, #tpu.memory_space<semaphore_mem>>) src(%dma_wait3A_79 : memref<640x128xf32, #tpu.memory_space<vmem_shared>>) dst(%dma_wait3A_77 : memref<640x128xf32, #tpu.memory_space<hbm>>)
      tpu.yield
    }) : () -> ()
    return
  }
}

#map = affine_map<(d0, d1) -> (0, 0)>
#map1 = affine_map<(d0, d1) -> (0)>
#map2 = affine_map<(d0, d1) -> (0, 0, 0)>
module attributes {stable_mosaic.version = 14 : i64} {
  func.func @sc_scatter_l(%arg0: i32, %arg1: i32, %arg2: memref<57344x128xf32, #tpu.memory_space<hbm>>, %arg3: memref<57344xi32, #tpu.memory_space<hbm>>, %arg4: memref<2x10240x128xf32, #tpu.memory_space<hbm>>, %arg5: memref<10240x128xf32, #tpu.memory_space<vmem_shared>>, %arg6: memref<2x128x128xf32, #tpu.memory_space<vmem>>, %arg7: memref<1792xi32, #tpu.memory_space<vmem>>, %arg8: memref<!tpu.dma_semaphore, #tpu.memory_space<semaphore_mem>>, %arg9: memref<!tpu.dma_semaphore, #tpu.memory_space<semaphore_mem>>) attributes {dimension_semantics = [#tpu.dimension_semantics<core_parallel>, #tpu.dimension_semantics<subcore_parallel>], iteration_bounds = array<i64: 2, 16>, scalar_prefetch = 0 : i64, scratch_operands = 5 : i64, tpu.core_type = #tpu.core_type<sc_vector_subcore>, window_params = [{transform_indices = #map}, {transform_indices = #map1}, {transform_indices = #map2}]} {
    %mul3A = arith.constant 16 : i32
    %mul3A_0 = arith.muli %arg0, %mul3A : i32
    %add3A = arith.addi %mul3A_0, %arg1 : i32
    %iota3A = tpu.iota {dimensions = array<i32: 0>} : vector<16xi32>
    %scan3A = arith.constant 0 : i32
    %scan3A_1 = arith.constant 0 : i32
    %scan3A_2 = arith.constant 1024 : i32
    %scan3A_3 = arith.addi %scan3A_1, %scan3A_2 : i32
    %scan3A_4 = arith.constant 1 : i32
    %scan3A_5 = scf.for %scan3A_70 = %scan3A_1 to %scan3A_3 step %scan3A_4 iter_args(%scan3A_71 = %scan3A) -> (i32)  : i32 {
      %jit3A = arith.constant 8 : i32
      %div3A = arith.divsi %scan3A_70, %jit3A : i32
      %sign3A = arith.constant 0 : i32
      %sign3A_72 = arith.cmpi sgt, %scan3A_70, %sign3A : i32
      %sign3A_73 = arith.extui %sign3A_72 : i1 to i32
      %sign3A_74 = arith.constant 0 : i32
      %sign3A_75 = arith.cmpi slt, %scan3A_70, %sign3A_74 : i32
      %sign3A_76 = arith.extui %sign3A_75 : i1 to i32
      %sign3A_77 = arith.subi %sign3A_73, %sign3A_76 : i32
      %sign3A_78 = arith.constant 0 : i32
      %sign3A_79 = arith.cmpi sgt, %jit3A, %sign3A_78 : i32
      %sign3A_80 = arith.extui %sign3A_79 : i1 to i32
      %sign3A_81 = arith.constant 0 : i32
      %sign3A_82 = arith.cmpi slt, %jit3A, %sign3A_81 : i32
      %sign3A_83 = arith.extui %sign3A_82 : i1 to i32
      %sign3A_84 = arith.subi %sign3A_80, %sign3A_83 : i32
      %ne3A = arith.cmpi ne, %sign3A_77, %sign3A_84 : i32
      %rem3A = arith.remsi %scan3A_70, %jit3A : i32
      %ne3A_85 = arith.constant 0 : i32
      %ne3A_86 = arith.cmpi ne, %rem3A, %ne3A_85 : i32
      %and3A = arith.andi %ne3A, %ne3A_86 : i1
      %sub3A = arith.constant 1 : i32
      %sub3A_87 = arith.subi %div3A, %sub3A : i32
      %select_n3A = arith.select %and3A, %sub3A_87, %div3A : i32
      %jit3A_88 = arith.constant 8 : i32
      %eq3A = arith.constant 0 : i32
      %eq3A_89 = arith.cmpi eq, %jit3A_88, %eq3A : i32
      %jit3A_90 = arith.constant 1 : i32
      %select_n3A_91 = arith.select %eq3A_89, %jit3A_90, %jit3A_88 : i32
      %rem3A_92 = arith.remsi %scan3A_70, %select_n3A_91 : i32
      %ne3A_93 = arith.constant 0 : i32
      %ne3A_94 = arith.cmpi ne, %rem3A_92, %ne3A_93 : i32
      %lt3A = arith.constant 0 : i32
      %lt3A_95 = arith.cmpi slt, %rem3A_92, %lt3A : i32
      %lt3A_96 = arith.constant 0 : i32
      %lt3A_97 = arith.cmpi slt, %select_n3A_91, %lt3A_96 : i32
      %ne3A_98 = arith.xori %lt3A_95, %lt3A_97 : i1
      %and3A_99 = arith.andi %ne3A_98, %ne3A_94 : i1
      %add3A_100 = arith.addi %rem3A_92, %select_n3A_91 : i32
      %select_n3A_101 = arith.select %and3A_99, %add3A_100, %rem3A_92 : i32
      %mul3A_102 = arith.constant 16 : i32
      %mul3A_103 = arith.muli %select_n3A_101, %mul3A_102 : i32
      %broadcast_in_dim3A = arith.constant 0.000000e+00 : f32
      %broadcast_in_dim3A_104 = vector.broadcast %broadcast_in_dim3A : f32 to vector<16xf32>
      %swap3A = arith.constant 0 : i32
      %swap3A_105 = arith.index_cast %swap3A : i32 to index
      %swap3A_106 = arith.index_cast %select_n3A : i32 to index
      %swap3A_107 = arith.index_cast %mul3A_103 : i32 to index
      %swap3A_108 = tpu.vector_load %arg6[%swap3A_105, %swap3A_106, %swap3A_107] {strides = array<i32>} : memref<2x128x128xf32, #tpu.memory_space<vmem>>, vector<1x1x16xf32>,
      %swap3A_109 = vector.shape_cast %swap3A_108 : vector<1x1x16xf32> to vector<16xf32>
      %swap3A_110 = vector.shape_cast %broadcast_in_dim3A_104 : vector<16xf32> to vector<1x1x16xf32>
      tpu.vector_store %arg6[%swap3A_105, %swap3A_106, %swap3A_107], %swap3A_110 {strides = array<i32>} : memref<2x128x128xf32, #tpu.memory_space<vmem>>, vector<1x1x16xf32>,
      %scan3A_111 = arith.constant 0 : i32
      scf.yield %scan3A_111 : i32
    }
    %scan3A_6 = arith.constant 1024 : i32
    %scan3A_7 = arith.constant 0 : i32
    %scan3A_8 = arith.constant 0 : i32
    %scan3A_9 = arith.constant 40 : i32
    %scan3A_10 = arith.addi %scan3A_8, %scan3A_9 : i32
    %scan3A_11 = arith.constant 1 : i32
    %scan3A_12 = scf.for %scan3A_70 = %scan3A_8 to %scan3A_10 step %scan3A_11 iter_args(%scan3A_71 = %scan3A_7) -> (i32)  : i32 {
      %mul3A_72 = arith.constant 640 : i32
      %mul3A_73 = arith.muli %arg1, %mul3A_72 : i32
      %mul3A_74 = arith.constant 16 : i32
      %mul3A_75 = arith.muli %scan3A_70, %mul3A_74 : i32
      %add3A_76 = arith.addi %mul3A_73, %mul3A_75 : i32
      %add3A_77 = vector.broadcast %add3A_76 : i32 to vector<16xi32>
      %add3A_78 = arith.addi %add3A_77, %iota3A : vector<16xi32>
      %mul3A_79 = arith.constant 16 : i32
      %mul3A_80 = arith.muli %scan3A_70, %mul3A_79 : i32
      %swap3A = arith.index_cast %mul3A_80 : i32 to index
      %swap3A_81 = tpu.vector_load %arg7[%swap3A] {strides = array<i32>} : memref<1792xi32, #tpu.memory_space<vmem>>, vector<16xi32>,
      %swap3A_82 = vector.shape_cast %swap3A_81 : vector<16xi32> to vector<16xi32>
      %swap3A_83 = vector.shape_cast %add3A_78 : vector<16xi32> to vector<16xi32>
      tpu.vector_store %arg7[%swap3A], %swap3A_83 {strides = array<i32>} : memref<1792xi32, #tpu.memory_space<vmem>>, vector<16xi32>,
      %scan3A_84 = arith.constant 0 : i32
      scf.yield %scan3A_84 : i32
    }
    %scan3A_13 = arith.constant 40 : i32
    %scan3A_14 = arith.constant 0 : i32
    %scan3A_15 = arith.constant 0 : i32
    %scan3A_16 = arith.constant 5 : i32
    %scan3A_17 = arith.addi %scan3A_15, %scan3A_16 : i32
    %scan3A_18 = arith.constant 1 : i32
    %scan3A_19 = scf.for %scan3A_70 = %scan3A_15 to %scan3A_17 step %scan3A_18 iter_args(%scan3A_71 = %scan3A_14) -> (i32)  : i32 {
      %mul3A_72 = arith.constant 128 : i32
      %mul3A_73 = arith.muli %scan3A_70, %mul3A_72 : i32
      %run_scoped3A = arith.constant 0 : i32
      "tpu.region"() ({
        %run_scoped3A_75 = tpu.sem_alloc : memref<!tpu.dma_semaphore, #tpu.memory_space<semaphore_mem>>
        %dma_start3A_76 = arith.constant 0 : i32
        %dma_start3A_77 = arith.constant 0 : i32
        %dma_start3A_78 = tpu.memref_slice %arg6[%run_scoped3A, %dma_start3A_76, %dma_start3A_77] : memref<2x128x128xf32, #tpu.memory_space<vmem>> -> memref<1x128x128xf32, #tpu.memory_space<vmem>>
        %dma_start3A_79 = tpu.memref_squeeze %dma_start3A_78 : memref<1x128x128xf32, #tpu.memory_space<vmem>> -> memref<128x128xf32, #tpu.memory_space<vmem>>
        %dma_start3A_80 = tpu.memref_slice %arg7[%mul3A_73] : memref<1792xi32, #tpu.memory_space<vmem>> -> memref<128xi32, #tpu.memory_space<vmem>>
        %dma_start3A_81 = arith.constant 0 : i32
        %dma_start3A_82 = arith.constant 0 : i32
        %dma_start3A_83 = tpu.memref_slice %arg5[%dma_start3A_81, %dma_start3A_82] : memref<10240x128xf32, #tpu.memory_space<vmem_shared>> -> memref<10240x128xf32, #tpu.memory_space<vmem_shared>>
        tpu.enqueue_indirect_dma source(%dma_start3A_79 : memref<128x128xf32, #tpu.memory_space<vmem>>) target(%dma_start3A_83 : memref<10240x128xf32, #tpu.memory_space<vmem_shared>>) offsets(%dma_start3A_80 : memref<128xi32, #tpu.memory_space<vmem>>) semaphore(%run_scoped3A_75 : memref<!tpu.dma_semaphore, #tpu.memory_space<semaphore_mem>>)
        %dma_wait3A_84 = arith.constant 0 : i32
        %dma_wait3A_85 = arith.constant 0 : i32
        %dma_wait3A_86 = tpu.memref_slice %arg6[%run_scoped3A, %dma_wait3A_84, %dma_wait3A_85] : memref<2x128x128xf32, #tpu.memory_space<vmem>> -> memref<1x128x128xf32, #tpu.memory_space<vmem>>
        %dma_wait3A_87 = tpu.memref_squeeze %dma_wait3A_86 : memref<1x128x128xf32, #tpu.memory_space<vmem>> -> memref<128x128xf32, #tpu.memory_space<vmem>>
        %dma_wait3A_88 = tpu.memref_slice %arg7[%mul3A_73] : memref<1792xi32, #tpu.memory_space<vmem>> -> memref<128xi32, #tpu.memory_space<vmem>>
        %dma_wait3A_89 = arith.constant 0 : i32
        %dma_wait3A_90 = arith.constant 0 : i32
        %dma_wait3A_91 = tpu.memref_slice %arg5[%dma_wait3A_89, %dma_wait3A_90] : memref<10240x128xf32, #tpu.memory_space<vmem_shared>> -> memref<10240x128xf32, #tpu.memory_space<vmem_shared>>
        tpu.wait_indirect_dma semaphore(%run_scoped3A_75 : memref<!tpu.dma_semaphore, #tpu.memory_space<semaphore_mem>>) src(%dma_wait3A_87 : memref<128x128xf32, #tpu.memory_space<vmem>>) dst(%dma_wait3A_91 : memref<10240x128xf32, #tpu.memory_space<vmem_shared>>)
        tpu.yield
      }) : () -> ()
      %scan3A_74 = arith.constant 0 : i32
      scf.yield %scan3A_74 : i32
    }
    %scan3A_20 = arith.constant 5 : i32
    %barrier3A = arith.constant 0 : index
    tpu.barrier barrier_id(%barrier3A)
    %mul3A_21 = arith.constant 1792 : i32
    %mul3A_22 = arith.muli %add3A, %mul3A_21 : i32
    "tpu.region"() ({
      %run_scoped3A = tpu.sem_alloc : memref<!tpu.dma_semaphore, #tpu.memory_space<semaphore_mem>>
      %dma_start3A_70 = tpu.memref_slice %arg3[%mul3A_22] : memref<57344xi32, #tpu.memory_space<hbm>> -> memref<1792xi32, #tpu.memory_space<hbm>>
      %dma_start3A_71 = tpu.memref_slice %arg3[%mul3A_22] : memref<57344xi32, #tpu.memory_space<hbm>> -> memref<1792xi32, #tpu.memory_space<hbm>>
      tpu.enqueue_dma source(%dma_start3A_71 : memref<1792xi32, #tpu.memory_space<hbm>>) target(%arg7 : memref<1792xi32, #tpu.memory_space<vmem>>) target_semaphore(%run_scoped3A : memref<!tpu.dma_semaphore, #tpu.memory_space<semaphore_mem>>)
      %dma_wait3A_72 = tpu.memref_slice %arg3[%mul3A_22] : memref<57344xi32, #tpu.memory_space<hbm>> -> memref<1792xi32, #tpu.memory_space<hbm>>
      %dma_wait3A_73 = tpu.memref_slice %arg3[%mul3A_22] : memref<57344xi32, #tpu.memory_space<hbm>> -> memref<1792xi32, #tpu.memory_space<hbm>>
      tpu.wait_dma2 semaphore(%run_scoped3A : memref<!tpu.dma_semaphore, #tpu.memory_space<semaphore_mem>>) src(%dma_wait3A_73 : memref<1792xi32, #tpu.memory_space<hbm>>) dst(%arg7 : memref<1792xi32, #tpu.memory_space<vmem>>)
      tpu.yield
    }) : () -> ()
    %mul3A_23 = arith.constant 1792 : i32
    %mul3A_24 = arith.muli %add3A, %mul3A_23 : i32
    %add3A_25 = arith.constant 0 : i32
    %add3A_26 = arith.addi %mul3A_24, %add3A_25 : i32
    %dma_start3A = arith.constant 0 : i32
    %dma_start3A_27 = arith.constant 0 : i32
    %dma_start3A_28 = arith.constant 0 : i32
    %dma_start3A_29 = tpu.memref_slice %arg6[%dma_start3A, %dma_start3A_27, %dma_start3A_28] : memref<2x128x128xf32, #tpu.memory_space<vmem>> -> memref<1x128x128xf32, #tpu.memory_space<vmem>>
    %dma_start3A_30 = tpu.memref_squeeze %dma_start3A_29 : memref<1x128x128xf32, #tpu.memory_space<vmem>> -> memref<128x128xf32, #tpu.memory_space<vmem>>
    %dma_start3A_31 = arith.constant 0 : i32
    %dma_start3A_32 = tpu.memref_slice %arg2[%add3A_26, %dma_start3A_31] : memref<57344x128xf32, #tpu.memory_space<hbm>> -> memref<128x128xf32, #tpu.memory_space<hbm>>
    %dma_start3A_33 = arith.constant 0 : i32
    %dma_start3A_34 = arith.constant 0 : i32
    %dma_start3A_35 = tpu.memref_slice %arg6[%dma_start3A, %dma_start3A_33, %dma_start3A_34] : memref<2x128x128xf32, #tpu.memory_space<vmem>> -> memref<1x128x128xf32, #tpu.memory_space<vmem>>
    %dma_start3A_36 = tpu.memref_squeeze %dma_start3A_35 : memref<1x128x128xf32, #tpu.memory_space<vmem>> -> memref<128x128xf32, #tpu.memory_space<vmem>>
    %dma_start3A_37 = arith.constant 0 : i32
    %dma_start3A_38 = tpu.memref_slice %arg2[%add3A_26, %dma_start3A_37] : memref<57344x128xf32, #tpu.memory_space<hbm>> -> memref<128x128xf32, #tpu.memory_space<hbm>>
    tpu.enqueue_dma source(%dma_start3A_38 : memref<128x128xf32, #tpu.memory_space<hbm>>) target(%dma_start3A_36 : memref<128x128xf32, #tpu.memory_space<vmem>>) target_semaphore(%arg8 : memref<!tpu.dma_semaphore, #tpu.memory_space<semaphore_mem>>)
    %scan3A_39 = arith.constant 0 : i32
    %scan3A_40 = arith.constant 0 : i32
    %scan3A_41 = arith.constant 7 : i32
    %scan3A_42 = arith.addi %scan3A_40, %scan3A_41 : i32
    %scan3A_43 = arith.constant 1 : i32
    %scan3A_44 = scf.for %scan3A_70 = %scan3A_40 to %scan3A_42 step %scan3A_43 iter_args(%scan3A_71 = %scan3A_39) -> (i32)  : i32 {
      %mul3A_72 = arith.constant 2 : i32
      %mul3A_73 = arith.muli %mul3A_72, %scan3A_70 : i32
      %ge3A = arith.constant 1 : i32
      %ge3A_74 = arith.cmpi sge, %scan3A_70, %ge3A : i32
      %convert_element_type3A = arith.extui %ge3A_74 : i1 to i32
      %cond3A = arith.constant 0 : i32
      %cond3A_75 = arith.cmpi ne, %convert_element_type3A, %cond3A : i32
      scf.if %cond3A_75 {
        %sub3A = arith.constant 1 : i32
        %sub3A_165 = arith.subi %mul3A_73, %sub3A : i32
        %mul3A_166 = arith.constant 128 : i32
        %mul3A_167 = arith.muli %sub3A_165, %mul3A_166 : i32
        %dma_wait3A_168 = arith.constant 1 : i32
        %dma_wait3A_169 = arith.constant 0 : i32
        %dma_wait3A_170 = arith.constant 0 : i32
        %dma_wait3A_171 = tpu.memref_slice %arg6[%dma_wait3A_168, %dma_wait3A_169, %dma_wait3A_170] : memref<2x128x128xf32, #tpu.memory_space<vmem>> -> memref<1x128x128xf32, #tpu.memory_space<vmem>>
        %dma_wait3A_172 = tpu.memref_squeeze %dma_wait3A_171 : memref<1x128x128xf32, #tpu.memory_space<vmem>> -> memref<128x128xf32, #tpu.memory_space<vmem>>
        %dma_wait3A_173 = tpu.memref_slice %arg7[%mul3A_167] : memref<1792xi32, #tpu.memory_space<vmem>> -> memref<128xi32, #tpu.memory_space<vmem>>
        %dma_wait3A_174 = arith.constant 0 : i32
        %dma_wait3A_175 = arith.constant 0 : i32
        %dma_wait3A_176 = tpu.memref_slice %arg5[%dma_wait3A_174, %dma_wait3A_175] : memref<10240x128xf32, #tpu.memory_space<vmem_shared>> -> memref<10240x128xf32, #tpu.memory_space<vmem_shared>>
        tpu.wait_indirect_dma semaphore(%arg9 : memref<!tpu.dma_semaphore, #tpu.memory_space<semaphore_mem>>) src(%dma_wait3A_172 : memref<128x128xf32, #tpu.memory_space<vmem>>) dst(%dma_wait3A_176 : memref<10240x128xf32, #tpu.memory_space<vmem_shared>>)
      } else {
      }
      %add3A_76 = arith.constant 1 : i32
      %add3A_77 = arith.addi %mul3A_73, %add3A_76 : i32
      %mul3A_78 = arith.constant 1792 : i32
      %mul3A_79 = arith.muli %add3A, %mul3A_78 : i32
      %mul3A_80 = arith.constant 128 : i32
      %mul3A_81 = arith.muli %add3A_77, %mul3A_80 : i32
      %add3A_82 = arith.addi %mul3A_79, %mul3A_81 : i32
      %dma_start3A_83 = arith.constant 1 : i32
      %dma_start3A_84 = arith.constant 0 : i32
      %dma_start3A_85 = arith.constant 0 : i32
      %dma_start3A_86 = tpu.memref_slice %arg6[%dma_start3A_83, %dma_start3A_84, %dma_start3A_85] : memref<2x128x128xf32, #tpu.memory_space<vmem>> -> memref<1x128x128xf32, #tpu.memory_space<vmem>>
      %dma_start3A_87 = tpu.memref_squeeze %dma_start3A_86 : memref<1x128x128xf32, #tpu.memory_space<vmem>> -> memref<128x128xf32, #tpu.memory_space<vmem>>
      %dma_start3A_88 = arith.constant 0 : i32
      %dma_start3A_89 = tpu.memref_slice %arg2[%add3A_82, %dma_start3A_88] : memref<57344x128xf32, #tpu.memory_space<hbm>> -> memref<128x128xf32, #tpu.memory_space<hbm>>
      %dma_start3A_90 = arith.constant 0 : i32
      %dma_start3A_91 = arith.constant 0 : i32
      %dma_start3A_92 = tpu.memref_slice %arg6[%dma_start3A_83, %dma_start3A_90, %dma_start3A_91] : memref<2x128x128xf32, #tpu.memory_space<vmem>> -> memref<1x128x128xf32, #tpu.memory_space<vmem>>
      %dma_start3A_93 = tpu.memref_squeeze %dma_start3A_92 : memref<1x128x128xf32, #tpu.memory_space<vmem>> -> memref<128x128xf32, #tpu.memory_space<vmem>>
      %dma_start3A_94 = arith.constant 0 : i32
      %dma_start3A_95 = tpu.memref_slice %arg2[%add3A_82, %dma_start3A_94] : memref<57344x128xf32, #tpu.memory_space<hbm>> -> memref<128x128xf32, #tpu.memory_space<hbm>>
      tpu.enqueue_dma source(%dma_start3A_95 : memref<128x128xf32, #tpu.memory_space<hbm>>) target(%dma_start3A_93 : memref<128x128xf32, #tpu.memory_space<vmem>>) target_semaphore(%arg8 : memref<!tpu.dma_semaphore, #tpu.memory_space<semaphore_mem>>)
      %mul3A_96 = arith.constant 1792 : i32
      %mul3A_97 = arith.muli %add3A, %mul3A_96 : i32
      %mul3A_98 = arith.constant 128 : i32
      %mul3A_99 = arith.muli %mul3A_73, %mul3A_98 : i32
      %add3A_100 = arith.addi %mul3A_97, %mul3A_99 : i32
      %dma_wait3A_101 = arith.constant 0 : i32
      %dma_wait3A_102 = arith.constant 0 : i32
      %dma_wait3A_103 = arith.constant 0 : i32
      %dma_wait3A_104 = tpu.memref_slice %arg6[%dma_wait3A_101, %dma_wait3A_102, %dma_wait3A_103] : memref<2x128x128xf32, #tpu.memory_space<vmem>> -> memref<1x128x128xf32, #tpu.memory_space<vmem>>
      %dma_wait3A_105 = tpu.memref_squeeze %dma_wait3A_104 : memref<1x128x128xf32, #tpu.memory_space<vmem>> -> memref<128x128xf32, #tpu.memory_space<vmem>>
      %dma_wait3A_106 = arith.constant 0 : i32
      %dma_wait3A_107 = tpu.memref_slice %arg2[%add3A_100, %dma_wait3A_106] : memref<57344x128xf32, #tpu.memory_space<hbm>> -> memref<128x128xf32, #tpu.memory_space<hbm>>
      %dma_wait3A_108 = arith.constant 0 : i32
      %dma_wait3A_109 = arith.constant 0 : i32
      %dma_wait3A_110 = tpu.memref_slice %arg6[%dma_wait3A_101, %dma_wait3A_108, %dma_wait3A_109] : memref<2x128x128xf32, #tpu.memory_space<vmem>> -> memref<1x128x128xf32, #tpu.memory_space<vmem>>
      %dma_wait3A_111 = tpu.memref_squeeze %dma_wait3A_110 : memref<1x128x128xf32, #tpu.memory_space<vmem>> -> memref<128x128xf32, #tpu.memory_space<vmem>>
      %dma_wait3A_112 = arith.constant 0 : i32
      %dma_wait3A_113 = tpu.memref_slice %arg2[%add3A_100, %dma_wait3A_112] : memref<57344x128xf32, #tpu.memory_space<hbm>> -> memref<128x128xf32, #tpu.memory_space<hbm>>
      tpu.wait_dma2 semaphore(%arg8 : memref<!tpu.dma_semaphore, #tpu.memory_space<semaphore_mem>>) src(%dma_wait3A_113 : memref<128x128xf32, #tpu.memory_space<hbm>>) dst(%dma_wait3A_111 : memref<128x128xf32, #tpu.memory_space<vmem>>)
      %mul3A_114 = arith.constant 128 : i32
      %mul3A_115 = arith.muli %mul3A_73, %mul3A_114 : i32
      %dma_start3A_116 = arith.constant 0 : i32
      %dma_start3A_117 = arith.constant 0 : i32
      %dma_start3A_118 = arith.constant 0 : i32
      %dma_start3A_119 = tpu.memref_slice %arg6[%dma_start3A_116, %dma_start3A_117, %dma_start3A_118] : memref<2x128x128xf32, #tpu.memory_space<vmem>> -> memref<1x128x128xf32, #tpu.memory_space<vmem>>
      %dma_start3A_120 = tpu.memref_squeeze %dma_start3A_119 : memref<1x128x128xf32, #tpu.memory_space<vmem>> -> memref<128x128xf32, #tpu.memory_space<vmem>>
      %dma_start3A_121 = tpu.memref_slice %arg7[%mul3A_115] : memref<1792xi32, #tpu.memory_space<vmem>> -> memref<128xi32, #tpu.memory_space<vmem>>
      %dma_start3A_122 = arith.constant 0 : i32
      %dma_start3A_123 = arith.constant 0 : i32
      %dma_start3A_124 = tpu.memref_slice %arg5[%dma_start3A_122, %dma_start3A_123] : memref<10240x128xf32, #tpu.memory_space<vmem_shared>> -> memref<10240x128xf32, #tpu.memory_space<vmem_shared>>
      tpu.enqueue_indirect_dma source(%dma_start3A_120 : memref<128x128xf32, #tpu.memory_space<vmem>>) target(%dma_start3A_124 : memref<10240x128xf32, #tpu.memory_space<vmem_shared>>) offsets(%dma_start3A_121 : memref<128xi32, #tpu.memory_space<vmem>>) semaphore(%arg9 : memref<!tpu.dma_semaphore, #tpu.memory_space<semaphore_mem>>) {add = true}
      %add3A_125 = arith.constant 2 : i32
      %add3A_126 = arith.addi %mul3A_73, %add3A_125 : i32
      %lt3A = arith.constant 14 : i32
      %lt3A_127 = arith.cmpi slt, %add3A_126, %lt3A : i32
      %convert_element_type3A_128 = arith.extui %lt3A_127 : i1 to i32
      %cond3A_129 = arith.constant 0 : i32
      %cond3A_130 = arith.cmpi ne, %convert_element_type3A_128, %cond3A_129 : i32
      scf.if %cond3A_130 {
        %mul3A_165 = arith.constant 128 : i32
        %mul3A_166 = arith.muli %mul3A_73, %mul3A_165 : i32
        %dma_wait3A_167 = arith.constant 0 : i32
        %dma_wait3A_168 = arith.constant 0 : i32
        %dma_wait3A_169 = arith.constant 0 : i32
        %dma_wait3A_170 = tpu.memref_slice %arg6[%dma_wait3A_167, %dma_wait3A_168, %dma_wait3A_169] : memref<2x128x128xf32, #tpu.memory_space<vmem>> -> memref<1x128x128xf32, #tpu.memory_space<vmem>>
        %dma_wait3A_171 = tpu.memref_squeeze %dma_wait3A_170 : memref<1x128x128xf32, #tpu.memory_space<vmem>> -> memref<128x128xf32, #tpu.memory_space<vmem>>
        %dma_wait3A_172 = tpu.memref_slice %arg7[%mul3A_166] : memref<1792xi32, #tpu.memory_space<vmem>> -> memref<128xi32, #tpu.memory_space<vmem>>
        %dma_wait3A_173 = arith.constant 0 : i32
        %dma_wait3A_174 = arith.constant 0 : i32
        %dma_wait3A_175 = tpu.memref_slice %arg5[%dma_wait3A_173, %dma_wait3A_174] : memref<10240x128xf32, #tpu.memory_space<vmem_shared>> -> memref<10240x128xf32, #tpu.memory_space<vmem_shared>>
        tpu.wait_indirect_dma semaphore(%arg9 : memref<!tpu.dma_semaphore, #tpu.memory_space<semaphore_mem>>) src(%dma_wait3A_171 : memref<128x128xf32, #tpu.memory_space<vmem>>) dst(%dma_wait3A_175 : memref<10240x128xf32, #tpu.memory_space<vmem_shared>>)
        %add3A_176 = arith.constant 2 : i32
        %add3A_177 = arith.addi %mul3A_73, %add3A_176 : i32
        %mul3A_178 = arith.constant 1792 : i32
        %mul3A_179 = arith.muli %add3A, %mul3A_178 : i32
        %mul3A_180 = arith.constant 128 : i32
        %mul3A_181 = arith.muli %add3A_177, %mul3A_180 : i32
        %add3A_182 = arith.addi %mul3A_179, %mul3A_181 : i32
        %dma_start3A_183 = arith.constant 0 : i32
        %dma_start3A_184 = arith.constant 0 : i32
        %dma_start3A_185 = arith.constant 0 : i32
        %dma_start3A_186 = tpu.memref_slice %arg6[%dma_start3A_183, %dma_start3A_184, %dma_start3A_185] : memref<2x128x128xf32, #tpu.memory_space<vmem>> -> memref<1x128x128xf32, #tpu.memory_space<vmem>>
        %dma_start3A_187 = tpu.memref_squeeze %dma_start3A_186 : memref<1x128x128xf32, #tpu.memory_space<vmem>> -> memref<128x128xf32, #tpu.memory_space<vmem>>
        %dma_start3A_188 = arith.constant 0 : i32
        %dma_start3A_189 = tpu.memref_slice %arg2[%add3A_182, %dma_start3A_188] : memref<57344x128xf32, #tpu.memory_space<hbm>> -> memref<128x128xf32, #tpu.memory_space<hbm>>
        %dma_start3A_190 = arith.constant 0 : i32
        %dma_start3A_191 = arith.constant 0 : i32
        %dma_start3A_192 = tpu.memref_slice %arg6[%dma_start3A_183, %dma_start3A_190, %dma_start3A_191] : memref<2x128x128xf32, #tpu.memory_space<vmem>> -> memref<1x128x128xf32, #tpu.memory_space<vmem>>
        %dma_start3A_193 = tpu.memref_squeeze %dma_start3A_192 : memref<1x128x128xf32, #tpu.memory_space<vmem>> -> memref<128x128xf32, #tpu.memory_space<vmem>>
        %dma_start3A_194 = arith.constant 0 : i32
        %dma_start3A_195 = tpu.memref_slice %arg2[%add3A_182, %dma_start3A_194] : memref<57344x128xf32, #tpu.memory_space<hbm>> -> memref<128x128xf32, #tpu.memory_space<hbm>>
        tpu.enqueue_dma source(%dma_start3A_195 : memref<128x128xf32, #tpu.memory_space<hbm>>) target(%dma_start3A_193 : memref<128x128xf32, #tpu.memory_space<vmem>>) target_semaphore(%arg8 : memref<!tpu.dma_semaphore, #tpu.memory_space<semaphore_mem>>)
      } else {
      }
      %add3A_131 = arith.constant 1 : i32
      %add3A_132 = arith.addi %mul3A_73, %add3A_131 : i32
      %mul3A_133 = arith.constant 1792 : i32
      %mul3A_134 = arith.muli %add3A, %mul3A_133 : i32
      %mul3A_135 = arith.constant 128 : i32
      %mul3A_136 = arith.muli %add3A_132, %mul3A_135 : i32
      %add3A_137 = arith.addi %mul3A_134, %mul3A_136 : i32
      %dma_wait3A_138 = arith.constant 1 : i32
      %dma_wait3A_139 = arith.constant 0 : i32
      %dma_wait3A_140 = arith.constant 0 : i32
      %dma_wait3A_141 = tpu.memref_slice %arg6[%dma_wait3A_138, %dma_wait3A_139, %dma_wait3A_140] : memref<2x128x128xf32, #tpu.memory_space<vmem>> -> memref<1x128x128xf32, #tpu.memory_space<vmem>>
      %dma_wait3A_142 = tpu.memref_squeeze %dma_wait3A_141 : memref<1x128x128xf32, #tpu.memory_space<vmem>> -> memref<128x128xf32, #tpu.memory_space<vmem>>
      %dma_wait3A_143 = arith.constant 0 : i32
      %dma_wait3A_144 = tpu.memref_slice %arg2[%add3A_137, %dma_wait3A_143] : memref<57344x128xf32, #tpu.memory_space<hbm>> -> memref<128x128xf32, #tpu.memory_space<hbm>>
      %dma_wait3A_145 = arith.constant 0 : i32
      %dma_wait3A_146 = arith.constant 0 : i32
      %dma_wait3A_147 = tpu.memref_slice %arg6[%dma_wait3A_138, %dma_wait3A_145, %dma_wait3A_146] : memref<2x128x128xf32, #tpu.memory_space<vmem>> -> memref<1x128x128xf32, #tpu.memory_space<vmem>>
      %dma_wait3A_148 = tpu.memref_squeeze %dma_wait3A_147 : memref<1x128x128xf32, #tpu.memory_space<vmem>> -> memref<128x128xf32, #tpu.memory_space<vmem>>
      %dma_wait3A_149 = arith.constant 0 : i32
      %dma_wait3A_150 = tpu.memref_slice %arg2[%add3A_137, %dma_wait3A_149] : memref<57344x128xf32, #tpu.memory_space<hbm>> -> memref<128x128xf32, #tpu.memory_space<hbm>>
      tpu.wait_dma2 semaphore(%arg8 : memref<!tpu.dma_semaphore, #tpu.memory_space<semaphore_mem>>) src(%dma_wait3A_150 : memref<128x128xf32, #tpu.memory_space<hbm>>) dst(%dma_wait3A_148 : memref<128x128xf32, #tpu.memory_space<vmem>>)
      %add3A_151 = arith.constant 1 : i32
      %add3A_152 = arith.addi %mul3A_73, %add3A_151 : i32
      %mul3A_153 = arith.constant 128 : i32
      %mul3A_154 = arith.muli %add3A_152, %mul3A_153 : i32
      %dma_start3A_155 = arith.constant 1 : i32
      %dma_start3A_156 = arith.constant 0 : i32
      %dma_start3A_157 = arith.constant 0 : i32
      %dma_start3A_158 = tpu.memref_slice %arg6[%dma_start3A_155, %dma_start3A_156, %dma_start3A_157] : memref<2x128x128xf32, #tpu.memory_space<vmem>> -> memref<1x128x128xf32, #tpu.memory_space<vmem>>
      %dma_start3A_159 = tpu.memref_squeeze %dma_start3A_158 : memref<1x128x128xf32, #tpu.memory_space<vmem>> -> memref<128x128xf32, #tpu.memory_space<vmem>>
      %dma_start3A_160 = tpu.memref_slice %arg7[%mul3A_154] : memref<1792xi32, #tpu.memory_space<vmem>> -> memref<128xi32, #tpu.memory_space<vmem>>
      %dma_start3A_161 = arith.constant 0 : i32
      %dma_start3A_162 = arith.constant 0 : i32
      %dma_start3A_163 = tpu.memref_slice %arg5[%dma_start3A_161, %dma_start3A_162] : memref<10240x128xf32, #tpu.memory_space<vmem_shared>> -> memref<10240x128xf32, #tpu.memory_space<vmem_shared>>
      tpu.enqueue_indirect_dma source(%dma_start3A_159 : memref<128x128xf32, #tpu.memory_space<vmem>>) target(%dma_start3A_163 : memref<10240x128xf32, #tpu.memory_space<vmem_shared>>) offsets(%dma_start3A_160 : memref<128xi32, #tpu.memory_space<vmem>>) semaphore(%arg9 : memref<!tpu.dma_semaphore, #tpu.memory_space<semaphore_mem>>) {add = true}
      %scan3A_164 = arith.constant 0 : i32
      scf.yield %scan3A_164 : i32
    }
    %scan3A_45 = arith.constant 7 : i32
    %dma_wait3A = arith.constant 0 : i32
    %dma_wait3A_46 = arith.constant 0 : i32
    %dma_wait3A_47 = arith.constant 0 : i32
    %dma_wait3A_48 = tpu.memref_slice %arg6[%dma_wait3A, %dma_wait3A_46, %dma_wait3A_47] : memref<2x128x128xf32, #tpu.memory_space<vmem>> -> memref<1x128x128xf32, #tpu.memory_space<vmem>>
    %dma_wait3A_49 = tpu.memref_squeeze %dma_wait3A_48 : memref<1x128x128xf32, #tpu.memory_space<vmem>> -> memref<128x128xf32, #tpu.memory_space<vmem>>
    %dma_wait3A_50 = arith.constant 1536 : i32
    %dma_wait3A_51 = tpu.memref_slice %arg7[%dma_wait3A_50] : memref<1792xi32, #tpu.memory_space<vmem>> -> memref<128xi32, #tpu.memory_space<vmem>>
    %dma_wait3A_52 = arith.constant 0 : i32
    %dma_wait3A_53 = arith.constant 0 : i32
    %dma_wait3A_54 = tpu.memref_slice %arg5[%dma_wait3A_52, %dma_wait3A_53] : memref<10240x128xf32, #tpu.memory_space<vmem_shared>> -> memref<10240x128xf32, #tpu.memory_space<vmem_shared>>
    tpu.wait_indirect_dma semaphore(%arg9 : memref<!tpu.dma_semaphore, #tpu.memory_space<semaphore_mem>>) src(%dma_wait3A_49 : memref<128x128xf32, #tpu.memory_space<vmem>>) dst(%dma_wait3A_54 : memref<10240x128xf32, #tpu.memory_space<vmem_shared>>)
    %dma_wait3A_55 = arith.constant 1 : i32
    %dma_wait3A_56 = arith.constant 0 : i32
    %dma_wait3A_57 = arith.constant 0 : i32
    %dma_wait3A_58 = tpu.memref_slice %arg6[%dma_wait3A_55, %dma_wait3A_56, %dma_wait3A_57] : memref<2x128x128xf32, #tpu.memory_space<vmem>> -> memref<1x128x128xf32, #tpu.memory_space<vmem>>
    %dma_wait3A_59 = tpu.memref_squeeze %dma_wait3A_58 : memref<1x128x128xf32, #tpu.memory_space<vmem>> -> memref<128x128xf32, #tpu.memory_space<vmem>>
    %dma_wait3A_60 = arith.constant 1664 : i32
    %dma_wait3A_61 = tpu.memref_slice %arg7[%dma_wait3A_60] : memref<1792xi32, #tpu.memory_space<vmem>> -> memref<128xi32, #tpu.memory_space<vmem>>
    %dma_wait3A_62 = arith.constant 0 : i32
    %dma_wait3A_63 = arith.constant 0 : i32
    %dma_wait3A_64 = tpu.memref_slice %arg5[%dma_wait3A_62, %dma_wait3A_63] : memref<10240x128xf32, #tpu.memory_space<vmem_shared>> -> memref<10240x128xf32, #tpu.memory_space<vmem_shared>>
    tpu.wait_indirect_dma semaphore(%arg9 : memref<!tpu.dma_semaphore, #tpu.memory_space<semaphore_mem>>) src(%dma_wait3A_59 : memref<128x128xf32, #tpu.memory_space<vmem>>) dst(%dma_wait3A_64 : memref<10240x128xf32, #tpu.memory_space<vmem_shared>>)
    %barrier3A_65 = arith.constant 0 : index
    tpu.barrier barrier_id(%barrier3A_65)
    %mul3A_66 = arith.constant 640 : i32
    %mul3A_67 = arith.muli %arg1, %mul3A_66 : i32
    %mul3A_68 = arith.constant 640 : i32
    %mul3A_69 = arith.muli %arg1, %mul3A_68 : i32
    "tpu.region"() ({
      %run_scoped3A = tpu.sem_alloc : memref<!tpu.dma_semaphore, #tpu.memory_space<semaphore_mem>>
      %dma_start3A_70 = arith.constant 0 : i32
      %dma_start3A_71 = tpu.memref_slice %arg4[%arg0, %mul3A_69, %dma_start3A_70] : memref<2x10240x128xf32, #tpu.memory_space<hbm>> -> memref<1x640x128xf32, #tpu.memory_space<hbm>>
      %dma_start3A_72 = tpu.memref_squeeze %dma_start3A_71 : memref<1x640x128xf32, #tpu.memory_space<hbm>> -> memref<640x128xf32, #tpu.memory_space<hbm>>
      %dma_start3A_73 = arith.constant 0 : i32
      %dma_start3A_74 = tpu.memref_slice %arg5[%mul3A_67, %dma_start3A_73] : memref<10240x128xf32, #tpu.memory_space<vmem_shared>> -> memref<640x128xf32, #tpu.memory_space<vmem_shared>>
      tpu.enqueue_dma source(%dma_start3A_74 : memref<640x128xf32, #tpu.memory_space<vmem_shared>>) target(%dma_start3A_72 : memref<640x128xf32, #tpu.memory_space<hbm>>) target_semaphore(%run_scoped3A : memref<!tpu.dma_semaphore, #tpu.memory_space<semaphore_mem>>)
      %dma_wait3A_75 = arith.constant 0 : i32
      %dma_wait3A_76 = tpu.memref_slice %arg4[%arg0, %mul3A_69, %dma_wait3A_75] : memref<2x10240x128xf32, #tpu.memory_space<hbm>> -> memref<1x640x128xf32, #tpu.memory_space<hbm>>
      %dma_wait3A_77 = tpu.memref_squeeze %dma_wait3A_76 : memref<1x640x128xf32, #tpu.memory_space<hbm>> -> memref<640x128xf32, #tpu.memory_space<hbm>>
      %dma_wait3A_78 = arith.constant 0 : i32
      %dma_wait3A_79 = tpu.memref_slice %arg5[%mul3A_67, %dma_wait3A_78] : memref<10240x128xf32, #tpu.memory_space<vmem_shared>> -> memref<640x128xf32, #tpu.memory_space<vmem_shared>>
      tpu.wait_dma2 semaphore(%run_scoped3A : memref<!tpu.dma_semaphore, #tpu.memory_space<semaphore_mem>>) src(%dma_wait3A_79 : memref<640x128xf32, #tpu.memory_space<vmem_shared>>) dst(%dma_wait3A_77 : memref<640x128xf32, #tpu.memory_space<hbm>>)
      tpu.yield
    }) : () -> ()
    return
  }
}

module attributes {stable_mosaic.version = 14 : i64} {
  func.func @group_pos(%arg0: i32, %arg1: memref<1x2000x3xf32, #tpu.memory_space<vmem>>, %arg2: memref<1x1x2000xi32, #tpu.memory_space<vmem>>, %arg3: memref<1x1x2000xi32, #tpu.memory_space<vmem>>, %arg4: memref<512x4xf32, #tpu.memory_space<vmem>>, %arg5: memref<512x4xf32, #tpu.memory_space<vmem>>) attributes {dimension_semantics = [#tpu.dimension_semantics<arbitrary>], iteration_bounds = array<i64: 5>, scalar_prefetch = 0 : i64, scratch_operands = 1 : i64, tpu.core_type = #tpu.core_type<tc>, window_params = [{transform_indices = @transform_0, window_bounds = array<i64: 1, 2000, 3>}, {transform_indices = @transform_1, window_bounds = array<i64: 1, 1, 2000>}, {transform_indices = @transform_2, window_bounds = array<i64: 1, 1, 2000>}, {pipeline_mode = #tpu.pipeline_mode<synchronous>, transform_indices = @transform_3, window_bounds = array<i64: 512, 4>}]} {
    %eq3A = arith.constant 0 : i32
    %eq3A_0 = arith.cmpi eq, %arg0, %eq3A : i32
    %convert_element_type3A = arith.extui %eq3A_0 : i1 to i32
    %cond3A = arith.constant 0 : i32
    %cond3A_1 = arith.cmpi ne, %convert_element_type3A, %cond3A : i32
    scf.if %cond3A_1 {
      %broadcast_in_dim3A_35 = arith.constant 0.000000e+00 : f32
      %broadcast_in_dim3A_36 = vector.broadcast %broadcast_in_dim3A_35 : f32 to vector<512x4xf32>
      %swap3A_37 = arith.constant 0 : index
      %swap3A_38 = arith.constant 0 : index
      %swap3A_39 = vector.load %arg5[%swap3A_37, %swap3A_38] : memref<512x4xf32, #tpu.memory_space<vmem>>, vector<512x4xf32>
      tpu.vector_store %arg5[%swap3A_37, %swap3A_38], %broadcast_in_dim3A_36 {strides = array<i32>} : memref<512x4xf32, #tpu.memory_space<vmem>>, vector<512x4xf32>,
    } else {
    }
    %get3A = arith.constant 0 : index
    %get3A_2 = arith.constant 0 : index
    %get3A_3 = arith.constant 0 : index
    %get3A_4 = vector.load %arg2[%get3A, %get3A_2, %get3A_3] : memref<1x1x2000xi32, #tpu.memory_space<vmem>>, vector<1x1x2000xi32>
    %get3A_5 = vector.shape_cast %get3A_4 : vector<1x1x2000xi32> to vector<2000xi32>
    %convert_element_type3A_6 = arith.sitofp %get3A_5 : vector<2000xi32> to vector<2000xf32>
    %get3A_7 = arith.constant 0 : index
    %get3A_8 = arith.constant 0 : index
    %get3A_9 = arith.constant 0 : index
    %get3A_10 = vector.load %arg3[%get3A_7, %get3A_8, %get3A_9] : memref<1x1x2000xi32, #tpu.memory_space<vmem>>, vector<1x1x2000xi32>
    %get3A_11 = vector.shape_cast %get3A_10 : vector<1x1x2000xi32> to vector<2000xi32>
    %get3A_12 = arith.constant 0 : index
    %get3A_13 = arith.constant 0 : index
    %get3A_14 = arith.constant 0 : index
    %get3A_15 = vector.load %arg1[%get3A_12, %get3A_13, %get3A_14] : memref<1x2000x3xf32, #tpu.memory_space<vmem>>, vector<1x2000x3xf32>
    %get3A_16 = vector.shape_cast %get3A_15 : vector<1x2000x3xf32> to vector<2000x3xf32>
    %broadcast_in_dim3A = vector.shape_cast %convert_element_type3A_6 : vector<2000xf32> to vector<2000x1xf32>
    %mul3A = vector.broadcast %broadcast_in_dim3A : vector<2000x1xf32> to vector<2000x3xf32>
    %mul3A_17 = arith.mulf %get3A_16, %mul3A : vector<2000x3xf32>
    %broadcast_in_dim3A_18 = vector.shape_cast %convert_element_type3A_6 : vector<2000xf32> to vector<2000x1xf32>
    %concatenate3A = tpu.concatenate %mul3A_17, %broadcast_in_dim3A_18 in 1 : vector<2000x3xf32>, vector<2000x1xf32> -> vector<2000x4xf32>
    %iota3A = tpu.iota {dimensions = array<i32: 0>} : vector<512x2000xi32>
    %broadcast_in_dim3A_19 = vector.shape_cast %get3A_11 : vector<2000xi32> to vector<1x2000xi32>
    %eq3A_20 = vector.broadcast %broadcast_in_dim3A_19 : vector<1x2000xi32> to vector<512x2000xi32>
    %eq3A_21 = arith.cmpi eq, %iota3A, %eq3A_20 : vector<512x2000xi32>
    %convert_element_type3A_22 = arith.extui %eq3A_21 : vector<512x2000xi1> to vector<512x2000xi32>
    %convert_element_type3A_23 = arith.sitofp %convert_element_type3A_22 : vector<512x2000xi32> to vector<512x2000xf32>
    %get3A_24 = arith.constant 0 : index
    %get3A_25 = arith.constant 0 : index
    %get3A_26 = vector.load %arg5[%get3A_24, %get3A_25] : memref<512x4xf32, #tpu.memory_space<vmem>>, vector<512x4xf32>
    %dot_general3A = arith.constant dense<0.000000e+00> : vector<512x4xf32>
    %dot_general3A_27 = tpu.matmul %convert_element_type3A_23, %concatenate3A, %dot_general3A {dimension_numbers = #tpu.dot_dimension_numbers<[1], [0], [0], [1], [0, 0, 1, 1], [], []>, transpose_lhs_hint = false} : vector<512x2000xf32>, vector<2000x4xf32>, vector<512x4xf32> -> vector<512x4xf32>
    %add3A = arith.addf %get3A_26, %dot_general3A_27 : vector<512x4xf32>
    %swap3A = arith.constant 0 : index
    %swap3A_28 = arith.constant 0 : index
    %swap3A_29 = vector.load %arg5[%swap3A, %swap3A_28] : memref<512x4xf32, #tpu.memory_space<vmem>>, vector<512x4xf32>
    tpu.vector_store %arg5[%swap3A, %swap3A_28], %add3A {strides = array<i32>} : memref<512x4xf32, #tpu.memory_space<vmem>>, vector<512x4xf32>,
    %eq3A_30 = arith.constant 4 : i32
    %eq3A_31 = arith.cmpi eq, %arg0, %eq3A_30 : i32
    %convert_element_type3A_32 = arith.extui %eq3A_31 : i1 to i32
    %cond3A_33 = arith.constant 0 : i32
    %cond3A_34 = arith.cmpi ne, %convert_element_type3A_32, %cond3A_33 : i32
    scf.if %cond3A_34 {
      %get3A_35 = arith.constant 0 : index
      %get3A_36 = arith.constant 0 : index
      %get3A_37 = vector.load %arg5[%get3A_35, %get3A_36] : memref<512x4xf32, #tpu.memory_space<vmem>>, vector<512x4xf32>
      %slice3A = vector.extract_strided_slice %get3A_37 {offsets = [0, 3], sizes = [512, 1], strides = [1, 1]} : vector<512x4xf32> to vector<512x1xf32>
      %slice3A_38 = vector.extract_strided_slice %get3A_37 {offsets = [0, 0], sizes = [512, 3], strides = [1, 1]} : vector<512x4xf32> to vector<512x3xf32>
      %gt3A = arith.constant 0.000000e+00 : f32
      %gt3A_39 = vector.broadcast %gt3A : f32 to vector<512x1xf32>
      %gt3A_40 = arith.cmpf ogt, %slice3A, %gt3A_39 : vector<512x1xf32>
      %jit3A = arith.constant 1.000000e+00 : f32
      %broadcast_in_dim3A_41 = vector.broadcast %jit3A : f32 to vector<512x1xf32>
      %select_n3A = arith.select %gt3A_40, %slice3A, %broadcast_in_dim3A_41 : vector<512x1xi1>, vector<512x1xf32>
      %div3A = vector.broadcast %select_n3A : vector<512x1xf32> to vector<512x3xf32>
      %div3A_42 = arith.divf %slice3A_38, %div3A : vector<512x3xf32>
      %broadcast_in_dim3A_43 = arith.constant 0.000000e+00 : f32
      %broadcast_in_dim3A_44 = vector.broadcast %broadcast_in_dim3A_43 : f32 to vector<512x1xf32>
      %concatenate3A_45 = tpu.concatenate %div3A_42, %broadcast_in_dim3A_44 in 1 : vector<512x3xf32>, vector<512x1xf32> -> vector<512x4xf32>
      %swap3A_46 = arith.constant 0 : index
      %swap3A_47 = arith.constant 0 : index
      %swap3A_48 = vector.load %arg4[%swap3A_46, %swap3A_47] : memref<512x4xf32, #tpu.memory_space<vmem>>, vector<512x4xf32>
      tpu.vector_store %arg4[%swap3A_46, %swap3A_47], %concatenate3A_45 {strides = array<i32>} : memref<512x4xf32, #tpu.memory_space<vmem>>, vector<512x4xf32>,
    } else {
    }
    return
  }
  func.func @transform_0(%arg0: i32) -> (i32, i32, i32) {
    %c0_i32 = arith.constant 0 : i32
    %c0_i32_0 = arith.constant 0 : i32
    %c0_i32_1 = arith.constant 0 : i32
    return %arg0, %c0_i32, %c0_i32_0 : i32, i32, i32
  }
  func.func @transform_1(%arg0: i32) -> (i32, i32, i32) {
    %c0_i32 = arith.constant 0 : i32
    %c0_i32_0 = arith.constant 0 : i32
    %c0_i32_1 = arith.constant 0 : i32
    return %arg0, %c0_i32, %c0_i32_0 : i32, i32, i32
  }
  func.func @transform_2(%arg0: i32) -> (i32, i32, i32) {
    %c0_i32 = arith.constant 0 : i32
    %c0_i32_0 = arith.constant 0 : i32
    %c0_i32_1 = arith.constant 0 : i32
    return %arg0, %c0_i32, %c0_i32_0 : i32, i32, i32
  }
  func.func @transform_3(%arg0: i32) -> (i32, i32) {
    %c0_i32 = arith.constant 0 : i32
    %c0_i32_0 = arith.constant 0 : i32
    %c0_i32_1 = arith.constant 0 : i32
    return %c0_i32, %c0_i32_0 : i32, i32
  }
}

module attributes {stable_mosaic.version = 14 : i64} {
  func.func @edge_rows_b(%arg0: i32, %arg1: memref<1x1x2048xf32, #tpu.memory_space<vmem>>, %arg2: memref<1x1x2048xi32, #tpu.memory_space<vmem>>, %arg3: memref<128x128xf32, #tpu.memory_space<vmem>>, %arg4: memref<1x64xf32, #tpu.memory_space<vmem>>, %arg5: memref<1x64xf32, #tpu.memory_space<vmem>>, %arg6: memref<64x128xf32, #tpu.memory_space<vmem>>, %arg7: memref<1x128xf32, #tpu.memory_space<vmem>>, %arg8: memref<2048x128xf32, #tpu.memory_space<vmem>>, %arg9: memref<2048x128xf32, #tpu.memory_space<vmem>>) attributes {dimension_semantics = [#tpu.dimension_semantics<arbitrary>], iteration_bounds = array<i64: 40>, scalar_prefetch = 0 : i64, scratch_operands = 0 : i64, tpu.core_type = #tpu.core_type<tc>, window_params = [{transform_indices = @transform_0, window_bounds = array<i64: 1, 1, 2048>}, {transform_indices = @transform_1, window_bounds = array<i64: 1, 1, 2048>}, {pipeline_mode = #tpu.pipeline_mode<synchronous>, transform_indices = @transform_2, window_bounds = array<i64: 128, 128>}, {pipeline_mode = #tpu.pipeline_mode<synchronous>, transform_indices = @transform_3, window_bounds = array<i64: 1, 64>}, {pipeline_mode = #tpu.pipeline_mode<synchronous>, transform_indices = @transform_4, window_bounds = array<i64: 1, 64>}, {pipeline_mode = #tpu.pipeline_mode<synchronous>, transform_indices = @transform_5, window_bounds = array<i64: 64, 128>}, {pipeline_mode = #tpu.pipeline_mode<synchronous>, transform_indices = @transform_6, window_bounds = array<i64: 1, 128>}, {transform_indices = @transform_7, window_bounds = array<i64: 2048, 128>}, {transform_indices = @transform_8, window_bounds = array<i64: 2048, 128>}]} {
    %get3A = arith.constant 0 : index
    %get3A_0 = arith.constant 0 : index
    %get3A_1 = arith.constant 0 : index
    %get3A_2 = vector.load %arg1[%get3A, %get3A_0, %get3A_1] : memref<1x1x2048xf32, #tpu.memory_space<vmem>>, vector<1x1x2048xf32>
    %get3A_3 = vector.shape_cast %get3A_2 : vector<1x1x2048xf32> to vector<2048xf32>
    %get3A_4 = arith.constant 0 : index
    %get3A_5 = arith.constant 0 : index
    %get3A_6 = arith.constant 0 : index
    %get3A_7 = vector.load %arg2[%get3A_4, %get3A_5, %get3A_6] : memref<1x1x2048xi32, #tpu.memory_space<vmem>>, vector<1x1x2048xi32>
    %get3A_8 = vector.shape_cast %get3A_7 : vector<1x1x2048xi32> to vector<2048xi32>
    %iota3A = tpu.iota {dimensions = array<i32: 1>} : vector<2048x128xi32>
    %broadcast_in_dim3A = vector.shape_cast %get3A_8 : vector<2048xi32> to vector<2048x1xi32>
    %eq3A = vector.broadcast %broadcast_in_dim3A : vector<2048x1xi32> to vector<2048x128xi32>
    %eq3A_9 = arith.cmpi eq, %iota3A, %eq3A : vector<2048x128xi32>
    %convert_element_type3A = arith.extui %eq3A_9 : vector<2048x128xi1> to vector<2048x128xi32>
    %convert_element_type3A_10 = arith.sitofp %convert_element_type3A : vector<2048x128xi32> to vector<2048x128xf32>
    %get3A_11 = arith.constant 0 : index
    %get3A_12 = arith.constant 0 : index
    %get3A_13 = vector.load %arg3[%get3A_11, %get3A_12] : memref<128x128xf32, #tpu.memory_space<vmem>>, vector<128x128xf32>
    %dot_general3A = arith.constant dense<0.000000e+00> : vector<2048x128xf32>
    %dot_general3A_14 = tpu.matmul %convert_element_type3A_10, %get3A_13, %dot_general3A {dimension_numbers = #tpu.dot_dimension_numbers<[1], [0], [0], [1], [0, 0, 1, 1], [], []>, transpose_lhs_hint = false} : vector<2048x128xf32>, vector<128x128xf32>, vector<2048x128xf32> -> vector<2048x128xf32>
    %ge3A = arith.constant 0.000000e+00 : f32
    %ge3A_15 = vector.broadcast %ge3A : f32 to vector<2048xf32>
    %ge3A_16 = arith.cmpf oge, %get3A_3, %ge3A_15 : vector<2048xf32>
    %convert_element_type3A_17 = arith.extui %ge3A_16 : vector<2048xi1> to vector<2048xi32>
    %convert_element_type3A_18 = arith.sitofp %convert_element_type3A_17 : vector<2048xi32> to vector<2048xf32>
    %max3A = arith.constant 0.000000e+00 : f32
    %max3A_19 = vector.broadcast %max3A : f32 to vector<2048xf32>
    %max3A_20 = arith.maximumf %get3A_3, %max3A_19 : vector<2048xf32>
    %sqrt3A = math.sqrt %max3A_20 : vector<2048xf32>
    %lt3A = arith.constant 1.000000e+01 : f32
    %lt3A_21 = vector.broadcast %lt3A : f32 to vector<2048xf32>
    %lt3A_22 = arith.cmpf olt, %sqrt3A, %lt3A_21 : vector<2048xf32>
    %mul3A = arith.constant 3.14159274 : f32
    %mul3A_23 = vector.broadcast %mul3A : f32 to vector<2048xf32>
    %mul3A_24 = arith.mulf %mul3A_23, %sqrt3A : vector<2048xf32>
    %div3A = arith.constant 1.000000e+01 : f32
    %div3A_25 = vector.broadcast %div3A : f32 to vector<2048xf32>
    %div3A_26 = arith.divf %mul3A_24, %div3A_25 : vector<2048xf32>
    %cos3A = math.cos %div3A_26 : vector<2048xf32>
    %add3A = arith.constant 1.000000e+00 : f32
    %add3A_27 = vector.broadcast %add3A : f32 to vector<2048xf32>
    %add3A_28 = arith.addf %cos3A, %add3A_27 : vector<2048xf32>
    %mul3A_29 = arith.constant 5.000000e-01 : f32
    %mul3A_30 = vector.broadcast %mul3A_29 : f32 to vector<2048xf32>
    %mul3A_31 = arith.mulf %mul3A_30, %add3A_28 : vector<2048xf32>
    %jit3A = arith.constant 0.000000e+00 : f32
    %broadcast_in_dim3A_32 = vector.broadcast %jit3A : f32 to vector<2048xf32>
    %select_n3A = arith.select %lt3A_22, %mul3A_31, %broadcast_in_dim3A_32 : vector<2048xi1>, vector<2048xf32>
    %mul3A_33 = arith.constant -5.000000e-01 : f32
    %mul3A_34 = vector.broadcast %mul3A_33 : f32 to vector<2048xf32>
    %mul3A_35 = arith.mulf %mul3A_34, %sqrt3A : vector<2048xf32>
    %exp3A = math.exp %mul3A_35 : vector<2048xf32>
    %broadcast_in_dim3A_36 = vector.shape_cast %exp3A : vector<2048xf32> to vector<2048x1xf32>
    %get3A_37 = arith.constant 0 : index
    %get3A_38 = arith.constant 0 : index
    %get3A_39 = vector.load %arg4[%get3A_37, %get3A_38] : memref<1x64xf32, #tpu.memory_space<vmem>>, vector<1x64xf32>
    %get3A_40 = vector.shape_cast %get3A_39 : vector<1x64xf32> to vector<64xf32>
    %broadcast_in_dim3A_41 = vector.shape_cast %get3A_40 : vector<64xf32> to vector<1x64xf32>
    %sub3A = vector.broadcast %broadcast_in_dim3A_36 : vector<2048x1xf32> to vector<2048x64xf32>
    %sub3A_42 = vector.broadcast %broadcast_in_dim3A_41 : vector<1x64xf32> to vector<2048x64xf32>
    %sub3A_43 = arith.subf %sub3A, %sub3A_42 : vector<2048x64xf32>
    %broadcast_in_dim3A_44 = vector.shape_cast %select_n3A : vector<2048xf32> to vector<2048x1xf32>
    %get3A_45 = arith.constant 0 : index
    %get3A_46 = arith.constant 0 : index
    %get3A_47 = vector.load %arg5[%get3A_45, %get3A_46] : memref<1x64xf32, #tpu.memory_space<vmem>>, vector<1x64xf32>
    %get3A_48 = vector.shape_cast %get3A_47 : vector<1x64xf32> to vector<64xf32>
    %broadcast_in_dim3A_49 = vector.shape_cast %get3A_48 : vector<64xf32> to vector<1x64xf32>
    %neg3A = arith.constant 0.000000e+00 : f32
    %neg3A_50 = vector.broadcast %neg3A : f32 to vector<1x64xf32>
    %neg3A_51 = arith.subf %neg3A_50, %broadcast_in_dim3A_49 : vector<1x64xf32>
    %mul3A_52 = vector.broadcast %neg3A_51 : vector<1x64xf32> to vector<2048x64xf32>
    %mul3A_53 = arith.mulf %mul3A_52, %sub3A_43 : vector<2048x64xf32>
    %mul3A_54 = arith.mulf %mul3A_53, %sub3A_43 : vector<2048x64xf32>
    %exp3A_55 = math.exp %mul3A_54 : vector<2048x64xf32>
    %mul3A_56 = vector.broadcast %broadcast_in_dim3A_44 : vector<2048x1xf32> to vector<2048x64xf32>
    %mul3A_57 = arith.mulf %mul3A_56, %exp3A_55 : vector<2048x64xf32>
    %mul3A_58 = arith.mulf %select_n3A, %convert_element_type3A_18 : vector<2048xf32>
    %get3A_59 = arith.constant 0 : index
    %get3A_60 = arith.constant 0 : index
    %get3A_61 = vector.load %arg6[%get3A_59, %get3A_60] : memref<64x128xf32, #tpu.memory_space<vmem>>, vector<64x128xf32>
    %dot_general3A_62 = arith.constant dense<0.000000e+00> : vector<2048x128xf32>
    %dot_general3A_63 = tpu.matmul %mul3A_57, %get3A_61, %dot_general3A_62 {dimension_numbers = #tpu.dot_dimension_numbers<[1], [0], [0], [1], [0, 0, 1, 1], [], []>, transpose_lhs_hint = false} : vector<2048x64xf32>, vector<64x128xf32>, vector<2048x128xf32> -> vector<2048x128xf32>
    %get3A_64 = arith.constant 0 : index
    %get3A_65 = arith.constant 0 : index
    %get3A_66 = vector.load %arg7[%get3A_64, %get3A_65] : memref<1x128xf32, #tpu.memory_space<vmem>>, vector<1x128xf32>
    %get3A_67 = vector.shape_cast %get3A_66 : vector<1x128xf32> to vector<128xf32>
    %broadcast_in_dim3A_68 = vector.shape_cast %get3A_67 : vector<128xf32> to vector<1x128xf32>
    %add3A_69 = vector.broadcast %broadcast_in_dim3A_68 : vector<1x128xf32> to vector<2048x128xf32>
    %add3A_70 = arith.addf %dot_general3A_63, %add3A_69 : vector<2048x128xf32>
    %broadcast_in_dim3A_71 = vector.shape_cast %mul3A_58 : vector<2048xf32> to vector<2048x1xf32>
    %mul3A_72 = vector.broadcast %broadcast_in_dim3A_71 : vector<2048x1xf32> to vector<2048x128xf32>
    %mul3A_73 = arith.mulf %add3A_70, %mul3A_72 : vector<2048x128xf32>
    %mul3A_74 = arith.mulf %dot_general3A_14, %mul3A_73 : vector<2048x128xf32>
    %swap3A = arith.constant 0 : index
    %swap3A_75 = arith.constant 0 : index
    %swap3A_76 = vector.load %arg8[%swap3A, %swap3A_75] : memref<2048x128xf32, #tpu.memory_space<vmem>>, vector<2048x128xf32>
    tpu.vector_store %arg8[%swap3A, %swap3A_75], %mul3A_74 {strides = array<i32>} : memref<2048x128xf32, #tpu.memory_space<vmem>>, vector<2048x128xf32>,
    %iota3A_77 = tpu.iota {dimensions = array<i32: 1>} : vector<2048x64xi32>
    %lt3A_78 = arith.constant 50 : i32
    %lt3A_79 = vector.broadcast %lt3A_78 : i32 to vector<2048x64xi32>
    %lt3A_80 = arith.cmpi slt, %iota3A_77, %lt3A_79 : vector<2048x64xi32>
    %broadcast_in_dim3A_81 = vector.shape_cast %convert_element_type3A_18 : vector<2048xf32> to vector<2048x1xf32>
    %mul3A_82 = vector.broadcast %broadcast_in_dim3A_81 : vector<2048x1xf32> to vector<2048x64xf32>
    %mul3A_83 = arith.mulf %mul3A_57, %mul3A_82 : vector<2048x64xf32>
    %eq3A_84 = arith.constant 50 : i32
    %eq3A_85 = vector.broadcast %eq3A_84 : i32 to vector<2048x64xi32>
    %eq3A_86 = arith.cmpi eq, %iota3A_77, %eq3A_85 : vector<2048x64xi32>
    %broadcast_in_dim3A_87 = vector.shape_cast %convert_element_type3A_18 : vector<2048xf32> to vector<2048x1xf32>
    %jit3A_88 = arith.constant 0.000000e+00 : f32
    %broadcast_in_dim3A_89 = vector.shape_cast %broadcast_in_dim3A_87 : vector<2048x1xf32> to vector<2048x1xf32>
    %broadcast_in_dim3A_90 = vector.broadcast %broadcast_in_dim3A_89 : vector<2048x1xf32> to vector<2048x64xf32>
    %broadcast_in_dim3A_91 = vector.broadcast %jit3A_88 : f32 to vector<2048x64xf32>
    %select_n3A_92 = arith.select %eq3A_86, %broadcast_in_dim3A_90, %broadcast_in_dim3A_91 : vector<2048x64xi1>, vector<2048x64xf32>
    %select_n3A_93 = arith.select %lt3A_80, %mul3A_83, %select_n3A_92 : vector<2048x64xi1>, vector<2048x64xf32>
    %broadcast_in_dim3A_94 = arith.constant 0.000000e+00 : f32
    %broadcast_in_dim3A_95 = vector.broadcast %broadcast_in_dim3A_94 : f32 to vector<2048x64xf32>
    %concatenate3A = tpu.concatenate %select_n3A_93, %broadcast_in_dim3A_95 in 1 : vector<2048x64xf32>, vector<2048x64xf32> -> vector<2048x128xf32>
    %swap3A_96 = arith.constant 0 : index
    %swap3A_97 = arith.constant 0 : index
    %swap3A_98 = vector.load %arg9[%swap3A_96, %swap3A_97] : memref<2048x128xf32, #tpu.memory_space<vmem>>, vector<2048x128xf32>
    tpu.vector_store %arg9[%swap3A_96, %swap3A_97], %concatenate3A {strides = array<i32>} : memref<2048x128xf32, #tpu.memory_space<vmem>>, vector<2048x128xf32>,
    return
  }
  func.func @transform_0(%arg0: i32) -> (i32, i32, i32) {
    %c0_i32 = arith.constant 0 : i32
    %c0_i32_0 = arith.constant 0 : i32
    %c0_i32_1 = arith.constant 0 : i32
    return %arg0, %c0_i32, %c0_i32_0 : i32, i32, i32
  }
  func.func @transform_1(%arg0: i32) -> (i32, i32, i32) {
    %c0_i32 = arith.constant 0 : i32
    %c0_i32_0 = arith.constant 0 : i32
    %c0_i32_1 = arith.constant 0 : i32
    return %arg0, %c0_i32, %c0_i32_0 : i32, i32, i32
  }
  func.func @transform_2(%arg0: i32) -> (i32, i32) {
    %c0_i32 = arith.constant 0 : i32
    %c0_i32_0 = arith.constant 0 : i32
    %c0_i32_1 = arith.constant 0 : i32
    return %c0_i32, %c0_i32_0 : i32, i32
  }
  func.func @transform_3(%arg0: i32) -> (i32, i32) {
    %c0_i32 = arith.constant 0 : i32
    %c0_i32_0 = arith.constant 0 : i32
    %c0_i32_1 = arith.constant 0 : i32
    return %c0_i32, %c0_i32_0 : i32, i32
  }
  func.func @transform_4(%arg0: i32) -> (i32, i32) {
    %c0_i32 = arith.constant 0 : i32
    %c0_i32_0 = arith.constant 0 : i32
    %c0_i32_1 = arith.constant 0 : i32
    return %c0_i32, %c0_i32_0 : i32, i32
  }
  func.func @transform_5(%arg0: i32) -> (i32, i32) {
    %c0_i32 = arith.constant 0 : i32
    %c0_i32_0 = arith.constant 0 : i32
    %c0_i32_1 = arith.constant 0 : i32
    return %c0_i32, %c0_i32_0 : i32, i32
  }
  func.func @transform_6(%arg0: i32) -> (i32, i32) {
    %c0_i32 = arith.constant 0 : i32
    %c0_i32_0 = arith.constant 0 : i32
    %c0_i32_1 = arith.constant 0 : i32
    return %c0_i32, %c0_i32_0 : i32, i32
  }
  func.func @transform_7(%arg0: i32) -> (i32, i32) {
    %c0_i32 = arith.constant 0 : i32
    %c0_i32_0 = arith.constant 0 : i32
    return %arg0, %c0_i32 : i32, i32
  }
  func.func @transform_8(%arg0: i32) -> (i32, i32) {
    %c0_i32 = arith.constant 0 : i32
    %c0_i32_0 = arith.constant 0 : i32
    return %arg0, %c0_i32 : i32, i32
  }
}

module attributes {stable_mosaic.version = 14 : i64} {
  func.func @edge_rows_a(%arg0: i32, %arg1: memref<1x1x2048xf32, #tpu.memory_space<vmem>>, %arg2: memref<1x1x2048xi32, #tpu.memory_space<vmem>>, %arg3: memref<128x128xf32, #tpu.memory_space<vmem>>, %arg4: memref<1x64xf32, #tpu.memory_space<vmem>>, %arg5: memref<1x64xf32, #tpu.memory_space<vmem>>, %arg6: memref<64x128xf32, #tpu.memory_space<vmem>>, %arg7: memref<1x128xf32, #tpu.memory_space<vmem>>, %arg8: memref<2048x128xf32, #tpu.memory_space<vmem>>, %arg9: memref<2048x128xf32, #tpu.memory_space<vmem>>) attributes {dimension_semantics = [#tpu.dimension_semantics<arbitrary>], iteration_bounds = array<i64: 40>, scalar_prefetch = 0 : i64, scratch_operands = 0 : i64, tpu.core_type = #tpu.core_type<tc>, window_params = [{transform_indices = @transform_0, window_bounds = array<i64: 1, 1, 2048>}, {transform_indices = @transform_1, window_bounds = array<i64: 1, 1, 2048>}, {pipeline_mode = #tpu.pipeline_mode<synchronous>, transform_indices = @transform_2, window_bounds = array<i64: 128, 128>}, {pipeline_mode = #tpu.pipeline_mode<synchronous>, transform_indices = @transform_3, window_bounds = array<i64: 1, 64>}, {pipeline_mode = #tpu.pipeline_mode<synchronous>, transform_indices = @transform_4, window_bounds = array<i64: 1, 64>}, {pipeline_mode = #tpu.pipeline_mode<synchronous>, transform_indices = @transform_5, window_bounds = array<i64: 64, 128>}, {pipeline_mode = #tpu.pipeline_mode<synchronous>, transform_indices = @transform_6, window_bounds = array<i64: 1, 128>}, {transform_indices = @transform_7, window_bounds = array<i64: 2048, 128>}, {transform_indices = @transform_8, window_bounds = array<i64: 2048, 128>}]} {
    %get3A = arith.constant 0 : index
    %get3A_0 = arith.constant 0 : index
    %get3A_1 = arith.constant 0 : index
    %get3A_2 = vector.load %arg1[%get3A, %get3A_0, %get3A_1] : memref<1x1x2048xf32, #tpu.memory_space<vmem>>, vector<1x1x2048xf32>
    %get3A_3 = vector.shape_cast %get3A_2 : vector<1x1x2048xf32> to vector<2048xf32>
    %get3A_4 = arith.constant 0 : index
    %get3A_5 = arith.constant 0 : index
    %get3A_6 = arith.constant 0 : index
    %get3A_7 = vector.load %arg2[%get3A_4, %get3A_5, %get3A_6] : memref<1x1x2048xi32, #tpu.memory_space<vmem>>, vector<1x1x2048xi32>
    %get3A_8 = vector.shape_cast %get3A_7 : vector<1x1x2048xi32> to vector<2048xi32>
    %iota3A = tpu.iota {dimensions = array<i32: 1>} : vector<2048x128xi32>
    %broadcast_in_dim3A = vector.shape_cast %get3A_8 : vector<2048xi32> to vector<2048x1xi32>
    %eq3A = vector.broadcast %broadcast_in_dim3A : vector<2048x1xi32> to vector<2048x128xi32>
    %eq3A_9 = arith.cmpi eq, %iota3A, %eq3A : vector<2048x128xi32>
    %convert_element_type3A = arith.extui %eq3A_9 : vector<2048x128xi1> to vector<2048x128xi32>
    %convert_element_type3A_10 = arith.sitofp %convert_element_type3A : vector<2048x128xi32> to vector<2048x128xf32>
    %get3A_11 = arith.constant 0 : index
    %get3A_12 = arith.constant 0 : index
    %get3A_13 = vector.load %arg3[%get3A_11, %get3A_12] : memref<128x128xf32, #tpu.memory_space<vmem>>, vector<128x128xf32>
    %dot_general3A = arith.constant dense<0.000000e+00> : vector<2048x128xf32>
    %dot_general3A_14 = tpu.matmul %convert_element_type3A_10, %get3A_13, %dot_general3A {dimension_numbers = #tpu.dot_dimension_numbers<[1], [0], [0], [1], [0, 0, 1, 1], [], []>, transpose_lhs_hint = false} : vector<2048x128xf32>, vector<128x128xf32>, vector<2048x128xf32> -> vector<2048x128xf32>
    %ge3A = arith.constant 0.000000e+00 : f32
    %ge3A_15 = vector.broadcast %ge3A : f32 to vector<2048xf32>
    %ge3A_16 = arith.cmpf oge, %get3A_3, %ge3A_15 : vector<2048xf32>
    %convert_element_type3A_17 = arith.extui %ge3A_16 : vector<2048xi1> to vector<2048xi32>
    %convert_element_type3A_18 = arith.sitofp %convert_element_type3A_17 : vector<2048xi32> to vector<2048xf32>
    %max3A = arith.constant 0.000000e+00 : f32
    %max3A_19 = vector.broadcast %max3A : f32 to vector<2048xf32>
    %max3A_20 = arith.maximumf %get3A_3, %max3A_19 : vector<2048xf32>
    %sqrt3A = math.sqrt %max3A_20 : vector<2048xf32>
    %lt3A = arith.constant 1.000000e+01 : f32
    %lt3A_21 = vector.broadcast %lt3A : f32 to vector<2048xf32>
    %lt3A_22 = arith.cmpf olt, %sqrt3A, %lt3A_21 : vector<2048xf32>
    %mul3A = arith.constant 3.14159274 : f32
    %mul3A_23 = vector.broadcast %mul3A : f32 to vector<2048xf32>
    %mul3A_24 = arith.mulf %mul3A_23, %sqrt3A : vector<2048xf32>
    %div3A = arith.constant 1.000000e+01 : f32
    %div3A_25 = vector.broadcast %div3A : f32 to vector<2048xf32>
    %div3A_26 = arith.divf %mul3A_24, %div3A_25 : vector<2048xf32>
    %cos3A = math.cos %div3A_26 : vector<2048xf32>
    %add3A = arith.constant 1.000000e+00 : f32
    %add3A_27 = vector.broadcast %add3A : f32 to vector<2048xf32>
    %add3A_28 = arith.addf %cos3A, %add3A_27 : vector<2048xf32>
    %mul3A_29 = arith.constant 5.000000e-01 : f32
    %mul3A_30 = vector.broadcast %mul3A_29 : f32 to vector<2048xf32>
    %mul3A_31 = arith.mulf %mul3A_30, %add3A_28 : vector<2048xf32>
    %jit3A = arith.constant 0.000000e+00 : f32
    %broadcast_in_dim3A_32 = vector.broadcast %jit3A : f32 to vector<2048xf32>
    %select_n3A = arith.select %lt3A_22, %mul3A_31, %broadcast_in_dim3A_32 : vector<2048xi1>, vector<2048xf32>
    %mul3A_33 = arith.constant -5.000000e-01 : f32
    %mul3A_34 = vector.broadcast %mul3A_33 : f32 to vector<2048xf32>
    %mul3A_35 = arith.mulf %mul3A_34, %sqrt3A : vector<2048xf32>
    %exp3A = math.exp %mul3A_35 : vector<2048xf32>
    %broadcast_in_dim3A_36 = vector.shape_cast %exp3A : vector<2048xf32> to vector<2048x1xf32>
    %get3A_37 = arith.constant 0 : index
    %get3A_38 = arith.constant 0 : index
    %get3A_39 = vector.load %arg4[%get3A_37, %get3A_38] : memref<1x64xf32, #tpu.memory_space<vmem>>, vector<1x64xf32>
    %get3A_40 = vector.shape_cast %get3A_39 : vector<1x64xf32> to vector<64xf32>
    %broadcast_in_dim3A_41 = vector.shape_cast %get3A_40 : vector<64xf32> to vector<1x64xf32>
    %sub3A = vector.broadcast %broadcast_in_dim3A_36 : vector<2048x1xf32> to vector<2048x64xf32>
    %sub3A_42 = vector.broadcast %broadcast_in_dim3A_41 : vector<1x64xf32> to vector<2048x64xf32>
    %sub3A_43 = arith.subf %sub3A, %sub3A_42 : vector<2048x64xf32>
    %broadcast_in_dim3A_44 = vector.shape_cast %select_n3A : vector<2048xf32> to vector<2048x1xf32>
    %get3A_45 = arith.constant 0 : index
    %get3A_46 = arith.constant 0 : index
    %get3A_47 = vector.load %arg5[%get3A_45, %get3A_46] : memref<1x64xf32, #tpu.memory_space<vmem>>, vector<1x64xf32>
    %get3A_48 = vector.shape_cast %get3A_47 : vector<1x64xf32> to vector<64xf32>
    %broadcast_in_dim3A_49 = vector.shape_cast %get3A_48 : vector<64xf32> to vector<1x64xf32>
    %neg3A = arith.constant 0.000000e+00 : f32
    %neg3A_50 = vector.broadcast %neg3A : f32 to vector<1x64xf32>
    %neg3A_51 = arith.subf %neg3A_50, %broadcast_in_dim3A_49 : vector<1x64xf32>
    %mul3A_52 = vector.broadcast %neg3A_51 : vector<1x64xf32> to vector<2048x64xf32>
    %mul3A_53 = arith.mulf %mul3A_52, %sub3A_43 : vector<2048x64xf32>
    %mul3A_54 = arith.mulf %mul3A_53, %sub3A_43 : vector<2048x64xf32>
    %exp3A_55 = math.exp %mul3A_54 : vector<2048x64xf32>
    %mul3A_56 = vector.broadcast %broadcast_in_dim3A_44 : vector<2048x1xf32> to vector<2048x64xf32>
    %mul3A_57 = arith.mulf %mul3A_56, %exp3A_55 : vector<2048x64xf32>
    %mul3A_58 = arith.mulf %select_n3A, %convert_element_type3A_18 : vector<2048xf32>
    %get3A_59 = arith.constant 0 : index
    %get3A_60 = arith.constant 0 : index
    %get3A_61 = vector.load %arg6[%get3A_59, %get3A_60] : memref<64x128xf32, #tpu.memory_space<vmem>>, vector<64x128xf32>
    %dot_general3A_62 = arith.constant dense<0.000000e+00> : vector<2048x128xf32>
    %dot_general3A_63 = tpu.matmul %mul3A_57, %get3A_61, %dot_general3A_62 {dimension_numbers = #tpu.dot_dimension_numbers<[1], [0], [0], [1], [0, 0, 1, 1], [], []>, transpose_lhs_hint = false} : vector<2048x64xf32>, vector<64x128xf32>, vector<2048x128xf32> -> vector<2048x128xf32>
    %get3A_64 = arith.constant 0 : index
    %get3A_65 = arith.constant 0 : index
    %get3A_66 = vector.load %arg7[%get3A_64, %get3A_65] : memref<1x128xf32, #tpu.memory_space<vmem>>, vector<1x128xf32>
    %get3A_67 = vector.shape_cast %get3A_66 : vector<1x128xf32> to vector<128xf32>
    %broadcast_in_dim3A_68 = vector.shape_cast %get3A_67 : vector<128xf32> to vector<1x128xf32>
    %add3A_69 = vector.broadcast %broadcast_in_dim3A_68 : vector<1x128xf32> to vector<2048x128xf32>
    %add3A_70 = arith.addf %dot_general3A_63, %add3A_69 : vector<2048x128xf32>
    %broadcast_in_dim3A_71 = vector.shape_cast %mul3A_58 : vector<2048xf32> to vector<2048x1xf32>
    %mul3A_72 = vector.broadcast %broadcast_in_dim3A_71 : vector<2048x1xf32> to vector<2048x128xf32>
    %mul3A_73 = arith.mulf %add3A_70, %mul3A_72 : vector<2048x128xf32>
    %mul3A_74 = arith.mulf %dot_general3A_14, %mul3A_73 : vector<2048x128xf32>
    %swap3A = arith.constant 0 : index
    %swap3A_75 = arith.constant 0 : index
    %swap3A_76 = vector.load %arg8[%swap3A, %swap3A_75] : memref<2048x128xf32, #tpu.memory_space<vmem>>, vector<2048x128xf32>
    tpu.vector_store %arg8[%swap3A, %swap3A_75], %mul3A_74 {strides = array<i32>} : memref<2048x128xf32, #tpu.memory_space<vmem>>, vector<2048x128xf32>,
    %iota3A_77 = tpu.iota {dimensions = array<i32: 1>} : vector<2048x64xi32>
    %lt3A_78 = arith.constant 50 : i32
    %lt3A_79 = vector.broadcast %lt3A_78 : i32 to vector<2048x64xi32>
    %lt3A_80 = arith.cmpi slt, %iota3A_77, %lt3A_79 : vector<2048x64xi32>
    %broadcast_in_dim3A_81 = vector.shape_cast %convert_element_type3A_18 : vector<2048xf32> to vector<2048x1xf32>
    %mul3A_82 = vector.broadcast %broadcast_in_dim3A_81 : vector<2048x1xf32> to vector<2048x64xf32>
    %mul3A_83 = arith.mulf %mul3A_57, %mul3A_82 : vector<2048x64xf32>
    %eq3A_84 = arith.constant 50 : i32
    %eq3A_85 = vector.broadcast %eq3A_84 : i32 to vector<2048x64xi32>
    %eq3A_86 = arith.cmpi eq, %iota3A_77, %eq3A_85 : vector<2048x64xi32>
    %broadcast_in_dim3A_87 = vector.shape_cast %convert_element_type3A_18 : vector<2048xf32> to vector<2048x1xf32>
    %jit3A_88 = arith.constant 0.000000e+00 : f32
    %broadcast_in_dim3A_89 = vector.shape_cast %broadcast_in_dim3A_87 : vector<2048x1xf32> to vector<2048x1xf32>
    %broadcast_in_dim3A_90 = vector.broadcast %broadcast_in_dim3A_89 : vector<2048x1xf32> to vector<2048x64xf32>
    %broadcast_in_dim3A_91 = vector.broadcast %jit3A_88 : f32 to vector<2048x64xf32>
    %select_n3A_92 = arith.select %eq3A_86, %broadcast_in_dim3A_90, %broadcast_in_dim3A_91 : vector<2048x64xi1>, vector<2048x64xf32>
    %select_n3A_93 = arith.select %lt3A_80, %mul3A_83, %select_n3A_92 : vector<2048x64xi1>, vector<2048x64xf32>
    %broadcast_in_dim3A_94 = arith.constant 0.000000e+00 : f32
    %broadcast_in_dim3A_95 = vector.broadcast %broadcast_in_dim3A_94 : f32 to vector<2048x64xf32>
    %concatenate3A = tpu.concatenate %select_n3A_93, %broadcast_in_dim3A_95 in 1 : vector<2048x64xf32>, vector<2048x64xf32> -> vector<2048x128xf32>
    %swap3A_96 = arith.constant 0 : index
    %swap3A_97 = arith.constant 0 : index
    %swap3A_98 = vector.load %arg9[%swap3A_96, %swap3A_97] : memref<2048x128xf32, #tpu.memory_space<vmem>>, vector<2048x128xf32>
    tpu.vector_store %arg9[%swap3A_96, %swap3A_97], %concatenate3A {strides = array<i32>} : memref<2048x128xf32, #tpu.memory_space<vmem>>, vector<2048x128xf32>,
    return
  }
  func.func @transform_0(%arg0: i32) -> (i32, i32, i32) {
    %c0_i32 = arith.constant 0 : i32
    %c0_i32_0 = arith.constant 0 : i32
    %c0_i32_1 = arith.constant 0 : i32
    return %arg0, %c0_i32, %c0_i32_0 : i32, i32, i32
  }
  func.func @transform_1(%arg0: i32) -> (i32, i32, i32) {
    %c0_i32 = arith.constant 0 : i32
    %c0_i32_0 = arith.constant 0 : i32
    %c0_i32_1 = arith.constant 0 : i32
    return %arg0, %c0_i32, %c0_i32_0 : i32, i32, i32
  }
  func.func @transform_2(%arg0: i32) -> (i32, i32) {
    %c0_i32 = arith.constant 0 : i32
    %c0_i32_0 = arith.constant 0 : i32
    %c0_i32_1 = arith.constant 0 : i32
    return %c0_i32, %c0_i32_0 : i32, i32
  }
  func.func @transform_3(%arg0: i32) -> (i32, i32) {
    %c0_i32 = arith.constant 0 : i32
    %c0_i32_0 = arith.constant 0 : i32
    %c0_i32_1 = arith.constant 0 : i32
    return %c0_i32, %c0_i32_0 : i32, i32
  }
  func.func @transform_4(%arg0: i32) -> (i32, i32) {
    %c0_i32 = arith.constant 0 : i32
    %c0_i32_0 = arith.constant 0 : i32
    %c0_i32_1 = arith.constant 0 : i32
    return %c0_i32, %c0_i32_0 : i32, i32
  }
  func.func @transform_5(%arg0: i32) -> (i32, i32) {
    %c0_i32 = arith.constant 0 : i32
    %c0_i32_0 = arith.constant 0 : i32
    %c0_i32_1 = arith.constant 0 : i32
    return %c0_i32, %c0_i32_0 : i32, i32
  }
  func.func @transform_6(%arg0: i32) -> (i32, i32) {
    %c0_i32 = arith.constant 0 : i32
    %c0_i32_0 = arith.constant 0 : i32
    %c0_i32_1 = arith.constant 0 : i32
    return %c0_i32, %c0_i32_0 : i32, i32
  }
  func.func @transform_7(%arg0: i32) -> (i32, i32) {
    %c0_i32 = arith.constant 0 : i32
    %c0_i32_0 = arith.constant 0 : i32
    return %arg0, %c0_i32 : i32, i32
  }
  func.func @transform_8(%arg0: i32) -> (i32, i32) {
    %c0_i32 = arith.constant 0 : i32
    %c0_i32_0 = arith.constant 0 : i32
    return %arg0, %c0_i32 : i32, i32
  }
}

module attributes {stable_mosaic.version = 14 : i64} {
  func.func @bip_rows(%arg0: i32, %arg1: memref<1x1x2048xf32, #tpu.memory_space<vmem>>, %arg2: memref<1x64xf32, #tpu.memory_space<vmem>>, %arg3: memref<1x64xf32, #tpu.memory_space<vmem>>, %arg4: memref<2048x128xf32, #tpu.memory_space<vmem>>) attributes {dimension_semantics = [#tpu.dimension_semantics<arbitrary>], iteration_bounds = array<i64: 28>, scalar_prefetch = 0 : i64, scratch_operands = 0 : i64, tpu.core_type = #tpu.core_type<tc>, window_params = [{transform_indices = @transform_0, window_bounds = array<i64: 1, 1, 2048>}, {pipeline_mode = #tpu.pipeline_mode<synchronous>, transform_indices = @transform_1, window_bounds = array<i64: 1, 64>}, {pipeline_mode = #tpu.pipeline_mode<synchronous>, transform_indices = @transform_2, window_bounds = array<i64: 1, 64>}, {transform_indices = @transform_3, window_bounds = array<i64: 2048, 128>}]} {
    %get3A = arith.constant 0 : index
    %get3A_0 = arith.constant 0 : index
    %get3A_1 = arith.constant 0 : index
    %get3A_2 = vector.load %arg1[%get3A, %get3A_0, %get3A_1] : memref<1x1x2048xf32, #tpu.memory_space<vmem>>, vector<1x1x2048xf32>
    %get3A_3 = vector.shape_cast %get3A_2 : vector<1x1x2048xf32> to vector<2048xf32>
    %sqrt3A = math.sqrt %get3A_3 : vector<2048xf32>
    %le3A = arith.constant 1.000000e+01 : f32
    %le3A_4 = vector.broadcast %le3A : f32 to vector<2048xf32>
    %le3A_5 = arith.cmpf ole, %sqrt3A, %le3A_4 : vector<2048xf32>
    %convert_element_type3A = arith.extui %le3A_5 : vector<2048xi1> to vector<2048xi32>
    %convert_element_type3A_6 = arith.sitofp %convert_element_type3A : vector<2048xi32> to vector<2048xf32>
    %lt3A = arith.constant 1.000000e+01 : f32
    %lt3A_7 = vector.broadcast %lt3A : f32 to vector<2048xf32>
    %lt3A_8 = arith.cmpf olt, %sqrt3A, %lt3A_7 : vector<2048xf32>
    %mul3A = arith.constant 3.14159274 : f32
    %mul3A_9 = vector.broadcast %mul3A : f32 to vector<2048xf32>
    %mul3A_10 = arith.mulf %mul3A_9, %sqrt3A : vector<2048xf32>
    %div3A = arith.constant 1.000000e+01 : f32
    %div3A_11 = vector.broadcast %div3A : f32 to vector<2048xf32>
    %div3A_12 = arith.divf %mul3A_10, %div3A_11 : vector<2048xf32>
    %cos3A = math.cos %div3A_12 : vector<2048xf32>
    %add3A = arith.constant 1.000000e+00 : f32
    %add3A_13 = vector.broadcast %add3A : f32 to vector<2048xf32>
    %add3A_14 = arith.addf %cos3A, %add3A_13 : vector<2048xf32>
    %mul3A_15 = arith.constant 5.000000e-01 : f32
    %mul3A_16 = vector.broadcast %mul3A_15 : f32 to vector<2048xf32>
    %mul3A_17 = arith.mulf %mul3A_16, %add3A_14 : vector<2048xf32>
    %jit3A = arith.constant 0.000000e+00 : f32
    %broadcast_in_dim3A = vector.broadcast %jit3A : f32 to vector<2048xf32>
    %select_n3A = arith.select %lt3A_8, %mul3A_17, %broadcast_in_dim3A : vector<2048xi1>, vector<2048xf32>
    %mul3A_18 = arith.constant -5.000000e-01 : f32
    %mul3A_19 = vector.broadcast %mul3A_18 : f32 to vector<2048xf32>
    %mul3A_20 = arith.mulf %mul3A_19, %sqrt3A : vector<2048xf32>
    %exp3A = math.exp %mul3A_20 : vector<2048xf32>
    %broadcast_in_dim3A_21 = vector.shape_cast %exp3A : vector<2048xf32> to vector<2048x1xf32>
    %get3A_22 = arith.constant 0 : index
    %get3A_23 = arith.constant 0 : index
    %get3A_24 = vector.load %arg2[%get3A_22, %get3A_23] : memref<1x64xf32, #tpu.memory_space<vmem>>, vector<1x64xf32>
    %get3A_25 = vector.shape_cast %get3A_24 : vector<1x64xf32> to vector<64xf32>
    %broadcast_in_dim3A_26 = vector.shape_cast %get3A_25 : vector<64xf32> to vector<1x64xf32>
    %sub3A = vector.broadcast %broadcast_in_dim3A_21 : vector<2048x1xf32> to vector<2048x64xf32>
    %sub3A_27 = vector.broadcast %broadcast_in_dim3A_26 : vector<1x64xf32> to vector<2048x64xf32>
    %sub3A_28 = arith.subf %sub3A, %sub3A_27 : vector<2048x64xf32>
    %broadcast_in_dim3A_29 = vector.shape_cast %select_n3A : vector<2048xf32> to vector<2048x1xf32>
    %get3A_30 = arith.constant 0 : index
    %get3A_31 = arith.constant 0 : index
    %get3A_32 = vector.load %arg3[%get3A_30, %get3A_31] : memref<1x64xf32, #tpu.memory_space<vmem>>, vector<1x64xf32>
    %get3A_33 = vector.shape_cast %get3A_32 : vector<1x64xf32> to vector<64xf32>
    %broadcast_in_dim3A_34 = vector.shape_cast %get3A_33 : vector<64xf32> to vector<1x64xf32>
    %neg3A = arith.constant 0.000000e+00 : f32
    %neg3A_35 = vector.broadcast %neg3A : f32 to vector<1x64xf32>
    %neg3A_36 = arith.subf %neg3A_35, %broadcast_in_dim3A_34 : vector<1x64xf32>
    %mul3A_37 = vector.broadcast %neg3A_36 : vector<1x64xf32> to vector<2048x64xf32>
    %mul3A_38 = arith.mulf %mul3A_37, %sub3A_28 : vector<2048x64xf32>
    %mul3A_39 = arith.mulf %mul3A_38, %sub3A_28 : vector<2048x64xf32>
    %exp3A_40 = math.exp %mul3A_39 : vector<2048x64xf32>
    %mul3A_41 = vector.broadcast %broadcast_in_dim3A_29 : vector<2048x1xf32> to vector<2048x64xf32>
    %mul3A_42 = arith.mulf %mul3A_41, %exp3A_40 : vector<2048x64xf32>
    %iota3A = tpu.iota {dimensions = array<i32: 1>} : vector<2048x64xi32>
    %lt3A_43 = arith.constant 50 : i32
    %lt3A_44 = vector.broadcast %lt3A_43 : i32 to vector<2048x64xi32>
    %lt3A_45 = arith.cmpi slt, %iota3A, %lt3A_44 : vector<2048x64xi32>
    %broadcast_in_dim3A_46 = vector.shape_cast %convert_element_type3A_6 : vector<2048xf32> to vector<2048x1xf32>
    %mul3A_47 = vector.broadcast %broadcast_in_dim3A_46 : vector<2048x1xf32> to vector<2048x64xf32>
    %mul3A_48 = arith.mulf %mul3A_42, %mul3A_47 : vector<2048x64xf32>
    %eq3A = arith.constant 50 : i32
    %eq3A_49 = vector.broadcast %eq3A : i32 to vector<2048x64xi32>
    %eq3A_50 = arith.cmpi eq, %iota3A, %eq3A_49 : vector<2048x64xi32>
    %broadcast_in_dim3A_51 = vector.shape_cast %convert_element_type3A_6 : vector<2048xf32> to vector<2048x1xf32>
    %jit3A_52 = arith.constant 0.000000e+00 : f32
    %broadcast_in_dim3A_53 = vector.shape_cast %broadcast_in_dim3A_51 : vector<2048x1xf32> to vector<2048x1xf32>
    %broadcast_in_dim3A_54 = vector.broadcast %broadcast_in_dim3A_53 : vector<2048x1xf32> to vector<2048x64xf32>
    %broadcast_in_dim3A_55 = vector.broadcast %jit3A_52 : f32 to vector<2048x64xf32>
    %select_n3A_56 = arith.select %eq3A_50, %broadcast_in_dim3A_54, %broadcast_in_dim3A_55 : vector<2048x64xi1>, vector<2048x64xf32>
    %select_n3A_57 = arith.select %lt3A_45, %mul3A_48, %select_n3A_56 : vector<2048x64xi1>, vector<2048x64xf32>
    %broadcast_in_dim3A_58 = arith.constant 0.000000e+00 : f32
    %broadcast_in_dim3A_59 = vector.broadcast %broadcast_in_dim3A_58 : f32 to vector<2048x64xf32>
    %concatenate3A = tpu.concatenate %select_n3A_57, %broadcast_in_dim3A_59 in 1 : vector<2048x64xf32>, vector<2048x64xf32> -> vector<2048x128xf32>
    %swap3A = arith.constant 0 : index
    %swap3A_60 = arith.constant 0 : index
    %swap3A_61 = vector.load %arg4[%swap3A, %swap3A_60] : memref<2048x128xf32, #tpu.memory_space<vmem>>, vector<2048x128xf32>
    tpu.vector_store %arg4[%swap3A, %swap3A_60], %concatenate3A {strides = array<i32>} : memref<2048x128xf32, #tpu.memory_space<vmem>>, vector<2048x128xf32>,
    return
  }
  func.func @transform_0(%arg0: i32) -> (i32, i32, i32) {
    %c0_i32 = arith.constant 0 : i32
    %c0_i32_0 = arith.constant 0 : i32
    %c0_i32_1 = arith.constant 0 : i32
    return %arg0, %c0_i32, %c0_i32_0 : i32, i32, i32
  }
  func.func @transform_1(%arg0: i32) -> (i32, i32) {
    %c0_i32 = arith.constant 0 : i32
    %c0_i32_0 = arith.constant 0 : i32
    %c0_i32_1 = arith.constant 0 : i32
    return %c0_i32, %c0_i32_0 : i32, i32
  }
  func.func @transform_2(%arg0: i32) -> (i32, i32) {
    %c0_i32 = arith.constant 0 : i32
    %c0_i32_0 = arith.constant 0 : i32
    %c0_i32_1 = arith.constant 0 : i32
    return %c0_i32, %c0_i32_0 : i32, i32
  }
  func.func @transform_3(%arg0: i32) -> (i32, i32) {
    %c0_i32 = arith.constant 0 : i32
    %c0_i32_0 = arith.constant 0 : i32
    return %arg0, %c0_i32 : i32, i32
  }
}

module attributes {stable_mosaic.version = 14 : i64} {
  func.func @node_final(%arg0: i32, %arg1: memref<2x2048x128xf32, #tpu.memory_space<vmem>>, %arg2: memref<2x2048x128xf32, #tpu.memory_space<vmem>>, %arg3: memref<2x2048x128xf32, #tpu.memory_space<vmem>>, %arg4: memref<2x2048x128xf32, #tpu.memory_space<vmem>>, %arg5: memref<2x2048x128xf32, #tpu.memory_space<vmem>>, %arg6: memref<1x1x2048xi32, #tpu.memory_space<vmem>>, %arg7: memref<128x128xf32, #tpu.memory_space<vmem>>, %arg8: memref<128x128xf32, #tpu.memory_space<vmem>>, %arg9: memref<128x128xf32, #tpu.memory_space<vmem>>, %arg10: memref<1x128xf32, #tpu.memory_space<vmem>>, %arg11: memref<128x256xf32, #tpu.memory_space<vmem>>, %arg12: memref<1x256xf32, #tpu.memory_space<vmem>>, %arg13: memref<128x128xf32, #tpu.memory_space<vmem>>, %arg14: memref<128x128xf32, #tpu.memory_space<vmem>>, %arg15: memref<2048x256xf32, #tpu.memory_space<vmem>>) attributes {dimension_semantics = [#tpu.dimension_semantics<arbitrary>], iteration_bounds = array<i64: 5>, scalar_prefetch = 0 : i64, scratch_operands = 0 : i64, tpu.core_type = #tpu.core_type<tc>, window_params = [{transform_indices = @transform_0, window_bounds = array<i64: 2, 2048, 128>}, {transform_indices = @transform_1, window_bounds = array<i64: 2, 2048, 128>}, {transform_indices = @transform_2, window_bounds = array<i64: 2, 2048, 128>}, {transform_indices = @transform_3, window_bounds = array<i64: 2, 2048, 128>}, {transform_indices = @transform_4, window_bounds = array<i64: 2, 2048, 128>}, {transform_indices = @transform_5, window_bounds = array<i64: 1, 1, 2048>}, {pipeline_mode = #tpu.pipeline_mode<synchronous>, transform_indices = @transform_6, window_bounds = array<i64: 128, 128>}, {pipeline_mode = #tpu.pipeline_mode<synchronous>, transform_indices = @transform_7, window_bounds = array<i64: 128, 128>}, {pipeline_mode = #tpu.pipeline_mode<synchronous>, transform_indices = @transform_8, window_bounds = array<i64: 128, 128>}, {pipeline_mode = #tpu.pipeline_mode<synchronous>, transform_indices = @transform_9, window_bounds = array<i64: 1, 128>}, {pipeline_mode = #tpu.pipeline_mode<synchronous>, transform_indices = @transform_10, window_bounds = array<i64: 128, 256>}, {pipeline_mode = #tpu.pipeline_mode<synchronous>, transform_indices = @transform_11, window_bounds = array<i64: 1, 256>}, {pipeline_mode = #tpu.pipeline_mode<synchronous>, transform_indices = @transform_12, window_bounds = array<i64: 128, 128>}, {pipeline_mode = #tpu.pipeline_mode<synchronous>, transform_indices = @transform_13, window_bounds = array<i64: 128, 128>}, {transform_indices = @transform_14, window_bounds = array<i64: 2048, 256>}]} {
    %get3A = arith.constant 0 : index
    %get3A_0 = arith.constant 0 : index
    %get3A_1 = arith.constant 0 : index
    %get3A_2 = vector.load %arg1[%get3A, %get3A_0, %get3A_1] : memref<2x2048x128xf32, #tpu.memory_space<vmem>>, vector<1x2048x128xf32>
    %get3A_3 = vector.shape_cast %get3A_2 : vector<1x2048x128xf32> to vector<2048x128xf32>
    %get3A_4 = arith.constant 1 : index
    %get3A_5 = arith.constant 0 : index
    %get3A_6 = arith.constant 0 : index
    %get3A_7 = vector.load %arg1[%get3A_4, %get3A_5, %get3A_6] : memref<2x2048x128xf32, #tpu.memory_space<vmem>>, vector<1x2048x128xf32>
    %get3A_8 = vector.shape_cast %get3A_7 : vector<1x2048x128xf32> to vector<2048x128xf32>
    %add3A = arith.addf %get3A_3, %get3A_8 : vector<2048x128xf32>
    %get3A_9 = arith.constant 0 : index
    %get3A_10 = arith.constant 0 : index
    %get3A_11 = arith.constant 0 : index
    %get3A_12 = vector.load %arg2[%get3A_9, %get3A_10, %get3A_11] : memref<2x2048x128xf32, #tpu.memory_space<vmem>>, vector<1x2048x128xf32>
    %get3A_13 = vector.shape_cast %get3A_12 : vector<1x2048x128xf32> to vector<2048x128xf32>
    %get3A_14 = arith.constant 1 : index
    %get3A_15 = arith.constant 0 : index
    %get3A_16 = arith.constant 0 : index
    %get3A_17 = vector.load %arg2[%get3A_14, %get3A_15, %get3A_16] : memref<2x2048x128xf32, #tpu.memory_space<vmem>>, vector<1x2048x128xf32>
    %get3A_18 = vector.shape_cast %get3A_17 : vector<1x2048x128xf32> to vector<2048x128xf32>
    %add3A_19 = arith.addf %get3A_13, %get3A_18 : vector<2048x128xf32>
    %add3A_20 = arith.addf %add3A, %add3A_19 : vector<2048x128xf32>
    %get3A_21 = arith.constant 0 : index
    %get3A_22 = arith.constant 0 : index
    %get3A_23 = arith.constant 0 : index
    %get3A_24 = vector.load %arg3[%get3A_21, %get3A_22, %get3A_23] : memref<2x2048x128xf32, #tpu.memory_space<vmem>>, vector<1x2048x128xf32>
    %get3A_25 = vector.shape_cast %get3A_24 : vector<1x2048x128xf32> to vector<2048x128xf32>
    %get3A_26 = arith.constant 1 : index
    %get3A_27 = arith.constant 0 : index
    %get3A_28 = arith.constant 0 : index
    %get3A_29 = vector.load %arg3[%get3A_26, %get3A_27, %get3A_28] : memref<2x2048x128xf32, #tpu.memory_space<vmem>>, vector<1x2048x128xf32>
    %get3A_30 = vector.shape_cast %get3A_29 : vector<1x2048x128xf32> to vector<2048x128xf32>
    %add3A_31 = arith.addf %get3A_25, %get3A_30 : vector<2048x128xf32>
    %get3A_32 = arith.constant 0 : index
    %get3A_33 = arith.constant 0 : index
    %get3A_34 = arith.constant 0 : index
    %get3A_35 = vector.load %arg4[%get3A_32, %get3A_33, %get3A_34] : memref<2x2048x128xf32, #tpu.memory_space<vmem>>, vector<1x2048x128xf32>
    %get3A_36 = vector.shape_cast %get3A_35 : vector<1x2048x128xf32> to vector<2048x128xf32>
    %get3A_37 = arith.constant 1 : index
    %get3A_38 = arith.constant 0 : index
    %get3A_39 = arith.constant 0 : index
    %get3A_40 = vector.load %arg4[%get3A_37, %get3A_38, %get3A_39] : memref<2x2048x128xf32, #tpu.memory_space<vmem>>, vector<1x2048x128xf32>
    %get3A_41 = vector.shape_cast %get3A_40 : vector<1x2048x128xf32> to vector<2048x128xf32>
    %add3A_42 = arith.addf %get3A_36, %get3A_41 : vector<2048x128xf32>
    %add3A_43 = arith.addf %add3A_31, %add3A_42 : vector<2048x128xf32>
    %get3A_44 = arith.constant 0 : index
    %get3A_45 = arith.constant 0 : index
    %get3A_46 = arith.constant 0 : index
    %get3A_47 = vector.load %arg5[%get3A_44, %get3A_45, %get3A_46] : memref<2x2048x128xf32, #tpu.memory_space<vmem>>, vector<1x2048x128xf32>
    %get3A_48 = vector.shape_cast %get3A_47 : vector<1x2048x128xf32> to vector<2048x128xf32>
    %get3A_49 = arith.constant 1 : index
    %get3A_50 = arith.constant 0 : index
    %get3A_51 = arith.constant 0 : index
    %get3A_52 = vector.load %arg5[%get3A_49, %get3A_50, %get3A_51] : memref<2x2048x128xf32, #tpu.memory_space<vmem>>, vector<1x2048x128xf32>
    %get3A_53 = vector.shape_cast %get3A_52 : vector<1x2048x128xf32> to vector<2048x128xf32>
    %add3A_54 = arith.addf %get3A_48, %get3A_53 : vector<2048x128xf32>
    %get3A_55 = arith.constant 0 : index
    %get3A_56 = arith.constant 0 : index
    %get3A_57 = arith.constant 0 : index
    %get3A_58 = vector.load %arg6[%get3A_55, %get3A_56, %get3A_57] : memref<1x1x2048xi32, #tpu.memory_space<vmem>>, vector<1x1x2048xi32>
    %get3A_59 = vector.shape_cast %get3A_58 : vector<1x1x2048xi32> to vector<2048xi32>
    %iota3A = tpu.iota {dimensions = array<i32: 1>} : vector<2048x128xi32>
    %broadcast_in_dim3A = vector.shape_cast %get3A_59 : vector<2048xi32> to vector<2048x1xi32>
    %eq3A = vector.broadcast %broadcast_in_dim3A : vector<2048x1xi32> to vector<2048x128xi32>
    %eq3A_60 = arith.cmpi eq, %iota3A, %eq3A : vector<2048x128xi32>
    %convert_element_type3A = arith.extui %eq3A_60 : vector<2048x128xi1> to vector<2048x128xi32>
    %convert_element_type3A_61 = arith.sitofp %convert_element_type3A : vector<2048x128xi32> to vector<2048x128xf32>
    %get3A_62 = arith.constant 0 : index
    %get3A_63 = arith.constant 0 : index
    %get3A_64 = vector.load %arg7[%get3A_62, %get3A_63] : memref<128x128xf32, #tpu.memory_space<vmem>>, vector<128x128xf32>
    %dot_general3A = arith.constant dense<0.000000e+00> : vector<2048x128xf32>
    %dot_general3A_65 = tpu.matmul %convert_element_type3A_61, %get3A_64, %dot_general3A {dimension_numbers = #tpu.dot_dimension_numbers<[1], [0], [0], [1], [0, 0, 1, 1], [], []>, transpose_lhs_hint = false} : vector<2048x128xf32>, vector<128x128xf32>, vector<2048x128xf32> -> vector<2048x128xf32>
    %get3A_66 = arith.constant 0 : index
    %get3A_67 = arith.constant 0 : index
    %get3A_68 = vector.load %arg8[%get3A_66, %get3A_67] : memref<128x128xf32, #tpu.memory_space<vmem>>, vector<128x128xf32>
    %dot_general3A_69 = arith.constant dense<0.000000e+00> : vector<2048x128xf32>
    %dot_general3A_70 = tpu.matmul %dot_general3A_65, %get3A_68, %dot_general3A_69 {dimension_numbers = #tpu.dot_dimension_numbers<[1], [0], [0], [1], [0, 0, 1, 1], [], []>, transpose_lhs_hint = false} : vector<2048x128xf32>, vector<128x128xf32>, vector<2048x128xf32> -> vector<2048x128xf32>
    %get3A_71 = arith.constant 0 : index
    %get3A_72 = arith.constant 0 : index
    %get3A_73 = vector.load %arg9[%get3A_71, %get3A_72] : memref<128x128xf32, #tpu.memory_space<vmem>>, vector<128x128xf32>
    %dot_general3A_74 = arith.constant dense<0.000000e+00> : vector<2048x128xf32>
    %dot_general3A_75 = tpu.matmul %add3A_20, %get3A_73, %dot_general3A_74 {dimension_numbers = #tpu.dot_dimension_numbers<[1], [0], [0], [1], [0, 0, 1, 1], [], []>, transpose_lhs_hint = false} : vector<2048x128xf32>, vector<128x128xf32>, vector<2048x128xf32> -> vector<2048x128xf32>
    %add3A_76 = arith.addf %dot_general3A_70, %dot_general3A_75 : vector<2048x128xf32>
    %get3A_77 = arith.constant 0 : index
    %get3A_78 = arith.constant 0 : index
    %get3A_79 = vector.load %arg10[%get3A_77, %get3A_78] : memref<1x128xf32, #tpu.memory_space<vmem>>, vector<1x128xf32>
    %get3A_80 = vector.shape_cast %get3A_79 : vector<1x128xf32> to vector<128xf32>
    %broadcast_in_dim3A_81 = vector.shape_cast %get3A_80 : vector<128xf32> to vector<1x128xf32>
    %add3A_82 = vector.broadcast %broadcast_in_dim3A_81 : vector<1x128xf32> to vector<2048x128xf32>
    %add3A_83 = arith.addf %add3A_76, %add3A_82 : vector<2048x128xf32>
    %get3A_84 = arith.constant 0 : index
    %get3A_85 = arith.constant 0 : index
    %get3A_86 = vector.load %arg11[%get3A_84, %get3A_85] : memref<128x256xf32, #tpu.memory_space<vmem>>, vector<128x256xf32>
    %dot_general3A_87 = arith.constant dense<0.000000e+00> : vector<2048x256xf32>
    %dot_general3A_88 = tpu.matmul %add3A_83, %get3A_86, %dot_general3A_87 {dimension_numbers = #tpu.dot_dimension_numbers<[1], [0], [0], [1], [0, 0, 1, 1], [], []>, transpose_lhs_hint = false} : vector<2048x128xf32>, vector<128x256xf32>, vector<2048x256xf32> -> vector<2048x256xf32>
    %get3A_89 = arith.constant 0 : index
    %get3A_90 = arith.constant 0 : index
    %get3A_91 = vector.load %arg12[%get3A_89, %get3A_90] : memref<1x256xf32, #tpu.memory_space<vmem>>, vector<1x256xf32>
    %get3A_92 = vector.shape_cast %get3A_91 : vector<1x256xf32> to vector<256xf32>
    %broadcast_in_dim3A_93 = vector.shape_cast %get3A_92 : vector<256xf32> to vector<1x256xf32>
    %add3A_94 = vector.broadcast %broadcast_in_dim3A_93 : vector<1x256xf32> to vector<2048x256xf32>
    %add3A_95 = arith.addf %dot_general3A_88, %add3A_94 : vector<2048x256xf32>
    %get3A_96 = arith.constant 0 : index
    %get3A_97 = arith.constant 0 : index
    %get3A_98 = vector.load %arg13[%get3A_96, %get3A_97] : memref<128x128xf32, #tpu.memory_space<vmem>>, vector<128x128xf32>
    %dot_general3A_99 = arith.constant dense<0.000000e+00> : vector<2048x128xf32>
    %dot_general3A_100 = tpu.matmul %add3A_43, %get3A_98, %dot_general3A_99 {dimension_numbers = #tpu.dot_dimension_numbers<[1], [0], [0], [1], [0, 0, 1, 1], [], []>, transpose_lhs_hint = false} : vector<2048x128xf32>, vector<128x128xf32>, vector<2048x128xf32> -> vector<2048x128xf32>
    %get3A_101 = arith.constant 0 : index
    %get3A_102 = arith.constant 0 : index
    %get3A_103 = vector.load %arg14[%get3A_101, %get3A_102] : memref<128x128xf32, #tpu.memory_space<vmem>>, vector<128x128xf32>
    %dot_general3A_104 = arith.constant dense<0.000000e+00> : vector<2048x128xf32>
    %dot_general3A_105 = tpu.matmul %add3A_54, %get3A_103, %dot_general3A_104 {dimension_numbers = #tpu.dot_dimension_numbers<[1], [0], [0], [1], [0, 0, 1, 1], [], []>, transpose_lhs_hint = false} : vector<2048x128xf32>, vector<128x128xf32>, vector<2048x128xf32> -> vector<2048x128xf32>
    %concatenate3A = tpu.concatenate %dot_general3A_100, %dot_general3A_105 in 1 : vector<2048x128xf32>, vector<2048x128xf32> -> vector<2048x256xf32>
    %add3A_106 = arith.addf %add3A_95, %concatenate3A : vector<2048x256xf32>
    %swap3A = arith.constant 0 : index
    %swap3A_107 = arith.constant 0 : index
    %swap3A_108 = vector.load %arg15[%swap3A, %swap3A_107] : memref<2048x256xf32, #tpu.memory_space<vmem>>, vector<2048x256xf32>
    tpu.vector_store %arg15[%swap3A, %swap3A_107], %add3A_106 {strides = array<i32>} : memref<2048x256xf32, #tpu.memory_space<vmem>>, vector<2048x256xf32>,
    return
  }
  func.func @transform_0(%arg0: i32) -> (i32, i32, i32) {
    %c0_i32 = arith.constant 0 : i32
    %c0_i32_0 = arith.constant 0 : i32
    %c0_i32_1 = arith.constant 0 : i32
    return %c0_i32, %arg0, %c0_i32_0 : i32, i32, i32
  }
  func.func @transform_1(%arg0: i32) -> (i32, i32, i32) {
    %c0_i32 = arith.constant 0 : i32
    %c0_i32_0 = arith.constant 0 : i32
    %c0_i32_1 = arith.constant 0 : i32
    return %c0_i32, %arg0, %c0_i32_0 : i32, i32, i32
  }
  func.func @transform_2(%arg0: i32) -> (i32, i32, i32) {
    %c0_i32 = arith.constant 0 : i32
    %c0_i32_0 = arith.constant 0 : i32
    %c0_i32_1 = arith.constant 0 : i32
    return %c0_i32, %arg0, %c0_i32_0 : i32, i32, i32
  }
  func.func @transform_3(%arg0: i32) -> (i32, i32, i32) {
    %c0_i32 = arith.constant 0 : i32
    %c0_i32_0 = arith.constant 0 : i32
    %c0_i32_1 = arith.constant 0 : i32
    return %c0_i32, %arg0, %c0_i32_0 : i32, i32, i32
  }
  func.func @transform_4(%arg0: i32) -> (i32, i32, i32) {
    %c0_i32 = arith.constant 0 : i32
    %c0_i32_0 = arith.constant 0 : i32
    %c0_i32_1 = arith.constant 0 : i32
    return %c0_i32, %arg0, %c0_i32_0 : i32, i32, i32
  }
  func.func @transform_5(%arg0: i32) -> (i32, i32, i32) {
    %c0_i32 = arith.constant 0 : i32
    %c0_i32_0 = arith.constant 0 : i32
    %c0_i32_1 = arith.constant 0 : i32
    return %arg0, %c0_i32, %c0_i32_0 : i32, i32, i32
  }
  func.func @transform_6(%arg0: i32) -> (i32, i32) {
    %c0_i32 = arith.constant 0 : i32
    %c0_i32_0 = arith.constant 0 : i32
    %c0_i32_1 = arith.constant 0 : i32
    return %c0_i32, %c0_i32_0 : i32, i32
  }
  func.func @transform_7(%arg0: i32) -> (i32, i32) {
    %c0_i32 = arith.constant 0 : i32
    %c0_i32_0 = arith.constant 0 : i32
    %c0_i32_1 = arith.constant 0 : i32
    return %c0_i32, %c0_i32_0 : i32, i32
  }
  func.func @transform_8(%arg0: i32) -> (i32, i32) {
    %c0_i32 = arith.constant 0 : i32
    %c0_i32_0 = arith.constant 0 : i32
    %c0_i32_1 = arith.constant 0 : i32
    return %c0_i32, %c0_i32_0 : i32, i32
  }
  func.func @transform_9(%arg0: i32) -> (i32, i32) {
    %c0_i32 = arith.constant 0 : i32
    %c0_i32_0 = arith.constant 0 : i32
    %c0_i32_1 = arith.constant 0 : i32
    return %c0_i32, %c0_i32_0 : i32, i32
  }
  func.func @transform_10(%arg0: i32) -> (i32, i32) {
    %c0_i32 = arith.constant 0 : i32
    %c0_i32_0 = arith.constant 0 : i32
    %c0_i32_1 = arith.constant 0 : i32
    return %c0_i32, %c0_i32_0 : i32, i32
  }
  func.func @transform_11(%arg0: i32) -> (i32, i32) {
    %c0_i32 = arith.constant 0 : i32
    %c0_i32_0 = arith.constant 0 : i32
    %c0_i32_1 = arith.constant 0 : i32
    return %c0_i32, %c0_i32_0 : i32, i32
  }
  func.func @transform_12(%arg0: i32) -> (i32, i32) {
    %c0_i32 = arith.constant 0 : i32
    %c0_i32_0 = arith.constant 0 : i32
    %c0_i32_1 = arith.constant 0 : i32
    return %c0_i32, %c0_i32_0 : i32, i32
  }
  func.func @transform_13(%arg0: i32) -> (i32, i32) {
    %c0_i32 = arith.constant 0 : i32
    %c0_i32_0 = arith.constant 0 : i32
    %c0_i32_1 = arith.constant 0 : i32
    return %c0_i32, %c0_i32_0 : i32, i32
  }
  func.func @transform_14(%arg0: i32) -> (i32, i32) {
    %c0_i32 = arith.constant 0 : i32
    %c0_i32_0 = arith.constant 0 : i32
    return %arg0, %c0_i32 : i32, i32
  }
}

</mosaic_0001>

<sc_bundles>
// kernel: sc_gather.3.cloned.1.call-start
scs
__scs_entry_jumppad:
0x0: {  	(pc) =	sbr.rel $0x88, $3  }
0x1: {  	(tag) =	ssettag $0x0;
	lr =	simm.s32 $0x1  }
0x2: {  	[smem:$0x3F8C] =	sst lr;
	_ =	strace $0xD0000000  }
0x3: {  	_ = 	snop  }
0x4: {  	_ = 	snop  }
0x5: {  	_ = 	snop  }
0x6: {  	_ = 	snop  }
0x7: {  	_ = 	snop  }
__scs_overlays_trampoline_lowered:
0x8: {  	[smem:$0x3F9B] =	sst s0  }
0x9: {  	[smem:$0x3F9C] =	sst s1  }
0xa: {  	[smem:$0x3F9D] =	sst s2  }
0xb: {  	[smem:$0x3F9E] =	sst s3  }
0xc: {  	[smem:$0x3F9F] =	sst s4  }
0xd: {  	[smem:$0x3FA0] =	sst s5  }
0xe: {  	[smem:$0x3FA1] =	sst s6  }
0xf: {  	[smem:$0x3FA2] =	sst s7  }
0x10: {  	[smem:$0x3FA3] =	sst s8  }
0x11: {  	[smem:$0x3FA4] =	sst s9;
	s0 =	simm.s32 @!p0 $0x0  }
0x12: {  	s1 =	sld [smem:$0x3F8A];
	s0 =	simm.s32 @p0 $0x1  }
0x13: {  	[smem:$0x3FA5] =	sst s0;
	s0 =	simm.s32 @!p1 $0x0  }
0x14: {  	s2 =	sld [smem:$0x3F89];
	s0 =	simm.s32 @p1 $0x1  }
0x15: {  	[smem:$0x3FA6] =	sst s0;
	s0 =	simm.s32 @!p2 $0x0  }
0x16: {  	s3 =	sld [smem:$0x3FDB];
	s0 =	simm.s32 @p2 $0x1  }
0x17: {  	s4 =	simm.s32 $0x1BF5;
	[smem:$0x3FA8] =	sst s0  }
0x18: {  	s0 =	sld [smem:$0x3F8B];
	_ =	swait.ge [sflag:s4], $0x0  }
0x19: {  	s7 =	sld [smem:$0x3F8C]  }
0x1a: {  	s8 =	sadd.s32 $0xFFFFE003, lr  }
0x1b: {  	s9 =	sadd.s32 $0xFFFFFEF7, lr;
	s5 =	simm.s32 $0xFFFFFFFF;
	p2 =	slt.u32 s8, $0xFFFFF086  }
0x1c: {  	p1 =	slt.u32 s9, $0xF7A;
	s5 =	simm.s32 @!p2 $0x0  }
0x1d: {  	s5 =	simm.s32 @p1 $0x1;
	p0 =	seq.s32 s7, s2  }
0x1e: {  	s7 =	smul.u32 @!p0 $0xF7A, s2;
	p2 =	seq.s32 @!p0 s5, $0x0  }
0x1f: {  	s9 =	smul.u32 $0xF7A, s1;
	s8 =	simm.s32 @!p0 $0x1BF5;
	p2 =	por !p2, p0  }
0x20: {  	[sflag:s8] =	ssyncset.s32 @!p0 $0xFFFFF086;
	s6 =	sadd.s32 @!p0 s3, s7;
	s7 =	simm.s32 @!p0 $0x108  }
0x21: {  	s3 =	sadd.s32 s3, s9;
	s6 =	sadd.s32 @!p0 $0x88, s6;
	s7 =	simm.s32 @p2 $0x1082  }
0x22: {  	[simem:s7], [sflag:s8] =	dma.local @!p0 [hbm:s6], $0xF7A  }
0x23: {  	s9 =	sor.u32 $0xD0000000, s2;
	s6 =	simm.s32 $0x108;
	_ =	swait.ge @!p0 [sflag:s8], $0x0  }
0x24: {  	s3 =	sadd.s32 $0x88, s3;
	s6 =	simm.s32 @!p1 $0x1082;
	[sflag:s4] =	ssyncset.s32 $0xFFFFF086  }
0x25: {  	[simem:s6], [sflag:s4] =	dma.local [hbm:s3], $0xF7A  }
0x26: {  	[smem:$0x3F8C] =	sst s1;
	(tag) =	ssettag s2;
	_ =	strace s9  }
0x27: {  	s1 =	sld [smem:$0x3F9C]  }
0x28: {  	s2 =	sld [smem:$0x3F9D]  }
0x29: {  	s4 =	sld [smem:$0x3F9F]  }
0x2a: {  	p0 =	seq.s32 s5, $0x0;
	s5 =	sld [smem:$0x3FA0]  }
0x2b: {  	s6 =	sld [smem:$0x3FA1]  }
0x2c: {  	s7 =	sld [smem:$0x3FA2]  }
0x2d: {  	s3 =	simm.s32 $0x108;
	s8 =	sld [smem:$0x3FA3]  }
0x2e: {  	s3 =	simm.s32 @!p0 $0x1082;
	s9 =	sld [smem:$0x3FA4]  }
0x2f: {  	lr =	sadd.s32 s0, s3;
	s0 =	sld [smem:$0x3F9B]  }
0x30: {  	s3 =	sld [smem:$0x3F9E]  }
0x31: {  	[smem:$0x3FA7] =	sst s10  }
0x32: {  	s10 =	sld [smem:$0x3FA5];
	_ =	sdelay $0x3  }
0x33: {  	p0 =	seq.s32 s10, $0x1;
	s10 =	sld [smem:$0x3FA7];
	_ =	sdelay $0x3  }
0x34: {  	[smem:$0x3FA7] =	sst s10  }
0x35: {  	s10 =	sld [smem:$0x3FA6];
	_ =	sdelay $0x3  }
0x36: {  	p1 =	seq.s32 s10, $0x1;
	s10 =	sld [smem:$0x3FA7];
	_ =	sdelay $0x3  }
0x37: {  	[smem:$0x3FA7] =	sst s10  }
0x38: {  	s10 =	sld [smem:$0x3FA8]  }
0x39: {  	_ = 	snop;
	(pc) =	sbr.ind lr, $3  }
0x3a: {  	_ = 	snop  }
0x3b: {  	_ = 	snop  }
0x3c: {  	p2 =	seq.s32 s10, $0x1;
	s10 =	sld [smem:$0x3FA7]  }
0x3d: {  	_ =	shalt  }
0x3e: {  	_ =	shalt  }
0x3f: {  	_ =	shalt  }
0x40: {  	_ =	shalt  }
0x41: {  	_ =	shalt  }
0x42: {  	_ =	shalt  }
0x43: {  	_ =	shalt  }
0x44: {  	_ =	shalt  }
0x45: {  	_ =	shalt  }
0x46: {  	_ =	shalt  }
0x47: {  	_ =	shalt  }
0x48: {  	_ =	shalt  }
0x49: {  	_ =	shalt  }
0x4a: {  	_ =	shalt  }
0x4b: {  	_ =	shalt  }
0x4c: {  	_ =	shalt  }
0x4d: {  	_ =	shalt  }
0x4e: {  	_ =	shalt  }
0x4f: {  	_ =	shalt  }
0x50: {  	_ =	shalt  }
0x51: {  	_ =	shalt  }
0x52: {  	_ =	shalt  }
0x53: {  	_ =	shalt  }
0x54: {  	_ =	shalt  }
0x55: {  	_ =	shalt  }
0x56: {  	_ =	shalt  }
0x57: {  	_ =	shalt  }
0x58: {  	_ =	shalt  }
0x59: {  	_ =	shalt  }
0x5a: {  	_ =	shalt  }
0x5b: {  	_ =	shalt  }
0x5c: {  	_ =	shalt  }
0x5d: {  	_ =	shalt  }
0x5e: {  	_ =	shalt  }
0x5f: {  	_ =	shalt  }
0x60: {  	_ =	shalt  }
0x61: {  	_ =	shalt  }
0x62: {  	_ =	shalt  }
0x63: {  	_ =	shalt  }
0x64: {  	_ =	shalt  }
0x65: {  	_ =	shalt  }
0x66: {  	_ =	shalt  }
0x67: {  	_ =	shalt  }
0x68: {  	_ =	shalt  }
0x69: {  	_ =	shalt  }
0x6a: {  	_ =	shalt  }
0x6b: {  	_ =	shalt  }
0x6c: {  	_ =	shalt  }
0x6d: {  	_ =	shalt  }
0x6e: {  	_ =	shalt  }
0x6f: {  	_ =	shalt  }
0x70: {  	_ =	shalt  }
0x71: {  	_ =	shalt  }
0x72: {  	_ =	shalt  }
0x73: {  	_ =	shalt  }
0x74: {  	_ =	shalt  }
0x75: {  	_ =	shalt  }
0x76: {  	_ =	shalt  }
0x77: {  	_ =	shalt  }
0x78: {  	_ =	shalt  }
0x79: {  	_ =	shalt  }
0x7a: {  	_ =	shalt  }
0x7b: {  	_ =	shalt  }
0x7c: {  	_ =	shalt  }
0x7d: {  	_ =	shalt  }
0x7e: {  	_ =	shalt  }
0x7f: {  	_ =	shalt  }
0x80: {  	_ =	shalt  }
0x81: {  	_ =	shalt  }
0x82: {  	_ =	shalt  }
0x83: {  	_ =	shalt  }
0x84: {  	_ =	shalt  }
0x85: {  	_ =	shalt  }
0x86: {  	_ =	shalt  }
0x87: {  	_ =	shalt  }
.Lfunc_end0:
.L_simem_size_0:
called_computation_lowered:
.L_overlay_start_0:
0x88: {  	s2 =	sld [smem:$0x3FD9]  }
0x89: {  	s3 =	sld [smem:$0x3FFE];
	_ =	sdelay $0x1  }
0x8a: {  	s1 =	srdreg.scid  }
0x8b: {  	s0 =	sand.u32 $0x1, s1  }
0x8c: {  	s17 =	sshll.u32 s0, $0xA;
	s2 =	sadd.s32 s3, s2  }
0x8d: {  	s2 =	sadd.s32 s2, s17  }
0x8e: {  	[smem:$0x3FB3] =	sst s2  }
0x8f: {  	_ = 	snop  }
0x90: {  	s2 =	sld [smem:$0x3FC9]  }
0x91: {  	s18 =	sld [smem:$0x3FD0];
	(tm) =	ssettm $0x1  }
0x92: {  	s4 =	sld [smem:$0x3FFB];
	_ =	sdelay $0x3  }
0x93: {  	_ =	strace s4  }
0x94: {  	s4 =	sld [smem:$0x3FFC];
	_ =	sdelay $0x3  }
0x95: {  	_ =	strace s4  }
0x96: {  	s4 =	sld [smem:$0x3FFD];
	_ =	sdelay $0x3  }
0x97: {  	_ =	strace s4  }
0x98: {  	_ =	strace $0x8FFFFFFF  }
0x99: {  	s19 =	sld [smem:$0x3FDB];
	_ =	sdelay $0x1  }
0x9a: {  	s5 =	simm.s32 $_scs_section_size  }
0x9b: {  	s6 =	simm.s32 $_size__tile_overlayer_lowered;
	s7 =	simm.s32 $_tile_overlayer_lowered  }
0x9c: {  	s22 =	simm.s32 $0x1BFF;
	s21 =	sshll.u32 s7, $0x1;
	s4 =	sadd.s32 s5, s19  }
0x9d: {  	s8 =	simm.s32 $0x0;
	s20 =	sshll.u32 s6, $0x1;
	s6 =	sadd.s32 s21, s4  }
0x9e: {  	[timem:s8], [sflag:s22] =	dma.local [hbm:s6], s20  }
0x9f: {  	_ =	swait.ge [sflag:s22], s20  }
0xa0: {  	s5 =	ssub.s32 $0x0, s20;
	[sflag:s22] =	ssyncset.done $0x0  }
0xa1: {  	[sflag:s22] =	ssyncadd.s32 s5;
	_ =	sdelay $0x1  }
0xa2: {  	s23 =	simm.s32 $0x1B8B  }
0xa3: {  	_ =	swait.ge [sflag:s23], $0x1  }
0xa4: {  	[sflag:s23] =	ssyncset.done $0x0  }
0xa5: {  	s25 =	simm.s32 $0x1B8E;
	s24 =	sld [smem:$0x3FFE];
	[sflag:s23] =	ssyncadd.s32 $0xFFFFFFFF  }
0xa6: {  	s26 =	simm.s32 $execute0_lowered;
	[smem:$0x3FD2] =	sst s25  }
0xa7: {  	s6 =	sshll.u32 s26, $0x1;
	_ =	strace $0x80000046;
	[dreg:$0x1] =	wrdreg $0xFFFFFFFF  }
0xa8: {  	s28 =	simm.s32 $_size_execute0_lowered;
	s4 =	sadd.s32 s4, s6;
	[dreg:$0x0] =	wrdreg $0x0  }
0xa9: {  	s6 =	sshll.u32 s28, $0x1;
	[dreg:$0x2] =	wrdreg s4  }
0xaa: {  	[dreg:$0x3] =	wrdreg s6  }
0xab: {  	[dreg:$0x4] =	wrdreg $0xC0  }
0xac: {  	_ =	task [dreg:s8], $0x5FFFF  }
0xad: {  	[dreg:$0x1] =	wrdreg $0xFFFFFFFF  }
0xae: {  	[dreg:$0x0] =	wrdreg $0x60  }
0xaf: {  	[dreg:$0x2] =	wrdreg s18  }
0xb0: {  	[dreg:$0x3] =	wrdreg s24  }
0xb1: {  	[dreg:$0x4] =	wrdreg s2  }
0xb2: {  	[dreg:$0x5] =	wrdreg $0x9  }
0xb3: {  	_ =	task.clear_ibuf [dreg:s8], $0x6FFFF;
	_ =	strace $0x90000046  }
0xb4: {  	s29 =	simm.s32 $0x9;
	_ =	strace $0x80000048  }
0xb5: {  	_ =	swait.ge [sflag:s29], $0x1  }
0xb6: {  	[sflag:s29] =	ssyncadd.s32 $0xFFFFFFFF  }
0xb7: {  	_ =	strace $0x90000048  }
0xb8: {  	_ =	sfence  }
0xb9: {  	s30 =	sld [smem:$0x0];
	_ =	sdelay $0x2  }
0xba: {  	s31 =	sshll.u32 s1, $0xD;
	s1 =	sshrl.u32 s1, $0x2  }
0xbb: {  	s3 =	sand.u32 $0x4000, s31;
	s1 =	sadd.s32 s1, s30  }
0xbc: {  	s0 =	sor.u32 s3, s0;
	s1 =	sshll.u32 s1, $0x11  }
0xbd: {  	s0 =	sor.u32 s1, s0  }
0xbe: {  	s0 =	sadd.s32 $0x8F2B, s0  }
0xbf: {  	[sflag:s0] =	ssyncadd.remote.s32 $0x1  }
0xc0: {  	_ =	sfence.sel $0xFFFF  }
0xc1: {  	[dreg:$0x0] =	wrdreg $0xFFFFFFFF;
	(pc) =	sbr.abs _section_cstart, $3  }
0xc2: {  	[dreg:$0x1] =	wrdreg $0xFFFFFFFF  }
0xc3: {  	_ =	task.clear_ibuf [dreg:s8], $0x2FFFF;
	_ =	strace $0x9FFFFFFF  }
0xc4: {  	(tm) =	ssettm $0x7FFFFFFF  }
0xc5: {  	_ =	shalt  }
tec
execute0_lowered:
.L_overlay_start_1:
0x0: {  	(tag) =	ssettag $0x1  }
0x1: {  	s0 =	rddreg [dreg:$0x0]  }
0x2: {  	s6 =	rddreg [dreg:$0x1]  }
0x3: {  	s1 =	srdreg.scid;
	s2 =	rddreg [dreg:$0x2];
	s3 =	simm.s32 $0x0  }
0x4: {  	s17 =	simm.s32 $0x9C80;
	s18 =	simm.s32 $0xC400;
	s19 =	simm.s32 $0xCC00  }
0x5: {  	s20 =	simm.s32 $0xE000;
	s21 =	simm.s32 $0x11C00;
	s22 =	simm.s32 $0x12300  }
0x6: {  	s23 =	simm.s32 $0x10800;
	s24 =	simm.s32 $0x12A00;
	s10 =	sand.u32 $0x1, s1  }
0x7: {  	s25 =	simm.s32 $0xF400;
	s1 =	stileid.u32;
	s14 =	smul.u32 $0x14000, s10  }
0x8: {  	s26 =	simm.s32 $0x0;
	[smem:$0x7FF] =	sst s3;
	s31 =	smul.u32 $0x1400, s1  }
0x9: {  	s4 =	sshll.u32 s10, $0x4;
	_ =	strace $0x80000047;
	s15 =	smul.u32 $0x7000, s10  }
0xa: {  	s9 =	ssub.s32 $0x2, s10;
	s16 =	smul.u32 $0x700, s1;
	s5 =	sor.u32 s1, s4  }
0xb: {  	s4 =	sadd.s32 $0xCE00, s6;
	s30 =	sshrl.u32 s9, $0x1;
	s7 =	smul.u32 $0x700, s5  }
0xc: {  	s8 =	smul.u32 $0x1400, s5;
	s5 =	sadd.s32 $0xE200, s6;
	s13 =	ssub.s32 s9, s30  }
0xd: {  	s14 =	sadd.s32 s31, s14;
	s15 =	sadd.s32 s16, s15;
	s16 =	simm.s32 $0x1  }
0xe: {  	s13 =	smax.u32 s13, $0x1;
	s7 =	sshrl.u32 s7, $0x3;
	s29 =	sshrl.u32 s8, $0x3  }
0xf: {  	s11 =	sadd.s32 s7, s6;
	s12 =	sadd.s32 s29, s6;
	s6 =	sadd.s32 s0, s29  }
0x10: {  	s7 =	sadd.s32 $0x4600, s12;
	s8 =	sadd.s32 $0x9600, s11;
	s9 =	sadd.s32 $0xB200, s11  }
0x11: {  	vm0 =	vmxor vm0, vm0;
	s10 =	sadd.s32 $0xE400, s12;
	s11 =	sadd.s32 $0x18400, s11;
	s12 =	sadd.s32 $0x13400, s12  }
.LBB2_1:
0x12: {  	[tilespmem:s3], [sflag:$0x1] =	stream.linear.gather [hbm4b:s4+s3], $0x9C80, $0x38;
	[tilespmem:$0x13100] =	vst v63  }
0x13: {  	_ =	swait.ge [sflag:s16], $0x9C80  }
0x14: {  	[sflag:s16] =	ssyncset.done $0x0  }
0x15: {  	[sflag:s16] =	ssyncadd.s32 $0xFFFF6380  }
0x16: {  	[tilespmem:s17], [sflag:$0x1] =	stream.linear.gather [hbm4b:s2+s3], $0x2780, $0x38;
	[tilespmem:$0x13100] =	vst v63  }
0x17: {  	_ =	swait.ge [sflag:s16], $0x2780  }
0x18: {  	[sflag:s16] =	ssyncset.done $0x0  }
0x19: {  	[sflag:s16] =	ssyncadd.s32 $0xFFFFD880  }
0x1a: {  	[tilespmem:s18], [sflag:$0x1] =	stream.linear.gather [hbm4b:s5+s3], $0x800, $0x38;
	[tilespmem:$0x13100] =	vst v63  }
0x1b: {  	_ =	swait.ge [sflag:s16], $0x800  }
0x1c: {  	[sflag:s16] =	ssyncset.done $0x0  }
0x1d: {  	[sflag:s16] =	ssyncadd.s32 $0xFFFFF800  }
0x1e: {  	[tilespmem:s19], [sflag:$0x1] =	stream.linear.gather [hbm4b:s6+s3], $0x1400, $0x38;
	[tilespmem:$0x13100] =	vst v63  }
0x1f: {  	_ =	swait.ge [sflag:s16], $0x1400  }
0x20: {  	[sflag:s16] =	ssyncset.done $0x0  }
0x21: {  	[sflag:s16] =	ssyncadd.s32 $0xFFFFEC00  }
0x22: {  	[tilespmem:s20], [sflag:$0x1] =	stream.linear.gather [hbm4b:s7+s3], $0x1400, $0x38;
	[tilespmem:$0x13100] =	vst v63  }
0x23: {  	_ =	swait.ge [sflag:s16], $0x1400  }
0x24: {  	[sflag:s16] =	ssyncset.done $0x0  }
0x25: {  	[sflag:s16] =	ssyncadd.s32 $0xFFFFEC00  }
0x26: {  	[tilespmem:s21], [sflag:$0x1] =	stream.linear.gather [hbm4b:s8+s3], $0x700, $0x38;
	[tilespmem:$0x13100] =	vst v63  }
0x27: {  	_ =	swait.ge [sflag:s16], $0x700  }
0x28: {  	[sflag:s16] =	ssyncset.done $0x0  }
0x29: {  	[sflag:s16] =	ssyncadd.s32 $0xFFFFF900  }
0x2a: {  	[tilespmem:s22], [sflag:$0x1] =	stream.linear.gather [hbm4b:s9+s3], $0x700, $0x38;
	[tilespmem:$0x13100] =	vst v63  }
0x2b: {  	_ =	swait.ge [sflag:s16], $0x700  }
0x2c: {  	[sflag:s16] =	ssyncset.done $0x0  }
0x2d: {  	s28 =	simm.s32 $0x0;
	[sflag:s16] =	ssyncadd.s32 $0xFFFFF900  }
0x2e: {  	v0 =	vld [tilespmem:s28+$0xE000]  }
0x2f: {  	v1 =	vld [tilespmem:s28+$0xCC00];
	_ =	sdelay $0x3  }
0x30: {  	v2 =	vshll.u32 v0, $0x2  }
0x31: {  	v1 =	vshll.u32 v1, $0x2  }
0x32: {  	v0 =	vor.u32 $0x1, v1  }
0x33: {  	v3 =	vor.u32 $0x1, v2  }
0x34: {  	v4 =	vor.u32 $0x2, v1  }
0x35: {  	v6 =	vor.u32 $0x2, v2;
	v5 =	vld.idx.msk [tilespmem:v2+s3+$0x0], $0xffff  }
0x36: {  	v7 =	vld.idx.msk [tilespmem:v1+s3+$0x0], $0xffff  }
0x37: {  	v0 =	vld.idx.msk [tilespmem:v0+s3+$0x0], $0xffff  }
0x38: {  	v3 =	vld.idx.msk [tilespmem:v3+s3+$0x0], $0xffff  }
0x39: {  	v4 =	vld.idx.msk [tilespmem:v4+s3+$0x0], $0xffff  }
0x3a: {  	v6 =	vld.idx.msk [tilespmem:v6+s3+$0x0], $0xffff;
	_ =	sdelay $0x2  }
0x3b: {  	v5 =	vsub.f32 v7, v5;
	v0 =	vsub.f32 v0, v3;
	_ =	sdelay $0x1  }
0x3c: {  	v3 =	vsub.f32 v4, v6;
	v4 =	vmul.f32 v5, v5;
	v0 =	vmul.f32 v0, v0;
	_ =	sdelay $0x1  }
0x3d: {  	v4 =	vadd.f32 v0, v4;
	v0 =	vld [tilespmem:s28+$0xCC00];
	_ =	sdelay $0x1  }
0x3e: {  	v3 =	vmul.f32 v3, v3  }
0x3f: {  	p0 =	slt.u32 s14, $0x27100;
	vm1 =	vmmov vm0  }
0x40: {  	s30 =	simm.s32 $0x10;
	vm1 =	vmneg @p0 vm1;
	vm2 =	vne.s32 v1, v2;
	v3 =	vadd.f32 v3, v4  }
0x41: {  	vm1 =	vmand vm1, vm2;
	v1 =	vld [tilespmem:s30+$0xE000]  }
0x42: {  	s31 =	simm.s32 $0x80;
	s29 =	smov.u32 s14;
	v2 =	vld [tilespmem:s30+$0xCC00];
	v3 =	vnsel vm1, $0xBF800000, v3  }
.LBB2_2:
0x43: {  	p0 =	sne.s32 s31, $0x4FC0;
	[tilespmem:s28+$0x10800] =	vst v3  }
0x44: {  	v0 =	vld.idx.msk [tilespmem:v0+s17+$0x0], $0xffff;
	_ =	sdelay $0x1  }
0x45: {  	v1 =	vshll.u32 v1, $0x2  }
0x46: {  	v2 =	vshll.u32 v2, $0x2  }
0x47: {  	v3 =	vor.u32 $0x1, v2  }
0x48: {  	v4 =	vor.u32 $0x1, v1  }
0x49: {  	s0 =	simm.s32 $0x0;
	v5 =	vor.u32 $0x2, v2;
	[tilespmem:s28+$0xF400] =	vst v0;
	s28 =	smov.u32 s30  }
0x4a: {  	v6 =	vor.u32 $0x2, v1;
	v0 =	vld.idx.msk [tilespmem:v1+s0+$0x0], $0xffff  }
0x4b: {  	v7 =	vld.idx.msk [tilespmem:v2+s0+$0x0], $0xffff  }
0x4c: {  	v3 =	vld.idx.msk [tilespmem:v3+s0+$0x0], $0xffff  }
0x4d: {  	v4 =	vld.idx.msk [tilespmem:v4+s0+$0x0], $0xffff  }
0x4e: {  	v5 =	vld.idx.msk [tilespmem:v5+s0+$0x0], $0xffff  }
0x4f: {  	v6 =	vld.idx.msk [tilespmem:v6+s0+$0x0], $0xffff;
	_ =	sdelay $0x3  }
0x50: {  	v0 =	vsub.f32 v7, v0;
	v3 =	vsub.f32 v3, v4;
	_ =	sdelay $0x1  }
0x51: {  	v4 =	vsub.f32 v5, v6;
	v5 =	vmul.f32 v0, v0;
	v3 =	vmul.f32 v3, v3;
	v0 =	vld [tilespmem:s28+$0xCC00];
	_ =	sdelay $0x1  }
.Ltmp0:
0x52: {  	s29 =	sadd.s32 $0x10, s29;
	v3 =	vadd.f32 v3, v5;
	v4 =	vmul.f32 v4, v4;
	(pc) =	sbr.rel @p0 .LBB2_2-.Ltmp0, $4  }
0x53: {  	vm1 =	vmmov vm0;
	p1 =	slt.u32 s29, $0x27100  }
0x54: {  	vm1 =	vmneg @p1 vm1;
	vm2 =	vne.s32 v2, v1;
	s30 =	sshra.s32 s31, $0x2;
	v3 =	vadd.f32 v4, v3  }
0x55: {  	vm1 =	vmand vm1, vm2;
	v1 =	vld [tilespmem:s30+$0xE000]  }
0x56: {  	s31 =	sadd.s32 $0x40, s31;
	v3 =	vnsel vm1, $0xBF800000, v3;
	v2 =	vld [tilespmem:s30+$0xCC00]  }
0x57: {  	_ =	sdelay $0x2  }
0x58: {  	[tilespmem:s28+$0x10800] =	vst v3  }
0x59: {  	v0 =	vld.idx.msk [tilespmem:v0+s17+$0x0], $0xffff  }
0x5a: {  	v1 =	vshll.u32 v1, $0x2  }
0x5b: {  	v2 =	vshll.u32 v2, $0x2  }
0x5c: {  	v4 =	vor.u32 $0x1, v1  }
0x5d: {  	v3 =	vor.u32 $0x1, v2  }
0x5e: {  	v6 =	vor.u32 $0x2, v1;
	[tilespmem:s28+$0xF400] =	vst v0  }
0x5f: {  	v5 =	vor.u32 $0x2, v2;
	v0 =	vld.idx.msk [tilespmem:v1+s0+$0x0], $0xffff  }
0x60: {  	v7 =	vld.idx.msk [tilespmem:v2+s0+$0x0], $0xffff  }
0x61: {  	v4 =	vld.idx.msk [tilespmem:v4+s0+$0x0], $0xffff  }
0x62: {  	v3 =	vld.idx.msk [tilespmem:v3+s0+$0x0], $0xffff  }
0x63: {  	v6 =	vld.idx.msk [tilespmem:v6+s0+$0x0], $0xffff  }
0x64: {  	v5 =	vld.idx.msk [tilespmem:v5+s0+$0x0], $0xffff;
	_ =	sdelay $0x2  }
0x65: {  	v0 =	vsub.f32 v7, v0;
	v3 =	vsub.f32 v3, v4;
	_ =	sdelay $0x1  }
0x66: {  	v63 =	vld [tilespmem:s30+$0xCC00];
	v62 =	vsub.f32 v5, v6;
	v0 =	vmul.f32 v0, v0;
	v3 =	vmul.f32 v3, v3;
	_ =	sdelay $0x1  }
0x67: {  	s31 =	sadd.s32 $0x10, s29;
	v0 =	vadd.f32 v3, v0;
	v3 =	vmul.f32 v62, v62  }
0x68: {  	vm1 =	vmmov vm0;
	p0 =	slt.u32 s31, $0x27100  }
0x69: {  	vm1 =	vmneg @p0 vm1;
	vm2 =	vne.s32 v2, v1;
	v0 =	vadd.f32 v3, v0  }
0x6a: {  	vm1 =	vmand vm1, vm2  }
0x6b: {  	v0 =	vnsel vm1, $0xBF800000, v0  }
0x6c: {  	[tilespmem:s30+$0x10800] =	vst v0  }
0x6d: {  	v0 =	vld.idx.msk [tilespmem:v63+s17+$0x0], $0xffff;
	_ =	sdelay $0x1  }
0x6e: {  	p2 =	por $0x1, $0x1  }
.Ltmp1:
0x6f: {  	_ = 	snop;
	(pc) =	sbr.rel @!p2 .LBB2_4-.Ltmp1, $4  }
0x70: {  	_ = 	snop  }
0x71: {  	s29 =	simm.s32 $0x0;
	[tilespmem:s30+$0xF400] =	vst v0  }
0x72: {  	v0 =	vld [tilespmem:s29+$0x12300]  }
0x73: {  	p1 =	por $0x0, $0x0;
	p0 =	por $0x0, $0x0;
	v1 =	vld [tilespmem:s29+$0x11C00]  }
0x74: {  	_ =	sdelay $0x2  }
0x75: {  	v0 =	vshll.u32 v0, $0x2  }
0x76: {  	v1 =	vshll.u32 v1, $0x2  }
0x77: {  	v3 =	vor.u32 $0x1, v0  }
0x78: {  	v2 =	vor.u32 $0x1, v1;
	_ =	sdelay $0x1  }
0x79: {  	v4 =	vor.u32 $0x2, v1;
	v5 =	vld.idx.msk [tilespmem:v0+s18+$0x0], $0xffff  }
0x7a: {  	v0 =	vor.u32 $0x2, v0;
	v1 =	vld.idx.msk [tilespmem:v1+s3+$0x0], $0xffff  }
0x7b: {  	v7 =	vld.idx.msk [tilespmem:v3+s18+$0x0], $0xffff  }
0x7c: {  	p2 =	por $0x1, $0x1;
	v6 =	vld.idx.msk [tilespmem:v2+s3+$0x0], $0xffff  }
.Ltmp2:
0x7d: {  	_ = 	snop;
	(pc) =	sbr.rel @!p2 .LBB2_6-.Ltmp2, $4  }
0x7e: {  	v2 =	vld.idx.msk [tilespmem:v4+s3+$0x0], $0xffff  }
0x7f: {  	s28 =	simm.s32 $0x10;
	v3 =	vld.idx.msk [tilespmem:v0+s18+$0x0], $0xffff  }
0x80: {  	v0 =	vld [tilespmem:s28+$0x12300]  }
0x81: {  	p0 =	por $0x1, $0x1;
	v4 =	vsub.f32 v1, v5;
	v1 =	vld [tilespmem:s28+$0x11C00];
	v5 =	vsub.f32 v6, v7  }
0x82: {  	_ =	sdelay $0x1  }
0x83: {  	v2 =	vsub.f32 v2, v3;
	v3 =	vmul.f32 v4, v4;
	v4 =	vmul.f32 v5, v5;
	_ =	sdelay $0x1  }
0x84: {  	v3 =	vadd.f32 v4, v3;
	v2 =	vmul.f32 v2, v2  }
0x85: {  	v0 =	vshll.u32 v0, $0x2  }
0x86: {  	v1 =	vshll.u32 v1, $0x2;
	v2 =	vadd.f32 v2, v3  }
0x87: {  	p1 =	slt.u32 s15, $0xC350;
	v4 =	vor.u32 $0x1, v0  }
0x88: {  	v3 =	vor.u32 $0x1, v1;
	v2 =	vpsel !p1, $0x4E6E6B28, v2  }
0x89: {  	[tilespmem:s29+$0x12A00] =	vst v2;
	v2 =	vor.u32 $0x2, v1  }
0x8a: {  	v5 =	vld.idx.msk [tilespmem:v0+s18+$0x0], $0xffff;
	v0 =	vor.u32 $0x2, v0  }
0x8b: {  	v1 =	vld.idx.msk [tilespmem:v1+s3+$0x0], $0xffff  }
0x8c: {  	v7 =	vld.idx.msk [tilespmem:v4+s18+$0x0], $0xffff  }
0x8d: {  	v6 =	vld.idx.msk [tilespmem:v3+s3+$0x0], $0xffff  }
0x8e: {  	p2 =	por $0x1, $0x1;
	v2 =	vld.idx.msk [tilespmem:v2+s3+$0x0], $0xffff  }
.Ltmp3:
0x8f: {  	v3 =	vld.idx.msk [tilespmem:v0+s18+$0x0], $0xffff;
	(pc) =	sbr.rel @!p2 .LBB2_8-.Ltmp3, $4  }
0x90: {  	_ = 	snop  }
0x91: {  	s31 =	simm.s32 $0x20  }
0x92: {  	v0 =	vld [tilespmem:s31+$0x12300];
	v4 =	vsub.f32 v1, v5;
	v5 =	vsub.f32 v6, v7  }
0x93: {  	s0 =	simm.s32 $0xC0;
	s30 =	smov.u32 s15;
	p1 =	por $0x1, $0x1;
	v1 =	vld [tilespmem:s31+$0x11C00]  }
.LBB2_9:
0x94: {  	p2 =	sne.s32 s0, $0x1BC0;
	v2 =	vsub.f32 v2, v3;
	v3 =	vmul.f32 v4, v4;
	v4 =	vmul.f32 v5, v5;
	_ =	sdelay $0x1  }
0x95: {  	v3 =	vadd.f32 v4, v3;
	v2 =	vmul.f32 v2, v2  }
0x96: {  	v0 =	vshll.u32 v0, $0x2  }
0x97: {  	s30 =	sadd.s32 $0x10, s30;
	v1 =	vshll.u32 v1, $0x2;
	v2 =	vadd.f32 v2, v3  }
0x98: {  	p3 =	slt.u32 s30, $0xC350;
	v3 =	vor.u32 $0x1, v1  }
0x99: {  	v4 =	vor.u32 $0x1, v0;
	v2 =	vpsel !p3, $0x4E6E6B28, v2  }
0x9a: {  	v5 =	vor.u32 $0x2, v1;
	[tilespmem:s28+$0x12A00] =	vst v2;
	s28 =	smov.u32 s31  }
0x9b: {  	v6 =	vld.idx.msk [tilespmem:v0+s18+$0x0], $0xffff;
	v0 =	vor.u32 $0x2, v0  }
0x9c: {  	v1 =	vld.idx.msk [tilespmem:v1+s3+$0x0], $0xffff  }
0x9d: {  	v7 =	vld.idx.msk [tilespmem:v3+s3+$0x0], $0xffff  }
0x9e: {  	v8 =	vld.idx.msk [tilespmem:v4+s18+$0x0], $0xffff  }
0x9f: {  	v2 =	vld.idx.msk [tilespmem:v5+s3+$0x0], $0xffff  }
0xa0: {  	v3 =	vld.idx.msk [tilespmem:v0+s18+$0x0], $0xffff  }
.Ltmp4:
0xa1: {  	(pc) =	sbr.rel @p2 .LBB2_9-.Ltmp4, $4  }
0xa2: {  	_ = 	snop  }
0xa3: {  	s31 =	sshra.s32 s0, $0x2  }
0xa4: {  	v4 =	vsub.f32 v1, v6;
	v5 =	vsub.f32 v7, v8;
	v0 =	vld [tilespmem:s31+$0x12300]  }
0xa5: {  	s0 =	sadd.s32 $0x40, s0;
	v1 =	vld [tilespmem:s31+$0x11C00]  }
0xa6: {  	s29 =	smov.u32 s28;
	s28 =	smov.u32 s31  }
.LBB2_11:
0xa7: {  	v2 =	vsub.f32 @p0 v2, v3;
	v3 =	vmul.f32 @p0 v4, v4;
	v4 =	vmul.f32 @p0 v5, v5;
	_ =	sdelay $0x1  }
0xa8: {  	s0 =	sadd.s32 @p1 $0x10, s30;
	s30 =	smov.u32 s15;
	v3 =	vadd.f32 @p0 v4, v3;
	v2 =	vmul.f32 @p0 v2, v2  }
0xa9: {  	s30 =	smov.u32 @p1 s0;
	v0 =	vshll.u32 v0, $0x2  }
0xaa: {  	p1 =	slt.u32 @p0 s30, $0xC350;
	v1 =	vshll.u32 v1, $0x2;
	v2 =	vadd.f32 @p0 v2, v3  }
0xab: {  	p1 =	por !p1, !p0;
	v61 =	vor.u32 $0x1, v0  }
0xac: {  	v60 =	vor.u32 $0x1, v1;
	v2 =	vpsel p1, $0x4E6E6B28, v2  }
0xad: {  	v62 =	vor.u32 $0x2, v1;
	[tilespmem:s29+$0x12A00] =	vst @p0 v2  }
0xae: {  	v2 =	vld.idx.msk [tilespmem:v0+s18+$0x0], $0xffff;
	v0 =	vor.u32 $0x2, v0  }
0xaf: {  	v1 =	vld.idx.msk [tilespmem:v1+s3+$0x0], $0xffff  }
0xb0: {  	v4 =	vld.idx.msk [tilespmem:v61+s18+$0x0], $0xffff  }
0xb1: {  	v3 =	vld.idx.msk [tilespmem:v60+s3+$0x0], $0xffff  }
0xb2: {  	v5 =	vld.idx.msk [tilespmem:v62+s3+$0x0], $0xffff  }
0xb3: {  	v0 =	vld.idx.msk [tilespmem:v0+s18+$0x0], $0xffff;
	_ =	sdelay $0x2  }
0xb4: {  	v1 =	vsub.f32 v1, v2;
	v63 =	vsub.f32 v3, v4;
	_ =	sdelay $0x1  }
0xb5: {  	v1 =	vmul.f32 v1, v1;
	v2 =	vmul.f32 v63, v63;
	v0 =	vsub.f32 v5, v0;
	_ =	sdelay $0x1  }
0xb6: {  	v1 =	vadd.f32 v2, v1;
	v0 =	vmul.f32 v0, v0  }
0xb7: {  	s0 =	sadd.s32 @p0 $0x10, s30;
	s29 =	smov.u32 s15  }
0xb8: {  	s29 =	smov.u32 @p0 s0;
	v0 =	vadd.f32 v0, v1  }
0xb9: {  	p0 =	slt.u32 s29, $0xC350  }
0xba: {  	v0 =	vpsel !p0, $0x4E6E6B28, v0  }
0xbb: {  	[tilespmem:s28+$0x12A00] =	vst v0  }
0xbc: {  	[hbm4b:s10+s3] =	stream.linear.scatter [tilespmem:s23], [sflag:$0x1], $0x1400, $0x38;
	[tilespmem:$0x13100] =	vst v63  }
0xbd: {  	_ =	swait.ge [sflag:s16], $0x1400  }
0xbe: {  	[sflag:s16] =	ssyncset.done $0x0  }
0xbf: {  	[sflag:s16] =	ssyncadd.s32 $0xFFFFEC00  }
0xc0: {  	[hbm4b:s11+s3] =	stream.linear.scatter [tilespmem:s24], [sflag:$0x1], $0x700, $0x38;
	[tilespmem:$0x13100] =	vst v63  }
0xc1: {  	_ =	swait.ge [sflag:s16], $0x700  }
0xc2: {  	s26 =	sadd.s32 $0x1, s26;
	[sflag:s16] =	ssyncset.done $0x0  }
0xc3: {  	p0 =	sne.s32 s26, s13;
	[sflag:s16] =	ssyncadd.s32 $0xFFFFF900  }
0xc4: {  	[hbm4b:s12+s3] =	stream.linear.scatter [tilespmem:s25], [sflag:$0x1], $0x1400, $0x38;
	[tilespmem:$0x13100] =	vst v63  }
.Ltmp5:
0xc5: {  	_ = 	snop;
	(pc) =	sbr.rel @p0 .LBB2_1-.Ltmp5, $4  }
.Ltmp6:
0xc6: {  	_ = 	snop;
	(pc) =	sbr.rel @!p0 .LBB2_12-.Ltmp6, $4  }
0xc7: {  	_ =	swait.ge [sflag:s16], $0x1400  }
0xc8: {  	[sflag:s16] =	ssyncset.done $0x0  }
0xc9: {  	[sflag:s16] =	ssyncadd.s32 $0xFFFFEC00  }
0xca: {  	_ = 	snop  }
.LBB2_4:
.Ltmp7:
0xcb: {  	(pc) =	sbr.rel .LBB2_11-.Ltmp7, $2  }
0xcc: {  	_ =	sdelay $0x2  }
0xcd: {  	s30 =	smov.u32 s15;
	s28 =	simm.s32 $0x0  }
.LBB2_6:
.Ltmp8:
0xce: {  	(pc) =	sbr.rel .LBB2_11-.Ltmp8, $2  }
0xcf: {  	_ =	sdelay $0x2  }
0xd0: {  	s30 =	smov.u32 s15  }
.LBB2_8:
.Ltmp9:
0xd1: {  	(pc) =	sbr.rel .LBB2_11-.Ltmp9, $2  }
0xd2: {  	_ =	sdelay $0x2  }
0xd3: {  	s30 =	smov.u32 s15;
	s29 =	simm.s32 $0x10;
	s28 =	simm.s32 $0x20  }
.LBB2_12:
0xd4: {  	_ =	sfence.sel $0x180000  }
0xd5: {  	[bflag:$0x0] =	sbarrier.arrive $0xFFFF  }
0xd6: {  	_ =	strace $0x90000047  }
0xd7: {  	[bflag:$0x2] =	sbarrier.arrive $0xFFFF  }
0xd8: {  	p0 =	sne.s32 s1, $0x0;
	s0 =	rddreg [dreg:$0x3]  }
0xd9: {  	s0 =	sadd.s32 @!p0 $0x100000, s0  }
0xda: {  	[sflag:s0] =	ssyncadd.tile.s32 @!p0 $0x1;
	_ =	shalt  }
.Lfunc_end2:
_tile_overlayer_lowered:
.L_overlay_start_2:
0xdb: {  	(tag) =	ssettag $0x2  }
0xdc: {  	s0 =	rddreg [dreg:$0x0];
	s2 =	stileid.u32  }
0xdd: {  	s1 =	rddreg [dreg:$0x1];
	p0 =	sne.s32 s2, $0x0  }
0xde: {  	s3 =	rddreg [dreg:$0x2];
	[bflag:$0x3] =	sbarrier.arrive $0xFFFF;
	s2 =	simm.s32 @!p0 $0x1C01  }
0xdf: {  	[timem:s3], [sflag:s2] =	dma.local @!p0 [hbm:s0], s1  }
0xe0: {  	s0 =	simm.s32 @!p0 $0x1  }
0xe1: {  	_ =	swait.ge @!p0 [sflag:s0], s1  }
0xe2: {  	s1 =	ssub.s32 @!p0 $0x0, s1;
	[sflag:s0] =	ssyncset.done @!p0 $0x0  }
0xe3: {  	[sflag:s0] =	ssyncadd.s32 @!p0 s1  }
0xe4: {  	[bflag:$0x3] =	sbarrier.arrive $0xFFFF  }
0xe5: {  	_ =	shalt  }

// kernel: sc_scatter_l.3.cloned.1.call-start
scs
__scs_entry_jumppad:
0x0: {  	(pc) =	sbr.rel $0x88, $3  }
0x1: {  	(tag) =	ssettag $0x0;
	lr =	simm.s32 $0x1  }
0x2: {  	[smem:$0x3F8C] =	sst lr;
	_ =	strace $0xD0000000  }
0x3: {  	_ = 	snop  }
0x4: {  	_ = 	snop  }
0x5: {  	_ = 	snop  }
0x6: {  	_ = 	snop  }
0x7: {  	_ = 	snop  }
__scs_overlays_trampoline_lowered:
0x8: {  	[smem:$0x3F9B] =	sst s0  }
0x9: {  	[smem:$0x3F9C] =	sst s1  }
0xa: {  	[smem:$0x3F9D] =	sst s2  }
0xb: {  	[smem:$0x3F9E] =	sst s3  }
0xc: {  	[smem:$0x3F9F] =	sst s4  }
0xd: {  	[smem:$0x3FA0] =	sst s5  }
0xe: {  	[smem:$0x3FA1] =	sst s6  }
0xf: {  	[smem:$0x3FA2] =	sst s7  }
0x10: {  	[smem:$0x3FA3] =	sst s8  }
0x11: {  	[smem:$0x3FA4] =	sst s9;
	s0 =	simm.s32 @!p0 $0x0  }
0x12: {  	s1 =	sld [smem:$0x3F8A];
	s0 =	simm.s32 @p0 $0x1  }
0x13: {  	[smem:$0x3FA5] =	sst s0;
	s0 =	simm.s32 @!p1 $0x0  }
0x14: {  	s2 =	sld [smem:$0x3F89];
	s0 =	simm.s32 @p1 $0x1  }
0x15: {  	[smem:$0x3FA6] =	sst s0;
	s0 =	simm.s32 @!p2 $0x0  }
0x16: {  	s3 =	sld [smem:$0x3FDB];
	s0 =	simm.s32 @p2 $0x1  }
0x17: {  	s4 =	simm.s32 $0x1BF5;
	[smem:$0x3FA8] =	sst s0  }
0x18: {  	s0 =	sld [smem:$0x3F8B];
	_ =	swait.ge [sflag:s4], $0x0  }
0x19: {  	s7 =	sld [smem:$0x3F8C]  }
0x1a: {  	s8 =	sadd.s32 $0xFFFFE003, lr  }
0x1b: {  	s9 =	sadd.s32 $0xFFFFFEF7, lr;
	s5 =	simm.s32 $0xFFFFFFFF;
	p2 =	slt.u32 s8, $0xFFFFF086  }
0x1c: {  	p1 =	slt.u32 s9, $0xF7A;
	s5 =	simm.s32 @!p2 $0x0  }
0x1d: {  	s5 =	simm.s32 @p1 $0x1;
	p0 =	seq.s32 s7, s2  }
0x1e: {  	s7 =	smul.u32 @!p0 $0xF7A, s2;
	p2 =	seq.s32 @!p0 s5, $0x0  }
0x1f: {  	s9 =	smul.u32 $0xF7A, s1;
	s8 =	simm.s32 @!p0 $0x1BF5;
	p2 =	por !p2, p0  }
0x20: {  	[sflag:s8] =	ssyncset.s32 @!p0 $0xFFFFF086;
	s6 =	sadd.s32 @!p0 s3, s7;
	s7 =	simm.s32 @!p0 $0x108  }
0x21: {  	s3 =	sadd.s32 s3, s9;
	s6 =	sadd.s32 @!p0 $0x88, s6;
	s7 =	simm.s32 @p2 $0x1082  }
0x22: {  	[simem:s7], [sflag:s8] =	dma.local @!p0 [hbm:s6], $0xF7A  }
0x23: {  	s9 =	sor.u32 $0xD0000000, s2;
	s6 =	simm.s32 $0x108;
	_ =	swait.ge @!p0 [sflag:s8], $0x0  }
0x24: {  	s3 =	sadd.s32 $0x88, s3;
	s6 =	simm.s32 @!p1 $0x1082;
	[sflag:s4] =	ssyncset.s32 $0xFFFFF086  }
0x25: {  	[simem:s6], [sflag:s4] =	dma.local [hbm:s3], $0xF7A  }
0x26: {  	[smem:$0x3F8C] =	sst s1;
	(tag) =	ssettag s2;
	_ =	strace s9  }
0x27: {  	s1 =	sld [smem:$0x3F9C]  }
0x28: {  	s2 =	sld [smem:$0x3F9D]  }
0x29: {  	s4 =	sld [smem:$0x3F9F]  }
0x2a: {  	p0 =	seq.s32 s5, $0x0;
	s5 =	sld [smem:$0x3FA0]  }
0x2b: {  	s6 =	sld [smem:$0x3FA1]  }
0x2c: {  	s7 =	sld [smem:$0x3FA2]  }
0x2d: {  	s3 =	simm.s32 $0x108;
	s8 =	sld [smem:$0x3FA3]  }
0x2e: {  	s3 =	simm.s32 @!p0 $0x1082;
	s9 =	sld [smem:$0x3FA4]  }
0x2f: {  	lr =	sadd.s32 s0, s3;
	s0 =	sld [smem:$0x3F9B]  }
0x30: {  	s3 =	sld [smem:$0x3F9E]  }
0x31: {  	[smem:$0x3FA7] =	sst s10  }
0x32: {  	s10 =	sld [smem:$0x3FA5];
	_ =	sdelay $0x3  }
0x33: {  	p0 =	seq.s32 s10, $0x1;
	s10 =	sld [smem:$0x3FA7];
	_ =	sdelay $0x3  }
0x34: {  	[smem:$0x3FA7] =	sst s10  }
0x35: {  	s10 =	sld [smem:$0x3FA6];
	_ =	sdelay $0x3  }
0x36: {  	p1 =	seq.s32 s10, $0x1;
	s10 =	sld [smem:$0x3FA7];
	_ =	sdelay $0x3  }
0x37: {  	[smem:$0x3FA7] =	sst s10  }
0x38: {  	s10 =	sld [smem:$0x3FA8]  }
0x39: {  	_ = 	snop;
	(pc) =	sbr.ind lr, $3  }
0x3a: {  	_ = 	snop  }
0x3b: {  	_ = 	snop  }
0x3c: {  	p2 =	seq.s32 s10, $0x1;
	s10 =	sld [smem:$0x3FA7]  }
0x3d: {  	_ =	shalt  }
0x3e: {  	_ =	shalt  }
0x3f: {  	_ =	shalt  }
0x40: {  	_ =	shalt  }
0x41: {  	_ =	shalt  }
0x42: {  	_ =	shalt  }
0x43: {  	_ =	shalt  }
0x44: {  	_ =	shalt  }
0x45: {  	_ =	shalt  }
0x46: {  	_ =	shalt  }
0x47: {  	_ =	shalt  }
0x48: {  	_ =	shalt  }
0x49: {  	_ =	shalt  }
0x4a: {  	_ =	shalt  }
0x4b: {  	_ =	shalt  }
0x4c: {  	_ =	shalt  }
0x4d: {  	_ =	shalt  }
0x4e: {  	_ =	shalt  }
0x4f: {  	_ =	shalt  }
0x50: {  	_ =	shalt  }
0x51: {  	_ =	shalt  }
0x52: {  	_ =	shalt  }
0x53: {  	_ =	shalt  }
0x54: {  	_ =	shalt  }
0x55: {  	_ =	shalt  }
0x56: {  	_ =	shalt  }
0x57: {  	_ =	shalt  }
0x58: {  	_ =	shalt  }
0x59: {  	_ =	shalt  }
0x5a: {  	_ =	shalt  }
0x5b: {  	_ =	shalt  }
0x5c: {  	_ =	shalt  }
0x5d: {  	_ =	shalt  }
0x5e: {  	_ =	shalt  }
0x5f: {  	_ =	shalt  }
0x60: {  	_ =	shalt  }
0x61: {  	_ =	shalt  }
0x62: {  	_ =	shalt  }
0x63: {  	_ =	shalt  }
0x64: {  	_ =	shalt  }
0x65: {  	_ =	shalt  }
0x66: {  	_ =	shalt  }
0x67: {  	_ =	shalt  }
0x68: {  	_ =	shalt  }
0x69: {  	_ =	shalt  }
0x6a: {  	_ =	shalt  }
0x6b: {  	_ =	shalt  }
0x6c: {  	_ =	shalt  }
0x6d: {  	_ =	shalt  }
0x6e: {  	_ =	shalt  }
0x6f: {  	_ =	shalt  }
0x70: {  	_ =	shalt  }
0x71: {  	_ =	shalt  }
0x72: {  	_ =	shalt  }
0x73: {  	_ =	shalt  }
0x74: {  	_ =	shalt  }
0x75: {  	_ =	shalt  }
0x76: {  	_ =	shalt  }
0x77: {  	_ =	shalt  }
0x78: {  	_ =	shalt  }
0x79: {  	_ =	shalt  }
0x7a: {  	_ =	shalt  }
0x7b: {  	_ =	shalt  }
0x7c: {  	_ =	shalt  }
0x7d: {  	_ =	shalt  }
0x7e: {  	_ =	shalt  }
0x7f: {  	_ =	shalt  }
0x80: {  	_ =	shalt  }
0x81: {  	_ =	shalt  }
0x82: {  	_ =	shalt  }
0x83: {  	_ =	shalt  }
0x84: {  	_ =	shalt  }
0x85: {  	_ =	shalt  }
0x86: {  	_ =	shalt  }
0x87: {  	_ =	shalt  }
.Lfunc_end0:
.L_simem_size_0:
called_computation.5_lowered:
.L_overlay_start_0:
0x88: {  	s2 =	sld [smem:$0x3FD9]  }
0x89: {  	s3 =	sld [smem:$0x3FFE];
	_ =	sdelay $0x1  }
0x8a: {  	s1 =	srdreg.scid  }
0x8b: {  	s0 =	sand.u32 $0x1, s1  }
0x8c: {  	s17 =	sshll.u32 s0, $0xA;
	s2 =	sadd.s32 s3, s2  }
0x8d: {  	s2 =	sadd.s32 s2, s17  }
0x8e: {  	[smem:$0x3FB3] =	sst s2  }
0x8f: {  	_ = 	snop  }
0x90: {  	(tm) =	ssettm $0x1  }
0x91: {  	s18 =	sld [smem:$0x3FFB];
	_ =	sdelay $0x3  }
0x92: {  	_ =	strace s18  }
0x93: {  	s2 =	sld [smem:$0x3FFC];
	_ =	sdelay $0x3  }
0x94: {  	_ =	strace s2  }
0x95: {  	s2 =	sld [smem:$0x3FFD];
	_ =	sdelay $0x3  }
0x96: {  	_ =	strace s2  }
0x97: {  	_ =	strace $0x8FFFFFFF  }
0x98: {  	s19 =	sld [smem:$0x3FDB];
	_ =	sdelay $0x1  }
0x99: {  	s20 =	simm.s32 $_scs_section_size  }
0x9a: {  	s4 =	simm.s32 $_size__tile_overlayer_lowered;
	s5 =	simm.s32 $_tile_overlayer_lowered  }
0x9b: {  	s6 =	simm.s32 $0x1BFF;
	s21 =	sshll.u32 s5, $0x1;
	s3 =	sadd.s32 s20, s19  }
0x9c: {  	s22 =	simm.s32 $0x0;
	s4 =	sshll.u32 s4, $0x1;
	s5 =	sadd.s32 s21, s3  }
0x9d: {  	[timem:s22], [sflag:s6] =	dma.local [hbm:s5], s4  }
0x9e: {  	_ =	swait.ge [sflag:s6], s4  }
0x9f: {  	s4 =	ssub.s32 $0x0, s4;
	[sflag:s6] =	ssyncset.done $0x0  }
0xa0: {  	[sflag:s6] =	ssyncadd.s32 s4;
	_ =	sdelay $0x1  }
0xa1: {  	s23 =	simm.s32 $0x1B8B  }
0xa2: {  	_ =	swait.ge [sflag:s23], $0x1  }
0xa3: {  	[sflag:s23] =	ssyncset.done $0x0  }
0xa4: {  	[sflag:s23] =	ssyncadd.s32 $0xFFFFFFFF  }
0xa5: {  	s4 =	sld [smem:$0x0]  }
0xa6: {  	s5 =	sand.u32 $0xFFFFFFFE, s1  }
0xa7: {  	p0 =	sne.s32 s1, s5  }
0xa8: {  	s5 =	sshll.u32 @p0 s5, $0xE  }
0xa9: {  	s5 =	sadd.s32 @p0 $0x11B8D, s5;
	s6 =	sshll.u32 @p0 s4, $0x11  }
0xaa: {  	s5 =	sor.u32 @p0 s6, s5  }
0xab: {  	[sflag:s5] =	ssyncadd.remote.s32 @p0 $0x1;
	_ =	sdelay $0x1  }
0xac: {  	s5 =	simm.s32 @p0 $0x1B8D  }
0xad: {  	_ =	swait.eq @p0 [sflag:s5], $0x1  }
0xae: {  	[sflag:s5] =	ssyncadd.s32 @p0 $0xFFFFFFFF  }
0xaf: {  	s6 =	sshll.u32 @!p0 s1, $0xE  }
0xb0: {  	s6 =	sor.u32 @!p0 $0x4000, s6;
	s5 =	simm.s32 @!p0 $0x1B8D  }
0xb1: {  	s4 =	sshll.u32 @!p0 s4, $0x11;
	s6 =	sadd.s32 @!p0 $0x11B8D, s6;
	_ =	swait.eq @!p0 [sflag:s5], $0x1  }
0xb2: {  	s4 =	sor.u32 @!p0 s4, s6;
	[sflag:s5] =	ssyncadd.s32 @!p0 $0xFFFFFFFF  }
0xb3: {  	s25 =	simm.s32 $0x1B8E;
	s24 =	sld [smem:$0x3FFE];
	[sflag:s4] =	ssyncadd.remote.s32 @!p0 $0x1  }
0xb4: {  	s26 =	simm.s32 $execute0_lowered;
	[smem:$0x3FD2] =	sst s25  }
0xb5: {  	s5 =	sshll.u32 s26, $0x1;
	_ =	strace $0x80000055;
	[dreg:$0x1] =	wrdreg $0xFFFFFFFF  }
0xb6: {  	s28 =	simm.s32 $_size_execute0_lowered;
	s3 =	sadd.s32 s3, s5;
	[dreg:$0x0] =	wrdreg $0x0  }
0xb7: {  	s5 =	sshll.u32 s28, $0x1;
	[dreg:$0x2] =	wrdreg s3  }
0xb8: {  	[dreg:$0x3] =	wrdreg s5  }
0xb9: {  	[dreg:$0x4] =	wrdreg $0xC0  }
0xba: {  	_ =	task [dreg:s22], $0x5FFFF  }
0xbb: {  	[dreg:$0x1] =	wrdreg $0xFFFFFFFF  }
0xbc: {  	[dreg:$0x0] =	wrdreg $0x60  }
0xbd: {  	[dreg:$0x2] =	wrdreg s24  }
0xbe: {  	[dreg:$0x3] =	wrdreg $0x0  }
0xbf: {  	[dreg:$0x4] =	wrdreg $0xD  }
0xc0: {  	_ =	task.clear_ibuf [dreg:s22], $0x5FFFF;
	_ =	strace $0x90000055  }
0xc1: {  	s29 =	simm.s32 $0xD;
	_ =	strace $0x80000057  }
0xc2: {  	_ =	swait.ge [sflag:s29], $0x1  }
0xc3: {  	[sflag:s29] =	ssyncadd.s32 $0xFFFFFFFF  }
0xc4: {  	_ =	strace $0x90000057  }
0xc5: {  	_ =	sfence  }
0xc6: {  	s30 =	sld [smem:$0x0];
	_ =	sdelay $0x2  }
0xc7: {  	s31 =	sshll.u32 s1, $0xD;
	s1 =	sshrl.u32 s1, $0x2  }
0xc8: {  	s4 =	sand.u32 $0x4000, s31;
	s1 =	sadd.s32 s1, s30  }
0xc9: {  	s0 =	sor.u32 s4, s0;
	s1 =	sshll.u32 s1, $0x11  }
0xca: {  	s0 =	sor.u32 s1, s0  }
0xcb: {  	s0 =	sadd.s32 $0x8F2B, s0  }
0xcc: {  	[sflag:s0] =	ssyncadd.remote.s32 $0x1  }
0xcd: {  	_ =	sfence.sel $0xFFFF  }
0xce: {  	[dreg:$0x0] =	wrdreg $0xFFFFFFFF;
	(pc) =	sbr.abs _section_cstart, $3  }
0xcf: {  	[dreg:$0x1] =	wrdreg $0xFFFFFFFF  }
0xd0: {  	_ =	task.clear_ibuf [dreg:s22], $0x2FFFF;
	_ =	strace $0x9FFFFFFF  }
0xd1: {  	(tm) =	ssettm $0x7FFFFFFF  }
tec
execute0_lowered:
.L_overlay_start_1:
0x0: {  	(tag) =	ssettag $0x1  }
0x1: {  	s0 =	srdreg.scid;
	s4 =	rddreg [dreg:$0x0]  }
0x2: {  	s9 =	stileid.u32;
	s2 =	rddreg [dreg:$0x1];
	s3 =	simm.s32 $0x0  }
0x3: {  	s22 =	simm.s32 $0x80;
	s23 =	simm.s32 $0x1C000;
	s28 =	simm.s32 $0x1C080  }
0x4: {  	s29 =	simm.s32 $0x1C100;
	s30 =	simm.s32 $0x1C180;
	s7 =	smul.u32 $0x14000, s9  }
0x5: {  	s31 =	simm.s32 $0x1C200;
	s0 =	sand.u32 $0x1, s0;
	s10 =	smul.u32 $0x50000, s9  }
0x6: {  	[smem:$0x7FF] =	sst s3;
	s1 =	sshll.u32 s0, $0x4;
	s6 =	smul.u32 $0x140000, s0  }
0x7: {  	s8 =	sadd.s32 $0x65C800, s4;
	s1 =	sor.u32 s9, s1;
	s9 =	smul.u32 $0x280, s9  }
0x8: {  	_ =	strace $0x80000056;
	s0 =	ssub.s32 $0x2, s0;
	s5 =	smul.u32 $0xE0, s1  }
0x9: {  	s26 =	sshrl.u32 s0, $0x1;
	s10 =	sshrl.u32 s10, $0x2;
	s25 =	smul.u32 $0x7000, s1  }
0xa: {  	s6 =	sadd.s32 s7, s6;
	s1 =	smul.u32 $0x38000, s1;
	s0 =	ssub.s32 s0, s26  }
0xb: {  	s11 =	sadd.s32 s10, s2;
	s7 =	simm.s32 $0x0;
	s6 =	sshrl.u32 s6, $0x3  }
0xc: {  	s0 =	smax.u32 s0, $0x1;
	s5 =	sadd.s32 s5, s4;
	s4 =	sadd.s32 s6, s4  }
0xd: {  	s6 =	sadd.s32 s8, s25;
	s1 =	sshrl.u32 s1, $0x3;
	[dreg:$0x5] =	wrdreg s0  }
0xe: {  	s0 =	simm.s32 $0x1;
	s5 =	sadd.s32 $0x9600, s5;
	s4 =	sadd.s32 $0x73C800, s4  }
0xf: {  	s1 =	sadd.s32 s8, s1;
	s24 =	sadd.s32 $0x800, s6;
	s26 =	sadd.s32 $0x1800, s6  }
0x10: {  	s13 =	sadd.s32 $0x2800, s6;
	s15 =	sadd.s32 $0x3800, s6;
	[dreg:$0x3] =	wrdreg s5  }
0x11: {  	s17 =	sadd.s32 $0x4800, s6;
	s19 =	sadd.s32 $0x5800, s6;
	[dreg:$0x4] =	wrdreg s4  }
0x12: {  	s21 =	sadd.s32 $0x6800, s6;
	[dreg:$0x6] =	wrdreg s24;
	s25 =	sadd.s32 $0x1000, s1  }
0x13: {  	[dreg:$0x8] =	wrdreg s26;
	s12 =	sadd.s32 $0x2000, s1;
	s14 =	sadd.s32 $0x3000, s1  }
0x14: {  	s16 =	sadd.s32 $0x4000, s1;
	s18 =	sadd.s32 $0x5000, s1;
	s20 =	sadd.s32 $0x6000, s1  }
0x15: {  	s24 =	simm.s32 $0x14000;
	s26 =	simm.s32 $0x3;
	s1 =	simm.s32 $0x18000  }
0x16: {  	v0 =	vimm.f32 $0.0e+00;
	v1 =	vlaneseq.u32;
	s5 =	simm.s32 $0x2;
	[dreg:$0x7] =	wrdreg s25;
	s25 =	sshrl.u32 s11, $0x3  }
.LBB2_1:
0x17: {  	s4 =	simm.s32 $0x0;
	s8 =	simm.s32 $0x0  }
.LBB2_2:
0x18: {  	p0 =	sne.s32 s8, $0xFFC0  }
.Ltmp0:
0x19: {  	_ = 	snop;
	(pc) =	sbr.rel @p0 .LBB2_2-.Ltmp0, $4  }
0x1a: {  	s10 =	sand.u32 $0xFE00, s8  }
0x1b: {  	s11 =	sand.u32 $0x70, s4;
	s10 =	sshrl.u32 s10, $0x2  }
0x1c: {  	s10 =	sor.u32 s11, s10  }
0x1d: {  	s4 =	sadd.s32 $0x10, s4;
	s8 =	sadd.s32 $0x40, s8;
	[tilespmem:s10+$0x14000] =	vst v0  }
0x1e: {  	s8 =	simm.s32 $0x40;
	v2 =	vor.u32 s9, v1;
	s10 =	simm.s32 $0x0;
	s4 =	smov.u32 s9  }
.LBB2_4:
0x1f: {  	p0 =	sne.s32 s8, $0x9C0  }
0x20: {  	[tilespmem:s10+$0x1C000] =	vst v2;
	s4 =	sadd.s32 $0x10, s4;
	s10 =	smov.u32 s8;
	s8 =	sadd.s32 $0x40, s8  }
.Ltmp1:
0x21: {  	(pc) =	sbr.rel @p0 .LBB2_4-.Ltmp1, $2  }
0x22: {  	_ =	sdelay $0x2  }
0x23: {  	v2 =	vor.u32 s4, v1;
	s10 =	sshra.s32 s10, $0x2  }
0x24: {  	[tilespmem:s10+$0x1C000] =	vst v2  }
0x25: {  	[spmem:s2] =	stream.indirect.scatter [tilespmem:s24], [sflag:$0x3], $0x80, s23, s22, $0xb8;
	[tilespmem:$0x1C700] =	vst v63  }
0x26: {  	_ =	swait.ge [sflag:s26], $0x4000  }
0x27: {  	[sflag:s26] =	ssyncset.done $0x0  }
0x28: {  	[sflag:s26] =	ssyncadd.s32 $0xFFFFC000  }
0x29: {  	[spmem:s2] =	stream.indirect.scatter [tilespmem:s24], [sflag:$0x3], $0x80, s28, s22, $0xb8;
	[tilespmem:$0x1C700] =	vst v63  }
0x2a: {  	_ =	swait.ge [sflag:s26], $0x4000  }
0x2b: {  	[sflag:s26] =	ssyncset.done $0x0  }
0x2c: {  	[sflag:s26] =	ssyncadd.s32 $0xFFFFC000  }
0x2d: {  	[spmem:s2] =	stream.indirect.scatter [tilespmem:s24], [sflag:$0x3], $0x80, s29, s22, $0xb8;
	[tilespmem:$0x1C700] =	vst v63  }
0x2e: {  	_ =	swait.ge [sflag:s26], $0x4000  }
0x2f: {  	[sflag:s26] =	ssyncset.done $0x0  }
0x30: {  	[sflag:s26] =	ssyncadd.s32 $0xFFFFC000  }
0x31: {  	[spmem:s2] =	stream.indirect.scatter [tilespmem:s24], [sflag:$0x3], $0x80, s30, s22, $0xb8;
	[tilespmem:$0x1C700] =	vst v63  }
0x32: {  	_ =	swait.ge [sflag:s26], $0x4000  }
0x33: {  	[sflag:s26] =	ssyncset.done $0x0  }
0x34: {  	[sflag:s26] =	ssyncadd.s32 $0xFFFFC000  }
0x35: {  	[spmem:s2] =	stream.indirect.scatter [tilespmem:s24], [sflag:$0x3], $0x80, s31, s22, $0xb8;
	[tilespmem:$0x1C700] =	vst v63  }
0x36: {  	_ =	swait.ge [sflag:s26], $0x4000  }
0x37: {  	[sflag:s26] =	ssyncset.done $0x0  }
0x38: {  	[sflag:s26] =	ssyncadd.s32 $0xFFFFC000  }
0x39: {  	[bflag:$0x0] =	sbarrier.arrive $0xFFFF  }
0x3a: {  	s4 =	rddreg [dreg:$0x3]  }
0x3b: {  	[tilespmem:s23], [sflag:$0x3] =	stream.linear.gather [hbm4b:s4+s3], $0x700, $0x38;
	[tilespmem:$0x1C700] =	vst v63  }
0x3c: {  	_ =	swait.ge [sflag:s26], $0x700  }
0x3d: {  	[sflag:s26] =	ssyncset.done $0x0  }
0x3e: {  	[sflag:s26] =	ssyncadd.s32 $0xFFFFF900  }
0x3f: {  	[tilespmem:s24], [sflag:$0x1] =	stream.linear.gather [hbm4b:s6+s3], $0x4000, $0x38;
	[tilespmem:$0x1C700] =	vst v63  }
0x40: {  	s10 =	rddreg [dreg:$0x6]  }
0x41: {  	[tilespmem:s1], [sflag:$0x1] =	stream.linear.gather [hbm4b:s10+s3], $0x4000, $0x38;
	[tilespmem:$0x1C700] =	vst v63  }
0x42: {  	_ =	swait.ge [sflag:s0], $0x4000  }
0x43: {  	[sflag:s0] =	ssyncset.done $0x0  }
0x44: {  	[sflag:s0] =	ssyncadd.s32 $0xFFFFC000  }
0x45: {  	[spmem:s2] =	stream.indirect.scatter.add.f32 [tilespmem:s24], [sflag:$0x2], $0x80, s23, s22, $0xb8;
	[tilespmem:$0x1C700] =	vst v63  }
0x46: {  	_ =	swait.ge [sflag:s5], $0x4000  }
0x47: {  	[sflag:s5] =	ssyncset.done $0x0  }
0x48: {  	s11 =	rddreg [dreg:$0x7];
	[sflag:s5] =	ssyncadd.s32 $0xFFFFC000  }
0x49: {  	[tilespmem:s24], [sflag:$0x1] =	stream.linear.gather [hbm4b:s11+s3], $0x4000, $0x38;
	[tilespmem:$0x1C700] =	vst v63  }
0x4a: {  	_ =	swait.ge [sflag:s0], $0x4000  }
0x4b: {  	[sflag:s0] =	ssyncset.done $0x0  }
0x4c: {  	[sflag:s0] =	ssyncadd.s32 $0xFFFFC000  }
0x4d: {  	[spmem:s2] =	stream.indirect.scatter.add.f32 [tilespmem:s1], [sflag:$0x2], $0x80, s28, s22, $0xb8;
	[tilespmem:$0x1C700] =	vst v63  }
0x4e: {  	_ =	swait.ge [sflag:s5], $0x4000  }
0x4f: {  	[sflag:s5] =	ssyncset.done $0x0  }
0x50: {  	s8 =	rddreg [dreg:$0x8];
	[sflag:s5] =	ssyncadd.s32 $0xFFFFC000  }
0x51: {  	[tilespmem:s1], [sflag:$0x1] =	stream.linear.gather [hbm4b:s8+s3], $0x4000, $0x38;
	[tilespmem:$0x1C700] =	vst v63  }
0x52: {  	_ =	swait.ge [sflag:s0], $0x4000  }
0x53: {  	[sflag:s0] =	ssyncset.done $0x0  }
0x54: {  	[sflag:s0] =	ssyncadd.s32 $0xFFFFC000  }
0x55: {  	[spmem:s2] =	stream.indirect.scatter.add.f32 [tilespmem:s24], [sflag:$0x2], $0x80, s29, s22, $0xb8;
	[tilespmem:$0x1C700] =	vst v63  }
0x56: {  	_ =	swait.ge [sflag:s5], $0x4000  }
0x57: {  	[sflag:s5] =	ssyncset.done $0x0  }
0x58: {  	[sflag:s5] =	ssyncadd.s32 $0xFFFFC000  }
0x59: {  	[tilespmem:s24], [sflag:$0x1] =	stream.linear.gather [hbm4b:s12+s3], $0x4000, $0x38;
	[tilespmem:$0x1C700] =	vst v63  }
0x5a: {  	_ =	swait.ge [sflag:s0], $0x4000  }
0x5b: {  	[sflag:s0] =	ssyncset.done $0x0  }
0x5c: {  	[sflag:s0] =	ssyncadd.s32 $0xFFFFC000  }
0x5d: {  	[spmem:s2] =	stream.indirect.scatter.add.f32 [tilespmem:s1], [sflag:$0x2], $0x80, s30, s22, $0xb8;
	[tilespmem:$0x1C700] =	vst v63  }
0x5e: {  	_ =	swait.ge [sflag:s5], $0x4000  }
0x5f: {  	[sflag:s5] =	ssyncset.done $0x0  }
0x60: {  	[sflag:s5] =	ssyncadd.s32 $0xFFFFC000  }
0x61: {  	[tilespmem:s1], [sflag:$0x1] =	stream.linear.gather [hbm4b:s13+s3], $0x4000, $0x38;
	[tilespmem:$0x1C700] =	vst v63  }
0x62: {  	_ =	swait.ge [sflag:s0], $0x4000  }
0x63: {  	[sflag:s0] =	ssyncset.done $0x0  }
0x64: {  	[sflag:s0] =	ssyncadd.s32 $0xFFFFC000  }
0x65: {  	[spmem:s2] =	stream.indirect.scatter.add.f32 [tilespmem:s24], [sflag:$0x2], $0x80, s31, s22, $0xb8;
	[tilespmem:$0x1C700] =	vst v63  }
0x66: {  	_ =	swait.ge [sflag:s5], $0x4000  }
0x67: {  	[sflag:s5] =	ssyncset.done $0x0  }
0x68: {  	[sflag:s5] =	ssyncadd.s32 $0xFFFFC000  }
0x69: {  	[tilespmem:s24], [sflag:$0x1] =	stream.linear.gather [hbm4b:s14+s3], $0x4000, $0x38;
	[tilespmem:$0x1C700] =	vst v63  }
0x6a: {  	_ =	swait.ge [sflag:s0], $0x4000  }
0x6b: {  	[sflag:s0] =	ssyncset.done $0x0  }
0x6c: {  	s10 =	simm.s32 $0x1C280;
	[sflag:s0] =	ssyncadd.s32 $0xFFFFC000  }
0x6d: {  	[spmem:s2] =	stream.indirect.scatter.add.f32 [tilespmem:s1], [sflag:$0x2], $0x80, s10, s22, $0xb8;
	[tilespmem:$0x1C700] =	vst v63  }
0x6e: {  	_ =	swait.ge [sflag:s5], $0x4000  }
0x6f: {  	[sflag:s5] =	ssyncset.done $0x0  }
0x70: {  	[sflag:s5] =	ssyncadd.s32 $0xFFFFC000  }
0x71: {  	[tilespmem:s1], [sflag:$0x1] =	stream.linear.gather [hbm4b:s15+s3], $0x4000, $0x38;
	[tilespmem:$0x1C700] =	vst v63  }
0x72: {  	_ =	swait.ge [sflag:s0], $0x4000  }
0x73: {  	[sflag:s0] =	ssyncset.done $0x0  }
0x74: {  	s11 =	simm.s32 $0x1C300;
	[sflag:s0] =	ssyncadd.s32 $0xFFFFC000  }
0x75: {  	[spmem:s2] =	stream.indirect.scatter.add.f32 [tilespmem:s24], [sflag:$0x2], $0x80, s11, s22, $0xb8;
	[tilespmem:$0x1C700] =	vst v63  }
0x76: {  	_ =	swait.ge [sflag:s5], $0x4000  }
0x77: {  	[sflag:s5] =	ssyncset.done $0x0  }
0x78: {  	[sflag:s5] =	ssyncadd.s32 $0xFFFFC000  }
0x79: {  	[tilespmem:s24], [sflag:$0x1] =	stream.linear.gather [hbm4b:s16+s3], $0x4000, $0x38;
	[tilespmem:$0x1C700] =	vst v63  }
0x7a: {  	_ =	swait.ge [sflag:s0], $0x4000  }
0x7b: {  	[sflag:s0] =	ssyncset.done $0x0  }
0x7c: {  	s8 =	simm.s32 $0x1C380;
	[sflag:s0] =	ssyncadd.s32 $0xFFFFC000  }
0x7d: {  	[spmem:s2] =	stream.indirect.scatter.add.f32 [tilespmem:s1], [sflag:$0x2], $0x80, s8, s22, $0xb8;
	[tilespmem:$0x1C700] =	vst v63  }
0x7e: {  	_ =	swait.ge [sflag:s5], $0x4000  }
0x7f: {  	[sflag:s5] =	ssyncset.done $0x0  }
0x80: {  	[sflag:s5] =	ssyncadd.s32 $0xFFFFC000  }
0x81: {  	[tilespmem:s1], [sflag:$0x1] =	stream.linear.gather [hbm4b:s17+s3], $0x4000, $0x38;
	[tilespmem:$0x1C700] =	vst v63  }
0x82: {  	_ =	swait.ge [sflag:s0], $0x4000  }
0x83: {  	[sflag:s0] =	ssyncset.done $0x0  }
0x84: {  	s10 =	simm.s32 $0x1C400;
	[sflag:s0] =	ssyncadd.s32 $0xFFFFC000  }
0x85: {  	[spmem:s2] =	stream.indirect.scatter.add.f32 [tilespmem:s24], [sflag:$0x2], $0x80, s10, s22, $0xb8;
	[tilespmem:$0x1C700] =	vst v63  }
0x86: {  	_ =	swait.ge [sflag:s5], $0x4000  }
0x87: {  	[sflag:s5] =	ssyncset.done $0x0  }
0x88: {  	[sflag:s5] =	ssyncadd.s32 $0xFFFFC000  }
0x89: {  	[tilespmem:s24], [sflag:$0x1] =	stream.linear.gather [hbm4b:s18+s3], $0x4000, $0x38;
	[tilespmem:$0x1C700] =	vst v63  }
0x8a: {  	_ =	swait.ge [sflag:s0], $0x4000  }
0x8b: {  	[sflag:s0] =	ssyncset.done $0x0  }
0x8c: {  	s11 =	simm.s32 $0x1C480;
	[sflag:s0] =	ssyncadd.s32 $0xFFFFC000  }
0x8d: {  	[spmem:s2] =	stream.indirect.scatter.add.f32 [tilespmem:s1], [sflag:$0x2], $0x80, s11, s22, $0xb8;
	[tilespmem:$0x1C700] =	vst v63  }
0x8e: {  	_ =	swait.ge [sflag:s5], $0x4000  }
0x8f: {  	[sflag:s5] =	ssyncset.done $0x0  }
0x90: {  	[sflag:s5] =	ssyncadd.s32 $0xFFFFC000  }
0x91: {  	[tilespmem:s1], [sflag:$0x1] =	stream.linear.gather [hbm4b:s19+s3], $0x4000, $0x38;
	[tilespmem:$0x1C700] =	vst v63  }
0x92: {  	_ =	swait.ge [sflag:s0], $0x4000  }
0x93: {  	[sflag:s0] =	ssyncset.done $0x0  }
0x94: {  	s8 =	simm.s32 $0x1C500;
	[sflag:s0] =	ssyncadd.s32 $0xFFFFC000  }
0x95: {  	[spmem:s2] =	stream.indirect.scatter.add.f32 [tilespmem:s24], [sflag:$0x2], $0x80, s8, s22, $0xb8;
	[tilespmem:$0x1C700] =	vst v63  }
0x96: {  	_ =	swait.ge [sflag:s5], $0x4000  }
0x97: {  	[sflag:s5] =	ssyncset.done $0x0  }
0x98: {  	[sflag:s5] =	ssyncadd.s32 $0xFFFFC000  }
0x99: {  	[tilespmem:s24], [sflag:$0x1] =	stream.linear.gather [hbm4b:s20+s3], $0x4000, $0x38;
	[tilespmem:$0x1C700] =	vst v63  }
0x9a: {  	_ =	swait.ge [sflag:s0], $0x4000  }
0x9b: {  	[sflag:s0] =	ssyncset.done $0x0  }
0x9c: {  	s10 =	simm.s32 $0x1C580;
	[sflag:s0] =	ssyncadd.s32 $0xFFFFC000  }
0x9d: {  	[spmem:s2] =	stream.indirect.scatter.add.f32 [tilespmem:s1], [sflag:$0x2], $0x80, s10, s22, $0xb8;
	[tilespmem:$0x1C700] =	vst v63  }
0x9e: {  	_ =	swait.ge [sflag:s5], $0x4000  }
0x9f: {  	[sflag:s5] =	ssyncset.done $0x0  }
0xa0: {  	[sflag:s5] =	ssyncadd.s32 $0xFFFFC000  }
0xa1: {  	[tilespmem:s1], [sflag:$0x1] =	stream.linear.gather [hbm4b:s21+s3], $0x4000, $0x38;
	[tilespmem:$0x1C700] =	vst v63  }
0xa2: {  	_ =	swait.ge [sflag:s0], $0x4000  }
0xa3: {  	[sflag:s0] =	ssyncset.done $0x0  }
0xa4: {  	s11 =	simm.s32 $0x1C600;
	[sflag:s0] =	ssyncadd.s32 $0xFFFFC000  }
0xa5: {  	[spmem:s2] =	stream.indirect.scatter.add.f32 [tilespmem:s24], [sflag:$0x2], $0x80, s11, s22, $0xb8;
	[tilespmem:$0x1C700] =	vst v63  }
0xa6: {  	_ =	swait.ge [sflag:s0], $0x4000  }
0xa7: {  	[sflag:s0] =	ssyncset.done $0x0  }
0xa8: {  	s8 =	simm.s32 $0x1C680;
	[sflag:s0] =	ssyncadd.s32 $0xFFFFC000  }
0xa9: {  	[spmem:s2] =	stream.indirect.scatter.add.f32 [tilespmem:s1], [sflag:$0x2], $0x80, s8, s22, $0xb8;
	[tilespmem:$0x1C700] =	vst v63  }
0xaa: {  	_ =	swait.ge [sflag:s5], $0x4000  }
0xab: {  	[sflag:s5] =	ssyncset.done $0x0  }
0xac: {  	[sflag:s5] =	ssyncadd.s32 $0xFFFFC000  }
0xad: {  	_ =	swait.ge [sflag:s5], $0x4000  }
0xae: {  	[sflag:s5] =	ssyncset.done $0x0  }
0xaf: {  	s10 =	stileid.u32;
	[sflag:s5] =	ssyncadd.s32 $0xFFFFC000  }
0xb0: {  	s4 =	sshll.u32 s10, $0x6;
	[bflag:$0x0] =	sbarrier.arrive $0xFFFF  }
0xb1: {  	s4 =	sor.u32 $0x1C03, s4;
	s8 =	rddreg [dreg:$0x4]  }
0xb2: {  	[hbm:s8], [sflag:s4] =	dma.local [spmem:s25], $0x2800  }
0xb3: {  	_ =	swait.ge [sflag:s26], $0x2800  }
0xb4: {  	s7 =	sadd.s32 $0x1, s7;
	s11 =	rddreg [dreg:$0x5]  }
0xb5: {  	p0 =	sne.s32 s7, s11  }
.Ltmp2:
0xb6: {  	_ = 	snop;
	(pc) =	sbr.rel @p0 .LBB2_1-.Ltmp2, $3  }
0xb7: {  	_ =	sdelay $0x1  }
0xb8: {  	[sflag:s26] =	ssyncset.done $0x0  }
0xb9: {  	[sflag:s26] =	ssyncadd.s32 $0xFFFFD800  }
0xba: {  	_ =	sfence.sel $0x180000  }
0xbb: {  	[bflag:$0x0] =	sbarrier.arrive $0xFFFF  }
0xbc: {  	_ =	strace $0x90000056  }
0xbd: {  	s0 =	stileid.u32;
	[bflag:$0x2] =	sbarrier.arrive $0xFFFF  }
0xbe: {  	p0 =	sne.s32 s0, $0x0;
	s0 =	rddreg [dreg:$0x2]  }
0xbf: {  	s0 =	sadd.s32 @!p0 $0x100000, s0  }
0xc0: {  	[sflag:s0] =	ssyncadd.tile.s32 @!p0 $0x1;
	_ =	shalt  }
.Lfunc_end2:
_tile_overlayer_lowered:
.L_overlay_start_2:
0xc1: {  	(tag) =	ssettag $0x2  }
0xc2: {  	s0 =	rddreg [dreg:$0x0];
	s2 =	stileid.u32  }
0xc3: {  	s1 =	rddreg [dreg:$0x1];
	p0 =	sne.s32 s2, $0x0  }
0xc4: {  	s3 =	rddreg [dreg:$0x2];
	[bflag:$0x3] =	sbarrier.arrive $0xFFFF;
	s2 =	simm.s32 @!p0 $0x1C03  }
0xc5: {  	[timem:s3], [sflag:s2] =	dma.local @!p0 [hbm:s0], s1  }
0xc6: {  	s0 =	simm.s32 @!p0 $0x3  }
0xc7: {  	_ =	swait.ge @!p0 [sflag:s0], s1  }
0xc8: {  	s1 =	ssub.s32 @!p0 $0x0, s1;
	[sflag:s0] =	ssyncset.done @!p0 $0x0  }
0xc9: {  	[sflag:s0] =	ssyncadd.s32 @!p0 s1  }
0xca: {  	[bflag:$0x3] =	sbarrier.arrive $0xFFFF  }
0xcb: {  	_ =	shalt  }

// kernel: sc_scatter_ma.3.cloned.1.call-start
scs
__scs_entry_jumppad:
0x0: {  	(pc) =	sbr.rel $0x88, $3  }
0x1: {  	(tag) =	ssettag $0x0;
	lr =	simm.s32 $0x1  }
0x2: {  	[smem:$0x3F8C] =	sst lr;
	_ =	strace $0xD0000000  }
0x3: {  	_ = 	snop  }
0x4: {  	_ = 	snop  }
0x5: {  	_ = 	snop  }
0x6: {  	_ = 	snop  }
0x7: {  	_ = 	snop  }
__scs_overlays_trampoline_lowered:
0x8: {  	[smem:$0x3F9B] =	sst s0  }
0x9: {  	[smem:$0x3F9C] =	sst s1  }
0xa: {  	[smem:$0x3F9D] =	sst s2  }
0xb: {  	[smem:$0x3F9E] =	sst s3  }
0xc: {  	[smem:$0x3F9F] =	sst s4  }
0xd: {  	[smem:$0x3FA0] =	sst s5  }
0xe: {  	[smem:$0x3FA1] =	sst s6  }
0xf: {  	[smem:$0x3FA2] =	sst s7  }
0x10: {  	[smem:$0x3FA3] =	sst s8  }
0x11: {  	[smem:$0x3FA4] =	sst s9;
	s0 =	simm.s32 @!p0 $0x0  }
0x12: {  	s1 =	sld [smem:$0x3F8A];
	s0 =	simm.s32 @p0 $0x1  }
0x13: {  	[smem:$0x3FA5] =	sst s0;
	s0 =	simm.s32 @!p1 $0x0  }
0x14: {  	s2 =	sld [smem:$0x3F89];
	s0 =	simm.s32 @p1 $0x1  }
0x15: {  	[smem:$0x3FA6] =	sst s0;
	s0 =	simm.s32 @!p2 $0x0  }
0x16: {  	s3 =	sld [smem:$0x3FDB];
	s0 =	simm.s32 @p2 $0x1  }
0x17: {  	s4 =	simm.s32 $0x1BF5;
	[smem:$0x3FA8] =	sst s0  }
0x18: {  	s0 =	sld [smem:$0x3F8B];
	_ =	swait.ge [sflag:s4], $0x0  }
0x19: {  	s7 =	sld [smem:$0x3F8C]  }
0x1a: {  	s8 =	sadd.s32 $0xFFFFE003, lr  }
0x1b: {  	s9 =	sadd.s32 $0xFFFFFEF7, lr;
	s5 =	simm.s32 $0xFFFFFFFF;
	p2 =	slt.u32 s8, $0xFFFFF086  }
0x1c: {  	p1 =	slt.u32 s9, $0xF7A;
	s5 =	simm.s32 @!p2 $0x0  }
0x1d: {  	s5 =	simm.s32 @p1 $0x1;
	p0 =	seq.s32 s7, s2  }
0x1e: {  	s7 =	smul.u32 @!p0 $0xF7A, s2;
	p2 =	seq.s32 @!p0 s5, $0x0  }
0x1f: {  	s9 =	smul.u32 $0xF7A, s1;
	s8 =	simm.s32 @!p0 $0x1BF5;
	p2 =	por !p2, p0  }
0x20: {  	[sflag:s8] =	ssyncset.s32 @!p0 $0xFFFFF086;
	s6 =	sadd.s32 @!p0 s3, s7;
	s7 =	simm.s32 @!p0 $0x108  }
0x21: {  	s3 =	sadd.s32 s3, s9;
	s6 =	sadd.s32 @!p0 $0x88, s6;
	s7 =	simm.s32 @p2 $0x1082  }
0x22: {  	[simem:s7], [sflag:s8] =	dma.local @!p0 [hbm:s6], $0xF7A  }
0x23: {  	s9 =	sor.u32 $0xD0000000, s2;
	s6 =	simm.s32 $0x108;
	_ =	swait.ge @!p0 [sflag:s8], $0x0  }
0x24: {  	s3 =	sadd.s32 $0x88, s3;
	s6 =	simm.s32 @!p1 $0x1082;
	[sflag:s4] =	ssyncset.s32 $0xFFFFF086  }
0x25: {  	[simem:s6], [sflag:s4] =	dma.local [hbm:s3], $0xF7A  }
0x26: {  	[smem:$0x3F8C] =	sst s1;
	(tag) =	ssettag s2;
	_ =	strace s9  }
0x27: {  	s1 =	sld [smem:$0x3F9C]  }
0x28: {  	s2 =	sld [smem:$0x3F9D]  }
0x29: {  	s4 =	sld [smem:$0x3F9F]  }
0x2a: {  	p0 =	seq.s32 s5, $0x0;
	s5 =	sld [smem:$0x3FA0]  }
0x2b: {  	s6 =	sld [smem:$0x3FA1]  }
0x2c: {  	s7 =	sld [smem:$0x3FA2]  }
0x2d: {  	s3 =	simm.s32 $0x108;
	s8 =	sld [smem:$0x3FA3]  }
0x2e: {  	s3 =	simm.s32 @!p0 $0x1082;
	s9 =	sld [smem:$0x3FA4]  }
0x2f: {  	lr =	sadd.s32 s0, s3;
	s0 =	sld [smem:$0x3F9B]  }
0x30: {  	s3 =	sld [smem:$0x3F9E]  }
0x31: {  	[smem:$0x3FA7] =	sst s10  }
0x32: {  	s10 =	sld [smem:$0x3FA5];
	_ =	sdelay $0x3  }
0x33: {  	p0 =	seq.s32 s10, $0x1;
	s10 =	sld [smem:$0x3FA7];
	_ =	sdelay $0x3  }
0x34: {  	[smem:$0x3FA7] =	sst s10  }
0x35: {  	s10 =	sld [smem:$0x3FA6];
	_ =	sdelay $0x3  }
0x36: {  	p1 =	seq.s32 s10, $0x1;
	s10 =	sld [smem:$0x3FA7];
	_ =	sdelay $0x3  }
0x37: {  	[smem:$0x3FA7] =	sst s10  }
0x38: {  	s10 =	sld [smem:$0x3FA8]  }
0x39: {  	_ = 	snop;
	(pc) =	sbr.ind lr, $3  }
0x3a: {  	_ = 	snop  }
0x3b: {  	_ = 	snop  }
0x3c: {  	p2 =	seq.s32 s10, $0x1;
	s10 =	sld [smem:$0x3FA7]  }
0x3d: {  	_ =	shalt  }
0x3e: {  	_ =	shalt  }
0x3f: {  	_ =	shalt  }
0x40: {  	_ =	shalt  }
0x41: {  	_ =	shalt  }
0x42: {  	_ =	shalt  }
0x43: {  	_ =	shalt  }
0x44: {  	_ =	shalt  }
0x45: {  	_ =	shalt  }
0x46: {  	_ =	shalt  }
0x47: {  	_ =	shalt  }
0x48: {  	_ =	shalt  }
0x49: {  	_ =	shalt  }
0x4a: {  	_ =	shalt  }
0x4b: {  	_ =	shalt  }
0x4c: {  	_ =	shalt  }
0x4d: {  	_ =	shalt  }
0x4e: {  	_ =	shalt  }
0x4f: {  	_ =	shalt  }
0x50: {  	_ =	shalt  }
0x51: {  	_ =	shalt  }
0x52: {  	_ =	shalt  }
0x53: {  	_ =	shalt  }
0x54: {  	_ =	shalt  }
0x55: {  	_ =	shalt  }
0x56: {  	_ =	shalt  }
0x57: {  	_ =	shalt  }
0x58: {  	_ =	shalt  }
0x59: {  	_ =	shalt  }
0x5a: {  	_ =	shalt  }
0x5b: {  	_ =	shalt  }
0x5c: {  	_ =	shalt  }
0x5d: {  	_ =	shalt  }
0x5e: {  	_ =	shalt  }
0x5f: {  	_ =	shalt  }
0x60: {  	_ =	shalt  }
0x61: {  	_ =	shalt  }
0x62: {  	_ =	shalt  }
0x63: {  	_ =	shalt  }
0x64: {  	_ =	shalt  }
0x65: {  	_ =	shalt  }
0x66: {  	_ =	shalt  }
0x67: {  	_ =	shalt  }
0x68: {  	_ =	shalt  }
0x69: {  	_ =	shalt  }
0x6a: {  	_ =	shalt  }
0x6b: {  	_ =	shalt  }
0x6c: {  	_ =	shalt  }
0x6d: {  	_ =	shalt  }
0x6e: {  	_ =	shalt  }
0x6f: {  	_ =	shalt  }
0x70: {  	_ =	shalt  }
0x71: {  	_ =	shalt  }
0x72: {  	_ =	shalt  }
0x73: {  	_ =	shalt  }
0x74: {  	_ =	shalt  }
0x75: {  	_ =	shalt  }
0x76: {  	_ =	shalt  }
0x77: {  	_ =	shalt  }
0x78: {  	_ =	shalt  }
0x79: {  	_ =	shalt  }
0x7a: {  	_ =	shalt  }
0x7b: {  	_ =	shalt  }
0x7c: {  	_ =	shalt  }
0x7d: {  	_ =	shalt  }
0x7e: {  	_ =	shalt  }
0x7f: {  	_ =	shalt  }
0x80: {  	_ =	shalt  }
0x81: {  	_ =	shalt  }
0x82: {  	_ =	shalt  }
0x83: {  	_ =	shalt  }
0x84: {  	_ =	shalt  }
0x85: {  	_ =	shalt  }
0x86: {  	_ =	shalt  }
0x87: {  	_ =	shalt  }
.Lfunc_end0:
.L_simem_size_0:
called_computation.1_lowered:
.L_overlay_start_0:
0x88: {  	s2 =	sld [smem:$0x3FD9]  }
0x89: {  	s3 =	sld [smem:$0x3FFE];
	_ =	sdelay $0x1  }
0x8a: {  	s1 =	srdreg.scid  }
0x8b: {  	s0 =	sand.u32 $0x1, s1  }
0x8c: {  	s17 =	sshll.u32 s0, $0xA;
	s2 =	sadd.s32 s3, s2  }
0x8d: {  	s2 =	sadd.s32 s2, s17  }
0x8e: {  	[smem:$0x3FB3] =	sst s2  }
0x8f: {  	_ = 	snop  }
0x90: {  	s18 =	sld [smem:$0x3FD0];
	(tm) =	ssettm $0x1  }
0x91: {  	s19 =	sld [smem:$0x3FFB];
	_ =	sdelay $0x3  }
0x92: {  	_ =	strace s19  }
0x93: {  	s2 =	sld [smem:$0x3FFC];
	_ =	sdelay $0x3  }
0x94: {  	_ =	strace s2  }
0x95: {  	s2 =	sld [smem:$0x3FFD];
	_ =	sdelay $0x3  }
0x96: {  	_ =	strace s2  }
0x97: {  	_ =	strace $0x8FFFFFFF  }
0x98: {  	s20 =	sld [smem:$0x3FDB];
	_ =	sdelay $0x1  }
0x99: {  	s4 =	simm.s32 $_scs_section_size  }
0x9a: {  	s5 =	simm.s32 $_size__tile_overlayer_lowered;
	s6 =	simm.s32 $_tile_overlayer_lowered  }
0x9b: {  	s7 =	simm.s32 $0x1BFF;
	s21 =	sshll.u32 s6, $0x1;
	s4 =	sadd.s32 s4, s20  }
0x9c: {  	s22 =	simm.s32 $0x0;
	s5 =	sshll.u32 s5, $0x1;
	s6 =	sadd.s32 s21, s4  }
0x9d: {  	[timem:s22], [sflag:s7] =	dma.local [hbm:s6], s5  }
0x9e: {  	_ =	swait.ge [sflag:s7], s5  }
0x9f: {  	s5 =	ssub.s32 $0x0, s5;
	[sflag:s7] =	ssyncset.done $0x0  }
0xa0: {  	[sflag:s7] =	ssyncadd.s32 s5;
	_ =	sdelay $0x1  }
0xa1: {  	s23 =	simm.s32 $0x1B8B  }
0xa2: {  	_ =	swait.ge [sflag:s23], $0x1  }
0xa3: {  	[sflag:s23] =	ssyncset.done $0x0  }
0xa4: {  	[sflag:s23] =	ssyncadd.s32 $0xFFFFFFFF  }
0xa5: {  	s5 =	sld [smem:$0x0]  }
0xa6: {  	s6 =	sand.u32 $0xFFFFFFFE, s1  }
0xa7: {  	p0 =	sne.s32 s1, s6  }
0xa8: {  	s6 =	sshll.u32 @p0 s6, $0xE  }
0xa9: {  	s6 =	sadd.s32 @p0 $0x11B8D, s6;
	s7 =	sshll.u32 @p0 s5, $0x11  }
0xaa: {  	s6 =	sor.u32 @p0 s7, s6  }
0xab: {  	[sflag:s6] =	ssyncadd.remote.s32 @p0 $0x1;
	_ =	sdelay $0x1  }
0xac: {  	s6 =	simm.s32 @p0 $0x1B8D  }
0xad: {  	_ =	swait.eq @p0 [sflag:s6], $0x1  }
0xae: {  	[sflag:s6] =	ssyncadd.s32 @p0 $0xFFFFFFFF  }
0xaf: {  	s7 =	sshll.u32 @!p0 s1, $0xE  }
0xb0: {  	s7 =	sor.u32 @!p0 $0x4000, s7;
	s6 =	simm.s32 @!p0 $0x1B8D  }
0xb1: {  	s5 =	sshll.u32 @!p0 s5, $0x11;
	s7 =	sadd.s32 @!p0 $0x11B8D, s7;
	_ =	swait.eq @!p0 [sflag:s6], $0x1  }
0xb2: {  	s5 =	sor.u32 @!p0 s5, s7;
	[sflag:s6] =	ssyncadd.s32 @!p0 $0xFFFFFFFF  }
0xb3: {  	s25 =	simm.s32 $0x1B8E;
	s24 =	sld [smem:$0x3FFE];
	[sflag:s5] =	ssyncadd.remote.s32 @!p0 $0x1  }
0xb4: {  	s26 =	simm.s32 $execute0_lowered;
	[smem:$0x3FD2] =	sst s25  }
0xb5: {  	s6 =	sshll.u32 s26, $0x1;
	_ =	strace $0x8000004F;
	[dreg:$0x1] =	wrdreg $0xFFFFFFFF  }
0xb6: {  	s28 =	simm.s32 $_size_execute0_lowered;
	s4 =	sadd.s32 s4, s6;
	[dreg:$0x0] =	wrdreg $0x0  }
0xb7: {  	s6 =	sshll.u32 s28, $0x1;
	[dreg:$0x2] =	wrdreg s4  }
0xb8: {  	[dreg:$0x3] =	wrdreg s6  }
0xb9: {  	[dreg:$0x4] =	wrdreg $0xC0  }
0xba: {  	_ =	task [dreg:s22], $0x5FFFF  }
0xbb: {  	[dreg:$0x1] =	wrdreg $0xFFFFFFFF  }
0xbc: {  	[dreg:$0x0] =	wrdreg $0x60  }
0xbd: {  	[dreg:$0x2] =	wrdreg s24  }
0xbe: {  	[dreg:$0x3] =	wrdreg s18  }
0xbf: {  	[dreg:$0x4] =	wrdreg $0x0  }
0xc0: {  	[dreg:$0x5] =	wrdreg $0x9  }
0xc1: {  	_ =	task.clear_ibuf [dreg:s22], $0x6FFFF;
	_ =	strace $0x9000004F  }
0xc2: {  	s29 =	simm.s32 $0x9;
	_ =	strace $0x80000051  }
0xc3: {  	_ =	swait.ge [sflag:s29], $0x1  }
0xc4: {  	[sflag:s29] =	ssyncadd.s32 $0xFFFFFFFF  }
0xc5: {  	_ =	strace $0x90000051  }
0xc6: {  	_ =	sfence  }
0xc7: {  	s30 =	sld [smem:$0x0];
	_ =	sdelay $0x2  }
0xc8: {  	s31 =	sshll.u32 s1, $0xD;
	s1 =	sshrl.u32 s1, $0x2  }
0xc9: {  	s4 =	sand.u32 $0x4000, s31;
	s1 =	sadd.s32 s1, s30  }
0xca: {  	s0 =	sor.u32 s4, s0;
	s1 =	sshll.u32 s1, $0x11  }
0xcb: {  	s0 =	sor.u32 s1, s0  }
0xcc: {  	s0 =	sadd.s32 $0x8F2B, s0  }
0xcd: {  	[sflag:s0] =	ssyncadd.remote.s32 $0x1  }
0xce: {  	_ =	sfence.sel $0xFFFF  }
0xcf: {  	[dreg:$0x0] =	wrdreg $0xFFFFFFFF;
	(pc) =	sbr.abs _section_cstart, $3  }
0xd0: {  	[dreg:$0x1] =	wrdreg $0xFFFFFFFF  }
0xd1: {  	_ =	task.clear_ibuf [dreg:s22], $0x2FFFF;
	_ =	strace $0x9FFFFFFF  }
0xd2: {  	(tm) =	ssettm $0x7FFFFFFF  }
0xd3: {  	_ =	shalt  }
tec
execute0_lowered:
.L_overlay_start_1:
0x0: {  	(tag) =	ssettag $0x1  }
0x1: {  	s2 =	srdreg.scid  }
0x2: {  	s4 =	rddreg [dreg:$0x0];
	s10 =	sand.u32 $0x1, s2  }
0x3: {  	s2 =	stileid.u32;
	s6 =	smul.u32 $0x140000, s10  }
0x4: {  	s5 =	rddreg [dreg:$0x1];
	s7 =	smul.u32 $0x14000, s2  }
0x5: {  	s1 =	rddreg [dreg:$0x2];
	s3 =	simm.s32 $0x0;
	s14 =	smul.u32 $0x50000, s2  }
0x6: {  	s16 =	simm.s32 $0x14000;
	s17 =	simm.s32 $0x3;
	s15 =	smul.u32 $0x500000, s10  }
0x7: {  	s28 =	simm.s32 $0x0;
	s8 =	sshll.u32 s10, $0x4;
	s24 =	smul.u32 $0xA0000, s10  }
0x8: {  	[smem:$0x7FF] =	sst s3;
	s30 =	smul.u32 $0xA000, s2;
	s8 =	sor.u32 s2, s8  }
0x9: {  	s12 =	sadd.s32 $0x33C800, s4;
	s9 =	ssub.s32 $0x2, s10;
	s18 =	smul.u32 $0xA00, s8  }
0xa: {  	_ =	strace $0x80000050;
	s19 =	sshrl.u32 s9, $0x1;
	s11 =	smul.u32 $0xA000, s8  }
0xb: {  	s6 =	sadd.s32 s7, s6;
	s8 =	smul.u32 $0x50000, s8;
	s9 =	ssub.s32 s9, s19  }
0xc: {  	s22 =	sshrl.u32 s14, $0x2;
	s23 =	sadd.s32 s14, s15;
	s14 =	sadd.s32 s24, s12  }
0xd: {  	s15 =	simm.s32 $0x1C000;
	s19 =	simm.s32 $0x1C180;
	s24 =	simm.s32 $0x1C900  }
0xe: {  	s6 =	sshrl.u32 s6, $0x3;
	s25 =	sadd.s32 s22, s1;
	s29 =	sadd.s32 $0x10000, s23  }
0xf: {  	s22 =	simm.s32 $0x1;
	s23 =	simm.s32 $0x2;
	s13 =	sadd.s32 s6, s4  }
0x10: {  	s20 =	sshrl.u32 s18, $0x3;
	s4 =	smul.u32 $0x280, s2;
	s6 =	sadd.s32 s12, s11  }
0x11: {  	s21 =	sor.u32 $0x8000, s8;
	s8 =	smax.u32 s9, $0x1;
	s31 =	sshrl.u32 s29, $0x3  }
0x12: {  	s18 =	simm.s32 $0x1C080;
	s25 =	sshrl.u32 s25, $0x3;
	s5 =	sadd.s32 s5, s20  }
0x13: {  	s7 =	sadd.s32 $0x5BC800, s13;
	s9 =	sadd.s32 $0x800, s6;
	s26 =	sshrl.u32 s21, $0x3  }
0x14: {  	s11 =	sadd.s32 $0x9800, s6;
	s13 =	sadd.s32 s30, s14;
	s14 =	simm.s32 $0x80  }
0x15: {  	s20 =	simm.s32 $0x1C200;
	s21 =	simm.s32 $0x18000;
	s10 =	sadd.s32 s12, s26  }
0x16: {  	v0 =	vimm.f32 $0.0e+00;
	v1 =	vlaneseq.u32;
	s12 =	sadd.s32 s31, s12;
	s13 =	sadd.s32 $0x1800, s13;
	s26 =	simm.s32 $0x1C980  }
.LBB2_1:
0x17: {  	s29 =	simm.s32 $0x0;
	s30 =	simm.s32 $0x0  }
.LBB2_2:
0x18: {  	p0 =	sne.s32 s30, $0xFFC0  }
.Ltmp0:
0x19: {  	_ = 	snop;
	(pc) =	sbr.rel @p0 .LBB2_2-.Ltmp0, $4  }
0x1a: {  	s31 =	sand.u32 $0xFE00, s30  }
0x1b: {  	s0 =	sand.u32 $0x70, s29;
	s31 =	sshrl.u32 s31, $0x2  }
0x1c: {  	s0 =	sor.u32 s0, s31  }
0x1d: {  	s29 =	sadd.s32 $0x10, s29;
	s30 =	sadd.s32 $0x40, s30;
	[tilespmem:s0+$0x14000] =	vst v0  }
0x1e: {  	s29 =	simm.s32 $0x40;
	v2 =	vor.u32 s4, v1;
	s31 =	simm.s32 $0x0;
	s30 =	smov.u32 s4  }
.LBB2_4:
0x1f: {  	p0 =	sne.s32 s29, $0x9C0  }
0x20: {  	[tilespmem:s31+$0x1C000] =	vst v2;
	s30 =	sadd.s32 $0x10, s30;
	s0 =	smov.u32 s29;
	s29 =	sadd.s32 $0x40, s29  }
.Ltmp1:
0x21: {  	(pc) =	sbr.rel @p0 .LBB2_4-.Ltmp1, $2  }
0x22: {  	_ =	sdelay $0x2  }
0x23: {  	v2 =	vor.u32 s30, v1;
	s31 =	sshra.s32 s0, $0x2  }
0x24: {  	[tilespmem:s31+$0x1C000] =	vst v2  }
0x25: {  	[spmem:s1] =	stream.indirect.scatter [tilespmem:s16], [sflag:$0x3], $0x80, s15, s14, $0xb8;
	[tilespmem:$0x1CA00] =	vst v63  }
0x26: {  	_ =	swait.ge [sflag:s17], $0x4000  }
0x27: {  	[sflag:s17] =	ssyncset.done $0x0  }
0x28: {  	[sflag:s17] =	ssyncadd.s32 $0xFFFFC000  }
0x29: {  	[spmem:s1] =	stream.indirect.scatter [tilespmem:s16], [sflag:$0x3], $0x80, s18, s14, $0xb8;
	[tilespmem:$0x1CA00] =	vst v63  }
0x2a: {  	_ =	swait.ge [sflag:s17], $0x4000  }
0x2b: {  	[sflag:s17] =	ssyncset.done $0x0  }
0x2c: {  	s0 =	simm.s32 $0x1C100;
	[sflag:s17] =	ssyncadd.s32 $0xFFFFC000  }
0x2d: {  	[spmem:s1] =	stream.indirect.scatter [tilespmem:s16], [sflag:$0x3], $0x80, s0, s14, $0xb8;
	[tilespmem:$0x1CA00] =	vst v63  }
0x2e: {  	_ =	swait.ge [sflag:s17], $0x4000  }
0x2f: {  	[sflag:s17] =	ssyncset.done $0x0  }
0x30: {  	[sflag:s17] =	ssyncadd.s32 $0xFFFFC000  }
0x31: {  	[spmem:s1] =	stream.indirect.scatter [tilespmem:s16], [sflag:$0x3], $0x80, s19, s14, $0xb8;
	[tilespmem:$0x1CA00] =	vst v63  }
0x32: {  	_ =	swait.ge [sflag:s17], $0x4000  }
0x33: {  	[sflag:s17] =	ssyncset.done $0x0  }
0x34: {  	[sflag:s17] =	ssyncadd.s32 $0xFFFFC000  }
0x35: {  	[spmem:s1] =	stream.indirect.scatter [tilespmem:s16], [sflag:$0x3], $0x80, s20, s14, $0xb8;
	[tilespmem:$0x1CA00] =	vst v63  }
0x36: {  	_ =	swait.ge [sflag:s17], $0x4000  }
0x37: {  	[sflag:s17] =	ssyncset.done $0x0  }
0x38: {  	[sflag:s17] =	ssyncadd.s32 $0xFFFFC000  }
0x39: {  	s29 =	simm.s32 $0x0;
	[bflag:$0x0] =	sbarrier.arrive $0xFFFF  }
0x3a: {  	[tilespmem:s15], [sflag:$0x3] =	stream.linear.gather [hbm4b:s5+s29], $0xA00, $0x38;
	[tilespmem:$0x1CA00] =	vst v63  }
0x3b: {  	_ =	swait.ge [sflag:s17], $0xA00  }
0x3c: {  	[sflag:s17] =	ssyncset.done $0x0  }
0x3d: {  	[sflag:s17] =	ssyncadd.s32 $0xFFFFF600  }
0x3e: {  	[tilespmem:s16], [sflag:$0x1] =	stream.linear.gather [hbm4b:s6+s29], $0x4000, $0x38;
	[tilespmem:$0x1CA00] =	vst v63  }
0x3f: {  	_ = 	snop  }
0x40: {  	[tilespmem:s21], [sflag:$0x1] =	stream.linear.gather [hbm4b:s9+s29], $0x4000, $0x38;
	[tilespmem:$0x1CA00] =	vst v63  }
0x41: {  	_ =	swait.ge [sflag:s22], $0x4000  }
0x42: {  	[sflag:s22] =	ssyncset.done $0x0  }
0x43: {  	[sflag:s22] =	ssyncadd.s32 $0xFFFFC000  }
0x44: {  	[spmem:s1] =	stream.indirect.scatter.add.f32 [tilespmem:s16], [sflag:$0x2], $0x80, s15, s14, $0xb8;
	[tilespmem:$0x1CA00] =	vst v63  }
0x45: {  	_ =	swait.ge [sflag:s23], $0x4000  }
0x46: {  	[sflag:s23] =	ssyncset.done $0x0  }
0x47: {  	[sflag:s23] =	ssyncadd.s32 $0xFFFFC000  }
0x48: {  	[tilespmem:s16], [sflag:$0x1] =	stream.linear.gather [hbm4b:s10+s29], $0x4000, $0x38;
	[tilespmem:$0x1CA00] =	vst v63  }
0x49: {  	_ =	swait.ge [sflag:s22], $0x4000  }
0x4a: {  	[sflag:s22] =	ssyncset.done $0x0  }
0x4b: {  	[sflag:s22] =	ssyncadd.s32 $0xFFFFC000  }
0x4c: {  	[spmem:s1] =	stream.indirect.scatter.add.f32 [tilespmem:s21], [sflag:$0x2], $0x80, s18, s14, $0xb8;
	[tilespmem:$0x1CA00] =	vst v63  }
0x4d: {  	_ =	swait.ge [sflag:s23], $0x4000  }
0x4e: {  	[sflag:s23] =	ssyncset.done $0x0  }
0x4f: {  	s29 =	sadd.s32 $0x0, s13;
	[sflag:s23] =	ssyncadd.s32 $0xFFFFC000  }
0x50: {  	[tilespmem:s21], [sflag:$0x1] =	stream.linear.gather [hbm4b:s29+s3], $0x4000, $0x38;
	[tilespmem:$0x1CA00] =	vst v63  }
0x51: {  	_ =	swait.ge [sflag:s22], $0x4000  }
0x52: {  	[sflag:s22] =	ssyncset.done $0x0  }
0x53: {  	[sflag:s22] =	ssyncadd.s32 $0xFFFFC000  }
0x54: {  	[spmem:s1] =	stream.indirect.scatter.add.f32 [tilespmem:s16], [sflag:$0x2], $0x80, s0, s14, $0xb8;
	[tilespmem:$0x1CA00] =	vst v63  }
0x55: {  	_ =	swait.ge [sflag:s23], $0x4000  }
0x56: {  	[sflag:s23] =	ssyncset.done $0x0  }
0x57: {  	s0 =	sadd.s32 $0x0, s12;
	[sflag:s23] =	ssyncadd.s32 $0xFFFFC000  }
0x58: {  	[tilespmem:s16], [sflag:$0x1] =	stream.linear.gather [hbm4b:s0+s3], $0x4000, $0x38;
	[tilespmem:$0x1CA00] =	vst v63  }
0x59: {  	_ =	swait.ge [sflag:s22], $0x4000  }
0x5a: {  	s31 =	simm.s32 $0x1C180;
	[sflag:s22] =	ssyncset.done $0x0  }
0x5b: {  	s30 =	simm.s32 $0x1C200;
	s29 =	simm.s32 $0x1000;
	[sflag:s22] =	ssyncadd.s32 $0xFFFFC000  }
.LBB2_6:
0x5c: {  	[spmem:s1] =	stream.indirect.scatter.add.f32 [tilespmem:s21], [sflag:$0x2], $0x80, s31, s14, $0xb8;
	[tilespmem:$0x1CA00] =	vst v63  }
0x5d: {  	s0 =	smov.u32 s29  }
0x5e: {  	p0 =	sne.s32 s29, $0x7000;
	s29 =	sadd.s32 $0x1000, s29;
	_ =	swait.ge [sflag:s23], $0x4000  }
0x5f: {  	[sflag:s23] =	ssyncset.done $0x0  }
0x60: {  	s31 =	sadd.s32 s0, s13;
	[sflag:s23] =	ssyncadd.s32 $0xFFFFC000  }
0x61: {  	[tilespmem:s21], [sflag:$0x1] =	stream.linear.gather [hbm4b:s31+s3], $0x4000, $0x38;
	[tilespmem:$0x1CA00] =	vst v63  }
0x62: {  	_ =	swait.ge [sflag:s22], $0x4000  }
0x63: {  	[sflag:s22] =	ssyncset.done $0x0  }
0x64: {  	[sflag:s22] =	ssyncadd.s32 $0xFFFFC000  }
0x65: {  	[spmem:s1] =	stream.indirect.scatter.add.f32 [tilespmem:s16], [sflag:$0x2], $0x80, s30, s14, $0xb8;
	[tilespmem:$0x1CA00] =	vst v63  }
0x66: {  	_ =	swait.ge [sflag:s23], $0x4000  }
0x67: {  	[sflag:s23] =	ssyncset.done $0x0  }
.Ltmp2:
0x68: {  	s0 =	sadd.s32 s0, s12;
	[sflag:s23] =	ssyncadd.s32 $0xFFFFC000;
	(pc) =	sbr.rel @p0 .LBB2_6-.Ltmp2, $4  }
0x69: {  	[tilespmem:s16], [sflag:$0x1] =	stream.linear.gather [hbm4b:s0+s3], $0x4000, $0x38;
	[tilespmem:$0x1CA00] =	vst v63  }
0x6a: {  	_ =	swait.ge [sflag:s22], $0x4000  }
0x6b: {  	[sflag:s22] =	ssyncset.done $0x0  }
0x6c: {  	s31 =	sadd.s32 $0x80, s30;
	s30 =	sadd.s32 $0x100, s30;
	[sflag:s22] =	ssyncadd.s32 $0xFFFFC000  }
0x6d: {  	[spmem:s1] =	stream.indirect.scatter.add.f32 [tilespmem:s21], [sflag:$0x2], $0x80, s31, s14, $0xb8;
	[tilespmem:$0x1CA00] =	vst v63  }
0x6e: {  	_ =	swait.ge [sflag:s23], $0x4000  }
0x6f: {  	[sflag:s23] =	ssyncset.done $0x0  }
0x70: {  	[sflag:s23] =	ssyncadd.s32 $0xFFFFC000  }
0x71: {  	[tilespmem:s21], [sflag:$0x1] =	stream.linear.gather [hbm4b:s11+s3], $0x4000, $0x38;
	[tilespmem:$0x1CA00] =	vst v63  }
0x72: {  	_ =	swait.ge [sflag:s22], $0x4000  }
0x73: {  	[sflag:s22] =	ssyncset.done $0x0  }
0x74: {  	[sflag:s22] =	ssyncadd.s32 $0xFFFFC000  }
0x75: {  	[spmem:s1] =	stream.indirect.scatter.add.f32 [tilespmem:s16], [sflag:$0x2], $0x80, s24, s14, $0xb8;
	[tilespmem:$0x1CA00] =	vst v63  }
0x76: {  	_ =	swait.ge [sflag:s22], $0x4000  }
0x77: {  	[sflag:s22] =	ssyncset.done $0x0  }
0x78: {  	[sflag:s22] =	ssyncadd.s32 $0xFFFFC000  }
0x79: {  	[spmem:s1] =	stream.indirect.scatter.add.f32 [tilespmem:s21], [sflag:$0x2], $0x80, s26, s14, $0xb8;
	[tilespmem:$0x1CA00] =	vst v63  }
0x7a: {  	_ =	swait.ge [sflag:s23], $0x4000  }
0x7b: {  	[sflag:s23] =	ssyncset.done $0x0  }
0x7c: {  	[sflag:s23] =	ssyncadd.s32 $0xFFFFC000  }
0x7d: {  	_ =	swait.ge [sflag:s23], $0x4000  }
0x7e: {  	s28 =	sadd.s32 $0x1, s28;
	[sflag:s23] =	ssyncset.done $0x0  }
0x7f: {  	s0 =	sshll.u32 s2, $0x6;
	p0 =	sne.s32 s28, s8;
	[sflag:s23] =	ssyncadd.s32 $0xFFFFC000  }
.Ltmp3:
0x80: {  	s0 =	sor.u32 $0x1C03, s0;
	[bflag:$0x0] =	sbarrier.arrive $0xFFFF;
	(pc) =	sbr.rel @p0 .LBB2_1-.Ltmp3, $4  }
0x81: {  	[hbm:s7], [sflag:s0] =	dma.local [spmem:s25], $0x2800  }
0x82: {  	_ =	swait.ge [sflag:s17], $0x2800  }
0x83: {  	[sflag:s17] =	ssyncset.done $0x0  }
0x84: {  	[sflag:s17] =	ssyncadd.s32 $0xFFFFD800  }
0x85: {  	_ =	sfence.sel $0x180000  }
0x86: {  	[bflag:$0x0] =	sbarrier.arrive $0xFFFF  }
0x87: {  	_ =	strace $0x90000050  }
0x88: {  	[bflag:$0x2] =	sbarrier.arrive $0xFFFF  }
0x89: {  	p0 =	sne.s32 s2, $0x0;
	s0 =	rddreg [dreg:$0x3]  }
0x8a: {  	s0 =	sadd.s32 @!p0 $0x100000, s0  }
0x8b: {  	[sflag:s0] =	ssyncadd.tile.s32 @!p0 $0x1;
	_ =	shalt  }
.Lfunc_end2:
_tile_overlayer_lowered:
.L_overlay_start_2:
0x8c: {  	(tag) =	ssettag $0x2  }
0x8d: {  	s0 =	rddreg [dreg:$0x0];
	s2 =	stileid.u32  }
0x8e: {  	s1 =	rddreg [dreg:$0x1];
	p0 =	sne.s32 s2, $0x0  }
0x8f: {  	s3 =	rddreg [dreg:$0x2];
	[bflag:$0x3] =	sbarrier.arrive $0xFFFF;
	s2 =	simm.s32 @!p0 $0x1C03  }
0x90: {  	[timem:s3], [sflag:s2] =	dma.local @!p0 [hbm:s0], s1  }
0x91: {  	s0 =	simm.s32 @!p0 $0x3  }
0x92: {  	_ =	swait.ge @!p0 [sflag:s0], s1  }
0x93: {  	s1 =	ssub.s32 @!p0 $0x0, s1;
	[sflag:s0] =	ssyncset.done @!p0 $0x0  }
0x94: {  	[sflag:s0] =	ssyncadd.s32 @!p0 s1  }
0x95: {  	[bflag:$0x3] =	sbarrier.arrive $0xFFFF  }
0x96: {  	_ =	shalt  }

// kernel: sc_scatter_mb.3.cloned.1.call-start
scs
__scs_entry_jumppad:
0x0: {  	(pc) =	sbr.rel $0x88, $3  }
0x1: {  	(tag) =	ssettag $0x0;
	lr =	simm.s32 $0x1  }
0x2: {  	[smem:$0x3F8C] =	sst lr;
	_ =	strace $0xD0000000  }
0x3: {  	_ = 	snop  }
0x4: {  	_ = 	snop  }
0x5: {  	_ = 	snop  }
0x6: {  	_ = 	snop  }
0x7: {  	_ = 	snop  }
__scs_overlays_trampoline_lowered:
0x8: {  	[smem:$0x3F9B] =	sst s0  }
0x9: {  	[smem:$0x3F9C] =	sst s1  }
0xa: {  	[smem:$0x3F9D] =	sst s2  }
0xb: {  	[smem:$0x3F9E] =	sst s3  }
0xc: {  	[smem:$0x3F9F] =	sst s4  }
0xd: {  	[smem:$0x3FA0] =	sst s5  }
0xe: {  	[smem:$0x3FA1] =	sst s6  }
0xf: {  	[smem:$0x3FA2] =	sst s7  }
0x10: {  	[smem:$0x3FA3] =	sst s8  }
0x11: {  	[smem:$0x3FA4] =	sst s9;
	s0 =	simm.s32 @!p0 $0x0  }
0x12: {  	s1 =	sld [smem:$0x3F8A];
	s0 =	simm.s32 @p0 $0x1  }
0x13: {  	[smem:$0x3FA5] =	sst s0;
	s0 =	simm.s32 @!p1 $0x0  }
0x14: {  	s2 =	sld [smem:$0x3F89];
	s0 =	simm.s32 @p1 $0x1  }
0x15: {  	[smem:$0x3FA6] =	sst s0;
	s0 =	simm.s32 @!p2 $0x0  }
0x16: {  	s3 =	sld [smem:$0x3FDB];
	s0 =	simm.s32 @p2 $0x1  }
0x17: {  	s4 =	simm.s32 $0x1BF5;
	[smem:$0x3FA8] =	sst s0  }
0x18: {  	s0 =	sld [smem:$0x3F8B];
	_ =	swait.ge [sflag:s4], $0x0  }
0x19: {  	s7 =	sld [smem:$0x3F8C]  }
0x1a: {  	s8 =	sadd.s32 $0xFFFFE003, lr  }
0x1b: {  	s9 =	sadd.s32 $0xFFFFFEF7, lr;
	s5 =	simm.s32 $0xFFFFFFFF;
	p2 =	slt.u32 s8, $0xFFFFF086  }
0x1c: {  	p1 =	slt.u32 s9, $0xF7A;
	s5 =	simm.s32 @!p2 $0x0  }
0x1d: {  	s5 =	simm.s32 @p1 $0x1;
	p0 =	seq.s32 s7, s2  }
0x1e: {  	s7 =	smul.u32 @!p0 $0xF7A, s2;
	p2 =	seq.s32 @!p0 s5, $0x0  }
0x1f: {  	s9 =	smul.u32 $0xF7A, s1;
	s8 =	simm.s32 @!p0 $0x1BF5;
	p2 =	por !p2, p0  }
0x20: {  	[sflag:s8] =	ssyncset.s32 @!p0 $0xFFFFF086;
	s6 =	sadd.s32 @!p0 s3, s7;
	s7 =	simm.s32 @!p0 $0x108  }
0x21: {  	s3 =	sadd.s32 s3, s9;
	s6 =	sadd.s32 @!p0 $0x88, s6;
	s7 =	simm.s32 @p2 $0x1082  }
0x22: {  	[simem:s7], [sflag:s8] =	dma.local @!p0 [hbm:s6], $0xF7A  }
0x23: {  	s9 =	sor.u32 $0xD0000000, s2;
	s6 =	simm.s32 $0x108;
	_ =	swait.ge @!p0 [sflag:s8], $0x0  }
0x24: {  	s3 =	sadd.s32 $0x88, s3;
	s6 =	simm.s32 @!p1 $0x1082;
	[sflag:s4] =	ssyncset.s32 $0xFFFFF086  }
0x25: {  	[simem:s6], [sflag:s4] =	dma.local [hbm:s3], $0xF7A  }
0x26: {  	[smem:$0x3F8C] =	sst s1;
	(tag) =	ssettag s2;
	_ =	strace s9  }
0x27: {  	s1 =	sld [smem:$0x3F9C]  }
0x28: {  	s2 =	sld [smem:$0x3F9D]  }
0x29: {  	s4 =	sld [smem:$0x3F9F]  }
0x2a: {  	p0 =	seq.s32 s5, $0x0;
	s5 =	sld [smem:$0x3FA0]  }
0x2b: {  	s6 =	sld [smem:$0x3FA1]  }
0x2c: {  	s7 =	sld [smem:$0x3FA2]  }
0x2d: {  	s3 =	simm.s32 $0x108;
	s8 =	sld [smem:$0x3FA3]  }
0x2e: {  	s3 =	simm.s32 @!p0 $0x1082;
	s9 =	sld [smem:$0x3FA4]  }
0x2f: {  	lr =	sadd.s32 s0, s3;
	s0 =	sld [smem:$0x3F9B]  }
0x30: {  	s3 =	sld [smem:$0x3F9E]  }
0x31: {  	[smem:$0x3FA7] =	sst s10  }
0x32: {  	s10 =	sld [smem:$0x3FA5];
	_ =	sdelay $0x3  }
0x33: {  	p0 =	seq.s32 s10, $0x1;
	s10 =	sld [smem:$0x3FA7];
	_ =	sdelay $0x3  }
0x34: {  	[smem:$0x3FA7] =	sst s10  }
0x35: {  	s10 =	sld [smem:$0x3FA6];
	_ =	sdelay $0x3  }
0x36: {  	p1 =	seq.s32 s10, $0x1;
	s10 =	sld [smem:$0x3FA7];
	_ =	sdelay $0x3  }
0x37: {  	[smem:$0x3FA7] =	sst s10  }
0x38: {  	s10 =	sld [smem:$0x3FA8]  }
0x39: {  	_ = 	snop;
	(pc) =	sbr.ind lr, $3  }
0x3a: {  	_ = 	snop  }
0x3b: {  	_ = 	snop  }
0x3c: {  	p2 =	seq.s32 s10, $0x1;
	s10 =	sld [smem:$0x3FA7]  }
0x3d: {  	_ =	shalt  }
0x3e: {  	_ =	shalt  }
0x3f: {  	_ =	shalt  }
0x40: {  	_ =	shalt  }
0x41: {  	_ =	shalt  }
0x42: {  	_ =	shalt  }
0x43: {  	_ =	shalt  }
0x44: {  	_ =	shalt  }
0x45: {  	_ =	shalt  }
0x46: {  	_ =	shalt  }
0x47: {  	_ =	shalt  }
0x48: {  	_ =	shalt  }
0x49: {  	_ =	shalt  }
0x4a: {  	_ =	shalt  }
0x4b: {  	_ =	shalt  }
0x4c: {  	_ =	shalt  }
0x4d: {  	_ =	shalt  }
0x4e: {  	_ =	shalt  }
0x4f: {  	_ =	shalt  }
0x50: {  	_ =	shalt  }
0x51: {  	_ =	shalt  }
0x52: {  	_ =	shalt  }
0x53: {  	_ =	shalt  }
0x54: {  	_ =	shalt  }
0x55: {  	_ =	shalt  }
0x56: {  	_ =	shalt  }
0x57: {  	_ =	shalt  }
0x58: {  	_ =	shalt  }
0x59: {  	_ =	shalt  }
0x5a: {  	_ =	shalt  }
0x5b: {  	_ =	shalt  }
0x5c: {  	_ =	shalt  }
0x5d: {  	_ =	shalt  }
0x5e: {  	_ =	shalt  }
0x5f: {  	_ =	shalt  }
0x60: {  	_ =	shalt  }
0x61: {  	_ =	shalt  }
0x62: {  	_ =	shalt  }
0x63: {  	_ =	shalt  }
0x64: {  	_ =	shalt  }
0x65: {  	_ =	shalt  }
0x66: {  	_ =	shalt  }
0x67: {  	_ =	shalt  }
0x68: {  	_ =	shalt  }
0x69: {  	_ =	shalt  }
0x6a: {  	_ =	shalt  }
0x6b: {  	_ =	shalt  }
0x6c: {  	_ =	shalt  }
0x6d: {  	_ =	shalt  }
0x6e: {  	_ =	shalt  }
0x6f: {  	_ =	shalt  }
0x70: {  	_ =	shalt  }
0x71: {  	_ =	shalt  }
0x72: {  	_ =	shalt  }
0x73: {  	_ =	shalt  }
0x74: {  	_ =	shalt  }
0x75: {  	_ =	shalt  }
0x76: {  	_ =	shalt  }
0x77: {  	_ =	shalt  }
0x78: {  	_ =	shalt  }
0x79: {  	_ =	shalt  }
0x7a: {  	_ =	shalt  }
0x7b: {  	_ =	shalt  }
0x7c: {  	_ =	shalt  }
0x7d: {  	_ =	shalt  }
0x7e: {  	_ =	shalt  }
0x7f: {  	_ =	shalt  }
0x80: {  	_ =	shalt  }
0x81: {  	_ =	shalt  }
0x82: {  	_ =	shalt  }
0x83: {  	_ =	shalt  }
0x84: {  	_ =	shalt  }
0x85: {  	_ =	shalt  }
0x86: {  	_ =	shalt  }
0x87: {  	_ =	shalt  }
.Lfunc_end0:
.L_simem_size_0:
called_computation.3_lowered:
.L_overlay_start_0:
0x88: {  	s2 =	sld [smem:$0x3FD9]  }
0x89: {  	s3 =	sld [smem:$0x3FFE];
	_ =	sdelay $0x1  }
0x8a: {  	s1 =	srdreg.scid  }
0x8b: {  	s0 =	sand.u32 $0x1, s1  }
0x8c: {  	s16 =	sshll.u32 s0, $0xA;
	s2 =	sadd.s32 s3, s2  }
0x8d: {  	s2 =	sadd.s32 s2, s16  }
0x8e: {  	[smem:$0x3FB3] =	sst s2  }
0x8f: {  	_ = 	snop  }
0x90: {  	(tm) =	ssettm $0x1  }
0x91: {  	s17 =	sld [smem:$0x3FFB];
	_ =	sdelay $0x3  }
0x92: {  	_ =	strace s17  }
0x93: {  	s2 =	sld [smem:$0x3FFC];
	_ =	sdelay $0x3  }
0x94: {  	_ =	strace s2  }
0x95: {  	s2 =	sld [smem:$0x3FFD];
	_ =	sdelay $0x3  }
0x96: {  	_ =	strace s2  }
0x97: {  	_ =	strace $0x8FFFFFFF  }
0x98: {  	s18 =	sld [smem:$0x3FDB];
	_ =	sdelay $0x1  }
0x99: {  	s19 =	simm.s32 $_scs_section_size  }
0x9a: {  	s4 =	simm.s32 $_size__tile_overlayer_lowered;
	s5 =	simm.s32 $_tile_overlayer_lowered  }
0x9b: {  	s22 =	simm.s32 $0x1BFF;
	s21 =	sshll.u32 s5, $0x1;
	s2 =	sadd.s32 s19, s18  }
0x9c: {  	s6 =	simm.s32 $0x0;
	s20 =	sshll.u32 s4, $0x1;
	s4 =	sadd.s32 s21, s2  }
0x9d: {  	[timem:s6], [sflag:s22] =	dma.local [hbm:s4], s20  }
0x9e: {  	_ =	swait.ge [sflag:s22], s20  }
0x9f: {  	s3 =	ssub.s32 $0x0, s20;
	[sflag:s22] =	ssyncset.done $0x0  }
0xa0: {  	[sflag:s22] =	ssyncadd.s32 s3;
	_ =	sdelay $0x1  }
0xa1: {  	s23 =	simm.s32 $0x1B8B  }
0xa2: {  	_ =	swait.ge [sflag:s23], $0x1  }
0xa3: {  	[sflag:s23] =	ssyncset.done $0x0  }
0xa4: {  	s25 =	simm.s32 $0x1B8E;
	s24 =	sld [smem:$0x3FFE];
	[sflag:s23] =	ssyncadd.s32 $0xFFFFFFFF  }
0xa5: {  	s26 =	simm.s32 $execute0_lowered;
	[smem:$0x3FD2] =	sst s25  }
0xa6: {  	s4 =	sshll.u32 s26, $0x1;
	_ =	strace $0x80000049;
	[dreg:$0x1] =	wrdreg $0xFFFFFFFF  }
0xa7: {  	s28 =	simm.s32 $_size_execute0_lowered;
	s2 =	sadd.s32 s2, s4;
	[dreg:$0x0] =	wrdreg $0x0  }
0xa8: {  	s4 =	sshll.u32 s28, $0x1;
	[dreg:$0x2] =	wrdreg s2  }
0xa9: {  	[dreg:$0x3] =	wrdreg s4  }
0xaa: {  	[dreg:$0x4] =	wrdreg $0xC0  }
0xab: {  	_ =	task [dreg:s6], $0x5FFFF  }
0xac: {  	[dreg:$0x1] =	wrdreg $0xFFFFFFFF  }
0xad: {  	[dreg:$0x0] =	wrdreg $0x60  }
0xae: {  	[dreg:$0x2] =	wrdreg s24  }
0xaf: {  	[dreg:$0x3] =	wrdreg $0x0  }
0xb0: {  	[dreg:$0x4] =	wrdreg $0xB  }
0xb1: {  	_ =	task.clear_ibuf [dreg:s6], $0x5FFFF;
	_ =	strace $0x90000049  }
0xb2: {  	s29 =	simm.s32 $0xB;
	_ =	strace $0x8000004B  }
0xb3: {  	_ =	swait.ge [sflag:s29], $0x1  }
0xb4: {  	[sflag:s29] =	ssyncadd.s32 $0xFFFFFFFF  }
0xb5: {  	_ =	strace $0x9000004B  }
0xb6: {  	_ =	sfence  }
0xb7: {  	s30 =	sld [smem:$0x0];
	_ =	sdelay $0x2  }
0xb8: {  	s31 =	sshll.u32 s1, $0xD;
	s1 =	sshrl.u32 s1, $0x2  }
0xb9: {  	s3 =	sand.u32 $0x4000, s31;
	s1 =	sadd.s32 s1, s30  }
0xba: {  	s0 =	sor.u32 s3, s0;
	s1 =	sshll.u32 s1, $0x11  }
0xbb: {  	s0 =	sor.u32 s1, s0  }
0xbc: {  	s0 =	sadd.s32 $0x8F2B, s0  }
0xbd: {  	[sflag:s0] =	ssyncadd.remote.s32 $0x1  }
0xbe: {  	_ =	sfence.sel $0xFFFF  }
0xbf: {  	[dreg:$0x0] =	wrdreg $0xFFFFFFFF;
	(pc) =	sbr.abs _section_cstart, $3  }
0xc0: {  	[dreg:$0x1] =	wrdreg $0xFFFFFFFF  }
0xc1: {  	_ =	task.clear_ibuf [dreg:s6], $0x2FFFF;
	_ =	strace $0x9FFFFFFF  }
0xc2: {  	(tm) =	ssettm $0x7FFFFFFF  }
0xc3: {  	_ =	shalt  }
tec
execute0_lowered:
.L_overlay_start_1:
0x0: {  	(tag) =	ssettag $0x1  }
0x1: {  	s0 =	srdreg.scid;
	s4 =	rddreg [dreg:$0x0]  }
0x2: {  	s2 =	rddreg [dreg:$0x1];
	s10 =	sand.u32 $0x1, s0  }
0x3: {  	s3 =	simm.s32 $0x0;
	s0 =	stileid.u32;
	s7 =	smul.u32 $0x140000, s10  }
0x4: {  	s16 =	simm.s32 $0x14000;
	s17 =	simm.s32 $0x3;
	s8 =	smul.u32 $0x14000, s0  }
0x5: {  	s18 =	simm.s32 $0x1C080;
	s19 =	simm.s32 $0x1C180;
	s24 =	smul.u32 $0x50000, s0  }
0x6: {  	s20 =	simm.s32 $0x1C200;
	s21 =	simm.s32 $0x18000;
	s14 =	smul.u32 $0x500000, s10  }
0x7: {  	s22 =	simm.s32 $0x1;
	s1 =	sshll.u32 s10, $0x4;
	s29 =	smul.u32 $0xA0000, s10  }
0x8: {  	s28 =	simm.s32 $0x0;
	s31 =	smul.u32 $0xA000, s0;
	s5 =	sor.u32 s0, s1  }
0x9: {  	[smem:$0x7FF] =	sst s3;
	s12 =	sadd.s32 $0x1C800, s4;
	s6 =	smul.u32 $0xA00, s5  }
0xa: {  	_ =	strace $0x8000004A;
	s23 =	ssub.s32 $0x2, s10;
	s9 =	smul.u32 $0xA000, s5  }
0xb: {  	s11 =	sshrl.u32 s23, $0x1;
	s7 =	sadd.s32 s8, s7;
	s13 =	smul.u32 $0x50000, s5  }
0xc: {  	s8 =	ssub.s32 s23, s11;
	s26 =	sshrl.u32 s24, $0x2;
	s11 =	sadd.s32 s24, s14  }
0xd: {  	s14 =	sadd.s32 s29, s12;
	s23 =	simm.s32 $0x2;
	s24 =	simm.s32 $0x1C900  }
0xe: {  	s7 =	sshrl.u32 s7, $0x3;
	s25 =	sadd.s32 s26, s2;
	s8 =	smax.u32 s8, $0x1  }
0xf: {  	s11 =	sadd.s32 $0x10000, s11;
	s26 =	simm.s32 $0x1C980;
	s6 =	sshrl.u32 s6, $0x3  }
0x10: {  	s7 =	sadd.s32 s7, s4;
	s13 =	sor.u32 $0x8000, s13;
	s15 =	sshrl.u32 s11, $0x3  }
0x11: {  	s25 =	sshrl.u32 s25, $0x3;
	s6 =	sadd.s32 s6, s4;
	s4 =	smul.u32 $0x280, s0  }
0x12: {  	s7 =	sadd.s32 $0x29C800, s7;
	s30 =	sshrl.u32 s13, $0x3;
	s13 =	sadd.s32 s31, s14  }
0x13: {  	s14 =	simm.s32 $0x80;
	s5 =	sadd.s32 $0x1A000, s6;
	s6 =	sadd.s32 s12, s9  }
0x14: {  	s10 =	sadd.s32 s12, s30;
	s12 =	sadd.s32 s15, s12;
	s13 =	sadd.s32 $0x1800, s13  }
0x15: {  	v0 =	vimm.f32 $0.0e+00;
	v1 =	vlaneseq.u32;
	s15 =	simm.s32 $0x1C000;
	s9 =	sadd.s32 $0x800, s6;
	s11 =	sadd.s32 $0x9800, s6  }
.LBB2_1:
0x16: {  	s29 =	simm.s32 $0x0;
	s30 =	simm.s32 $0x0  }
.LBB2_2:
0x17: {  	p0 =	sne.s32 s30, $0xFFC0  }
.Ltmp0:
0x18: {  	_ = 	snop;
	(pc) =	sbr.rel @p0 .LBB2_2-.Ltmp0, $4  }
0x19: {  	s31 =	sand.u32 $0xFE00, s30  }
0x1a: {  	s1 =	sand.u32 $0x70, s29;
	s31 =	sshrl.u32 s31, $0x2  }
0x1b: {  	s1 =	sor.u32 s1, s31  }
0x1c: {  	s29 =	sadd.s32 $0x10, s29;
	s30 =	sadd.s32 $0x40, s30;
	[tilespmem:s1+$0x14000] =	vst v0  }
0x1d: {  	s29 =	simm.s32 $0x40;
	v2 =	vor.u32 s4, v1;
	s31 =	simm.s32 $0x0;
	s30 =	smov.u32 s4  }
.LBB2_4:
0x1e: {  	p0 =	sne.s32 s29, $0x9C0  }
0x1f: {  	[tilespmem:s31+$0x1C000] =	vst v2;
	s30 =	sadd.s32 $0x10, s30;
	s1 =	smov.u32 s29;
	s29 =	sadd.s32 $0x40, s29  }
.Ltmp1:
0x20: {  	(pc) =	sbr.rel @p0 .LBB2_4-.Ltmp1, $2  }
0x21: {  	_ =	sdelay $0x2  }
0x22: {  	v2 =	vor.u32 s30, v1;
	s31 =	sshra.s32 s1, $0x2  }
0x23: {  	[tilespmem:s31+$0x1C000] =	vst v2  }
0x24: {  	[spmem:s2] =	stream.indirect.scatter [tilespmem:s16], [sflag:$0x3], $0x80, s15, s14, $0xb8;
	[tilespmem:$0x1CA00] =	vst v63  }
0x25: {  	_ =	swait.ge [sflag:s17], $0x4000  }
0x26: {  	[sflag:s17] =	ssyncset.done $0x0  }
0x27: {  	[sflag:s17] =	ssyncadd.s32 $0xFFFFC000  }
0x28: {  	[spmem:s2] =	stream.indirect.scatter [tilespmem:s16], [sflag:$0x3], $0x80, s18, s14, $0xb8;
	[tilespmem:$0x1CA00] =	vst v63  }
0x29: {  	_ =	swait.ge [sflag:s17], $0x4000  }
0x2a: {  	[sflag:s17] =	ssyncset.done $0x0  }
0x2b: {  	s1 =	simm.s32 $0x1C100;
	[sflag:s17] =	ssyncadd.s32 $0xFFFFC000  }
0x2c: {  	[spmem:s2] =	stream.indirect.scatter [tilespmem:s16], [sflag:$0x3], $0x80, s1, s14, $0xb8;
	[tilespmem:$0x1CA00] =	vst v63  }
0x2d: {  	_ =	swait.ge [sflag:s17], $0x4000  }
0x2e: {  	[sflag:s17] =	ssyncset.done $0x0  }
0x2f: {  	[sflag:s17] =	ssyncadd.s32 $0xFFFFC000  }
0x30: {  	[spmem:s2] =	stream.indirect.scatter [tilespmem:s16], [sflag:$0x3], $0x80, s19, s14, $0xb8;
	[tilespmem:$0x1CA00] =	vst v63  }
0x31: {  	_ =	swait.ge [sflag:s17], $0x4000  }
0x32: {  	[sflag:s17] =	ssyncset.done $0x0  }
0x33: {  	[sflag:s17] =	ssyncadd.s32 $0xFFFFC000  }
0x34: {  	[spmem:s2] =	stream.indirect.scatter [tilespmem:s16], [sflag:$0x3], $0x80, s20, s14, $0xb8;
	[tilespmem:$0x1CA00] =	vst v63  }
0x35: {  	_ =	swait.ge [sflag:s17], $0x4000  }
0x36: {  	[sflag:s17] =	ssyncset.done $0x0  }
0x37: {  	[sflag:s17] =	ssyncadd.s32 $0xFFFFC000  }
0x38: {  	s29 =	simm.s32 $0x0;
	[bflag:$0x0] =	sbarrier.arrive $0xFFFF  }
0x39: {  	[tilespmem:s15], [sflag:$0x3] =	stream.linear.gather [hbm4b:s5+s29], $0xA00, $0x38;
	[tilespmem:$0x1CA00] =	vst v63  }
0x3a: {  	_ =	swait.ge [sflag:s17], $0xA00  }
0x3b: {  	[sflag:s17] =	ssyncset.done $0x0  }
0x3c: {  	[sflag:s17] =	ssyncadd.s32 $0xFFFFF600  }
0x3d: {  	[tilespmem:s16], [sflag:$0x1] =	stream.linear.gather [hbm4b:s6+s29], $0x4000, $0x38;
	[tilespmem:$0x1CA00] =	vst v63  }
0x3e: {  	_ = 	snop  }
0x3f: {  	[tilespmem:s21], [sflag:$0x1] =	stream.linear.gather [hbm4b:s9+s29], $0x4000, $0x38;
	[tilespmem:$0x1CA00] =	vst v63  }
0x40: {  	_ =	swait.ge [sflag:s22], $0x4000  }
0x41: {  	[sflag:s22] =	ssyncset.done $0x0  }
0x42: {  	[sflag:s22] =	ssyncadd.s32 $0xFFFFC000  }
0x43: {  	[spmem:s2] =	stream.indirect.scatter.add.f32 [tilespmem:s16], [sflag:$0x2], $0x80, s15, s14, $0xb8;
	[tilespmem:$0x1CA00] =	vst v63  }
0x44: {  	_ =	swait.ge [sflag:s23], $0x4000  }
0x45: {  	[sflag:s23] =	ssyncset.done $0x0  }
0x46: {  	[sflag:s23] =	ssyncadd.s32 $0xFFFFC000  }
0x47: {  	[tilespmem:s16], [sflag:$0x1] =	stream.linear.gather [hbm4b:s10+s29], $0x4000, $0x38;
	[tilespmem:$0x1CA00] =	vst v63  }
0x48: {  	_ =	swait.ge [sflag:s22], $0x4000  }
0x49: {  	[sflag:s22] =	ssyncset.done $0x0  }
0x4a: {  	[sflag:s22] =	ssyncadd.s32 $0xFFFFC000  }
0x4b: {  	[spmem:s2] =	stream.indirect.scatter.add.f32 [tilespmem:s21], [sflag:$0x2], $0x80, s18, s14, $0xb8;
	[tilespmem:$0x1CA00] =	vst v63  }
0x4c: {  	_ =	swait.ge [sflag:s23], $0x4000  }
0x4d: {  	[sflag:s23] =	ssyncset.done $0x0  }
0x4e: {  	s29 =	sadd.s32 $0x0, s13;
	[sflag:s23] =	ssyncadd.s32 $0xFFFFC000  }
0x4f: {  	[tilespmem:s21], [sflag:$0x1] =	stream.linear.gather [hbm4b:s29+s3], $0x4000, $0x38;
	[tilespmem:$0x1CA00] =	vst v63  }
0x50: {  	_ =	swait.ge [sflag:s22], $0x4000  }
0x51: {  	[sflag:s22] =	ssyncset.done $0x0  }
0x52: {  	[sflag:s22] =	ssyncadd.s32 $0xFFFFC000  }
0x53: {  	[spmem:s2] =	stream.indirect.scatter.add.f32 [tilespmem:s16], [sflag:$0x2], $0x80, s1, s14, $0xb8;
	[tilespmem:$0x1CA00] =	vst v63  }
0x54: {  	_ =	swait.ge [sflag:s23], $0x4000  }
0x55: {  	[sflag:s23] =	ssyncset.done $0x0  }
0x56: {  	s1 =	sadd.s32 $0x0, s12;
	[sflag:s23] =	ssyncadd.s32 $0xFFFFC000  }
0x57: {  	[tilespmem:s16], [sflag:$0x1] =	stream.linear.gather [hbm4b:s1+s3], $0x4000, $0x38;
	[tilespmem:$0x1CA00] =	vst v63  }
0x58: {  	_ =	swait.ge [sflag:s22], $0x4000  }
0x59: {  	s31 =	simm.s32 $0x1C180;
	[sflag:s22] =	ssyncset.done $0x0  }
0x5a: {  	s30 =	simm.s32 $0x1C200;
	s29 =	simm.s32 $0x1000;
	[sflag:s22] =	ssyncadd.s32 $0xFFFFC000  }
.LBB2_6:
0x5b: {  	[spmem:s2] =	stream.indirect.scatter.add.f32 [tilespmem:s21], [sflag:$0x2], $0x80, s31, s14, $0xb8;
	[tilespmem:$0x1CA00] =	vst v63  }
0x5c: {  	s1 =	smov.u32 s29  }
0x5d: {  	p0 =	sne.s32 s29, $0x7000;
	s29 =	sadd.s32 $0x1000, s29;
	_ =	swait.ge [sflag:s23], $0x4000  }
0x5e: {  	[sflag:s23] =	ssyncset.done $0x0  }
0x5f: {  	s31 =	sadd.s32 s1, s13;
	[sflag:s23] =	ssyncadd.s32 $0xFFFFC000  }
0x60: {  	[tilespmem:s21], [sflag:$0x1] =	stream.linear.gather [hbm4b:s31+s3], $0x4000, $0x38;
	[tilespmem:$0x1CA00] =	vst v63  }
0x61: {  	_ =	swait.ge [sflag:s22], $0x4000  }
0x62: {  	[sflag:s22] =	ssyncset.done $0x0  }
0x63: {  	[sflag:s22] =	ssyncadd.s32 $0xFFFFC000  }
0x64: {  	[spmem:s2] =	stream.indirect.scatter.add.f32 [tilespmem:s16], [sflag:$0x2], $0x80, s30, s14, $0xb8;
	[tilespmem:$0x1CA00] =	vst v63  }
0x65: {  	_ =	swait.ge [sflag:s23], $0x4000  }
0x66: {  	[sflag:s23] =	ssyncset.done $0x0  }
.Ltmp2:
0x67: {  	s1 =	sadd.s32 s1, s12;
	[sflag:s23] =	ssyncadd.s32 $0xFFFFC000;
	(pc) =	sbr.rel @p0 .LBB2_6-.Ltmp2, $4  }
0x68: {  	[tilespmem:s16], [sflag:$0x1] =	stream.linear.gather [hbm4b:s1+s3], $0x4000, $0x38;
	[tilespmem:$0x1CA00] =	vst v63  }
0x69: {  	_ =	swait.ge [sflag:s22], $0x4000  }
0x6a: {  	[sflag:s22] =	ssyncset.done $0x0  }
0x6b: {  	s31 =	sadd.s32 $0x80, s30;
	s30 =	sadd.s32 $0x100, s30;
	[sflag:s22] =	ssyncadd.s32 $0xFFFFC000  }
0x6c: {  	[spmem:s2] =	stream.indirect.scatter.add.f32 [tilespmem:s21], [sflag:$0x2], $0x80, s31, s14, $0xb8;
	[tilespmem:$0x1CA00] =	vst v63  }
0x6d: {  	_ =	swait.ge [sflag:s23], $0x4000  }
0x6e: {  	[sflag:s23] =	ssyncset.done $0x0  }
0x6f: {  	[sflag:s23] =	ssyncadd.s32 $0xFFFFC000  }
0x70: {  	[tilespmem:s21], [sflag:$0x1] =	stream.linear.gather [hbm4b:s11+s3], $0x4000, $0x38;
	[tilespmem:$0x1CA00] =	vst v63  }
0x71: {  	_ =	swait.ge [sflag:s22], $0x4000  }
0x72: {  	[sflag:s22] =	ssyncset.done $0x0  }
0x73: {  	[sflag:s22] =	ssyncadd.s32 $0xFFFFC000  }
0x74: {  	[spmem:s2] =	stream.indirect.scatter.add.f32 [tilespmem:s16], [sflag:$0x2], $0x80, s24, s14, $0xb8;
	[tilespmem:$0x1CA00] =	vst v63  }
0x75: {  	_ =	swait.ge [sflag:s22], $0x4000  }
0x76: {  	[sflag:s22] =	ssyncset.done $0x0  }
0x77: {  	[sflag:s22] =	ssyncadd.s32 $0xFFFFC000  }
0x78: {  	[spmem:s2] =	stream.indirect.scatter.add.f32 [tilespmem:s21], [sflag:$0x2], $0x80, s26, s14, $0xb8;
	[tilespmem:$0x1CA00] =	vst v63  }
0x79: {  	_ =	swait.ge [sflag:s23], $0x4000  }
0x7a: {  	[sflag:s23] =	ssyncset.done $0x0  }
0x7b: {  	[sflag:s23] =	ssyncadd.s32 $0xFFFFC000  }
0x7c: {  	_ =	swait.ge [sflag:s23], $0x4000  }
0x7d: {  	s28 =	sadd.s32 $0x1, s28;
	[sflag:s23] =	ssyncset.done $0x0  }
0x7e: {  	s1 =	sshll.u32 s0, $0x6;
	p0 =	sne.s32 s28, s8;
	[sflag:s23] =	ssyncadd.s32 $0xFFFFC000  }
.Ltmp3:
0x7f: {  	s1 =	sor.u32 $0x1C03, s1;
	[bflag:$0x0] =	sbarrier.arrive $0xFFFF;
	(pc) =	sbr.rel @p0 .LBB2_1-.Ltmp3, $4  }
0x80: {  	[hbm:s7], [sflag:s1] =	dma.local [spmem:s25], $0x2800  }
0x81: {  	_ =	swait.ge [sflag:s17], $0x2800  }
0x82: {  	[sflag:s17] =	ssyncset.done $0x0  }
0x83: {  	[sflag:s17] =	ssyncadd.s32 $0xFFFFD800  }
0x84: {  	_ =	sfence.sel $0x180000  }
0x85: {  	[bflag:$0x0] =	sbarrier.arrive $0xFFFF  }
0x86: {  	_ =	strace $0x9000004A  }
0x87: {  	[bflag:$0x2] =	sbarrier.arrive $0xFFFF  }
0x88: {  	p0 =	sne.s32 s0, $0x0;
	s0 =	rddreg [dreg:$0x2]  }
0x89: {  	s0 =	sadd.s32 @!p0 $0x100000, s0  }
0x8a: {  	[sflag:s0] =	ssyncadd.tile.s32 @!p0 $0x1;
	_ =	shalt  }
.Lfunc_end2:
_tile_overlayer_lowered:
.L_overlay_start_2:
0x8b: {  	(tag) =	ssettag $0x2  }
0x8c: {  	s0 =	rddreg [dreg:$0x0];
	s2 =	stileid.u32  }
0x8d: {  	s1 =	rddreg [dreg:$0x1];
	p0 =	sne.s32 s2, $0x0  }
0x8e: {  	s3 =	rddreg [dreg:$0x2];
	[bflag:$0x3] =	sbarrier.arrive $0xFFFF;
	s2 =	simm.s32 @!p0 $0x1C03  }
0x8f: {  	[timem:s3], [sflag:s2] =	dma.local @!p0 [hbm:s0], s1  }
0x90: {  	s0 =	simm.s32 @!p0 $0x3  }
0x91: {  	_ =	swait.ge @!p0 [sflag:s0], s1  }
0x92: {  	s1 =	ssub.s32 @!p0 $0x0, s1;
	[sflag:s0] =	ssyncset.done @!p0 $0x0  }
0x93: {  	[sflag:s0] =	ssyncadd.s32 @!p0 s1  }
0x94: {  	[bflag:$0x3] =	sbarrier.arrive $0xFFFF  }
0x95: {  	_ =	shalt  }

// kernel: sc_scatter_sa.3.cloned.1.call-start
scs
__scs_entry_jumppad:
0x0: {  	(pc) =	sbr.rel $0x88, $3  }
0x1: {  	(tag) =	ssettag $0x0;
	lr =	simm.s32 $0x1  }
0x2: {  	[smem:$0x3F8C] =	sst lr;
	_ =	strace $0xD0000000  }
0x3: {  	_ = 	snop  }
0x4: {  	_ = 	snop  }
0x5: {  	_ = 	snop  }
0x6: {  	_ = 	snop  }
0x7: {  	_ = 	snop  }
__scs_overlays_trampoline_lowered:
0x8: {  	[smem:$0x3F9B] =	sst s0  }
0x9: {  	[smem:$0x3F9C] =	sst s1  }
0xa: {  	[smem:$0x3F9D] =	sst s2  }
0xb: {  	[smem:$0x3F9E] =	sst s3  }
0xc: {  	[smem:$0x3F9F] =	sst s4  }
0xd: {  	[smem:$0x3FA0] =	sst s5  }
0xe: {  	[smem:$0x3FA1] =	sst s6  }
0xf: {  	[smem:$0x3FA2] =	sst s7  }
0x10: {  	[smem:$0x3FA3] =	sst s8  }
0x11: {  	[smem:$0x3FA4] =	sst s9;
	s0 =	simm.s32 @!p0 $0x0  }
0x12: {  	s1 =	sld [smem:$0x3F8A];
	s0 =	simm.s32 @p0 $0x1  }
0x13: {  	[smem:$0x3FA5] =	sst s0;
	s0 =	simm.s32 @!p1 $0x0  }
0x14: {  	s2 =	sld [smem:$0x3F89];
	s0 =	simm.s32 @p1 $0x1  }
0x15: {  	[smem:$0x3FA6] =	sst s0;
	s0 =	simm.s32 @!p2 $0x0  }
0x16: {  	s3 =	sld [smem:$0x3FDB];
	s0 =	simm.s32 @p2 $0x1  }
0x17: {  	s4 =	simm.s32 $0x1BF5;
	[smem:$0x3FA8] =	sst s0  }
0x18: {  	s0 =	sld [smem:$0x3F8B];
	_ =	swait.ge [sflag:s4], $0x0  }
0x19: {  	s7 =	sld [smem:$0x3F8C]  }
0x1a: {  	s8 =	sadd.s32 $0xFFFFE003, lr  }
0x1b: {  	s9 =	sadd.s32 $0xFFFFFEF7, lr;
	s5 =	simm.s32 $0xFFFFFFFF;
	p2 =	slt.u32 s8, $0xFFFFF086  }
0x1c: {  	p1 =	slt.u32 s9, $0xF7A;
	s5 =	simm.s32 @!p2 $0x0  }
0x1d: {  	s5 =	simm.s32 @p1 $0x1;
	p0 =	seq.s32 s7, s2  }
0x1e: {  	s7 =	smul.u32 @!p0 $0xF7A, s2;
	p2 =	seq.s32 @!p0 s5, $0x0  }
0x1f: {  	s9 =	smul.u32 $0xF7A, s1;
	s8 =	simm.s32 @!p0 $0x1BF5;
	p2 =	por !p2, p0  }
0x20: {  	[sflag:s8] =	ssyncset.s32 @!p0 $0xFFFFF086;
	s6 =	sadd.s32 @!p0 s3, s7;
	s7 =	simm.s32 @!p0 $0x108  }
0x21: {  	s3 =	sadd.s32 s3, s9;
	s6 =	sadd.s32 @!p0 $0x88, s6;
	s7 =	simm.s32 @p2 $0x1082  }
0x22: {  	[simem:s7], [sflag:s8] =	dma.local @!p0 [hbm:s6], $0xF7A  }
0x23: {  	s9 =	sor.u32 $0xD0000000, s2;
	s6 =	simm.s32 $0x108;
	_ =	swait.ge @!p0 [sflag:s8], $0x0  }
0x24: {  	s3 =	sadd.s32 $0x88, s3;
	s6 =	simm.s32 @!p1 $0x1082;
	[sflag:s4] =	ssyncset.s32 $0xFFFFF086  }
0x25: {  	[simem:s6], [sflag:s4] =	dma.local [hbm:s3], $0xF7A  }
0x26: {  	[smem:$0x3F8C] =	sst s1;
	(tag) =	ssettag s2;
	_ =	strace s9  }
0x27: {  	s1 =	sld [smem:$0x3F9C]  }
0x28: {  	s2 =	sld [smem:$0x3F9D]  }
0x29: {  	s4 =	sld [smem:$0x3F9F]  }
0x2a: {  	p0 =	seq.s32 s5, $0x0;
	s5 =	sld [smem:$0x3FA0]  }
0x2b: {  	s6 =	sld [smem:$0x3FA1]  }
0x2c: {  	s7 =	sld [smem:$0x3FA2]  }
0x2d: {  	s3 =	simm.s32 $0x108;
	s8 =	sld [smem:$0x3FA3]  }
0x2e: {  	s3 =	simm.s32 @!p0 $0x1082;
	s9 =	sld [smem:$0x3FA4]  }
0x2f: {  	lr =	sadd.s32 s0, s3;
	s0 =	sld [smem:$0x3F9B]  }
0x30: {  	s3 =	sld [smem:$0x3F9E]  }
0x31: {  	[smem:$0x3FA7] =	sst s10  }
0x32: {  	s10 =	sld [smem:$0x3FA5];
	_ =	sdelay $0x3  }
0x33: {  	p0 =	seq.s32 s10, $0x1;
	s10 =	sld [smem:$0x3FA7];
	_ =	sdelay $0x3  }
0x34: {  	[smem:$0x3FA7] =	sst s10  }
0x35: {  	s10 =	sld [smem:$0x3FA6];
	_ =	sdelay $0x3  }
0x36: {  	p1 =	seq.s32 s10, $0x1;
	s10 =	sld [smem:$0x3FA7];
	_ =	sdelay $0x3  }
0x37: {  	[smem:$0x3FA7] =	sst s10  }
0x38: {  	s10 =	sld [smem:$0x3FA8]  }
0x39: {  	_ = 	snop;
	(pc) =	sbr.ind lr, $3  }
0x3a: {  	_ = 	snop  }
0x3b: {  	_ = 	snop  }
0x3c: {  	p2 =	seq.s32 s10, $0x1;
	s10 =	sld [smem:$0x3FA7]  }
0x3d: {  	_ =	shalt  }
0x3e: {  	_ =	shalt  }
0x3f: {  	_ =	shalt  }
0x40: {  	_ =	shalt  }
0x41: {  	_ =	shalt  }
0x42: {  	_ =	shalt  }
0x43: {  	_ =	shalt  }
0x44: {  	_ =	shalt  }
0x45: {  	_ =	shalt  }
0x46: {  	_ =	shalt  }
0x47: {  	_ =	shalt  }
0x48: {  	_ =	shalt  }
0x49: {  	_ =	shalt  }
0x4a: {  	_ =	shalt  }
0x4b: {  	_ =	shalt  }
0x4c: {  	_ =	shalt  }
0x4d: {  	_ =	shalt  }
0x4e: {  	_ =	shalt  }
0x4f: {  	_ =	shalt  }
0x50: {  	_ =	shalt  }
0x51: {  	_ =	shalt  }
0x52: {  	_ =	shalt  }
0x53: {  	_ =	shalt  }
0x54: {  	_ =	shalt  }
0x55: {  	_ =	shalt  }
0x56: {  	_ =	shalt  }
0x57: {  	_ =	shalt  }
0x58: {  	_ =	shalt  }
0x59: {  	_ =	shalt  }
0x5a: {  	_ =	shalt  }
0x5b: {  	_ =	shalt  }
0x5c: {  	_ =	shalt  }
0x5d: {  	_ =	shalt  }
0x5e: {  	_ =	shalt  }
0x5f: {  	_ =	shalt  }
0x60: {  	_ =	shalt  }
0x61: {  	_ =	shalt  }
0x62: {  	_ =	shalt  }
0x63: {  	_ =	shalt  }
0x64: {  	_ =	shalt  }
0x65: {  	_ =	shalt  }
0x66: {  	_ =	shalt  }
0x67: {  	_ =	shalt  }
0x68: {  	_ =	shalt  }
0x69: {  	_ =	shalt  }
0x6a: {  	_ =	shalt  }
0x6b: {  	_ =	shalt  }
0x6c: {  	_ =	shalt  }
0x6d: {  	_ =	shalt  }
0x6e: {  	_ =	shalt  }
0x6f: {  	_ =	shalt  }
0x70: {  	_ =	shalt  }
0x71: {  	_ =	shalt  }
0x72: {  	_ =	shalt  }
0x73: {  	_ =	shalt  }
0x74: {  	_ =	shalt  }
0x75: {  	_ =	shalt  }
0x76: {  	_ =	shalt  }
0x77: {  	_ =	shalt  }
0x78: {  	_ =	shalt  }
0x79: {  	_ =	shalt  }
0x7a: {  	_ =	shalt  }
0x7b: {  	_ =	shalt  }
0x7c: {  	_ =	shalt  }
0x7d: {  	_ =	shalt  }
0x7e: {  	_ =	shalt  }
0x7f: {  	_ =	shalt  }
0x80: {  	_ =	shalt  }
0x81: {  	_ =	shalt  }
0x82: {  	_ =	shalt  }
0x83: {  	_ =	shalt  }
0x84: {  	_ =	shalt  }
0x85: {  	_ =	shalt  }
0x86: {  	_ =	shalt  }
0x87: {  	_ =	shalt  }
.Lfunc_end0:
.L_simem_size_0:
called_computation.2_lowered:
.L_overlay_start_0:
0x88: {  	s2 =	sld [smem:$0x3FD9]  }
0x89: {  	s3 =	sld [smem:$0x3FFE];
	_ =	sdelay $0x1  }
0x8a: {  	s1 =	srdreg.scid  }
0x8b: {  	s0 =	sand.u32 $0x1, s1  }
0x8c: {  	s17 =	sshll.u32 s0, $0xA;
	s2 =	sadd.s32 s3, s2  }
0x8d: {  	s2 =	sadd.s32 s2, s17  }
0x8e: {  	[smem:$0x3FB3] =	sst s2  }
0x8f: {  	_ = 	snop  }
0x90: {  	s18 =	sld [smem:$0x3FD0];
	(tm) =	ssettm $0x1  }
0x91: {  	s19 =	sld [smem:$0x3FFB];
	_ =	sdelay $0x3  }
0x92: {  	_ =	strace s19  }
0x93: {  	s2 =	sld [smem:$0x3FFC];
	_ =	sdelay $0x3  }
0x94: {  	_ =	strace s2  }
0x95: {  	s2 =	sld [smem:$0x3FFD];
	_ =	sdelay $0x3  }
0x96: {  	_ =	strace s2  }
0x97: {  	_ =	strace $0x8FFFFFFF  }
0x98: {  	s20 =	sld [smem:$0x3FDB];
	_ =	sdelay $0x1  }
0x99: {  	s4 =	simm.s32 $_scs_section_size  }
0x9a: {  	s5 =	simm.s32 $_size__tile_overlayer_lowered;
	s6 =	simm.s32 $_tile_overlayer_lowered  }
0x9b: {  	s7 =	simm.s32 $0x1BFF;
	s21 =	sshll.u32 s6, $0x1;
	s4 =	sadd.s32 s4, s20  }
0x9c: {  	s22 =	simm.s32 $0x0;
	s5 =	sshll.u32 s5, $0x1;
	s6 =	sadd.s32 s21, s4  }
0x9d: {  	[timem:s22], [sflag:s7] =	dma.local [hbm:s6], s5  }
0x9e: {  	_ =	swait.ge [sflag:s7], s5  }
0x9f: {  	s5 =	ssub.s32 $0x0, s5;
	[sflag:s7] =	ssyncset.done $0x0  }
0xa0: {  	[sflag:s7] =	ssyncadd.s32 s5;
	_ =	sdelay $0x1  }
0xa1: {  	s23 =	simm.s32 $0x1B8B  }
0xa2: {  	_ =	swait.ge [sflag:s23], $0x1  }
0xa3: {  	[sflag:s23] =	ssyncset.done $0x0  }
0xa4: {  	[sflag:s23] =	ssyncadd.s32 $0xFFFFFFFF  }
0xa5: {  	s5 =	sld [smem:$0x0]  }
0xa6: {  	s6 =	sand.u32 $0xFFFFFFFE, s1  }
0xa7: {  	p0 =	sne.s32 s1, s6  }
0xa8: {  	s6 =	sshll.u32 @p0 s6, $0xE  }
0xa9: {  	s6 =	sadd.s32 @p0 $0x11B8D, s6;
	s7 =	sshll.u32 @p0 s5, $0x11  }
0xaa: {  	s6 =	sor.u32 @p0 s7, s6  }
0xab: {  	[sflag:s6] =	ssyncadd.remote.s32 @p0 $0x1;
	_ =	sdelay $0x1  }
0xac: {  	s6 =	simm.s32 @p0 $0x1B8D  }
0xad: {  	_ =	swait.eq @p0 [sflag:s6], $0x1  }
0xae: {  	[sflag:s6] =	ssyncadd.s32 @p0 $0xFFFFFFFF  }
0xaf: {  	s7 =	sshll.u32 @!p0 s1, $0xE  }
0xb0: {  	s7 =	sor.u32 @!p0 $0x4000, s7;
	s6 =	simm.s32 @!p0 $0x1B8D  }
0xb1: {  	s5 =	sshll.u32 @!p0 s5, $0x11;
	s7 =	sadd.s32 @!p0 $0x11B8D, s7;
	_ =	swait.eq @!p0 [sflag:s6], $0x1  }
0xb2: {  	s5 =	sor.u32 @!p0 s5, s7;
	[sflag:s6] =	ssyncadd.s32 @!p0 $0xFFFFFFFF  }
0xb3: {  	s25 =	simm.s32 $0x1B8E;
	s24 =	sld [smem:$0x3FFE];
	[sflag:s5] =	ssyncadd.remote.s32 @!p0 $0x1  }
0xb4: {  	s26 =	simm.s32 $execute0_lowered;
	[smem:$0x3FD2] =	sst s25  }
0xb5: {  	s6 =	sshll.u32 s26, $0x1;
	_ =	strace $0x80000052;
	[dreg:$0x1] =	wrdreg $0xFFFFFFFF  }
0xb6: {  	s28 =	simm.s32 $_size_execute0_lowered;
	s4 =	sadd.s32 s4, s6;
	[dreg:$0x0] =	wrdreg $0x0  }
0xb7: {  	s6 =	sshll.u32 s28, $0x1;
	[dreg:$0x2] =	wrdreg s4  }
0xb8: {  	[dreg:$0x3] =	wrdreg s6  }
0xb9: {  	[dreg:$0x4] =	wrdreg $0xC0  }
0xba: {  	_ =	task [dreg:s22], $0x5FFFF  }
0xbb: {  	[dreg:$0x1] =	wrdreg $0xFFFFFFFF  }
0xbc: {  	[dreg:$0x0] =	wrdreg $0x60  }
0xbd: {  	[dreg:$0x2] =	wrdreg s24  }
0xbe: {  	[dreg:$0x3] =	wrdreg s18  }
0xbf: {  	[dreg:$0x4] =	wrdreg $0x0  }
0xc0: {  	[dreg:$0x5] =	wrdreg $0xA  }
0xc1: {  	_ =	task.clear_ibuf [dreg:s22], $0x6FFFF;
	_ =	strace $0x90000052  }
0xc2: {  	s29 =	simm.s32 $0xA;
	_ =	strace $0x80000054  }
0xc3: {  	_ =	swait.ge [sflag:s29], $0x1  }
0xc4: {  	[sflag:s29] =	ssyncadd.s32 $0xFFFFFFFF  }
0xc5: {  	_ =	strace $0x90000054  }
0xc6: {  	_ =	sfence  }
0xc7: {  	s30 =	sld [smem:$0x0];
	_ =	sdelay $0x2  }
0xc8: {  	s31 =	sshll.u32 s1, $0xD;
	s1 =	sshrl.u32 s1, $0x2  }
0xc9: {  	s4 =	sand.u32 $0x4000, s31;
	s1 =	sadd.s32 s1, s30  }
0xca: {  	s0 =	sor.u32 s4, s0;
	s1 =	sshll.u32 s1, $0x11  }
0xcb: {  	s0 =	sor.u32 s1, s0  }
0xcc: {  	s0 =	sadd.s32 $0x8F2B, s0  }
0xcd: {  	[sflag:s0] =	ssyncadd.remote.s32 $0x1  }
0xce: {  	_ =	sfence.sel $0xFFFF  }
0xcf: {  	[dreg:$0x0] =	wrdreg $0xFFFFFFFF;
	(pc) =	sbr.abs _section_cstart, $3  }
0xd0: {  	[dreg:$0x1] =	wrdreg $0xFFFFFFFF  }
0xd1: {  	_ =	task.clear_ibuf [dreg:s22], $0x2FFFF;
	_ =	strace $0x9FFFFFFF  }
0xd2: {  	(tm) =	ssettm $0x7FFFFFFF  }
0xd3: {  	_ =	shalt  }
tec
execute0_lowered:
.L_overlay_start_1:
0x0: {  	(tag) =	ssettag $0x1  }
0x1: {  	s2 =	srdreg.scid  }
0x2: {  	s4 =	rddreg [dreg:$0x0];
	s10 =	sand.u32 $0x1, s2  }
0x3: {  	s2 =	stileid.u32;
	s6 =	smul.u32 $0x140000, s10  }
0x4: {  	s5 =	rddreg [dreg:$0x1];
	s7 =	smul.u32 $0x14000, s2  }
0x5: {  	s1 =	rddreg [dreg:$0x2];
	s3 =	simm.s32 $0x0;
	s14 =	smul.u32 $0x50000, s2  }
0x6: {  	s16 =	simm.s32 $0x14000;
	s17 =	simm.s32 $0x3;
	s15 =	smul.u32 $0x500000, s10  }
0x7: {  	s28 =	simm.s32 $0x0;
	s8 =	sshll.u32 s10, $0x4;
	s24 =	smul.u32 $0xA0000, s10  }
0x8: {  	[smem:$0x7FF] =	sst s3;
	s30 =	smul.u32 $0xA000, s2;
	s8 =	sor.u32 s2, s8  }
0x9: {  	s12 =	sadd.s32 $0x47C800, s4;
	s9 =	ssub.s32 $0x2, s10;
	s18 =	smul.u32 $0xA00, s8  }
0xa: {  	_ =	strace $0x80000053;
	s19 =	sshrl.u32 s9, $0x1;
	s11 =	smul.u32 $0xA000, s8  }
0xb: {  	s6 =	sadd.s32 s7, s6;
	s8 =	smul.u32 $0x50000, s8;
	s9 =	ssub.s32 s9, s19  }
0xc: {  	s22 =	sshrl.u32 s14, $0x2;
	s23 =	sadd.s32 s14, s15;
	s14 =	sadd.s32 s24, s12  }
0xd: {  	s15 =	simm.s32 $0x1C000;
	s19 =	simm.s32 $0x1C180;
	s24 =	simm.s32 $0x1C900  }
0xe: {  	s6 =	sshrl.u32 s6, $0x3;
	s25 =	sadd.s32 s22, s1;
	s29 =	sadd.s32 $0x10000, s23  }
0xf: {  	s22 =	simm.s32 $0x1;
	s23 =	simm.s32 $0x2;
	s13 =	sadd.s32 s6, s4  }
0x10: {  	s20 =	sshrl.u32 s18, $0x3;
	s4 =	smul.u32 $0x280, s2;
	s6 =	sadd.s32 s12, s11  }
0x11: {  	s21 =	sor.u32 $0x8000, s8;
	s8 =	smax.u32 s9, $0x1;
	s31 =	sshrl.u32 s29, $0x3  }
0x12: {  	s18 =	simm.s32 $0x1C080;
	s25 =	sshrl.u32 s25, $0x3;
	s5 =	sadd.s32 s5, s20  }
0x13: {  	s7 =	sadd.s32 $0x60C800, s13;
	s9 =	sadd.s32 $0x800, s6;
	s26 =	sshrl.u32 s21, $0x3  }
0x14: {  	s11 =	sadd.s32 $0x9800, s6;
	s13 =	sadd.s32 s30, s14;
	s14 =	simm.s32 $0x80  }
0x15: {  	s20 =	simm.s32 $0x1C200;
	s21 =	simm.s32 $0x18000;
	s10 =	sadd.s32 s12, s26  }
0x16: {  	v0 =	vimm.f32 $0.0e+00;
	v1 =	vlaneseq.u32;
	s12 =	sadd.s32 s31, s12;
	s13 =	sadd.s32 $0x1800, s13;
	s26 =	simm.s32 $0x1C980  }
.LBB2_1:
0x17: {  	s29 =	simm.s32 $0x0;
	s30 =	simm.s32 $0x0  }
.LBB2_2:
0x18: {  	p0 =	sne.s32 s30, $0xFFC0  }
.Ltmp0:
0x19: {  	_ = 	snop;
	(pc) =	sbr.rel @p0 .LBB2_2-.Ltmp0, $4  }
0x1a: {  	s31 =	sand.u32 $0xFE00, s30  }
0x1b: {  	s0 =	sand.u32 $0x70, s29;
	s31 =	sshrl.u32 s31, $0x2  }
0x1c: {  	s0 =	sor.u32 s0, s31  }
0x1d: {  	s29 =	sadd.s32 $0x10, s29;
	s30 =	sadd.s32 $0x40, s30;
	[tilespmem:s0+$0x14000] =	vst v0  }
0x1e: {  	s29 =	simm.s32 $0x40;
	v2 =	vor.u32 s4, v1;
	s31 =	simm.s32 $0x0;
	s30 =	smov.u32 s4  }
.LBB2_4:
0x1f: {  	p0 =	sne.s32 s29, $0x9C0  }
0x20: {  	[tilespmem:s31+$0x1C000] =	vst v2;
	s30 =	sadd.s32 $0x10, s30;
	s0 =	smov.u32 s29;
	s29 =	sadd.s32 $0x40, s29  }
.Ltmp1:
0x21: {  	(pc) =	sbr.rel @p0 .LBB2_4-.Ltmp1, $2  }
0x22: {  	_ =	sdelay $0x2  }
0x23: {  	v2 =	vor.u32 s30, v1;
	s31 =	sshra.s32 s0, $0x2  }
0x24: {  	[tilespmem:s31+$0x1C000] =	vst v2  }
0x25: {  	[spmem:s1] =	stream.indirect.scatter [tilespmem:s16], [sflag:$0x3], $0x80, s15, s14, $0xb8;
	[tilespmem:$0x1CA00] =	vst v63  }
0x26: {  	_ =	swait.ge [sflag:s17], $0x4000  }
0x27: {  	[sflag:s17] =	ssyncset.done $0x0  }
0x28: {  	[sflag:s17] =	ssyncadd.s32 $0xFFFFC000  }
0x29: {  	[spmem:s1] =	stream.indirect.scatter [tilespmem:s16], [sflag:$0x3], $0x80, s18, s14, $0xb8;
	[tilespmem:$0x1CA00] =	vst v63  }
0x2a: {  	_ =	swait.ge [sflag:s17], $0x4000  }
0x2b: {  	[sflag:s17] =	ssyncset.done $0x0  }
0x2c: {  	s0 =	simm.s32 $0x1C100;
	[sflag:s17] =	ssyncadd.s32 $0xFFFFC000  }
0x2d: {  	[spmem:s1] =	stream.indirect.scatter [tilespmem:s16], [sflag:$0x3], $0x80, s0, s14, $0xb8;
	[tilespmem:$0x1CA00] =	vst v63  }
0x2e: {  	_ =	swait.ge [sflag:s17], $0x4000  }
0x2f: {  	[sflag:s17] =	ssyncset.done $0x0  }
0x30: {  	[sflag:s17] =	ssyncadd.s32 $0xFFFFC000  }
0x31: {  	[spmem:s1] =	stream.indirect.scatter [tilespmem:s16], [sflag:$0x3], $0x80, s19, s14, $0xb8;
	[tilespmem:$0x1CA00] =	vst v63  }
0x32: {  	_ =	swait.ge [sflag:s17], $0x4000  }
0x33: {  	[sflag:s17] =	ssyncset.done $0x0  }
0x34: {  	[sflag:s17] =	ssyncadd.s32 $0xFFFFC000  }
0x35: {  	[spmem:s1] =	stream.indirect.scatter [tilespmem:s16], [sflag:$0x3], $0x80, s20, s14, $0xb8;
	[tilespmem:$0x1CA00] =	vst v63  }
0x36: {  	_ =	swait.ge [sflag:s17], $0x4000  }
0x37: {  	[sflag:s17] =	ssyncset.done $0x0  }
0x38: {  	[sflag:s17] =	ssyncadd.s32 $0xFFFFC000  }
0x39: {  	s29 =	simm.s32 $0x0;
	[bflag:$0x0] =	sbarrier.arrive $0xFFFF  }
0x3a: {  	[tilespmem:s15], [sflag:$0x3] =	stream.linear.gather [hbm4b:s5+s29], $0xA00, $0x38;
	[tilespmem:$0x1CA00] =	vst v63  }
0x3b: {  	_ =	swait.ge [sflag:s17], $0xA00  }
0x3c: {  	[sflag:s17] =	ssyncset.done $0x0  }
0x3d: {  	[sflag:s17] =	ssyncadd.s32 $0xFFFFF600  }
0x3e: {  	[tilespmem:s16], [sflag:$0x1] =	stream.linear.gather [hbm4b:s6+s29], $0x4000, $0x38;
	[tilespmem:$0x1CA00] =	vst v63  }
0x3f: {  	_ = 	snop  }
0x40: {  	[tilespmem:s21], [sflag:$0x1] =	stream.linear.gather [hbm4b:s9+s29], $0x4000, $0x38;
	[tilespmem:$0x1CA00] =	vst v63  }
0x41: {  	_ =	swait.ge [sflag:s22], $0x4000  }
0x42: {  	[sflag:s22] =	ssyncset.done $0x0  }
0x43: {  	[sflag:s22] =	ssyncadd.s32 $0xFFFFC000  }
0x44: {  	[spmem:s1] =	stream.indirect.scatter.add.f32 [tilespmem:s16], [sflag:$0x2], $0x80, s15, s14, $0xb8;
	[tilespmem:$0x1CA00] =	vst v63  }
0x45: {  	_ =	swait.ge [sflag:s23], $0x4000  }
0x46: {  	[sflag:s23] =	ssyncset.done $0x0  }
0x47: {  	[sflag:s23] =	ssyncadd.s32 $0xFFFFC000  }
0x48: {  	[tilespmem:s16], [sflag:$0x1] =	stream.linear.gather [hbm4b:s10+s29], $0x4000, $0x38;
	[tilespmem:$0x1CA00] =	vst v63  }
0x49: {  	_ =	swait.ge [sflag:s22], $0x4000  }
0x4a: {  	[sflag:s22] =	ssyncset.done $0x0  }
0x4b: {  	[sflag:s22] =	ssyncadd.s32 $0xFFFFC000  }
0x4c: {  	[spmem:s1] =	stream.indirect.scatter.add.f32 [tilespmem:s21], [sflag:$0x2], $0x80, s18, s14, $0xb8;
	[tilespmem:$0x1CA00] =	vst v63  }
0x4d: {  	_ =	swait.ge [sflag:s23], $0x4000  }
0x4e: {  	[sflag:s23] =	ssyncset.done $0x0  }
0x4f: {  	s29 =	sadd.s32 $0x0, s13;
	[sflag:s23] =	ssyncadd.s32 $0xFFFFC000  }
0x50: {  	[tilespmem:s21], [sflag:$0x1] =	stream.linear.gather [hbm4b:s29+s3], $0x4000, $0x38;
	[tilespmem:$0x1CA00] =	vst v63  }
0x51: {  	_ =	swait.ge [sflag:s22], $0x4000  }
0x52: {  	[sflag:s22] =	ssyncset.done $0x0  }
0x53: {  	[sflag:s22] =	ssyncadd.s32 $0xFFFFC000  }
0x54: {  	[spmem:s1] =	stream.indirect.scatter.add.f32 [tilespmem:s16], [sflag:$0x2], $0x80, s0, s14, $0xb8;
	[tilespmem:$0x1CA00] =	vst v63  }
0x55: {  	_ =	swait.ge [sflag:s23], $0x4000  }
0x56: {  	[sflag:s23] =	ssyncset.done $0x0  }
0x57: {  	s0 =	sadd.s32 $0x0, s12;
	[sflag:s23] =	ssyncadd.s32 $0xFFFFC000  }
0x58: {  	[tilespmem:s16], [sflag:$0x1] =	stream.linear.gather [hbm4b:s0+s3], $0x4000, $0x38;
	[tilespmem:$0x1CA00] =	vst v63  }
0x59: {  	_ =	swait.ge [sflag:s22], $0x4000  }
0x5a: {  	s31 =	simm.s32 $0x1C180;
	[sflag:s22] =	ssyncset.done $0x0  }
0x5b: {  	s30 =	simm.s32 $0x1C200;
	s29 =	simm.s32 $0x1000;
	[sflag:s22] =	ssyncadd.s32 $0xFFFFC000  }
.LBB2_6:
0x5c: {  	[spmem:s1] =	stream.indirect.scatter.add.f32 [tilespmem:s21], [sflag:$0x2], $0x80, s31, s14, $0xb8;
	[tilespmem:$0x1CA00] =	vst v63  }
0x5d: {  	s0 =	smov.u32 s29  }
0x5e: {  	p0 =	sne.s32 s29, $0x7000;
	s29 =	sadd.s32 $0x1000, s29;
	_ =	swait.ge [sflag:s23], $0x4000  }
0x5f: {  	[sflag:s23] =	ssyncset.done $0x0  }
0x60: {  	s31 =	sadd.s32 s0, s13;
	[sflag:s23] =	ssyncadd.s32 $0xFFFFC000  }
0x61: {  	[tilespmem:s21], [sflag:$0x1] =	stream.linear.gather [hbm4b:s31+s3], $0x4000, $0x38;
	[tilespmem:$0x1CA00] =	vst v63  }
0x62: {  	_ =	swait.ge [sflag:s22], $0x4000  }
0x63: {  	[sflag:s22] =	ssyncset.done $0x0  }
0x64: {  	[sflag:s22] =	ssyncadd.s32 $0xFFFFC000  }
0x65: {  	[spmem:s1] =	stream.indirect.scatter.add.f32 [tilespmem:s16], [sflag:$0x2], $0x80, s30, s14, $0xb8;
	[tilespmem:$0x1CA00] =	vst v63  }
0x66: {  	_ =	swait.ge [sflag:s23], $0x4000  }
0x67: {  	[sflag:s23] =	ssyncset.done $0x0  }
.Ltmp2:
0x68: {  	s0 =	sadd.s32 s0, s12;
	[sflag:s23] =	ssyncadd.s32 $0xFFFFC000;
	(pc) =	sbr.rel @p0 .LBB2_6-.Ltmp2, $4  }
0x69: {  	[tilespmem:s16], [sflag:$0x1] =	stream.linear.gather [hbm4b:s0+s3], $0x4000, $0x38;
	[tilespmem:$0x1CA00] =	vst v63  }
0x6a: {  	_ =	swait.ge [sflag:s22], $0x4000  }
0x6b: {  	[sflag:s22] =	ssyncset.done $0x0  }
0x6c: {  	s31 =	sadd.s32 $0x80, s30;
	s30 =	sadd.s32 $0x100, s30;
	[sflag:s22] =	ssyncadd.s32 $0xFFFFC000  }
0x6d: {  	[spmem:s1] =	stream.indirect.scatter.add.f32 [tilespmem:s21], [sflag:$0x2], $0x80, s31, s14, $0xb8;
	[tilespmem:$0x1CA00] =	vst v63  }
0x6e: {  	_ =	swait.ge [sflag:s23], $0x4000  }
0x6f: {  	[sflag:s23] =	ssyncset.done $0x0  }
0x70: {  	[sflag:s23] =	ssyncadd.s32 $0xFFFFC000  }
0x71: {  	[tilespmem:s21], [sflag:$0x1] =	stream.linear.gather [hbm4b:s11+s3], $0x4000, $0x38;
	[tilespmem:$0x1CA00] =	vst v63  }
0x72: {  	_ =	swait.ge [sflag:s22], $0x4000  }
0x73: {  	[sflag:s22] =	ssyncset.done $0x0  }
0x74: {  	[sflag:s22] =	ssyncadd.s32 $0xFFFFC000  }
0x75: {  	[spmem:s1] =	stream.indirect.scatter.add.f32 [tilespmem:s16], [sflag:$0x2], $0x80, s24, s14, $0xb8;
	[tilespmem:$0x1CA00] =	vst v63  }
0x76: {  	_ =	swait.ge [sflag:s22], $0x4000  }
0x77: {  	[sflag:s22] =	ssyncset.done $0x0  }
0x78: {  	[sflag:s22] =	ssyncadd.s32 $0xFFFFC000  }
0x79: {  	[spmem:s1] =	stream.indirect.scatter.add.f32 [tilespmem:s21], [sflag:$0x2], $0x80, s26, s14, $0xb8;
	[tilespmem:$0x1CA00] =	vst v63  }
0x7a: {  	_ =	swait.ge [sflag:s23], $0x4000  }
0x7b: {  	[sflag:s23] =	ssyncset.done $0x0  }
0x7c: {  	[sflag:s23] =	ssyncadd.s32 $0xFFFFC000  }
0x7d: {  	_ =	swait.ge [sflag:s23], $0x4000  }
0x7e: {  	s28 =	sadd.s32 $0x1, s28;
	[sflag:s23] =	ssyncset.done $0x0  }
0x7f: {  	s0 =	sshll.u32 s2, $0x6;
	p0 =	sne.s32 s28, s8;
	[sflag:s23] =	ssyncadd.s32 $0xFFFFC000  }
.Ltmp3:
0x80: {  	s0 =	sor.u32 $0x1C03, s0;
	[bflag:$0x0] =	sbarrier.arrive $0xFFFF;
	(pc) =	sbr.rel @p0 .LBB2_1-.Ltmp3, $4  }
0x81: {  	[hbm:s7], [sflag:s0] =	dma.local [spmem:s25], $0x2800  }
0x82: {  	_ =	swait.ge [sflag:s17], $0x2800  }
0x83: {  	[sflag:s17] =	ssyncset.done $0x0  }
0x84: {  	[sflag:s17] =	ssyncadd.s32 $0xFFFFD800  }
0x85: {  	_ =	sfence.sel $0x180000  }
0x86: {  	[bflag:$0x0] =	sbarrier.arrive $0xFFFF  }
0x87: {  	_ =	strace $0x90000053  }
0x88: {  	[bflag:$0x2] =	sbarrier.arrive $0xFFFF  }
0x89: {  	p0 =	sne.s32 s2, $0x0;
	s0 =	rddreg [dreg:$0x3]  }
0x8a: {  	s0 =	sadd.s32 @!p0 $0x100000, s0  }
0x8b: {  	[sflag:s0] =	ssyncadd.tile.s32 @!p0 $0x1;
	_ =	shalt  }
.Lfunc_end2:
_tile_overlayer_lowered:
.L_overlay_start_2:
0x8c: {  	(tag) =	ssettag $0x2  }
0x8d: {  	s0 =	rddreg [dreg:$0x0];
	s2 =	stileid.u32  }
0x8e: {  	s1 =	rddreg [dreg:$0x1];
	p0 =	sne.s32 s2, $0x0  }
0x8f: {  	s3 =	rddreg [dreg:$0x2];
	[bflag:$0x3] =	sbarrier.arrive $0xFFFF;
	s2 =	simm.s32 @!p0 $0x1C03  }
0x90: {  	[timem:s3], [sflag:s2] =	dma.local @!p0 [hbm:s0], s1  }
0x91: {  	s0 =	simm.s32 @!p0 $0x3  }
0x92: {  	_ =	swait.ge @!p0 [sflag:s0], s1  }
0x93: {  	s1 =	ssub.s32 @!p0 $0x0, s1;
	[sflag:s0] =	ssyncset.done @!p0 $0x0  }
0x94: {  	[sflag:s0] =	ssyncadd.s32 @!p0 s1  }
0x95: {  	[bflag:$0x3] =	sbarrier.arrive $0xFFFF  }
0x96: {  	_ =	shalt  }

// kernel: sc_scatter_sb.3.cloned.1.call-start
scs
__scs_entry_jumppad:
0x0: {  	(pc) =	sbr.rel $0x88, $3  }
0x1: {  	(tag) =	ssettag $0x0;
	lr =	simm.s32 $0x1  }
0x2: {  	[smem:$0x3F8C] =	sst lr;
	_ =	strace $0xD0000000  }
0x3: {  	_ = 	snop  }
0x4: {  	_ = 	snop  }
0x5: {  	_ = 	snop  }
0x6: {  	_ = 	snop  }
0x7: {  	_ = 	snop  }
__scs_overlays_trampoline_lowered:
0x8: {  	[smem:$0x3F9B] =	sst s0  }
0x9: {  	[smem:$0x3F9C] =	sst s1  }
0xa: {  	[smem:$0x3F9D] =	sst s2  }
0xb: {  	[smem:$0x3F9E] =	sst s3  }
0xc: {  	[smem:$0x3F9F] =	sst s4  }
0xd: {  	[smem:$0x3FA0] =	sst s5  }
0xe: {  	[smem:$0x3FA1] =	sst s6  }
0xf: {  	[smem:$0x3FA2] =	sst s7  }
0x10: {  	[smem:$0x3FA3] =	sst s8  }
0x11: {  	[smem:$0x3FA4] =	sst s9;
	s0 =	simm.s32 @!p0 $0x0  }
0x12: {  	s1 =	sld [smem:$0x3F8A];
	s0 =	simm.s32 @p0 $0x1  }
0x13: {  	[smem:$0x3FA5] =	sst s0;
	s0 =	simm.s32 @!p1 $0x0  }
0x14: {  	s2 =	sld [smem:$0x3F89];
	s0 =	simm.s32 @p1 $0x1  }
0x15: {  	[smem:$0x3FA6] =	sst s0;
	s0 =	simm.s32 @!p2 $0x0  }
0x16: {  	s3 =	sld [smem:$0x3FDB];
	s0 =	simm.s32 @p2 $0x1  }
0x17: {  	s4 =	simm.s32 $0x1BF5;
	[smem:$0x3FA8] =	sst s0  }
0x18: {  	s0 =	sld [smem:$0x3F8B];
	_ =	swait.ge [sflag:s4], $0x0  }
0x19: {  	s7 =	sld [smem:$0x3F8C]  }
0x1a: {  	s8 =	sadd.s32 $0xFFFFE003, lr  }
0x1b: {  	s9 =	sadd.s32 $0xFFFFFEF7, lr;
	s5 =	simm.s32 $0xFFFFFFFF;
	p2 =	slt.u32 s8, $0xFFFFF086  }
0x1c: {  	p1 =	slt.u32 s9, $0xF7A;
	s5 =	simm.s32 @!p2 $0x0  }
0x1d: {  	s5 =	simm.s32 @p1 $0x1;
	p0 =	seq.s32 s7, s2  }
0x1e: {  	s7 =	smul.u32 @!p0 $0xF7A, s2;
	p2 =	seq.s32 @!p0 s5, $0x0  }
0x1f: {  	s9 =	smul.u32 $0xF7A, s1;
	s8 =	simm.s32 @!p0 $0x1BF5;
	p2 =	por !p2, p0  }
0x20: {  	[sflag:s8] =	ssyncset.s32 @!p0 $0xFFFFF086;
	s6 =	sadd.s32 @!p0 s3, s7;
	s7 =	simm.s32 @!p0 $0x108  }
0x21: {  	s3 =	sadd.s32 s3, s9;
	s6 =	sadd.s32 @!p0 $0x88, s6;
	s7 =	simm.s32 @p2 $0x1082  }
0x22: {  	[simem:s7], [sflag:s8] =	dma.local @!p0 [hbm:s6], $0xF7A  }
0x23: {  	s9 =	sor.u32 $0xD0000000, s2;
	s6 =	simm.s32 $0x108;
	_ =	swait.ge @!p0 [sflag:s8], $0x0  }
0x24: {  	s3 =	sadd.s32 $0x88, s3;
	s6 =	simm.s32 @!p1 $0x1082;
	[sflag:s4] =	ssyncset.s32 $0xFFFFF086  }
0x25: {  	[simem:s6], [sflag:s4] =	dma.local [hbm:s3], $0xF7A  }
0x26: {  	[smem:$0x3F8C] =	sst s1;
	(tag) =	ssettag s2;
	_ =	strace s9  }
0x27: {  	s1 =	sld [smem:$0x3F9C]  }
0x28: {  	s2 =	sld [smem:$0x3F9D]  }
0x29: {  	s4 =	sld [smem:$0x3F9F]  }
0x2a: {  	p0 =	seq.s32 s5, $0x0;
	s5 =	sld [smem:$0x3FA0]  }
0x2b: {  	s6 =	sld [smem:$0x3FA1]  }
0x2c: {  	s7 =	sld [smem:$0x3FA2]  }
0x2d: {  	s3 =	simm.s32 $0x108;
	s8 =	sld [smem:$0x3FA3]  }
0x2e: {  	s3 =	simm.s32 @!p0 $0x1082;
	s9 =	sld [smem:$0x3FA4]  }
0x2f: {  	lr =	sadd.s32 s0, s3;
	s0 =	sld [smem:$0x3F9B]  }
0x30: {  	s3 =	sld [smem:$0x3F9E]  }
0x31: {  	[smem:$0x3FA7] =	sst s10  }
0x32: {  	s10 =	sld [smem:$0x3FA5];
	_ =	sdelay $0x3  }
0x33: {  	p0 =	seq.s32 s10, $0x1;
	s10 =	sld [smem:$0x3FA7];
	_ =	sdelay $0x3  }
0x34: {  	[smem:$0x3FA7] =	sst s10  }
0x35: {  	s10 =	sld [smem:$0x3FA6];
	_ =	sdelay $0x3  }
0x36: {  	p1 =	seq.s32 s10, $0x1;
	s10 =	sld [smem:$0x3FA7];
	_ =	sdelay $0x3  }
0x37: {  	[smem:$0x3FA7] =	sst s10  }
0x38: {  	s10 =	sld [smem:$0x3FA8]  }
0x39: {  	_ = 	snop;
	(pc) =	sbr.ind lr, $3  }
0x3a: {  	_ = 	snop  }
0x3b: {  	_ = 	snop  }
0x3c: {  	p2 =	seq.s32 s10, $0x1;
	s10 =	sld [smem:$0x3FA7]  }
0x3d: {  	_ =	shalt  }
0x3e: {  	_ =	shalt  }
0x3f: {  	_ =	shalt  }
0x40: {  	_ =	shalt  }
0x41: {  	_ =	shalt  }
0x42: {  	_ =	shalt  }
0x43: {  	_ =	shalt  }
0x44: {  	_ =	shalt  }
0x45: {  	_ =	shalt  }
0x46: {  	_ =	shalt  }
0x47: {  	_ =	shalt  }
0x48: {  	_ =	shalt  }
0x49: {  	_ =	shalt  }
0x4a: {  	_ =	shalt  }
0x4b: {  	_ =	shalt  }
0x4c: {  	_ =	shalt  }
0x4d: {  	_ =	shalt  }
0x4e: {  	_ =	shalt  }
0x4f: {  	_ =	shalt  }
0x50: {  	_ =	shalt  }
0x51: {  	_ =	shalt  }
0x52: {  	_ =	shalt  }
0x53: {  	_ =	shalt  }
0x54: {  	_ =	shalt  }
0x55: {  	_ =	shalt  }
0x56: {  	_ =	shalt  }
0x57: {  	_ =	shalt  }
0x58: {  	_ =	shalt  }
0x59: {  	_ =	shalt  }
0x5a: {  	_ =	shalt  }
0x5b: {  	_ =	shalt  }
0x5c: {  	_ =	shalt  }
0x5d: {  	_ =	shalt  }
0x5e: {  	_ =	shalt  }
0x5f: {  	_ =	shalt  }
0x60: {  	_ =	shalt  }
0x61: {  	_ =	shalt  }
0x62: {  	_ =	shalt  }
0x63: {  	_ =	shalt  }
0x64: {  	_ =	shalt  }
0x65: {  	_ =	shalt  }
0x66: {  	_ =	shalt  }
0x67: {  	_ =	shalt  }
0x68: {  	_ =	shalt  }
0x69: {  	_ =	shalt  }
0x6a: {  	_ =	shalt  }
0x6b: {  	_ =	shalt  }
0x6c: {  	_ =	shalt  }
0x6d: {  	_ =	shalt  }
0x6e: {  	_ =	shalt  }
0x6f: {  	_ =	shalt  }
0x70: {  	_ =	shalt  }
0x71: {  	_ =	shalt  }
0x72: {  	_ =	shalt  }
0x73: {  	_ =	shalt  }
0x74: {  	_ =	shalt  }
0x75: {  	_ =	shalt  }
0x76: {  	_ =	shalt  }
0x77: {  	_ =	shalt  }
0x78: {  	_ =	shalt  }
0x79: {  	_ =	shalt  }
0x7a: {  	_ =	shalt  }
0x7b: {  	_ =	shalt  }
0x7c: {  	_ =	shalt  }
0x7d: {  	_ =	shalt  }
0x7e: {  	_ =	shalt  }
0x7f: {  	_ =	shalt  }
0x80: {  	_ =	shalt  }
0x81: {  	_ =	shalt  }
0x82: {  	_ =	shalt  }
0x83: {  	_ =	shalt  }
0x84: {  	_ =	shalt  }
0x85: {  	_ =	shalt  }
0x86: {  	_ =	shalt  }
0x87: {  	_ =	shalt  }
.Lfunc_end0:
.L_simem_size_0:
called_computation.4_lowered:
.L_overlay_start_0:
0x88: {  	s2 =	sld [smem:$0x3FD9]  }
0x89: {  	s3 =	sld [smem:$0x3FFE];
	_ =	sdelay $0x1  }
0x8a: {  	s1 =	srdreg.scid  }
0x8b: {  	s0 =	sand.u32 $0x1, s1  }
0x8c: {  	s17 =	sshll.u32 s0, $0xA;
	s2 =	sadd.s32 s3, s2  }
0x8d: {  	s2 =	sadd.s32 s2, s17  }
0x8e: {  	[smem:$0x3FB3] =	sst s2  }
0x8f: {  	_ = 	snop  }
0x90: {  	(tm) =	ssettm $0x1  }
0x91: {  	s18 =	sld [smem:$0x3FFB];
	_ =	sdelay $0x3  }
0x92: {  	_ =	strace s18  }
0x93: {  	s2 =	sld [smem:$0x3FFC];
	_ =	sdelay $0x3  }
0x94: {  	_ =	strace s2  }
0x95: {  	s2 =	sld [smem:$0x3FFD];
	_ =	sdelay $0x3  }
0x96: {  	_ =	strace s2  }
0x97: {  	_ =	strace $0x8FFFFFFF  }
0x98: {  	s19 =	sld [smem:$0x3FDB];
	_ =	sdelay $0x1  }
0x99: {  	s20 =	simm.s32 $_scs_section_size  }
0x9a: {  	s4 =	simm.s32 $_size__tile_overlayer_lowered;
	s5 =	simm.s32 $_tile_overlayer_lowered  }
0x9b: {  	s6 =	simm.s32 $0x1BFF;
	s21 =	sshll.u32 s5, $0x1;
	s3 =	sadd.s32 s20, s19  }
0x9c: {  	s22 =	simm.s32 $0x0;
	s4 =	sshll.u32 s4, $0x1;
	s5 =	sadd.s32 s21, s3  }
0x9d: {  	[timem:s22], [sflag:s6] =	dma.local [hbm:s5], s4  }
0x9e: {  	_ =	swait.ge [sflag:s6], s4  }
0x9f: {  	s4 =	ssub.s32 $0x0, s4;
	[sflag:s6] =	ssyncset.done $0x0  }
0xa0: {  	[sflag:s6] =	ssyncadd.s32 s4;
	_ =	sdelay $0x1  }
0xa1: {  	s23 =	simm.s32 $0x1B8B  }
0xa2: {  	_ =	swait.ge [sflag:s23], $0x1  }
0xa3: {  	[sflag:s23] =	ssyncset.done $0x0  }
0xa4: {  	[sflag:s23] =	ssyncadd.s32 $0xFFFFFFFF  }
0xa5: {  	s4 =	sld [smem:$0x0]  }
0xa6: {  	s5 =	sand.u32 $0xFFFFFFFE, s1  }
0xa7: {  	p0 =	sne.s32 s1, s5  }
0xa8: {  	s5 =	sshll.u32 @p0 s5, $0xE  }
0xa9: {  	s5 =	sadd.s32 @p0 $0x11B8D, s5;
	s6 =	sshll.u32 @p0 s4, $0x11  }
0xaa: {  	s5 =	sor.u32 @p0 s6, s5  }
0xab: {  	[sflag:s5] =	ssyncadd.remote.s32 @p0 $0x1;
	_ =	sdelay $0x1  }
0xac: {  	s5 =	simm.s32 @p0 $0x1B8D  }
0xad: {  	_ =	swait.eq @p0 [sflag:s5], $0x1  }
0xae: {  	[sflag:s5] =	ssyncadd.s32 @p0 $0xFFFFFFFF  }
0xaf: {  	s6 =	sshll.u32 @!p0 s1, $0xE  }
0xb0: {  	s6 =	sor.u32 @!p0 $0x4000, s6;
	s5 =	simm.s32 @!p0 $0x1B8D  }
0xb1: {  	s4 =	sshll.u32 @!p0 s4, $0x11;
	s6 =	sadd.s32 @!p0 $0x11B8D, s6;
	_ =	swait.eq @!p0 [sflag:s5], $0x1  }
0xb2: {  	s4 =	sor.u32 @!p0 s4, s6;
	[sflag:s5] =	ssyncadd.s32 @!p0 $0xFFFFFFFF  }
0xb3: {  	s25 =	simm.s32 $0x1B8E;
	s24 =	sld [smem:$0x3FFE];
	[sflag:s4] =	ssyncadd.remote.s32 @!p0 $0x1  }
0xb4: {  	s26 =	simm.s32 $execute0_lowered;
	[smem:$0x3FD2] =	sst s25  }
0xb5: {  	s5 =	sshll.u32 s26, $0x1;
	_ =	strace $0x8000004C;
	[dreg:$0x1] =	wrdreg $0xFFFFFFFF  }
0xb6: {  	s28 =	simm.s32 $_size_execute0_lowered;
	s3 =	sadd.s32 s3, s5;
	[dreg:$0x0] =	wrdreg $0x0  }
0xb7: {  	s5 =	sshll.u32 s28, $0x1;
	[dreg:$0x2] =	wrdreg s3  }
0xb8: {  	[dreg:$0x3] =	wrdreg s5  }
0xb9: {  	[dreg:$0x4] =	wrdreg $0xC0  }
0xba: {  	_ =	task [dreg:s22], $0x5FFFF  }
0xbb: {  	[dreg:$0x1] =	wrdreg $0xFFFFFFFF  }
0xbc: {  	[dreg:$0x0] =	wrdreg $0x60  }
0xbd: {  	[dreg:$0x2] =	wrdreg s24  }
0xbe: {  	[dreg:$0x3] =	wrdreg $0x0  }
0xbf: {  	[dreg:$0x4] =	wrdreg $0xC  }
0xc0: {  	_ =	task.clear_ibuf [dreg:s22], $0x5FFFF;
	_ =	strace $0x9000004C  }
0xc1: {  	s29 =	simm.s32 $0xC;
	_ =	strace $0x8000004E  }
0xc2: {  	_ =	swait.ge [sflag:s29], $0x1  }
0xc3: {  	[sflag:s29] =	ssyncadd.s32 $0xFFFFFFFF  }
0xc4: {  	_ =	strace $0x9000004E  }
0xc5: {  	_ =	sfence  }
0xc6: {  	s30 =	sld [smem:$0x0];
	_ =	sdelay $0x2  }
0xc7: {  	s31 =	sshll.u32 s1, $0xD;
	s1 =	sshrl.u32 s1, $0x2  }
0xc8: {  	s4 =	sand.u32 $0x4000, s31;
	s1 =	sadd.s32 s1, s30  }
0xc9: {  	s0 =	sor.u32 s4, s0;
	s1 =	sshll.u32 s1, $0x11  }
0xca: {  	s0 =	sor.u32 s1, s0  }
0xcb: {  	s0 =	sadd.s32 $0x8F2B, s0  }
0xcc: {  	[sflag:s0] =	ssyncadd.remote.s32 $0x1  }
0xcd: {  	_ =	sfence.sel $0xFFFF  }
0xce: {  	[dreg:$0x0] =	wrdreg $0xFFFFFFFF;
	(pc) =	sbr.abs _section_cstart, $3  }
0xcf: {  	[dreg:$0x1] =	wrdreg $0xFFFFFFFF  }
0xd0: {  	_ =	task.clear_ibuf [dreg:s22], $0x2FFFF;
	_ =	strace $0x9FFFFFFF  }
0xd1: {  	(tm) =	ssettm $0x7FFFFFFF  }
tec
execute0_lowered:
.L_overlay_start_1:
0x0: {  	(tag) =	ssettag $0x1  }
0x1: {  	s0 =	srdreg.scid;
	s4 =	rddreg [dreg:$0x0]  }
0x2: {  	s2 =	rddreg [dreg:$0x1];
	s10 =	sand.u32 $0x1, s0  }
0x3: {  	s3 =	simm.s32 $0x0;
	s0 =	stileid.u32;
	s7 =	smul.u32 $0x140000, s10  }
0x4: {  	s16 =	simm.s32 $0x14000;
	s17 =	simm.s32 $0x3;
	s8 =	smul.u32 $0x14000, s0  }
0x5: {  	s18 =	simm.s32 $0x1C080;
	s19 =	simm.s32 $0x1C180;
	s24 =	smul.u32 $0x50000, s0  }
0x6: {  	s20 =	simm.s32 $0x1C200;
	s21 =	simm.s32 $0x18000;
	s14 =	smul.u32 $0x500000, s10  }
0x7: {  	s22 =	simm.s32 $0x1;
	s1 =	sshll.u32 s10, $0x4;
	s29 =	smul.u32 $0xA0000, s10  }
0x8: {  	s28 =	simm.s32 $0x0;
	s31 =	smul.u32 $0xA000, s0;
	s5 =	sor.u32 s0, s1  }
0x9: {  	[smem:$0x7FF] =	sst s3;
	s12 =	sadd.s32 $0x15C800, s4;
	s6 =	smul.u32 $0xA00, s5  }
0xa: {  	_ =	strace $0x8000004D;
	s23 =	ssub.s32 $0x2, s10;
	s9 =	smul.u32 $0xA000, s5  }
0xb: {  	s11 =	sshrl.u32 s23, $0x1;
	s7 =	sadd.s32 s8, s7;
	s13 =	smul.u32 $0x50000, s5  }
0xc: {  	s8 =	ssub.s32 s23, s11;
	s26 =	sshrl.u32 s24, $0x2;
	s11 =	sadd.s32 s24, s14  }
0xd: {  	s14 =	sadd.s32 s29, s12;
	s23 =	simm.s32 $0x2;
	s24 =	simm.s32 $0x1C900  }
0xe: {  	s7 =	sshrl.u32 s7, $0x3;
	s25 =	sadd.s32 s26, s2;
	s8 =	smax.u32 s8, $0x1  }
0xf: {  	s11 =	sadd.s32 $0x10000, s11;
	s26 =	simm.s32 $0x1C980;
	s6 =	sshrl.u32 s6, $0x3  }
0x10: {  	s7 =	sadd.s32 s7, s4;
	s13 =	sor.u32 $0x8000, s13;
	s15 =	sshrl.u32 s11, $0x3  }
0x11: {  	s25 =	sshrl.u32 s25, $0x3;
	s6 =	sadd.s32 s6, s4;
	s4 =	smul.u32 $0x280, s0  }
0x12: {  	s7 =	sadd.s32 $0x2EC800, s7;
	s30 =	sshrl.u32 s13, $0x3;
	s13 =	sadd.s32 s31, s14  }
0x13: {  	s14 =	simm.s32 $0x80;
	s5 =	sadd.s32 $0x1A000, s6;
	s6 =	sadd.s32 s12, s9  }
0x14: {  	s10 =	sadd.s32 s12, s30;
	s12 =	sadd.s32 s15, s12;
	s13 =	sadd.s32 $0x1800, s13  }
0x15: {  	v0 =	vimm.f32 $0.0e+00;
	v1 =	vlaneseq.u32;
	s15 =	simm.s32 $0x1C000;
	s9 =	sadd.s32 $0x800, s6;
	s11 =	sadd.s32 $0x9800, s6  }
.LBB2_1:
0x16: {  	s29 =	simm.s32 $0x0;
	s30 =	simm.s32 $0x0  }
.LBB2_2:
0x17: {  	p0 =	sne.s32 s30, $0xFFC0  }
.Ltmp0:
0x18: {  	_ = 	snop;
	(pc) =	sbr.rel @p0 .LBB2_2-.Ltmp0, $4  }
0x19: {  	s31 =	sand.u32 $0xFE00, s30  }
0x1a: {  	s1 =	sand.u32 $0x70, s29;
	s31 =	sshrl.u32 s31, $0x2  }
0x1b: {  	s1 =	sor.u32 s1, s31  }
0x1c: {  	s29 =	sadd.s32 $0x10, s29;
	s30 =	sadd.s32 $0x40, s30;
	[tilespmem:s1+$0x14000] =	vst v0  }
0x1d: {  	s29 =	simm.s32 $0x40;
	v2 =	vor.u32 s4, v1;
	s31 =	simm.s32 $0x0;
	s30 =	smov.u32 s4  }
.LBB2_4:
0x1e: {  	p0 =	sne.s32 s29, $0x9C0  }
0x1f: {  	[tilespmem:s31+$0x1C000] =	vst v2;
	s30 =	sadd.s32 $0x10, s30;
	s1 =	smov.u32 s29;
	s29 =	sadd.s32 $0x40, s29  }
.Ltmp1:
0x20: {  	(pc) =	sbr.rel @p0 .LBB2_4-.Ltmp1, $2  }
0x21: {  	_ =	sdelay $0x2  }
0x22: {  	v2 =	vor.u32 s30, v1;
	s31 =	sshra.s32 s1, $0x2  }
0x23: {  	[tilespmem:s31+$0x1C000] =	vst v2  }
0x24: {  	[spmem:s2] =	stream.indirect.scatter [tilespmem:s16], [sflag:$0x3], $0x80, s15, s14, $0xb8;
	[tilespmem:$0x1CA00] =	vst v63  }
0x25: {  	_ =	swait.ge [sflag:s17], $0x4000  }
0x26: {  	[sflag:s17] =	ssyncset.done $0x0  }
0x27: {  	[sflag:s17] =	ssyncadd.s32 $0xFFFFC000  }
0x28: {  	[spmem:s2] =	stream.indirect.scatter [tilespmem:s16], [sflag:$0x3], $0x80, s18, s14, $0xb8;
	[tilespmem:$0x1CA00] =	vst v63  }
0x29: {  	_ =	swait.ge [sflag:s17], $0x4000  }
0x2a: {  	[sflag:s17] =	ssyncset.done $0x0  }
0x2b: {  	s1 =	simm.s32 $0x1C100;
	[sflag:s17] =	ssyncadd.s32 $0xFFFFC000  }
0x2c: {  	[spmem:s2] =	stream.indirect.scatter [tilespmem:s16], [sflag:$0x3], $0x80, s1, s14, $0xb8;
	[tilespmem:$0x1CA00] =	vst v63  }
0x2d: {  	_ =	swait.ge [sflag:s17], $0x4000  }
0x2e: {  	[sflag:s17] =	ssyncset.done $0x0  }
0x2f: {  	[sflag:s17] =	ssyncadd.s32 $0xFFFFC000  }
0x30: {  	[spmem:s2] =	stream.indirect.scatter [tilespmem:s16], [sflag:$0x3], $0x80, s19, s14, $0xb8;
	[tilespmem:$0x1CA00] =	vst v63  }
0x31: {  	_ =	swait.ge [sflag:s17], $0x4000  }
0x32: {  	[sflag:s17] =	ssyncset.done $0x0  }
0x33: {  	[sflag:s17] =	ssyncadd.s32 $0xFFFFC000  }
0x34: {  	[spmem:s2] =	stream.indirect.scatter [tilespmem:s16], [sflag:$0x3], $0x80, s20, s14, $0xb8;
	[tilespmem:$0x1CA00] =	vst v63  }
0x35: {  	_ =	swait.ge [sflag:s17], $0x4000  }
0x36: {  	[sflag:s17] =	ssyncset.done $0x0  }
0x37: {  	[sflag:s17] =	ssyncadd.s32 $0xFFFFC000  }
0x38: {  	s29 =	simm.s32 $0x0;
	[bflag:$0x0] =	sbarrier.arrive $0xFFFF  }
0x39: {  	[tilespmem:s15], [sflag:$0x3] =	stream.linear.gather [hbm4b:s5+s29], $0xA00, $0x38;
	[tilespmem:$0x1CA00] =	vst v63  }
0x3a: {  	_ =	swait.ge [sflag:s17], $0xA00  }
0x3b: {  	[sflag:s17] =	ssyncset.done $0x0  }
0x3c: {  	[sflag:s17] =	ssyncadd.s32 $0xFFFFF600  }
0x3d: {  	[tilespmem:s16], [sflag:$0x1] =	stream.linear.gather [hbm4b:s6+s29], $0x4000, $0x38;
	[tilespmem:$0x1CA00] =	vst v63  }
0x3e: {  	_ = 	snop  }
0x3f: {  	[tilespmem:s21], [sflag:$0x1] =	stream.linear.gather [hbm4b:s9+s29], $0x4000, $0x38;
	[tilespmem:$0x1CA00] =	vst v63  }
0x40: {  	_ =	swait.ge [sflag:s22], $0x4000  }
0x41: {  	[sflag:s22] =	ssyncset.done $0x0  }
0x42: {  	[sflag:s22] =	ssyncadd.s32 $0xFFFFC000  }
0x43: {  	[spmem:s2] =	stream.indirect.scatter.add.f32 [tilespmem:s16], [sflag:$0x2], $0x80, s15, s14, $0xb8;
	[tilespmem:$0x1CA00] =	vst v63  }
0x44: {  	_ =	swait.ge [sflag:s23], $0x4000  }
0x45: {  	[sflag:s23] =	ssyncset.done $0x0  }
0x46: {  	[sflag:s23] =	ssyncadd.s32 $0xFFFFC000  }
0x47: {  	[tilespmem:s16], [sflag:$0x1] =	stream.linear.gather [hbm4b:s10+s29], $0x4000, $0x38;
	[tilespmem:$0x1CA00] =	vst v63  }
0x48: {  	_ =	swait.ge [sflag:s22], $0x4000  }
0x49: {  	[sflag:s22] =	ssyncset.done $0x0  }
0x4a: {  	[sflag:s22] =	ssyncadd.s32 $0xFFFFC000  }
0x4b: {  	[spmem:s2] =	stream.indirect.scatter.add.f32 [tilespmem:s21], [sflag:$0x2], $0x80, s18, s14, $0xb8;
	[tilespmem:$0x1CA00] =	vst v63  }
0x4c: {  	_ =	swait.ge [sflag:s23], $0x4000  }
0x4d: {  	[sflag:s23] =	ssyncset.done $0x0  }
0x4e: {  	s29 =	sadd.s32 $0x0, s13;
	[sflag:s23] =	ssyncadd.s32 $0xFFFFC000  }
0x4f: {  	[tilespmem:s21], [sflag:$0x1] =	stream.linear.gather [hbm4b:s29+s3], $0x4000, $0x38;
	[tilespmem:$0x1CA00] =	vst v63  }
0x50: {  	_ =	swait.ge [sflag:s22], $0x4000  }
0x51: {  	[sflag:s22] =	ssyncset.done $0x0  }
0x52: {  	[sflag:s22] =	ssyncadd.s32 $0xFFFFC000  }
0x53: {  	[spmem:s2] =	stream.indirect.scatter.add.f32 [tilespmem:s16], [sflag:$0x2], $0x80, s1, s14, $0xb8;
	[tilespmem:$0x1CA00] =	vst v63  }
0x54: {  	_ =	swait.ge [sflag:s23], $0x4000  }
0x55: {  	[sflag:s23] =	ssyncset.done $0x0  }
0x56: {  	s1 =	sadd.s32 $0x0, s12;
	[sflag:s23] =	ssyncadd.s32 $0xFFFFC000  }
0x57: {  	[tilespmem:s16], [sflag:$0x1] =	stream.linear.gather [hbm4b:s1+s3], $0x4000, $0x38;
	[tilespmem:$0x1CA00] =	vst v63  }
0x58: {  	_ =	swait.ge [sflag:s22], $0x4000  }
0x59: {  	s31 =	simm.s32 $0x1C180;
	[sflag:s22] =	ssyncset.done $0x0  }
0x5a: {  	s30 =	simm.s32 $0x1C200;
	s29 =	simm.s32 $0x1000;
	[sflag:s22] =	ssyncadd.s32 $0xFFFFC000  }
.LBB2_6:
0x5b: {  	[spmem:s2] =	stream.indirect.scatter.add.f32 [tilespmem:s21], [sflag:$0x2], $0x80, s31, s14, $0xb8;
	[tilespmem:$0x1CA00] =	vst v63  }
0x5c: {  	s1 =	smov.u32 s29  }
0x5d: {  	p0 =	sne.s32 s29, $0x7000;
	s29 =	sadd.s32 $0x1000, s29;
	_ =	swait.ge [sflag:s23], $0x4000  }
0x5e: {  	[sflag:s23] =	ssyncset.done $0x0  }
0x5f: {  	s31 =	sadd.s32 s1, s13;
	[sflag:s23] =	ssyncadd.s32 $0xFFFFC000  }
0x60: {  	[tilespmem:s21], [sflag:$0x1] =	stream.linear.gather [hbm4b:s31+s3], $0x4000, $0x38;
	[tilespmem:$0x1CA00] =	vst v63  }
0x61: {  	_ =	swait.ge [sflag:s22], $0x4000  }
0x62: {  	[sflag:s22] =	ssyncset.done $0x0  }
0x63: {  	[sflag:s22] =	ssyncadd.s32 $0xFFFFC000  }
0x64: {  	[spmem:s2] =	stream.indirect.scatter.add.f32 [tilespmem:s16], [sflag:$0x2], $0x80, s30, s14, $0xb8;
	[tilespmem:$0x1CA00] =	vst v63  }
0x65: {  	_ =	swait.ge [sflag:s23], $0x4000  }
0x66: {  	[sflag:s23] =	ssyncset.done $0x0  }
.Ltmp2:
0x67: {  	s1 =	sadd.s32 s1, s12;
	[sflag:s23] =	ssyncadd.s32 $0xFFFFC000;
	(pc) =	sbr.rel @p0 .LBB2_6-.Ltmp2, $4  }
0x68: {  	[tilespmem:s16], [sflag:$0x1] =	stream.linear.gather [hbm4b:s1+s3], $0x4000, $0x38;
	[tilespmem:$0x1CA00] =	vst v63  }
0x69: {  	_ =	swait.ge [sflag:s22], $0x4000  }
0x6a: {  	[sflag:s22] =	ssyncset.done $0x0  }
0x6b: {  	s31 =	sadd.s32 $0x80, s30;
	s30 =	sadd.s32 $0x100, s30;
	[sflag:s22] =	ssyncadd.s32 $0xFFFFC000  }
0x6c: {  	[spmem:s2] =	stream.indirect.scatter.add.f32 [tilespmem:s21], [sflag:$0x2], $0x80, s31, s14, $0xb8;
	[tilespmem:$0x1CA00] =	vst v63  }
0x6d: {  	_ =	swait.ge [sflag:s23], $0x4000  }
0x6e: {  	[sflag:s23] =	ssyncset.done $0x0  }
0x6f: {  	[sflag:s23] =	ssyncadd.s32 $0xFFFFC000  }
0x70: {  	[tilespmem:s21], [sflag:$0x1] =	stream.linear.gather [hbm4b:s11+s3], $0x4000, $0x38;
	[tilespmem:$0x1CA00] =	vst v63  }
0x71: {  	_ =	swait.ge [sflag:s22], $0x4000  }
0x72: {  	[sflag:s22] =	ssyncset.done $0x0  }
0x73: {  	[sflag:s22] =	ssyncadd.s32 $0xFFFFC000  }
0x74: {  	[spmem:s2] =	stream.indirect.scatter.add.f32 [tilespmem:s16], [sflag:$0x2], $0x80, s24, s14, $0xb8;
	[tilespmem:$0x1CA00] =	vst v63  }
0x75: {  	_ =	swait.ge [sflag:s22], $0x4000  }
0x76: {  	[sflag:s22] =	ssyncset.done $0x0  }
0x77: {  	[sflag:s22] =	ssyncadd.s32 $0xFFFFC000  }
0x78: {  	[spmem:s2] =	stream.indirect.scatter.add.f32 [tilespmem:s21], [sflag:$0x2], $0x80, s26, s14, $0xb8;
	[tilespmem:$0x1CA00] =	vst v63  }
0x79: {  	_ =	swait.ge [sflag:s23], $0x4000  }
0x7a: {  	[sflag:s23] =	ssyncset.done $0x0  }
0x7b: {  	[sflag:s23] =	ssyncadd.s32 $0xFFFFC000  }
0x7c: {  	_ =	swait.ge [sflag:s23], $0x4000  }
0x7d: {  	s28 =	sadd.s32 $0x1, s28;
	[sflag:s23] =	ssyncset.done $0x0  }
0x7e: {  	s1 =	sshll.u32 s0, $0x6;
	p0 =	sne.s32 s28, s8;
	[sflag:s23] =	ssyncadd.s32 $0xFFFFC000  }
.Ltmp3:
0x7f: {  	s1 =	sor.u32 $0x1C03, s1;
	[bflag:$0x0] =	sbarrier.arrive $0xFFFF;
	(pc) =	sbr.rel @p0 .LBB2_1-.Ltmp3, $4  }
0x80: {  	[hbm:s7], [sflag:s1] =	dma.local [spmem:s25], $0x2800  }
0x81: {  	_ =	swait.ge [sflag:s17], $0x2800  }
0x82: {  	[sflag:s17] =	ssyncset.done $0x0  }
0x83: {  	[sflag:s17] =	ssyncadd.s32 $0xFFFFD800  }
0x84: {  	_ =	sfence.sel $0x180000  }
0x85: {  	[bflag:$0x0] =	sbarrier.arrive $0xFFFF  }
0x86: {  	_ =	strace $0x9000004D  }
0x87: {  	[bflag:$0x2] =	sbarrier.arrive $0xFFFF  }
0x88: {  	p0 =	sne.s32 s0, $0x0;
	s0 =	rddreg [dreg:$0x2]  }
0x89: {  	s0 =	sadd.s32 @!p0 $0x100000, s0  }
0x8a: {  	[sflag:s0] =	ssyncadd.tile.s32 @!p0 $0x1;
	_ =	shalt  }
.Lfunc_end2:
_tile_overlayer_lowered:
.L_overlay_start_2:
0x8b: {  	(tag) =	ssettag $0x2  }
0x8c: {  	s0 =	rddreg [dreg:$0x0];
	s2 =	stileid.u32  }
0x8d: {  	s1 =	rddreg [dreg:$0x1];
	p0 =	sne.s32 s2, $0x0  }
0x8e: {  	s3 =	rddreg [dreg:$0x2];
	[bflag:$0x3] =	sbarrier.arrive $0xFFFF;
	s2 =	simm.s32 @!p0 $0x1C03  }
0x8f: {  	[timem:s3], [sflag:s2] =	dma.local @!p0 [hbm:s0], s1  }
0x90: {  	s0 =	simm.s32 @!p0 $0x3  }
0x91: {  	_ =	swait.ge @!p0 [sflag:s0], s1  }
0x92: {  	s1 =	ssub.s32 @!p0 $0x0, s1;
	[sflag:s0] =	ssyncset.done @!p0 $0x0  }
0x93: {  	[sflag:s0] =	ssyncadd.s32 @!p0 s1  }
0x94: {  	[bflag:$0x3] =	sbarrier.arrive $0xFFFF  }
0x95: {  	_ =	shalt  }

</sc_bundles>
